<compile_context>
chip_gen: v7x
topology: tpu7x:2x2x1
jax: 0.10.2.dev20260603
libtpu: 0.0.44.dev20260713+nightly
codegen_flags: <defaults>
</compile_context>

<pallas_src>
import functools
import jax
import jax.numpy as jnp
from jax import lax
from jax.experimental import pallas as pl
from jax.experimental.pallas import tpu as pltpu
from jax.experimental.pallas import tpu_sc as plsc

N = 10000
E = 160000
NF = 128
DIM = 32
NG = 64
STEPS = 3

NP = 10240
NP4 = NP // 4
NW = 32
CHUNK = 128
EPW = 5120
EPAD = NW * EPW
EP4 = EPAD // 4
NCH = EPW // CHUNK
ACC = 10256
ZPW = ACC // 16
OPW = NP // 16
BE4 = 1024


@functools.cache
def _mesh():
    return plsc.VectorSubcoreMesh(core_axis_name="c", subcore_axis_name="s")



SEG = 4
SGC = NCH // SEG
SGR = SGC * CHUNK


def _gather_pipeline(table, idx_v, out, buf_a, buf_b, sem_g, sem_w, base,
                     seg_hook=None):
    bufs = [buf_a, buf_b]
    writes = [None, None]
    for g in range(SEG):
        buf = bufs[g % 2]
        if writes[g % 2] is not None:
            writes[g % 2].wait()
        cp = pltpu.async_copy(
            table.at[idx_v.at[pl.ds(g * SGR, SGR)]], buf, sem_g
        )
        if seg_hook is not None:
            seg_hook(g)
        cp.wait()
        writes[g % 2] = pltpu.async_copy(
            buf, out.at[pl.ds(base + g * SGR, SGR)], sem_w
        )
    writes[0].wait()
    writes[1].wait()


def _gather_body(table, idx3, out, idx_v, buf_a, buf_b, sem_g, sem_w):
    c = lax.axis_index("c")
    s = lax.axis_index("s")
    wid = s * 2 + c
    pltpu.sync_copy(idx3.at[wid], idx_v)
    _gather_pipeline(table, idx_v, out, buf_a, buf_b, sem_g, sem_w, wid * EPW)


def _sc_gather(table, idx3):
    return pl.kernel(
        _gather_body,
        out_type=jax.ShapeDtypeStruct((EPAD, DIM), jnp.float32),
        mesh=_mesh(),
        compiler_params=pltpu.CompilerParams(use_tc_tiling_on_sc=False),
        scratch_types=[
            pltpu.VMEM((EPW,), jnp.int32),
            pltpu.VMEM((SGR, DIM), jnp.float32),
            pltpu.VMEM((SGR, DIM), jnp.float32),
            pltpu.SemaphoreType.DMA,
            pltpu.SemaphoreType.DMA,
        ],
    )(table, idx3)


def _gather_count_body(table, idx3, cidx3, ones, zeros, out, cnt_out,
                       acc, idx_v, cidx_v, ones_v, buf_a, buf_b,
                       sem_g, sem_w):
    c = lax.axis_index("c")
    s = lax.axis_index("s")
    wid = s * 2 + c
    pltpu.sync_copy(zeros.at[pl.ds(s * ZPW, ZPW)], acc.at[pl.ds(s * ZPW, ZPW)])
    pltpu.sync_copy(idx3.at[wid], idx_v)
    pltpu.sync_copy(cidx3.at[wid], cidx_v)
    pltpu.sync_copy(ones, ones_v)
    plsc.subcore_barrier()

    def count_hook(g):
        def body(j, carry):
            pltpu.sync_copy(ones_v, acc.at[cidx_v.at[g * SGC + j]], add=True)
            return carry
        lax.fori_loop(0, SGC, body, 0, unroll=False)

    _gather_pipeline(table, idx_v, out, buf_a, buf_b, sem_g, sem_w,
                     wid * EPW, seg_hook=count_hook)
    plsc.subcore_barrier()
    pltpu.sync_copy(acc.at[pl.ds(s * OPW, OPW)],
                    cnt_out.at[c].at[pl.ds(s * OPW, OPW)])


def _sc_gather_count(table, idx3, cidx3, ones, zeros):
    return pl.kernel(
        _gather_count_body,
        out_type=(
            jax.ShapeDtypeStruct((EPAD, DIM), jnp.float32),
            jax.ShapeDtypeStruct((2, NP, DIM), jnp.float32),
        ),
        mesh=_mesh(),
        compiler_params=pltpu.CompilerParams(use_tc_tiling_on_sc=False),
        scratch_types=[
            pltpu.VMEM_SHARED((ACC, DIM), jnp.float32),
            pltpu.VMEM((EPW,), jnp.int32),
            pltpu.VMEM((NCH, CHUNK), jnp.int32),
            pltpu.VMEM((CHUNK, DIM), jnp.float32),
            pltpu.VMEM((SGR, DIM), jnp.float32),
            pltpu.VMEM((SGR, DIM), jnp.float32),
            pltpu.SemaphoreType.DMA,
            pltpu.SemaphoreType.DMA,
        ],
    )(table, idx3, cidx3, ones, zeros)


def _scatter_body(msg, idx3, zeros, out, acc, idx_v, buf_v):
    c = lax.axis_index("c")
    s = lax.axis_index("s")
    wid = s * 2 + c
    pltpu.sync_copy(zeros.at[pl.ds(s * ZPW, ZPW)], acc.at[pl.ds(s * ZPW, ZPW)])
    pltpu.sync_copy(idx3.at[wid], idx_v)
    plsc.subcore_barrier()

    def body(j, carry):
        pltpu.sync_copy(msg.at[pl.ds(wid * EPW + j * CHUNK, CHUNK)], buf_v)
        pltpu.sync_copy(buf_v, acc.at[idx_v.at[j]], add=True)
        return carry

    lax.fori_loop(0, NCH, body, 0, unroll=False)
    plsc.subcore_barrier()
    pltpu.sync_copy(acc.at[pl.ds(s * OPW, OPW)], out.at[c].at[pl.ds(s * OPW, OPW)])


def _sc_scatter(msg, idx3, zeros):
    return pl.kernel(
        _scatter_body,
        out_type=jax.ShapeDtypeStruct((2, NP, DIM), jnp.float32),
        mesh=_mesh(),
        compiler_params=pltpu.CompilerParams(use_tc_tiling_on_sc=False),
        scratch_types=[
            pltpu.VMEM_SHARED((ACC, DIM), jnp.float32),
            pltpu.VMEM((NCH, CHUNK), jnp.int32),
            pltpu.VMEM((CHUNK, DIM), jnp.float32),
        ],
    )(msg, idx3, zeros)



def _proj_body(x_ref, w_ref, b_ref, o_ref):
    o_ref[...] = jax.nn.relu(
        jnp.dot(x_ref[...], w_ref[...], preferred_element_type=jnp.float32)
        + b_ref[...]
    )


def _tc_proj(xq, w0bd, b0t):
    return pl.pallas_call(
        _proj_body,
        in_specs=[
            pl.BlockSpec((NP4, 4 * NF), lambda: (0, 0)),
            pl.BlockSpec((4 * NF, 128), lambda: (0, 0)),
            pl.BlockSpec((1, 128), lambda: (0, 0)),
        ],
        out_specs=pl.BlockSpec((NP4, 128), lambda: (0, 0)),
        out_shape=jax.ShapeDtypeStruct((NP4, 128), jnp.float32),
    )(xq, w0bd, b0t)


def _edge_body(ea_ref, xj_ref, w1_ref, b1_ref, w2_ref, b2_ref, r_ref, o_ref):
    hidden = jax.nn.relu(
        jnp.dot(ea_ref[...], w1_ref[...], preferred_element_type=jnp.float32)
        + b1_ref[...]
    ).astype(jnp.bfloat16)
    theta = (
        jnp.dot(hidden, w2_ref[...], preferred_element_type=jnp.float32)
        + b2_ref[...]
    )
    xjr = jnp.dot(xj_ref[...].astype(jnp.bfloat16), r_ref[...],
                  preferred_element_type=jnp.float32)
    prod = theta * xjr
    for a in range(4):
        s1 = prod[:, 1024 * a:1024 * a + 128]
        for q in range(1, 8):
            s1 = s1 + prod[:, 1024 * a + 128 * q:1024 * a + 128 * (q + 1)]
        m = s1[:, 0:DIM]
        for c in range(1, 4):
            m = m + s1[:, DIM * c:DIM * (c + 1)]
        o_ref[:, 32 * a:32 * (a + 1)] = m


def _tc_edge(ea_pp, xj_p, w1bd, b1t, w2bd, b2t, rbd):
    return pl.pallas_call(
        _edge_body,
        grid=(EP4 // BE4,),
        in_specs=[
            pl.BlockSpec((BE4, 128), lambda i: (i, 0)),
            pl.BlockSpec((BE4, 128), lambda i: (i, 0)),
            pl.BlockSpec((128, 256), lambda i: (0, 0)),
            pl.BlockSpec((1, 256), lambda i: (0, 0)),
            pl.BlockSpec((256, 4096), lambda i: (0, 0)),
            pl.BlockSpec((1, 4096), lambda i: (0, 0)),
            pl.BlockSpec((128, 4096), lambda i: (0, 0)),
        ],
        out_specs=pl.BlockSpec((BE4, 128), lambda i: (i, 0)),
        out_shape=jax.ShapeDtypeStruct((EP4, 128), jnp.float32),
    )(ea_pp, xj_p, w1bd, b1t, w2bd, b2t, rbd)


def _gru_body(p_ref, cnt_ref, h_ref, bc_ref, wih_ref, whh_ref, bih_ref,
              bhh_ref, o_ref):
    ssum = p_ref[0] + p_ref[1]
    cnt = cnt_ref[0] + cnt_ref[1]
    inv = 1.0 / jnp.maximum(cnt, 1.0)
    m = jax.nn.relu(ssum * inv + bc_ref[...])
    h = h_ref[...]
    gi = jnp.dot(m, wih_ref[...], preferred_element_type=jnp.float32) + bih_ref[...]
    gh = jnp.dot(h, whh_ref[...], preferred_element_type=jnp.float32) + bhh_ref[...]
    r = jax.nn.sigmoid(gi[:, 0:128] + gh[:, 0:128])
    z = jax.nn.sigmoid(gi[:, 128:256] + gh[:, 128:256])
    n = jnp.tanh(gi[:, 256:384] + r * gh[:, 256:384])
    o_ref[...] = (1.0 - z) * n + z * h


def _tc_gru(parts, cnt, h, bct, wihbd, whhbd, biht, bhht):
    return pl.pallas_call(
        _gru_body,
        in_specs=[
            pl.BlockSpec((2, NP4, 128), lambda: (0, 0, 0)),
            pl.BlockSpec((2, NP4, 128), lambda: (0, 0, 0)),
            pl.BlockSpec((NP4, 128), lambda: (0, 0)),
            pl.BlockSpec((1, 128), lambda: (0, 0)),
            pl.BlockSpec((128, 384), lambda: (0, 0)),
            pl.BlockSpec((128, 384), lambda: (0, 0)),
            pl.BlockSpec((1, 384), lambda: (0, 0)),
            pl.BlockSpec((1, 384), lambda: (0, 0)),
        ],
        out_specs=pl.BlockSpec((NP4, 128), lambda: (0, 0)),
        out_shape=jax.ShapeDtypeStruct((NP4, 128), jnp.float32),
    )(parts, cnt, h, bct, wihbd, whhbd, biht, bhht)


def _s2s_body(x_ref, b_ref, wih_ref, whh_ref, bih_ref, bhh_ref, o_ref):
    x = x_ref[...]
    seg = b_ref[...]
    gids = lax.broadcasted_iota(jnp.int32, (NP, NG), 1)
    m1 = (seg == gids).astype(jnp.float32)

    h = jnp.zeros((NG, DIM), jnp.float32)
    c = jnp.zeros((NG, DIM), jnp.float32)
    q_star = jnp.zeros((NG, 2 * DIM), jnp.float32)
    neg = jnp.float32(-3.0e38)

    for _ in range(STEPS):
        g = (
            jnp.dot(q_star, wih_ref[...], preferred_element_type=jnp.float32)
            + bih_ref[...]
            + jnp.dot(h, whh_ref[...], preferred_element_type=jnp.float32)
            + bhh_ref[...]
        )
        i = jax.nn.sigmoid(g[:, 0:DIM])
        f = jax.nn.sigmoid(g[:, DIM:2 * DIM])
        gc = jnp.tanh(g[:, 2 * DIM:3 * DIM])
        o = jax.nn.sigmoid(g[:, 3 * DIM:])
        c = f * c + i * gc
        h = o * jnp.tanh(c)
        q = h

        qb = jnp.dot(m1, q, preferred_element_type=jnp.float32)
        e = jnp.sum(x * qb, axis=1, keepdims=True)
        ebc = jnp.where(m1 > 0.0, e, neg)
        emax = jnp.max(ebc, axis=0, keepdims=True)
        emax = jnp.where(emax > -1.0e38, emax, 0.0)
        emax_n = jnp.dot(m1, emax.reshape(NG, 1),
                         preferred_element_type=jnp.float32)
        ex = jnp.exp(e - emax_n)
        denom = lax.dot_general(m1, ex, (((0,), (0,)), ((), ())),
                                preferred_element_type=jnp.float32)
        denom_n = jnp.dot(m1, denom, preferred_element_type=jnp.float32)
        a = ex / (denom_n + 1e-16)
        r = lax.dot_general(m1, a * x, (((0,), (0,)), ((), ())),
                            preferred_element_type=jnp.float32)
        q_star = jnp.concatenate([q, r], axis=1)

    o_ref[...] = q_star


def _tc_s2s(x, batch2, wiht, whht, bih, bhh):
    return pl.pallas_call(
        _s2s_body,
        in_specs=[
            pl.BlockSpec((NP, DIM), lambda: (0, 0)),
            pl.BlockSpec((NP, 1), lambda: (0, 0)),
            pl.BlockSpec((2 * DIM, 4 * DIM), lambda: (0, 0)),
            pl.BlockSpec((DIM, 4 * DIM), lambda: (0, 0)),
            pl.BlockSpec((1, 4 * DIM), lambda: (0, 0)),
            pl.BlockSpec((1, 4 * DIM), lambda: (0, 0)),
        ],
        out_specs=pl.BlockSpec((NG, 2 * DIM), lambda: (0, 0)),
        out_shape=jax.ShapeDtypeStruct((NG, 2 * DIM), jnp.float32),
    )(x, batch2, wiht, whht, bih, bhh)



@jax.jit
def kernel(x, edge_index, edge_attr, batch, W0, b0, We1, be1, We2, be2,
           b_conv, gru_Wih, gru_Whh, gru_bih, gru_bhh, s2s_Wih, s2s_Whh,
           s2s_bih, s2s_bhh):
    f32 = jnp.float32
    bf16 = jnp.bfloat16
    eye4 = jnp.eye(4, dtype=f32)

    xq = jnp.zeros((NP, NF), f32).at[:N].set(x).reshape(NP4, 4 * NF)
    src = edge_index[0].astype(jnp.int32)
    dst = edge_index[1].astype(jnp.int32)
    src2 = jnp.zeros((EPAD,), jnp.int32).at[:E].set(src).reshape(NW, EPW)
    dst3 = jnp.full((EPAD,), NP, jnp.int32).at[:E].set(dst).reshape(NW, NCH, CHUNK)
    ea_pp = jnp.zeros((EPAD, DIM), bf16).at[:E, :5].set(
        edge_attr.astype(bf16)).reshape(EP4, 128)
    batch2 = jnp.full((NP, 1), NG, jnp.int32).at[:N, 0].set(batch.astype(jnp.int32))

    w0bd = jnp.kron(eye4, W0.T)
    b0t = jnp.tile(b0, 4).reshape(1, 128)
    w1slot = jnp.zeros((DIM, 64), f32).at[:5].set(We1.T)
    w1bd = jnp.kron(eye4, w1slot).astype(bf16)
    b1t = jnp.tile(be1, 4).reshape(1, 256)
    w2t = We2.T
    w2bd = jnp.kron(eye4, w2t).astype(bf16)
    b2t = jnp.tile(be2, 4).reshape(1, 4096)
    cols = jnp.arange(DIM * DIM)
    imap = 4 * (cols // 128) + (cols % 128) // DIM
    rmat = (jnp.arange(DIM)[:, None] == imap[None, :]).astype(f32)
    rbd = jnp.kron(eye4, rmat).astype(bf16)
    bct = jnp.tile(b_conv, 4).reshape(1, 128)

    wih3 = gru_Wih.T.reshape(DIM, 3, DIM)
    whh3 = gru_Whh.T.reshape(DIM, 3, DIM)
    d4 = jnp.arange(4)
    wihbd = (jnp.zeros((4, DIM, 3, 4, DIM), f32)
             .at[d4, :, :, d4, :]
             .set(jnp.broadcast_to(wih3, (4, DIM, 3, DIM)))
             .reshape(4 * DIM, 3 * 4 * DIM))
    whhbd = (jnp.zeros((4, DIM, 3, 4, DIM), f32)
             .at[d4, :, :, d4, :]
             .set(jnp.broadcast_to(whh3, (4, DIM, 3, DIM)))
             .reshape(4 * DIM, 3 * 4 * DIM))
    biht = jnp.tile(gru_bih.reshape(3, 1, DIM), (1, 4, 1)).reshape(1, 384)
    bhht = jnp.tile(gru_bhh.reshape(3, 1, DIM), (1, 4, 1)).reshape(1, 384)

    s2s_wiht = s2s_Wih.T
    s2s_whht = s2s_Whh.T
    s2s_bihr = s2s_bih.reshape(1, 4 * DIM)
    s2s_bhhr = s2s_bhh.reshape(1, 4 * DIM)

    zeros_acc = jnp.zeros((ACC, DIM), f32)
    ones_chunk = jnp.ones((CHUNK, DIM), f32)

    out_p = _tc_proj(xq, w0bd, b0t)

    cnt_p = None
    for it in range(3):
        table = out_p.reshape(NP, DIM)
        if it == 0:
            xj, cnt = _sc_gather_count(table, src2, dst3, ones_chunk,
                                       zeros_acc)
            cnt_p = cnt.reshape(2, NP4, 128)
        else:
            xj = _sc_gather(table, src2)
        xj_p = xj.reshape(EP4, 128)
        msg_p = _tc_edge(ea_pp, xj_p, w1bd, b1t, w2bd, b2t, rbd)
        parts = _sc_scatter(msg_p.reshape(EPAD, DIM), dst3, zeros_acc)
        parts_p = parts.reshape(2, NP4, 128)
        out_p = _tc_gru(parts_p, cnt_p, out_p, bct, wihbd, whhbd, biht, bhht)

    feat = out_p.reshape(NP, DIM)
    pooled = _tc_s2s(feat, batch2, s2s_wiht, s2s_whht, s2s_bihr, s2s_bhhr)
    return (pooled, feat[:N])

# --- scband reference (transcript-rebuilt; emitter-appended) ---
"""Pipeline reference for scband-encoder-14791867367468 (READ-ONLY COPY).

The authoritative reference and input builder live on the scoring server;
editing this copy changes nothing except your own understanding.
"""

import jax, jax.numpy as jnp
import numpy as np

N = 10000
E = 160000
NF = 128
DIM = 32
NG = 64
STEPS = 3


def _nnconv(x, edge_index, edge_attr, We1, be1, We2, be2, b_conv):
    # edge network: Linear(5,64) -> ReLU -> Linear(64, DIM*DIM)
    h = jax.nn.relu(edge_attr @ We1.T + be1)
    theta = (h @ We2.T + be2).reshape(E, DIM, DIM)
    src = edge_index[0]
    dst = edge_index[1]
    xj = x[src]                                   # gather (SparseCore)
    msg = jnp.einsum('ei,eio->eo', xj, theta)     # per-edge matvec
    s = jax.ops.segment_sum(msg, dst, num_segments=N)   # scatter-add
    cnt = jax.ops.segment_sum(jnp.ones((E,), x.dtype), dst, num_segments=N)
    out = s / jnp.clip(cnt, 1.0, None)[:, None]   # aggr='mean'
    return out + b_conv                            # root_weight=False, bias=True


def _gru_step(xg, h, Wih, Whh, bih, bhh):
    gi = xg @ Wih.T + bih
    gh = h @ Whh.T + bhh
    i_r, i_z, i_n = jnp.split(gi, 3, axis=-1)
    h_r, h_z, h_n = jnp.split(gh, 3, axis=-1)
    r = jax.nn.sigmoid(i_r + h_r)
    z = jax.nn.sigmoid(i_z + h_z)
    n = jnp.tanh(i_n + r * h_n)
    return (1.0 - z) * n + z * h


def _lstm_step(xq, h, c, Wih, Whh, bih, bhh):
    g = xq @ Wih.T + bih + h @ Whh.T + bhh
    gi, gf, gg, go = jnp.split(g, 4, axis=-1)
    i = jax.nn.sigmoid(gi)
    f = jax.nn.sigmoid(gf)
    gc = jnp.tanh(gg)
    o = jax.nn.sigmoid(go)
    c2 = f * c + i * gc
    h2 = o * jnp.tanh(c2)
    return h2, c2


def _set2set(x, batch, Wih, Whh, bih, bhh):
    h = jnp.zeros((NG, DIM), x.dtype)
    c = jnp.zeros((NG, DIM), x.dtype)
    q_star = jnp.zeros((NG, 2 * DIM), x.dtype)
    for _ in range(STEPS):
        h, c = _lstm_step(q_star, h, c, Wih, Whh, bih, bhh)
        q = h
        e = jnp.sum(x * q[batch], axis=-1)
        emax = jax.ops.segment_max(e, batch, num_segments=NG)
        emax = jnp.where(jnp.isfinite(emax), emax, 0.0)
        ex = jnp.exp(e - emax[batch])
        denom = jax.ops.segment_sum(ex, batch, num_segments=NG)
        a = ex / (denom[batch] + 1e-16)
        r = jax.ops.segment_sum(a[:, None] * x, batch, num_segments=NG)
        q_star = jnp.concatenate([q, r], axis=-1)
    return q_star


def setup_inputs(seed: int = 0):
    key = jax.random.key(seed)
    ks = jax.random.split(key, 16)

    def nrm(k, shape, fan_in):
        return jax.random.normal(k, shape, dtype=jnp.float32) / np.sqrt(fan_in)

    inp = {}
    inp['x'] = jax.random.normal(ks[0], (N, NF), dtype=jnp.float32)
    inp['edge_index'] = jax.random.randint(ks[1], (2, E), 0, N)
    inp['edge_attr'] = jax.random.uniform(ks[2], (E, 5), dtype=jnp.float32)
    inp['batch'] = jnp.sort(jax.random.randint(ks[3], (N,), 0, NG))
    inp['W0'] = nrm(ks[4], (DIM, NF), NF)
    inp['b0'] = jnp.zeros((DIM,), jnp.float32)
    inp['We1'] = nrm(ks[5], (64, 5), 5)
    inp['be1'] = jnp.zeros((64,), jnp.float32)
    inp['We2'] = nrm(ks[6], (DIM * DIM, 64), 64)
    inp['be2'] = jnp.zeros((DIM * DIM,), jnp.float32)
    inp['b_conv'] = jnp.zeros((DIM,), jnp.float32)
    inp['gru_Wih'] = nrm(ks[7], (3 * DIM, DIM), DIM)
    inp['gru_Whh'] = nrm(ks[8], (3 * DIM, DIM), DIM)
    inp['gru_bih'] = jnp.zeros((3 * DIM,), jnp.float32)
    inp['gru_bhh'] = jnp.zeros((3 * DIM,), jnp.float32)
    inp['s2s_Wih'] = nrm(ks[9], (4 * DIM, 2 * DIM), 2 * DIM)
    inp['s2s_Whh'] = nrm(ks[10], (4 * DIM, DIM), DIM)
    inp['s2s_bih'] = jnp.zeros((4 * DIM,), jnp.float32)
    inp['s2s_bhh'] = jnp.zeros((4 * DIM,), jnp.float32)
    return inp


def reference(x, edge_index, edge_attr, batch, W0, b0, We1, be1, We2, be2, b_conv,
              gru_Wih, gru_Whh, gru_bih, gru_bhh, s2s_Wih, s2s_Whh, s2s_bih, s2s_bhh):
    out = jax.nn.relu(x @ W0.T + b0)
    h = out
    feat = out
    for _ in range(3):
        m = jax.nn.relu(_nnconv(out, edge_index, edge_attr, We1, be1, We2, be2, b_conv))
        out = _gru_step(m, h, gru_Wih, gru_Whh, gru_bih, gru_bhh)
        h = out
        feat = out
    pooled = _set2set(out, batch, s2s_Wih, s2s_Whh, s2s_bih, s2s_bhh)
    return (pooled, feat)

if __name__ == "__main__":
    import jax
    _d = setup_inputs()
    print(jax.jit(kernel)(*tuple(_d.values())))

</pallas_src>

<mosaic_0001>
#map = affine_map<(d0, d1) -> (0, 0)>
module attributes {stable_mosaic.version = 14 : i64} {
  func.func @_gather_body(%arg0: i32, %arg1: i32, %arg2: memref<10240x32xf32, #tpu.memory_space<hbm>>, %arg3: memref<32x5120xi32, #tpu.memory_space<hbm>>, %arg4: memref<163840x32xf32, #tpu.memory_space<hbm>>, %arg5: memref<5120xi32, #tpu.memory_space<vmem>>, %arg6: memref<1280x32xf32, #tpu.memory_space<vmem>>, %arg7: memref<1280x32xf32, #tpu.memory_space<vmem>>, %arg8: memref<!tpu.dma_semaphore, #tpu.memory_space<semaphore_mem>>, %arg9: memref<!tpu.dma_semaphore, #tpu.memory_space<semaphore_mem>>) attributes {dimension_semantics = [#tpu.dimension_semantics<core_parallel>, #tpu.dimension_semantics<subcore_parallel>], iteration_bounds = array<i64: 2, 16>, scalar_prefetch = 0 : i64, scratch_operands = 5 : i64, tpu.core_type = #tpu.core_type<sc_vector_subcore>, window_params = [{transform_indices = #map}, {transform_indices = #map}, {transform_indices = #map}]} {
    %mul3A = arith.constant 2 : i32
    %mul3A_0 = arith.muli %arg1, %mul3A : i32
    %add3A = arith.addi %mul3A_0, %arg0 : i32
    "tpu.region"() ({
      %run_scoped3A = tpu.sem_alloc : memref<!tpu.dma_semaphore, #tpu.memory_space<semaphore_mem>>
      %dma_start3A_81 = arith.constant 0 : i32
      %dma_start3A_82 = tpu.memref_slice %arg3[%add3A, %dma_start3A_81] : memref<32x5120xi32, #tpu.memory_space<hbm>> -> memref<1x5120xi32, #tpu.memory_space<hbm>>
      %dma_start3A_83 = tpu.memref_squeeze %dma_start3A_82 : memref<1x5120xi32, #tpu.memory_space<hbm>> -> memref<5120xi32, #tpu.memory_space<hbm>>
      %dma_start3A_84 = arith.constant 0 : i32
      %dma_start3A_85 = tpu.memref_slice %arg3[%add3A, %dma_start3A_84] : memref<32x5120xi32, #tpu.memory_space<hbm>> -> memref<1x5120xi32, #tpu.memory_space<hbm>>
      %dma_start3A_86 = tpu.memref_squeeze %dma_start3A_85 : memref<1x5120xi32, #tpu.memory_space<hbm>> -> memref<5120xi32, #tpu.memory_space<hbm>>
      tpu.enqueue_dma source(%dma_start3A_86 : memref<5120xi32, #tpu.memory_space<hbm>>) target(%arg5 : memref<5120xi32, #tpu.memory_space<vmem>>) target_semaphore(%run_scoped3A : memref<!tpu.dma_semaphore, #tpu.memory_space<semaphore_mem>>)
      %dma_wait3A_87 = arith.constant 0 : i32
      %dma_wait3A_88 = tpu.memref_slice %arg3[%add3A, %dma_wait3A_87] : memref<32x5120xi32, #tpu.memory_space<hbm>> -> memref<1x5120xi32, #tpu.memory_space<hbm>>
      %dma_wait3A_89 = tpu.memref_squeeze %dma_wait3A_88 : memref<1x5120xi32, #tpu.memory_space<hbm>> -> memref<5120xi32, #tpu.memory_space<hbm>>
      %dma_wait3A_90 = arith.constant 0 : i32
      %dma_wait3A_91 = tpu.memref_slice %arg3[%add3A, %dma_wait3A_90] : memref<32x5120xi32, #tpu.memory_space<hbm>> -> memref<1x5120xi32, #tpu.memory_space<hbm>>
      %dma_wait3A_92 = tpu.memref_squeeze %dma_wait3A_91 : memref<1x5120xi32, #tpu.memory_space<hbm>> -> memref<5120xi32, #tpu.memory_space<hbm>>
      tpu.wait_dma2 semaphore(%run_scoped3A : memref<!tpu.dma_semaphore, #tpu.memory_space<semaphore_mem>>) src(%dma_wait3A_92 : memref<5120xi32, #tpu.memory_space<hbm>>) dst(%arg5 : memref<5120xi32, #tpu.memory_space<vmem>>)
      tpu.yield
    }) : () -> ()
    %mul3A_1 = arith.constant 5120 : i32
    %mul3A_2 = arith.muli %add3A, %mul3A_1 : i32
    %dma_start3A = arith.constant 0 : i32
    %dma_start3A_3 = tpu.memref_slice %arg5[%dma_start3A] : memref<5120xi32, #tpu.memory_space<vmem>> -> memref<1280xi32, #tpu.memory_space<vmem>>
    %dma_start3A_4 = arith.constant 0 : i32
    %dma_start3A_5 = arith.constant 0 : i32
    %dma_start3A_6 = tpu.memref_slice %arg2[%dma_start3A_4, %dma_start3A_5] : memref<10240x32xf32, #tpu.memory_space<hbm>> -> memref<10240x32xf32, #tpu.memory_space<hbm>>
    tpu.enqueue_indirect_dma source(%dma_start3A_6 : memref<10240x32xf32, #tpu.memory_space<hbm>>) target(%arg6 : memref<1280x32xf32, #tpu.memory_space<vmem>>) offsets(%dma_start3A_3 : memref<1280xi32, #tpu.memory_space<vmem>>) semaphore(%arg8 : memref<!tpu.dma_semaphore, #tpu.memory_space<semaphore_mem>>)
    %dma_wait3A = arith.constant 0 : i32
    %dma_wait3A_7 = tpu.memref_slice %arg5[%dma_wait3A] : memref<5120xi32, #tpu.memory_space<vmem>> -> memref<1280xi32, #tpu.memory_space<vmem>>
    %dma_wait3A_8 = arith.constant 0 : i32
    %dma_wait3A_9 = arith.constant 0 : i32
    %dma_wait3A_10 = tpu.memref_slice %arg2[%dma_wait3A_8, %dma_wait3A_9] : memref<10240x32xf32, #tpu.memory_space<hbm>> -> memref<10240x32xf32, #tpu.memory_space<hbm>>
    tpu.wait_indirect_dma semaphore(%arg8 : memref<!tpu.dma_semaphore, #tpu.memory_space<semaphore_mem>>) src(%dma_wait3A_10 : memref<10240x32xf32, #tpu.memory_space<hbm>>) dst(%arg6 : memref<1280x32xf32, #tpu.memory_space<vmem>>)
    %add3A_11 = arith.constant 0 : i32
    %add3A_12 = arith.addi %mul3A_2, %add3A_11 : i32
    %dma_start3A_13 = arith.constant 0 : i32
    %dma_start3A_14 = tpu.memref_slice %arg4[%add3A_12, %dma_start3A_13] : memref<163840x32xf32, #tpu.memory_space<hbm>> -> memref<1280x32xf32, #tpu.memory_space<hbm>>
    %dma_start3A_15 = arith.constant 0 : i32
    %dma_start3A_16 = tpu.memref_slice %arg4[%add3A_12, %dma_start3A_15] : memref<163840x32xf32, #tpu.memory_space<hbm>> -> memref<1280x32xf32, #tpu.memory_space<hbm>>
    tpu.enqueue_dma source(%arg6 : memref<1280x32xf32, #tpu.memory_space<vmem>>) target(%dma_start3A_16 : memref<1280x32xf32, #tpu.memory_space<hbm>>) target_semaphore(%arg9 : memref<!tpu.dma_semaphore, #tpu.memory_space<semaphore_mem>>)
    %dma_start3A_17 = arith.constant 1280 : i32
    %dma_start3A_18 = tpu.memref_slice %arg5[%dma_start3A_17] : memref<5120xi32, #tpu.memory_space<vmem>> -> memref<1280xi32, #tpu.memory_space<vmem>>
    %dma_start3A_19 = arith.constant 0 : i32
    %dma_start3A_20 = arith.constant 0 : i32
    %dma_start3A_21 = tpu.memref_slice %arg2[%dma_start3A_19, %dma_start3A_20] : memref<10240x32xf32, #tpu.memory_space<hbm>> -> memref<10240x32xf32, #tpu.memory_space<hbm>>
    tpu.enqueue_indirect_dma source(%dma_start3A_21 : memref<10240x32xf32, #tpu.memory_space<hbm>>) target(%arg7 : memref<1280x32xf32, #tpu.memory_space<vmem>>) offsets(%dma_start3A_18 : memref<1280xi32, #tpu.memory_space<vmem>>) semaphore(%arg8 : memref<!tpu.dma_semaphore, #tpu.memory_space<semaphore_mem>>)
    %dma_wait3A_22 = arith.constant 1280 : i32
    %dma_wait3A_23 = tpu.memref_slice %arg5[%dma_wait3A_22] : memref<5120xi32, #tpu.memory_space<vmem>> -> memref<1280xi32, #tpu.memory_space<vmem>>
    %dma_wait3A_24 = arith.constant 0 : i32
    %dma_wait3A_25 = arith.constant 0 : i32
    %dma_wait3A_26 = tpu.memref_slice %arg2[%dma_wait3A_24, %dma_wait3A_25] : memref<10240x32xf32, #tpu.memory_space<hbm>> -> memref<10240x32xf32, #tpu.memory_space<hbm>>
    tpu.wait_indirect_dma semaphore(%arg8 : memref<!tpu.dma_semaphore, #tpu.memory_space<semaphore_mem>>) src(%dma_wait3A_26 : memref<10240x32xf32, #tpu.memory_space<hbm>>) dst(%arg7 : memref<1280x32xf32, #tpu.memory_space<vmem>>)
    %add3A_27 = arith.constant 1280 : i32
    %add3A_28 = arith.addi %mul3A_2, %add3A_27 : i32
    %dma_start3A_29 = arith.constant 0 : i32
    %dma_start3A_30 = tpu.memref_slice %arg4[%add3A_28, %dma_start3A_29] : memref<163840x32xf32, #tpu.memory_space<hbm>> -> memref<1280x32xf32, #tpu.memory_space<hbm>>
    %dma_start3A_31 = arith.constant 0 : i32
    %dma_start3A_32 = tpu.memref_slice %arg4[%add3A_28, %dma_start3A_31] : memref<163840x32xf32, #tpu.memory_space<hbm>> -> memref<1280x32xf32, #tpu.memory_space<hbm>>
    tpu.enqueue_dma source(%arg7 : memref<1280x32xf32, #tpu.memory_space<vmem>>) target(%dma_start3A_32 : memref<1280x32xf32, #tpu.memory_space<hbm>>) target_semaphore(%arg9 : memref<!tpu.dma_semaphore, #tpu.memory_space<semaphore_mem>>)
    %dma_wait3A_33 = arith.constant 0 : i32
    %dma_wait3A_34 = tpu.memref_slice %arg4[%add3A_12, %dma_wait3A_33] : memref<163840x32xf32, #tpu.memory_space<hbm>> -> memref<1280x32xf32, #tpu.memory_space<hbm>>
    %dma_wait3A_35 = arith.constant 0 : i32
    %dma_wait3A_36 = tpu.memref_slice %arg4[%add3A_12, %dma_wait3A_35] : memref<163840x32xf32, #tpu.memory_space<hbm>> -> memref<1280x32xf32, #tpu.memory_space<hbm>>
    tpu.wait_dma2 semaphore(%arg9 : memref<!tpu.dma_semaphore, #tpu.memory_space<semaphore_mem>>) src(%arg6 : memref<1280x32xf32, #tpu.memory_space<vmem>>) dst(%dma_wait3A_36 : memref<1280x32xf32, #tpu.memory_space<hbm>>)
    %dma_start3A_37 = arith.constant 2560 : i32
    %dma_start3A_38 = tpu.memref_slice %arg5[%dma_start3A_37] : memref<5120xi32, #tpu.memory_space<vmem>> -> memref<1280xi32, #tpu.memory_space<vmem>>
    %dma_start3A_39 = arith.constant 0 : i32
    %dma_start3A_40 = arith.constant 0 : i32
    %dma_start3A_41 = tpu.memref_slice %arg2[%dma_start3A_39, %dma_start3A_40] : memref<10240x32xf32, #tpu.memory_space<hbm>> -> memref<10240x32xf32, #tpu.memory_space<hbm>>
    tpu.enqueue_indirect_dma source(%dma_start3A_41 : memref<10240x32xf32, #tpu.memory_space<hbm>>) target(%arg6 : memref<1280x32xf32, #tpu.memory_space<vmem>>) offsets(%dma_start3A_38 : memref<1280xi32, #tpu.memory_space<vmem>>) semaphore(%arg8 : memref<!tpu.dma_semaphore, #tpu.memory_space<semaphore_mem>>)
    %dma_wait3A_42 = arith.constant 2560 : i32
    %dma_wait3A_43 = tpu.memref_slice %arg5[%dma_wait3A_42] : memref<5120xi32, #tpu.memory_space<vmem>> -> memref<1280xi32, #tpu.memory_space<vmem>>
    %dma_wait3A_44 = arith.constant 0 : i32
    %dma_wait3A_45 = arith.constant 0 : i32
    %dma_wait3A_46 = tpu.memref_slice %arg2[%dma_wait3A_44, %dma_wait3A_45] : memref<10240x32xf32, #tpu.memory_space<hbm>> -> memref<10240x32xf32, #tpu.memory_space<hbm>>
    tpu.wait_indirect_dma semaphore(%arg8 : memref<!tpu.dma_semaphore, #tpu.memory_space<semaphore_mem>>) src(%dma_wait3A_46 : memref<10240x32xf32, #tpu.memory_space<hbm>>) dst(%arg6 : memref<1280x32xf32, #tpu.memory_space<vmem>>)
    %add3A_47 = arith.constant 2560 : i32
    %add3A_48 = arith.addi %mul3A_2, %add3A_47 : i32
    %dma_start3A_49 = arith.constant 0 : i32
    %dma_start3A_50 = tpu.memref_slice %arg4[%add3A_48, %dma_start3A_49] : memref<163840x32xf32, #tpu.memory_space<hbm>> -> memref<1280x32xf32, #tpu.memory_space<hbm>>
    %dma_start3A_51 = arith.constant 0 : i32
    %dma_start3A_52 = tpu.memref_slice %arg4[%add3A_48, %dma_start3A_51] : memref<163840x32xf32, #tpu.memory_space<hbm>> -> memref<1280x32xf32, #tpu.memory_space<hbm>>
    tpu.enqueue_dma source(%arg6 : memref<1280x32xf32, #tpu.memory_space<vmem>>) target(%dma_start3A_52 : memref<1280x32xf32, #tpu.memory_space<hbm>>) target_semaphore(%arg9 : memref<!tpu.dma_semaphore, #tpu.memory_space<semaphore_mem>>)
    %dma_wait3A_53 = arith.constant 0 : i32
    %dma_wait3A_54 = tpu.memref_slice %arg4[%add3A_28, %dma_wait3A_53] : memref<163840x32xf32, #tpu.memory_space<hbm>> -> memref<1280x32xf32, #tpu.memory_space<hbm>>
    %dma_wait3A_55 = arith.constant 0 : i32
    %dma_wait3A_56 = tpu.memref_slice %arg4[%add3A_28, %dma_wait3A_55] : memref<163840x32xf32, #tpu.memory_space<hbm>> -> memref<1280x32xf32, #tpu.memory_space<hbm>>
    tpu.wait_dma2 semaphore(%arg9 : memref<!tpu.dma_semaphore, #tpu.memory_space<semaphore_mem>>) src(%arg7 : memref<1280x32xf32, #tpu.memory_space<vmem>>) dst(%dma_wait3A_56 : memref<1280x32xf32, #tpu.memory_space<hbm>>)
    %dma_start3A_57 = arith.constant 3840 : i32
    %dma_start3A_58 = tpu.memref_slice %arg5[%dma_start3A_57] : memref<5120xi32, #tpu.memory_space<vmem>> -> memref<1280xi32, #tpu.memory_space<vmem>>
    %dma_start3A_59 = arith.constant 0 : i32
    %dma_start3A_60 = arith.constant 0 : i32
    %dma_start3A_61 = tpu.memref_slice %arg2[%dma_start3A_59, %dma_start3A_60] : memref<10240x32xf32, #tpu.memory_space<hbm>> -> memref<10240x32xf32, #tpu.memory_space<hbm>>
    tpu.enqueue_indirect_dma source(%dma_start3A_61 : memref<10240x32xf32, #tpu.memory_space<hbm>>) target(%arg7 : memref<1280x32xf32, #tpu.memory_space<vmem>>) offsets(%dma_start3A_58 : memref<1280xi32, #tpu.memory_space<vmem>>) semaphore(%arg8 : memref<!tpu.dma_semaphore, #tpu.memory_space<semaphore_mem>>)
    %dma_wait3A_62 = arith.constant 3840 : i32
    %dma_wait3A_63 = tpu.memref_slice %arg5[%dma_wait3A_62] : memref<5120xi32, #tpu.memory_space<vmem>> -> memref<1280xi32, #tpu.memory_space<vmem>>
    %dma_wait3A_64 = arith.constant 0 : i32
    %dma_wait3A_65 = arith.constant 0 : i32
    %dma_wait3A_66 = tpu.memref_slice %arg2[%dma_wait3A_64, %dma_wait3A_65] : memref<10240x32xf32, #tpu.memory_space<hbm>> -> memref<10240x32xf32, #tpu.memory_space<hbm>>
    tpu.wait_indirect_dma semaphore(%arg8 : memref<!tpu.dma_semaphore, #tpu.memory_space<semaphore_mem>>) src(%dma_wait3A_66 : memref<10240x32xf32, #tpu.memory_space<hbm>>) dst(%arg7 : memref<1280x32xf32, #tpu.memory_space<vmem>>)
    %add3A_67 = arith.constant 3840 : i32
    %add3A_68 = arith.addi %mul3A_2, %add3A_67 : i32
    %dma_start3A_69 = arith.constant 0 : i32
    %dma_start3A_70 = tpu.memref_slice %arg4[%add3A_68, %dma_start3A_69] : memref<163840x32xf32, #tpu.memory_space<hbm>> -> memref<1280x32xf32, #tpu.memory_space<hbm>>
    %dma_start3A_71 = arith.constant 0 : i32
    %dma_start3A_72 = tpu.memref_slice %arg4[%add3A_68, %dma_start3A_71] : memref<163840x32xf32, #tpu.memory_space<hbm>> -> memref<1280x32xf32, #tpu.memory_space<hbm>>
    tpu.enqueue_dma source(%arg7 : memref<1280x32xf32, #tpu.memory_space<vmem>>) target(%dma_start3A_72 : memref<1280x32xf32, #tpu.memory_space<hbm>>) target_semaphore(%arg9 : memref<!tpu.dma_semaphore, #tpu.memory_space<semaphore_mem>>)
    %dma_wait3A_73 = arith.constant 0 : i32
    %dma_wait3A_74 = tpu.memref_slice %arg4[%add3A_48, %dma_wait3A_73] : memref<163840x32xf32, #tpu.memory_space<hbm>> -> memref<1280x32xf32, #tpu.memory_space<hbm>>
    %dma_wait3A_75 = arith.constant 0 : i32
    %dma_wait3A_76 = tpu.memref_slice %arg4[%add3A_48, %dma_wait3A_75] : memref<163840x32xf32, #tpu.memory_space<hbm>> -> memref<1280x32xf32, #tpu.memory_space<hbm>>
    tpu.wait_dma2 semaphore(%arg9 : memref<!tpu.dma_semaphore, #tpu.memory_space<semaphore_mem>>) src(%arg6 : memref<1280x32xf32, #tpu.memory_space<vmem>>) dst(%dma_wait3A_76 : memref<1280x32xf32, #tpu.memory_space<hbm>>)
    %dma_wait3A_77 = arith.constant 0 : i32
    %dma_wait3A_78 = tpu.memref_slice %arg4[%add3A_68, %dma_wait3A_77] : memref<163840x32xf32, #tpu.memory_space<hbm>> -> memref<1280x32xf32, #tpu.memory_space<hbm>>
    %dma_wait3A_79 = arith.constant 0 : i32
    %dma_wait3A_80 = tpu.memref_slice %arg4[%add3A_68, %dma_wait3A_79] : memref<163840x32xf32, #tpu.memory_space<hbm>> -> memref<1280x32xf32, #tpu.memory_space<hbm>>
    tpu.wait_dma2 semaphore(%arg9 : memref<!tpu.dma_semaphore, #tpu.memory_space<semaphore_mem>>) src(%arg7 : memref<1280x32xf32, #tpu.memory_space<vmem>>) dst(%dma_wait3A_80 : memref<1280x32xf32, #tpu.memory_space<hbm>>)
    return
  }
}

#map = affine_map<(d0, d1) -> (0, 0)>
#map1 = affine_map<(d0, d1) -> (0, 0, 0)>
module attributes {stable_mosaic.version = 14 : i64} {
  func.func @_scatter_body(%arg0: i32, %arg1: i32, %arg2: memref<163840x32xf32, #tpu.memory_space<hbm>>, %arg3: memref<32x40x128xi32, #tpu.memory_space<hbm>>, %arg4: memref<10256x32xf32, #tpu.memory_space<hbm>>, %arg5: memref<2x10240x32xf32, #tpu.memory_space<hbm>>, %arg6: memref<10256x32xf32, #tpu.memory_space<vmem_shared>>, %arg7: memref<40x128xi32, #tpu.memory_space<vmem>>, %arg8: memref<128x32xf32, #tpu.memory_space<vmem>>) attributes {dimension_semantics = [#tpu.dimension_semantics<core_parallel>, #tpu.dimension_semantics<subcore_parallel>], iteration_bounds = array<i64: 2, 16>, scalar_prefetch = 0 : i64, scratch_operands = 3 : i64, tpu.core_type = #tpu.core_type<sc_vector_subcore>, window_params = [{transform_indices = #map}, {transform_indices = #map1}, {transform_indices = #map}, {transform_indices = #map1}]} {
    %mul3A = arith.constant 2 : i32
    %mul3A_0 = arith.muli %arg1, %mul3A : i32
    %add3A = arith.addi %mul3A_0, %arg0 : i32
    %mul3A_1 = arith.constant 641 : i32
    %mul3A_2 = arith.muli %arg1, %mul3A_1 : i32
    %mul3A_3 = arith.constant 641 : i32
    %mul3A_4 = arith.muli %arg1, %mul3A_3 : i32
    "tpu.region"() ({
      %run_scoped3A = tpu.sem_alloc : memref<!tpu.dma_semaphore, #tpu.memory_space<semaphore_mem>>
      %dma_start3A = arith.constant 0 : i32
      %dma_start3A_15 = tpu.memref_slice %arg6[%mul3A_4, %dma_start3A] : memref<10256x32xf32, #tpu.memory_space<vmem_shared>> -> memref<641x32xf32, #tpu.memory_space<vmem_shared>>
      %dma_start3A_16 = arith.constant 0 : i32
      %dma_start3A_17 = tpu.memref_slice %arg4[%mul3A_2, %dma_start3A_16] : memref<10256x32xf32, #tpu.memory_space<hbm>> -> memref<641x32xf32, #tpu.memory_space<hbm>>
      tpu.enqueue_dma source(%dma_start3A_17 : memref<641x32xf32, #tpu.memory_space<hbm>>) target(%dma_start3A_15 : memref<641x32xf32, #tpu.memory_space<vmem_shared>>) target_semaphore(%run_scoped3A : memref<!tpu.dma_semaphore, #tpu.memory_space<semaphore_mem>>)
      %dma_wait3A = arith.constant 0 : i32
      %dma_wait3A_18 = tpu.memref_slice %arg6[%mul3A_4, %dma_wait3A] : memref<10256x32xf32, #tpu.memory_space<vmem_shared>> -> memref<641x32xf32, #tpu.memory_space<vmem_shared>>
      %dma_wait3A_19 = arith.constant 0 : i32
      %dma_wait3A_20 = tpu.memref_slice %arg4[%mul3A_2, %dma_wait3A_19] : memref<10256x32xf32, #tpu.memory_space<hbm>> -> memref<641x32xf32, #tpu.memory_space<hbm>>
      tpu.wait_dma2 semaphore(%run_scoped3A : memref<!tpu.dma_semaphore, #tpu.memory_space<semaphore_mem>>) src(%dma_wait3A_20 : memref<641x32xf32, #tpu.memory_space<hbm>>) dst(%dma_wait3A_18 : memref<641x32xf32, #tpu.memory_space<vmem_shared>>)
      tpu.yield
    }) : () -> ()
    "tpu.region"() ({
      %run_scoped3A = tpu.sem_alloc : memref<!tpu.dma_semaphore, #tpu.memory_space<semaphore_mem>>
      %dma_start3A = arith.constant 0 : i32
      %dma_start3A_15 = arith.constant 0 : i32
      %dma_start3A_16 = tpu.memref_slice %arg3[%add3A, %dma_start3A, %dma_start3A_15] : memref<32x40x128xi32, #tpu.memory_space<hbm>> -> memref<1x40x128xi32, #tpu.memory_space<hbm>>
      %dma_start3A_17 = tpu.memref_squeeze %dma_start3A_16 : memref<1x40x128xi32, #tpu.memory_space<hbm>> -> memref<40x128xi32, #tpu.memory_space<hbm>>
      %dma_start3A_18 = arith.constant 0 : i32
      %dma_start3A_19 = arith.constant 0 : i32
      %dma_start3A_20 = tpu.memref_slice %arg3[%add3A, %dma_start3A_18, %dma_start3A_19] : memref<32x40x128xi32, #tpu.memory_space<hbm>> -> memref<1x40x128xi32, #tpu.memory_space<hbm>>
      %dma_start3A_21 = tpu.memref_squeeze %dma_start3A_20 : memref<1x40x128xi32, #tpu.memory_space<hbm>> -> memref<40x128xi32, #tpu.memory_space<hbm>>
      tpu.enqueue_dma source(%dma_start3A_21 : memref<40x128xi32, #tpu.memory_space<hbm>>) target(%arg7 : memref<40x128xi32, #tpu.memory_space<vmem>>) target_semaphore(%run_scoped3A : memref<!tpu.dma_semaphore, #tpu.memory_space<semaphore_mem>>)
      %dma_wait3A = arith.constant 0 : i32
      %dma_wait3A_22 = arith.constant 0 : i32
      %dma_wait3A_23 = tpu.memref_slice %arg3[%add3A, %dma_wait3A, %dma_wait3A_22] : memref<32x40x128xi32, #tpu.memory_space<hbm>> -> memref<1x40x128xi32, #tpu.memory_space<hbm>>
      %dma_wait3A_24 = tpu.memref_squeeze %dma_wait3A_23 : memref<1x40x128xi32, #tpu.memory_space<hbm>> -> memref<40x128xi32, #tpu.memory_space<hbm>>
      %dma_wait3A_25 = arith.constant 0 : i32
      %dma_wait3A_26 = arith.constant 0 : i32
      %dma_wait3A_27 = tpu.memref_slice %arg3[%add3A, %dma_wait3A_25, %dma_wait3A_26] : memref<32x40x128xi32, #tpu.memory_space<hbm>> -> memref<1x40x128xi32, #tpu.memory_space<hbm>>
      %dma_wait3A_28 = tpu.memref_squeeze %dma_wait3A_27 : memref<1x40x128xi32, #tpu.memory_space<hbm>> -> memref<40x128xi32, #tpu.memory_space<hbm>>
      tpu.wait_dma2 semaphore(%run_scoped3A : memref<!tpu.dma_semaphore, #tpu.memory_space<semaphore_mem>>) src(%dma_wait3A_28 : memref<40x128xi32, #tpu.memory_space<hbm>>) dst(%arg7 : memref<40x128xi32, #tpu.memory_space<vmem>>)
      tpu.yield
    }) : () -> ()
    %barrier3A = arith.constant 0 : index
    tpu.barrier barrier_id(%barrier3A)
    %scan3A = arith.constant 0 : i32
    %scan3A_5 = arith.constant 0 : i32
    %scan3A_6 = arith.constant 40 : i32
    %scan3A_7 = arith.addi %scan3A_5, %scan3A_6 : i32
    %scan3A_8 = arith.constant 1 : i32
    scf.for %scan3A_15 = %scan3A_5 to %scan3A_7 step %scan3A_8  : i32 {
      %mul3A_16 = arith.constant 5120 : i32
      %mul3A_17 = arith.muli %add3A, %mul3A_16 : i32
      %mul3A_18 = arith.constant 128 : i32
      %mul3A_19 = arith.muli %scan3A_15, %mul3A_18 : i32
      %add3A_20 = arith.addi %mul3A_17, %mul3A_19 : i32
      "tpu.region"() ({
        %run_scoped3A = tpu.sem_alloc : memref<!tpu.dma_semaphore, #tpu.memory_space<semaphore_mem>>
        %dma_start3A = arith.constant 0 : i32
        %dma_start3A_21 = tpu.memref_slice %arg2[%add3A_20, %dma_start3A] : memref<163840x32xf32, #tpu.memory_space<hbm>> -> memref<128x32xf32, #tpu.memory_space<hbm>>
        %dma_start3A_22 = arith.constant 0 : i32
        %dma_start3A_23 = tpu.memref_slice %arg2[%add3A_20, %dma_start3A_22] : memref<163840x32xf32, #tpu.memory_space<hbm>> -> memref<128x32xf32, #tpu.memory_space<hbm>>
        tpu.enqueue_dma source(%dma_start3A_23 : memref<128x32xf32, #tpu.memory_space<hbm>>) target(%arg8 : memref<128x32xf32, #tpu.memory_space<vmem>>) target_semaphore(%run_scoped3A : memref<!tpu.dma_semaphore, #tpu.memory_space<semaphore_mem>>)
        %dma_wait3A = arith.constant 0 : i32
        %dma_wait3A_24 = tpu.memref_slice %arg2[%add3A_20, %dma_wait3A] : memref<163840x32xf32, #tpu.memory_space<hbm>> -> memref<128x32xf32, #tpu.memory_space<hbm>>
        %dma_wait3A_25 = arith.constant 0 : i32
        %dma_wait3A_26 = tpu.memref_slice %arg2[%add3A_20, %dma_wait3A_25] : memref<163840x32xf32, #tpu.memory_space<hbm>> -> memref<128x32xf32, #tpu.memory_space<hbm>>
        tpu.wait_dma2 semaphore(%run_scoped3A : memref<!tpu.dma_semaphore, #tpu.memory_space<semaphore_mem>>) src(%dma_wait3A_26 : memref<128x32xf32, #tpu.memory_space<hbm>>) dst(%arg8 : memref<128x32xf32, #tpu.memory_space<vmem>>)
        tpu.yield
      }) : () -> ()
      "tpu.region"() ({
        %run_scoped3A = tpu.sem_alloc : memref<!tpu.dma_semaphore, #tpu.memory_space<semaphore_mem>>
        %dma_start3A = arith.constant 0 : i32
        %dma_start3A_21 = tpu.memref_slice %arg7[%scan3A_15, %dma_start3A] : memref<40x128xi32, #tpu.memory_space<vmem>> -> memref<1x128xi32, #tpu.memory_space<vmem>>
        %dma_start3A_22 = tpu.memref_squeeze %dma_start3A_21 : memref<1x128xi32, #tpu.memory_space<vmem>> -> memref<128xi32, #tpu.memory_space<vmem>>
        %dma_start3A_23 = arith.constant 0 : i32
        %dma_start3A_24 = arith.constant 0 : i32
        %dma_start3A_25 = tpu.memref_slice %arg6[%dma_start3A_23, %dma_start3A_24] : memref<10256x32xf32, #tpu.memory_space<vmem_shared>> -> memref<10256x32xf32, #tpu.memory_space<vmem_shared>>
        tpu.enqueue_indirect_dma source(%arg8 : memref<128x32xf32, #tpu.memory_space<vmem>>) target(%dma_start3A_25 : memref<10256x32xf32, #tpu.memory_space<vmem_shared>>) offsets(%dma_start3A_22 : memref<128xi32, #tpu.memory_space<vmem>>) semaphore(%run_scoped3A : memref<!tpu.dma_semaphore, #tpu.memory_space<semaphore_mem>>) {add = true}
        %dma_wait3A = arith.constant 0 : i32
        %dma_wait3A_26 = tpu.memref_slice %arg7[%scan3A_15, %dma_wait3A] : memref<40x128xi32, #tpu.memory_space<vmem>> -> memref<1x128xi32, #tpu.memory_space<vmem>>
        %dma_wait3A_27 = tpu.memref_squeeze %dma_wait3A_26 : memref<1x128xi32, #tpu.memory_space<vmem>> -> memref<128xi32, #tpu.memory_space<vmem>>
        %dma_wait3A_28 = arith.constant 0 : i32
        %dma_wait3A_29 = arith.constant 0 : i32
        %dma_wait3A_30 = tpu.memref_slice %arg6[%dma_wait3A_28, %dma_wait3A_29] : memref<10256x32xf32, #tpu.memory_space<vmem_shared>> -> memref<10256x32xf32, #tpu.memory_space<vmem_shared>>
        tpu.wait_indirect_dma semaphore(%run_scoped3A : memref<!tpu.dma_semaphore, #tpu.memory_space<semaphore_mem>>) src(%arg8 : memref<128x32xf32, #tpu.memory_space<vmem>>) dst(%dma_wait3A_30 : memref<10256x32xf32, #tpu.memory_space<vmem_shared>>)
        tpu.yield
      }) : () -> ()
    }
    %scan3A_9 = arith.constant 40 : i32
    %barrier3A_10 = arith.constant 0 : index
    tpu.barrier barrier_id(%barrier3A_10)
    %mul3A_11 = arith.constant 640 : i32
    %mul3A_12 = arith.muli %arg1, %mul3A_11 : i32
    %mul3A_13 = arith.constant 640 : i32
    %mul3A_14 = arith.muli %arg1, %mul3A_13 : i32
    "tpu.region"() ({
      %run_scoped3A = tpu.sem_alloc : memref<!tpu.dma_semaphore, #tpu.memory_space<semaphore_mem>>
      %dma_start3A = arith.constant 0 : i32
      %dma_start3A_15 = arith.constant 0 : i32
      %dma_start3A_16 = tpu.memref_slice %arg5[%arg0, %dma_start3A, %dma_start3A_15] : memref<2x10240x32xf32, #tpu.memory_space<hbm>> -> memref<1x10240x32xf32, #tpu.memory_space<hbm>>
      %dma_start3A_17 = tpu.memref_squeeze %dma_start3A_16 : memref<1x10240x32xf32, #tpu.memory_space<hbm>> -> memref<10240x32xf32, #tpu.memory_space<hbm>>
      %dma_start3A_18 = arith.constant 0 : i32
      %dma_start3A_19 = tpu.memref_slice %dma_start3A_17[%mul3A_14, %dma_start3A_18] : memref<10240x32xf32, #tpu.memory_space<hbm>> -> memref<640x32xf32, #tpu.memory_space<hbm>>
      %dma_start3A_20 = arith.constant 0 : i32
      %dma_start3A_21 = tpu.memref_slice %arg6[%mul3A_12, %dma_start3A_20] : memref<10256x32xf32, #tpu.memory_space<vmem_shared>> -> memref<640x32xf32, #tpu.memory_space<vmem_shared>>
      tpu.enqueue_dma source(%dma_start3A_21 : memref<640x32xf32, #tpu.memory_space<vmem_shared>>) target(%dma_start3A_19 : memref<640x32xf32, #tpu.memory_space<hbm>>) target_semaphore(%run_scoped3A : memref<!tpu.dma_semaphore, #tpu.memory_space<semaphore_mem>>)
      %dma_wait3A = arith.constant 0 : i32
      %dma_wait3A_22 = arith.constant 0 : i32
      %dma_wait3A_23 = tpu.memref_slice %arg5[%arg0, %dma_wait3A, %dma_wait3A_22] : memref<2x10240x32xf32, #tpu.memory_space<hbm>> -> memref<1x10240x32xf32, #tpu.memory_space<hbm>>
      %dma_wait3A_24 = tpu.memref_squeeze %dma_wait3A_23 : memref<1x10240x32xf32, #tpu.memory_space<hbm>> -> memref<10240x32xf32, #tpu.memory_space<hbm>>
      %dma_wait3A_25 = arith.constant 0 : i32
      %dma_wait3A_26 = tpu.memref_slice %dma_wait3A_24[%mul3A_14, %dma_wait3A_25] : memref<10240x32xf32, #tpu.memory_space<hbm>> -> memref<640x32xf32, #tpu.memory_space<hbm>>
      %dma_wait3A_27 = arith.constant 0 : i32
      %dma_wait3A_28 = tpu.memref_slice %arg6[%mul3A_12, %dma_wait3A_27] : memref<10256x32xf32, #tpu.memory_space<vmem_shared>> -> memref<640x32xf32, #tpu.memory_space<vmem_shared>>
      tpu.wait_dma2 semaphore(%run_scoped3A : memref<!tpu.dma_semaphore, #tpu.memory_space<semaphore_mem>>) src(%dma_wait3A_28 : memref<640x32xf32, #tpu.memory_space<vmem_shared>>) dst(%dma_wait3A_26 : memref<640x32xf32, #tpu.memory_space<hbm>>)
      tpu.yield
    }) : () -> ()
    return
  }
}

#map = affine_map<(d0, d1) -> (0, 0)>
#map1 = affine_map<(d0, d1) -> (0, 0, 0)>
module attributes {stable_mosaic.version = 14 : i64} {
  func.func @_gather_count_body(%arg0: i32, %arg1: i32, %arg2: memref<10240x32xf32, #tpu.memory_space<hbm>>, %arg3: memref<32x5120xi32, #tpu.memory_space<hbm>>, %arg4: memref<32x40x128xi32, #tpu.memory_space<hbm>>, %arg5: memref<128x32xf32, #tpu.memory_space<hbm>>, %arg6: memref<10256x32xf32, #tpu.memory_space<hbm>>, %arg7: memref<163840x32xf32, #tpu.memory_space<hbm>>, %arg8: memref<2x10240x32xf32, #tpu.memory_space<hbm>>, %arg9: memref<10256x32xf32, #tpu.memory_space<vmem_shared>>, %arg10: memref<5120xi32, #tpu.memory_space<vmem>>, %arg11: memref<40x128xi32, #tpu.memory_space<vmem>>, %arg12: memref<128x32xf32, #tpu.memory_space<vmem>>, %arg13: memref<1280x32xf32, #tpu.memory_space<vmem>>, %arg14: memref<1280x32xf32, #tpu.memory_space<vmem>>, %arg15: memref<!tpu.dma_semaphore, #tpu.memory_space<semaphore_mem>>, %arg16: memref<!tpu.dma_semaphore, #tpu.memory_space<semaphore_mem>>) attributes {dimension_semantics = [#tpu.dimension_semantics<core_parallel>, #tpu.dimension_semantics<subcore_parallel>], iteration_bounds = array<i64: 2, 16>, scalar_prefetch = 0 : i64, scratch_operands = 8 : i64, tpu.core_type = #tpu.core_type<sc_vector_subcore>, window_params = [{transform_indices = #map}, {transform_indices = #map}, {transform_indices = #map1}, {transform_indices = #map}, {transform_indices = #map}, {transform_indices = #map}, {transform_indices = #map1}]} {
    %mul3A = arith.constant 2 : i32
    %mul3A_0 = arith.muli %arg1, %mul3A : i32
    %add3A = arith.addi %mul3A_0, %arg0 : i32
    %mul3A_1 = arith.constant 641 : i32
    %mul3A_2 = arith.muli %arg1, %mul3A_1 : i32
    %mul3A_3 = arith.constant 641 : i32
    %mul3A_4 = arith.muli %arg1, %mul3A_3 : i32
    "tpu.region"() ({
      %run_scoped3A = tpu.sem_alloc : memref<!tpu.dma_semaphore, #tpu.memory_space<semaphore_mem>>
      %dma_start3A_113 = arith.constant 0 : i32
      %dma_start3A_114 = tpu.memref_slice %arg9[%mul3A_4, %dma_start3A_113] : memref<10256x32xf32, #tpu.memory_space<vmem_shared>> -> memref<641x32xf32, #tpu.memory_space<vmem_shared>>
      %dma_start3A_115 = arith.constant 0 : i32
      %dma_start3A_116 = tpu.memref_slice %arg6[%mul3A_2, %dma_start3A_115] : memref<10256x32xf32, #tpu.memory_space<hbm>> -> memref<641x32xf32, #tpu.memory_space<hbm>>
      tpu.enqueue_dma source(%dma_start3A_116 : memref<641x32xf32, #tpu.memory_space<hbm>>) target(%dma_start3A_114 : memref<641x32xf32, #tpu.memory_space<vmem_shared>>) target_semaphore(%run_scoped3A : memref<!tpu.dma_semaphore, #tpu.memory_space<semaphore_mem>>)
      %dma_wait3A_117 = arith.constant 0 : i32
      %dma_wait3A_118 = tpu.memref_slice %arg9[%mul3A_4, %dma_wait3A_117] : memref<10256x32xf32, #tpu.memory_space<vmem_shared>> -> memref<641x32xf32, #tpu.memory_space<vmem_shared>>
      %dma_wait3A_119 = arith.constant 0 : i32
      %dma_wait3A_120 = tpu.memref_slice %arg6[%mul3A_2, %dma_wait3A_119] : memref<10256x32xf32, #tpu.memory_space<hbm>> -> memref<641x32xf32, #tpu.memory_space<hbm>>
      tpu.wait_dma2 semaphore(%run_scoped3A : memref<!tpu.dma_semaphore, #tpu.memory_space<semaphore_mem>>) src(%dma_wait3A_120 : memref<641x32xf32, #tpu.memory_space<hbm>>) dst(%dma_wait3A_118 : memref<641x32xf32, #tpu.memory_space<vmem_shared>>)
      tpu.yield
    }) : () -> ()
    "tpu.region"() ({
      %run_scoped3A = tpu.sem_alloc : memref<!tpu.dma_semaphore, #tpu.memory_space<semaphore_mem>>
      %dma_start3A_113 = arith.constant 0 : i32
      %dma_start3A_114 = tpu.memref_slice %arg3[%add3A, %dma_start3A_113] : memref<32x5120xi32, #tpu.memory_space<hbm>> -> memref<1x5120xi32, #tpu.memory_space<hbm>>
      %dma_start3A_115 = tpu.memref_squeeze %dma_start3A_114 : memref<1x5120xi32, #tpu.memory_space<hbm>> -> memref<5120xi32, #tpu.memory_space<hbm>>
      %dma_start3A_116 = arith.constant 0 : i32
      %dma_start3A_117 = tpu.memref_slice %arg3[%add3A, %dma_start3A_116] : memref<32x5120xi32, #tpu.memory_space<hbm>> -> memref<1x5120xi32, #tpu.memory_space<hbm>>
      %dma_start3A_118 = tpu.memref_squeeze %dma_start3A_117 : memref<1x5120xi32, #tpu.memory_space<hbm>> -> memref<5120xi32, #tpu.memory_space<hbm>>
      tpu.enqueue_dma source(%dma_start3A_118 : memref<5120xi32, #tpu.memory_space<hbm>>) target(%arg10 : memref<5120xi32, #tpu.memory_space<vmem>>) target_semaphore(%run_scoped3A : memref<!tpu.dma_semaphore, #tpu.memory_space<semaphore_mem>>)
      %dma_wait3A_119 = arith.constant 0 : i32
      %dma_wait3A_120 = tpu.memref_slice %arg3[%add3A, %dma_wait3A_119] : memref<32x5120xi32, #tpu.memory_space<hbm>> -> memref<1x5120xi32, #tpu.memory_space<hbm>>
      %dma_wait3A_121 = tpu.memref_squeeze %dma_wait3A_120 : memref<1x5120xi32, #tpu.memory_space<hbm>> -> memref<5120xi32, #tpu.memory_space<hbm>>
      %dma_wait3A_122 = arith.constant 0 : i32
      %dma_wait3A_123 = tpu.memref_slice %arg3[%add3A, %dma_wait3A_122] : memref<32x5120xi32, #tpu.memory_space<hbm>> -> memref<1x5120xi32, #tpu.memory_space<hbm>>
      %dma_wait3A_124 = tpu.memref_squeeze %dma_wait3A_123 : memref<1x5120xi32, #tpu.memory_space<hbm>> -> memref<5120xi32, #tpu.memory_space<hbm>>
      tpu.wait_dma2 semaphore(%run_scoped3A : memref<!tpu.dma_semaphore, #tpu.memory_space<semaphore_mem>>) src(%dma_wait3A_124 : memref<5120xi32, #tpu.memory_space<hbm>>) dst(%arg10 : memref<5120xi32, #tpu.memory_space<vmem>>)
      tpu.yield
    }) : () -> ()
    "tpu.region"() ({
      %run_scoped3A = tpu.sem_alloc : memref<!tpu.dma_semaphore, #tpu.memory_space<semaphore_mem>>
      %dma_start3A_113 = arith.constant 0 : i32
      %dma_start3A_114 = arith.constant 0 : i32
      %dma_start3A_115 = tpu.memref_slice %arg4[%add3A, %dma_start3A_113, %dma_start3A_114] : memref<32x40x128xi32, #tpu.memory_space<hbm>> -> memref<1x40x128xi32, #tpu.memory_space<hbm>>
      %dma_start3A_116 = tpu.memref_squeeze %dma_start3A_115 : memref<1x40x128xi32, #tpu.memory_space<hbm>> -> memref<40x128xi32, #tpu.memory_space<hbm>>
      %dma_start3A_117 = arith.constant 0 : i32
      %dma_start3A_118 = arith.constant 0 : i32
      %dma_start3A_119 = tpu.memref_slice %arg4[%add3A, %dma_start3A_117, %dma_start3A_118] : memref<32x40x128xi32, #tpu.memory_space<hbm>> -> memref<1x40x128xi32, #tpu.memory_space<hbm>>
      %dma_start3A_120 = tpu.memref_squeeze %dma_start3A_119 : memref<1x40x128xi32, #tpu.memory_space<hbm>> -> memref<40x128xi32, #tpu.memory_space<hbm>>
      tpu.enqueue_dma source(%dma_start3A_120 : memref<40x128xi32, #tpu.memory_space<hbm>>) target(%arg11 : memref<40x128xi32, #tpu.memory_space<vmem>>) target_semaphore(%run_scoped3A : memref<!tpu.dma_semaphore, #tpu.memory_space<semaphore_mem>>)
      %dma_wait3A_121 = arith.constant 0 : i32
      %dma_wait3A_122 = arith.constant 0 : i32
      %dma_wait3A_123 = tpu.memref_slice %arg4[%add3A, %dma_wait3A_121, %dma_wait3A_122] : memref<32x40x128xi32, #tpu.memory_space<hbm>> -> memref<1x40x128xi32, #tpu.memory_space<hbm>>
      %dma_wait3A_124 = tpu.memref_squeeze %dma_wait3A_123 : memref<1x40x128xi32, #tpu.memory_space<hbm>> -> memref<40x128xi32, #tpu.memory_space<hbm>>
      %dma_wait3A_125 = arith.constant 0 : i32
      %dma_wait3A_126 = arith.constant 0 : i32
      %dma_wait3A_127 = tpu.memref_slice %arg4[%add3A, %dma_wait3A_125, %dma_wait3A_126] : memref<32x40x128xi32, #tpu.memory_space<hbm>> -> memref<1x40x128xi32, #tpu.memory_space<hbm>>
      %dma_wait3A_128 = tpu.memref_squeeze %dma_wait3A_127 : memref<1x40x128xi32, #tpu.memory_space<hbm>> -> memref<40x128xi32, #tpu.memory_space<hbm>>
      tpu.wait_dma2 semaphore(%run_scoped3A : memref<!tpu.dma_semaphore, #tpu.memory_space<semaphore_mem>>) src(%dma_wait3A_128 : memref<40x128xi32, #tpu.memory_space<hbm>>) dst(%arg11 : memref<40x128xi32, #tpu.memory_space<vmem>>)
      tpu.yield
    }) : () -> ()
    "tpu.region"() ({
      %run_scoped3A = tpu.sem_alloc : memref<!tpu.dma_semaphore, #tpu.memory_space<semaphore_mem>>
      tpu.enqueue_dma source(%arg5 : memref<128x32xf32, #tpu.memory_space<hbm>>) target(%arg12 : memref<128x32xf32, #tpu.memory_space<vmem>>) target_semaphore(%run_scoped3A : memref<!tpu.dma_semaphore, #tpu.memory_space<semaphore_mem>>)
      tpu.wait_dma2 semaphore(%run_scoped3A : memref<!tpu.dma_semaphore, #tpu.memory_space<semaphore_mem>>) src(%arg5 : memref<128x32xf32, #tpu.memory_space<hbm>>) dst(%arg12 : memref<128x32xf32, #tpu.memory_space<vmem>>)
      tpu.yield
    }) : () -> ()
    %barrier3A = arith.constant 0 : index
    tpu.barrier barrier_id(%barrier3A)
    %mul3A_5 = arith.constant 5120 : i32
    %mul3A_6 = arith.muli %add3A, %mul3A_5 : i32
    %dma_start3A = arith.constant 0 : i32
    %dma_start3A_7 = tpu.memref_slice %arg10[%dma_start3A] : memref<5120xi32, #tpu.memory_space<vmem>> -> memref<1280xi32, #tpu.memory_space<vmem>>
    %dma_start3A_8 = arith.constant 0 : i32
    %dma_start3A_9 = arith.constant 0 : i32
    %dma_start3A_10 = tpu.memref_slice %arg2[%dma_start3A_8, %dma_start3A_9] : memref<10240x32xf32, #tpu.memory_space<hbm>> -> memref<10240x32xf32, #tpu.memory_space<hbm>>
    tpu.enqueue_indirect_dma source(%dma_start3A_10 : memref<10240x32xf32, #tpu.memory_space<hbm>>) target(%arg13 : memref<1280x32xf32, #tpu.memory_space<vmem>>) offsets(%dma_start3A_7 : memref<1280xi32, #tpu.memory_space<vmem>>) semaphore(%arg15 : memref<!tpu.dma_semaphore, #tpu.memory_space<semaphore_mem>>)
    %scan3A = arith.constant 0 : i32
    %scan3A_11 = arith.constant 0 : i32
    %scan3A_12 = arith.constant 10 : i32
    %scan3A_13 = arith.addi %scan3A_11, %scan3A_12 : i32
    %scan3A_14 = arith.constant 1 : i32
    scf.for %scan3A_113 = %scan3A_11 to %scan3A_13 step %scan3A_14  : i32 {
      %add3A_114 = arith.constant 0 : i32
      %add3A_115 = arith.addi %add3A_114, %scan3A_113 : i32
      "tpu.region"() ({
        %run_scoped3A = tpu.sem_alloc : memref<!tpu.dma_semaphore, #tpu.memory_space<semaphore_mem>>
        %dma_start3A_116 = arith.constant 0 : i32
        %dma_start3A_117 = tpu.memref_slice %arg11[%add3A_115, %dma_start3A_116] : memref<40x128xi32, #tpu.memory_space<vmem>> -> memref<1x128xi32, #tpu.memory_space<vmem>>
        %dma_start3A_118 = tpu.memref_squeeze %dma_start3A_117 : memref<1x128xi32, #tpu.memory_space<vmem>> -> memref<128xi32, #tpu.memory_space<vmem>>
        %dma_start3A_119 = arith.constant 0 : i32
        %dma_start3A_120 = arith.constant 0 : i32
        %dma_start3A_121 = tpu.memref_slice %arg9[%dma_start3A_119, %dma_start3A_120] : memref<10256x32xf32, #tpu.memory_space<vmem_shared>> -> memref<10256x32xf32, #tpu.memory_space<vmem_shared>>
        tpu.enqueue_indirect_dma source(%arg12 : memref<128x32xf32, #tpu.memory_space<vmem>>) target(%dma_start3A_121 : memref<10256x32xf32, #tpu.memory_space<vmem_shared>>) offsets(%dma_start3A_118 : memref<128xi32, #tpu.memory_space<vmem>>) semaphore(%run_scoped3A : memref<!tpu.dma_semaphore, #tpu.memory_space<semaphore_mem>>) {add = true}
        %dma_wait3A_122 = arith.constant 0 : i32
        %dma_wait3A_123 = tpu.memref_slice %arg11[%add3A_115, %dma_wait3A_122] : memref<40x128xi32, #tpu.memory_space<vmem>> -> memref<1x128xi32, #tpu.memory_space<vmem>>
        %dma_wait3A_124 = tpu.memref_squeeze %dma_wait3A_123 : memref<1x128xi32, #tpu.memory_space<vmem>> -> memref<128xi32, #tpu.memory_space<vmem>>
        %dma_wait3A_125 = arith.constant 0 : i32
        %dma_wait3A_126 = arith.constant 0 : i32
        %dma_wait3A_127 = tpu.memref_slice %arg9[%dma_wait3A_125, %dma_wait3A_126] : memref<10256x32xf32, #tpu.memory_space<vmem_shared>> -> memref<10256x32xf32, #tpu.memory_space<vmem_shared>>
        tpu.wait_indirect_dma semaphore(%run_scoped3A : memref<!tpu.dma_semaphore, #tpu.memory_space<semaphore_mem>>) src(%arg12 : memref<128x32xf32, #tpu.memory_space<vmem>>) dst(%dma_wait3A_127 : memref<10256x32xf32, #tpu.memory_space<vmem_shared>>)
        tpu.yield
      }) : () -> ()
    }
    %scan3A_15 = arith.constant 10 : i32
    %dma_wait3A = arith.constant 0 : i32
    %dma_wait3A_16 = tpu.memref_slice %arg10[%dma_wait3A] : memref<5120xi32, #tpu.memory_space<vmem>> -> memref<1280xi32, #tpu.memory_space<vmem>>
    %dma_wait3A_17 = arith.constant 0 : i32
    %dma_wait3A_18 = arith.constant 0 : i32
    %dma_wait3A_19 = tpu.memref_slice %arg2[%dma_wait3A_17, %dma_wait3A_18] : memref<10240x32xf32, #tpu.memory_space<hbm>> -> memref<10240x32xf32, #tpu.memory_space<hbm>>
    tpu.wait_indirect_dma semaphore(%arg15 : memref<!tpu.dma_semaphore, #tpu.memory_space<semaphore_mem>>) src(%dma_wait3A_19 : memref<10240x32xf32, #tpu.memory_space<hbm>>) dst(%arg13 : memref<1280x32xf32, #tpu.memory_space<vmem>>)
    %add3A_20 = arith.constant 0 : i32
    %add3A_21 = arith.addi %mul3A_6, %add3A_20 : i32
    %dma_start3A_22 = arith.constant 0 : i32
    %dma_start3A_23 = tpu.memref_slice %arg7[%add3A_21, %dma_start3A_22] : memref<163840x32xf32, #tpu.memory_space<hbm>> -> memref<1280x32xf32, #tpu.memory_space<hbm>>
    %dma_start3A_24 = arith.constant 0 : i32
    %dma_start3A_25 = tpu.memref_slice %arg7[%add3A_21, %dma_start3A_24] : memref<163840x32xf32, #tpu.memory_space<hbm>> -> memref<1280x32xf32, #tpu.memory_space<hbm>>
    tpu.enqueue_dma source(%arg13 : memref<1280x32xf32, #tpu.memory_space<vmem>>) target(%dma_start3A_25 : memref<1280x32xf32, #tpu.memory_space<hbm>>) target_semaphore(%arg16 : memref<!tpu.dma_semaphore, #tpu.memory_space<semaphore_mem>>)
    %dma_start3A_26 = arith.constant 1280 : i32
    %dma_start3A_27 = tpu.memref_slice %arg10[%dma_start3A_26] : memref<5120xi32, #tpu.memory_space<vmem>> -> memref<1280xi32, #tpu.memory_space<vmem>>
    %dma_start3A_28 = arith.constant 0 : i32
    %dma_start3A_29 = arith.constant 0 : i32
    %dma_start3A_30 = tpu.memref_slice %arg2[%dma_start3A_28, %dma_start3A_29] : memref<10240x32xf32, #tpu.memory_space<hbm>> -> memref<10240x32xf32, #tpu.memory_space<hbm>>
    tpu.enqueue_indirect_dma source(%dma_start3A_30 : memref<10240x32xf32, #tpu.memory_space<hbm>>) target(%arg14 : memref<1280x32xf32, #tpu.memory_space<vmem>>) offsets(%dma_start3A_27 : memref<1280xi32, #tpu.memory_space<vmem>>) semaphore(%arg15 : memref<!tpu.dma_semaphore, #tpu.memory_space<semaphore_mem>>)
    %scan3A_31 = arith.constant 0 : i32
    %scan3A_32 = arith.constant 0 : i32
    %scan3A_33 = arith.constant 10 : i32
    %scan3A_34 = arith.addi %scan3A_32, %scan3A_33 : i32
    %scan3A_35 = arith.constant 1 : i32
    scf.for %scan3A_113 = %scan3A_32 to %scan3A_34 step %scan3A_35  : i32 {
      %add3A_114 = arith.constant 10 : i32
      %add3A_115 = arith.addi %add3A_114, %scan3A_113 : i32
      "tpu.region"() ({
        %run_scoped3A = tpu.sem_alloc : memref<!tpu.dma_semaphore, #tpu.memory_space<semaphore_mem>>
        %dma_start3A_116 = arith.constant 0 : i32
        %dma_start3A_117 = tpu.memref_slice %arg11[%add3A_115, %dma_start3A_116] : memref<40x128xi32, #tpu.memory_space<vmem>> -> memref<1x128xi32, #tpu.memory_space<vmem>>
        %dma_start3A_118 = tpu.memref_squeeze %dma_start3A_117 : memref<1x128xi32, #tpu.memory_space<vmem>> -> memref<128xi32, #tpu.memory_space<vmem>>
        %dma_start3A_119 = arith.constant 0 : i32
        %dma_start3A_120 = arith.constant 0 : i32
        %dma_start3A_121 = tpu.memref_slice %arg9[%dma_start3A_119, %dma_start3A_120] : memref<10256x32xf32, #tpu.memory_space<vmem_shared>> -> memref<10256x32xf32, #tpu.memory_space<vmem_shared>>
        tpu.enqueue_indirect_dma source(%arg12 : memref<128x32xf32, #tpu.memory_space<vmem>>) target(%dma_start3A_121 : memref<10256x32xf32, #tpu.memory_space<vmem_shared>>) offsets(%dma_start3A_118 : memref<128xi32, #tpu.memory_space<vmem>>) semaphore(%run_scoped3A : memref<!tpu.dma_semaphore, #tpu.memory_space<semaphore_mem>>) {add = true}
        %dma_wait3A_122 = arith.constant 0 : i32
        %dma_wait3A_123 = tpu.memref_slice %arg11[%add3A_115, %dma_wait3A_122] : memref<40x128xi32, #tpu.memory_space<vmem>> -> memref<1x128xi32, #tpu.memory_space<vmem>>
        %dma_wait3A_124 = tpu.memref_squeeze %dma_wait3A_123 : memref<1x128xi32, #tpu.memory_space<vmem>> -> memref<128xi32, #tpu.memory_space<vmem>>
        %dma_wait3A_125 = arith.constant 0 : i32
        %dma_wait3A_126 = arith.constant 0 : i32
        %dma_wait3A_127 = tpu.memref_slice %arg9[%dma_wait3A_125, %dma_wait3A_126] : memref<10256x32xf32, #tpu.memory_space<vmem_shared>> -> memref<10256x32xf32, #tpu.memory_space<vmem_shared>>
        tpu.wait_indirect_dma semaphore(%run_scoped3A : memref<!tpu.dma_semaphore, #tpu.memory_space<semaphore_mem>>) src(%arg12 : memref<128x32xf32, #tpu.memory_space<vmem>>) dst(%dma_wait3A_127 : memref<10256x32xf32, #tpu.memory_space<vmem_shared>>)
        tpu.yield
      }) : () -> ()
    }
    %scan3A_36 = arith.constant 10 : i32
    %dma_wait3A_37 = arith.constant 1280 : i32
    %dma_wait3A_38 = tpu.memref_slice %arg10[%dma_wait3A_37] : memref<5120xi32, #tpu.memory_space<vmem>> -> memref<1280xi32, #tpu.memory_space<vmem>>
    %dma_wait3A_39 = arith.constant 0 : i32
    %dma_wait3A_40 = arith.constant 0 : i32
    %dma_wait3A_41 = tpu.memref_slice %arg2[%dma_wait3A_39, %dma_wait3A_40] : memref<10240x32xf32, #tpu.memory_space<hbm>> -> memref<10240x32xf32, #tpu.memory_space<hbm>>
    tpu.wait_indirect_dma semaphore(%arg15 : memref<!tpu.dma_semaphore, #tpu.memory_space<semaphore_mem>>) src(%dma_wait3A_41 : memref<10240x32xf32, #tpu.memory_space<hbm>>) dst(%arg14 : memref<1280x32xf32, #tpu.memory_space<vmem>>)
    %add3A_42 = arith.constant 1280 : i32
    %add3A_43 = arith.addi %mul3A_6, %add3A_42 : i32
    %dma_start3A_44 = arith.constant 0 : i32
    %dma_start3A_45 = tpu.memref_slice %arg7[%add3A_43, %dma_start3A_44] : memref<163840x32xf32, #tpu.memory_space<hbm>> -> memref<1280x32xf32, #tpu.memory_space<hbm>>
    %dma_start3A_46 = arith.constant 0 : i32
    %dma_start3A_47 = tpu.memref_slice %arg7[%add3A_43, %dma_start3A_46] : memref<163840x32xf32, #tpu.memory_space<hbm>> -> memref<1280x32xf32, #tpu.memory_space<hbm>>
    tpu.enqueue_dma source(%arg14 : memref<1280x32xf32, #tpu.memory_space<vmem>>) target(%dma_start3A_47 : memref<1280x32xf32, #tpu.memory_space<hbm>>) target_semaphore(%arg16 : memref<!tpu.dma_semaphore, #tpu.memory_space<semaphore_mem>>)
    %dma_wait3A_48 = arith.constant 0 : i32
    %dma_wait3A_49 = tpu.memref_slice %arg7[%add3A_21, %dma_wait3A_48] : memref<163840x32xf32, #tpu.memory_space<hbm>> -> memref<1280x32xf32, #tpu.memory_space<hbm>>
    %dma_wait3A_50 = arith.constant 0 : i32
    %dma_wait3A_51 = tpu.memref_slice %arg7[%add3A_21, %dma_wait3A_50] : memref<163840x32xf32, #tpu.memory_space<hbm>> -> memref<1280x32xf32, #tpu.memory_space<hbm>>
    tpu.wait_dma2 semaphore(%arg16 : memref<!tpu.dma_semaphore, #tpu.memory_space<semaphore_mem>>) src(%arg13 : memref<1280x32xf32, #tpu.memory_space<vmem>>) dst(%dma_wait3A_51 : memref<1280x32xf32, #tpu.memory_space<hbm>>)
    %dma_start3A_52 = arith.constant 2560 : i32
    %dma_start3A_53 = tpu.memref_slice %arg10[%dma_start3A_52] : memref<5120xi32, #tpu.memory_space<vmem>> -> memref<1280xi32, #tpu.memory_space<vmem>>
    %dma_start3A_54 = arith.constant 0 : i32
    %dma_start3A_55 = arith.constant 0 : i32
    %dma_start3A_56 = tpu.memref_slice %arg2[%dma_start3A_54, %dma_start3A_55] : memref<10240x32xf32, #tpu.memory_space<hbm>> -> memref<10240x32xf32, #tpu.memory_space<hbm>>
    tpu.enqueue_indirect_dma source(%dma_start3A_56 : memref<10240x32xf32, #tpu.memory_space<hbm>>) target(%arg13 : memref<1280x32xf32, #tpu.memory_space<vmem>>) offsets(%dma_start3A_53 : memref<1280xi32, #tpu.memory_space<vmem>>) semaphore(%arg15 : memref<!tpu.dma_semaphore, #tpu.memory_space<semaphore_mem>>)
    %scan3A_57 = arith.constant 0 : i32
    %scan3A_58 = arith.constant 0 : i32
    %scan3A_59 = arith.constant 10 : i32
    %scan3A_60 = arith.addi %scan3A_58, %scan3A_59 : i32
    %scan3A_61 = arith.constant 1 : i32
    scf.for %scan3A_113 = %scan3A_58 to %scan3A_60 step %scan3A_61  : i32 {
      %add3A_114 = arith.constant 20 : i32
      %add3A_115 = arith.addi %add3A_114, %scan3A_113 : i32
      "tpu.region"() ({
        %run_scoped3A = tpu.sem_alloc : memref<!tpu.dma_semaphore, #tpu.memory_space<semaphore_mem>>
        %dma_start3A_116 = arith.constant 0 : i32
        %dma_start3A_117 = tpu.memref_slice %arg11[%add3A_115, %dma_start3A_116] : memref<40x128xi32, #tpu.memory_space<vmem>> -> memref<1x128xi32, #tpu.memory_space<vmem>>
        %dma_start3A_118 = tpu.memref_squeeze %dma_start3A_117 : memref<1x128xi32, #tpu.memory_space<vmem>> -> memref<128xi32, #tpu.memory_space<vmem>>
        %dma_start3A_119 = arith.constant 0 : i32
        %dma_start3A_120 = arith.constant 0 : i32
        %dma_start3A_121 = tpu.memref_slice %arg9[%dma_start3A_119, %dma_start3A_120] : memref<10256x32xf32, #tpu.memory_space<vmem_shared>> -> memref<10256x32xf32, #tpu.memory_space<vmem_shared>>
        tpu.enqueue_indirect_dma source(%arg12 : memref<128x32xf32, #tpu.memory_space<vmem>>) target(%dma_start3A_121 : memref<10256x32xf32, #tpu.memory_space<vmem_shared>>) offsets(%dma_start3A_118 : memref<128xi32, #tpu.memory_space<vmem>>) semaphore(%run_scoped3A : memref<!tpu.dma_semaphore, #tpu.memory_space<semaphore_mem>>) {add = true}
        %dma_wait3A_122 = arith.constant 0 : i32
        %dma_wait3A_123 = tpu.memref_slice %arg11[%add3A_115, %dma_wait3A_122] : memref<40x128xi32, #tpu.memory_space<vmem>> -> memref<1x128xi32, #tpu.memory_space<vmem>>
        %dma_wait3A_124 = tpu.memref_squeeze %dma_wait3A_123 : memref<1x128xi32, #tpu.memory_space<vmem>> -> memref<128xi32, #tpu.memory_space<vmem>>
        %dma_wait3A_125 = arith.constant 0 : i32
        %dma_wait3A_126 = arith.constant 0 : i32
        %dma_wait3A_127 = tpu.memref_slice %arg9[%dma_wait3A_125, %dma_wait3A_126] : memref<10256x32xf32, #tpu.memory_space<vmem_shared>> -> memref<10256x32xf32, #tpu.memory_space<vmem_shared>>
        tpu.wait_indirect_dma semaphore(%run_scoped3A : memref<!tpu.dma_semaphore, #tpu.memory_space<semaphore_mem>>) src(%arg12 : memref<128x32xf32, #tpu.memory_space<vmem>>) dst(%dma_wait3A_127 : memref<10256x32xf32, #tpu.memory_space<vmem_shared>>)
        tpu.yield
      }) : () -> ()
    }
    %scan3A_62 = arith.constant 10 : i32
    %dma_wait3A_63 = arith.constant 2560 : i32
    %dma_wait3A_64 = tpu.memref_slice %arg10[%dma_wait3A_63] : memref<5120xi32, #tpu.memory_space<vmem>> -> memref<1280xi32, #tpu.memory_space<vmem>>
    %dma_wait3A_65 = arith.constant 0 : i32
    %dma_wait3A_66 = arith.constant 0 : i32
    %dma_wait3A_67 = tpu.memref_slice %arg2[%dma_wait3A_65, %dma_wait3A_66] : memref<10240x32xf32, #tpu.memory_space<hbm>> -> memref<10240x32xf32, #tpu.memory_space<hbm>>
    tpu.wait_indirect_dma semaphore(%arg15 : memref<!tpu.dma_semaphore, #tpu.memory_space<semaphore_mem>>) src(%dma_wait3A_67 : memref<10240x32xf32, #tpu.memory_space<hbm>>) dst(%arg13 : memref<1280x32xf32, #tpu.memory_space<vmem>>)
    %add3A_68 = arith.constant 2560 : i32
    %add3A_69 = arith.addi %mul3A_6, %add3A_68 : i32
    %dma_start3A_70 = arith.constant 0 : i32
    %dma_start3A_71 = tpu.memref_slice %arg7[%add3A_69, %dma_start3A_70] : memref<163840x32xf32, #tpu.memory_space<hbm>> -> memref<1280x32xf32, #tpu.memory_space<hbm>>
    %dma_start3A_72 = arith.constant 0 : i32
    %dma_start3A_73 = tpu.memref_slice %arg7[%add3A_69, %dma_start3A_72] : memref<163840x32xf32, #tpu.memory_space<hbm>> -> memref<1280x32xf32, #tpu.memory_space<hbm>>
    tpu.enqueue_dma source(%arg13 : memref<1280x32xf32, #tpu.memory_space<vmem>>) target(%dma_start3A_73 : memref<1280x32xf32, #tpu.memory_space<hbm>>) target_semaphore(%arg16 : memref<!tpu.dma_semaphore, #tpu.memory_space<semaphore_mem>>)
    %dma_wait3A_74 = arith.constant 0 : i32
    %dma_wait3A_75 = tpu.memref_slice %arg7[%add3A_43, %dma_wait3A_74] : memref<163840x32xf32, #tpu.memory_space<hbm>> -> memref<1280x32xf32, #tpu.memory_space<hbm>>
    %dma_wait3A_76 = arith.constant 0 : i32
    %dma_wait3A_77 = tpu.memref_slice %arg7[%add3A_43, %dma_wait3A_76] : memref<163840x32xf32, #tpu.memory_space<hbm>> -> memref<1280x32xf32, #tpu.memory_space<hbm>>
    tpu.wait_dma2 semaphore(%arg16 : memref<!tpu.dma_semaphore, #tpu.memory_space<semaphore_mem>>) src(%arg14 : memref<1280x32xf32, #tpu.memory_space<vmem>>) dst(%dma_wait3A_77 : memref<1280x32xf32, #tpu.memory_space<hbm>>)
    %dma_start3A_78 = arith.constant 3840 : i32
    %dma_start3A_79 = tpu.memref_slice %arg10[%dma_start3A_78] : memref<5120xi32, #tpu.memory_space<vmem>> -> memref<1280xi32, #tpu.memory_space<vmem>>
    %dma_start3A_80 = arith.constant 0 : i32
    %dma_start3A_81 = arith.constant 0 : i32
    %dma_start3A_82 = tpu.memref_slice %arg2[%dma_start3A_80, %dma_start3A_81] : memref<10240x32xf32, #tpu.memory_space<hbm>> -> memref<10240x32xf32, #tpu.memory_space<hbm>>
    tpu.enqueue_indirect_dma source(%dma_start3A_82 : memref<10240x32xf32, #tpu.memory_space<hbm>>) target(%arg14 : memref<1280x32xf32, #tpu.memory_space<vmem>>) offsets(%dma_start3A_79 : memref<1280xi32, #tpu.memory_space<vmem>>) semaphore(%arg15 : memref<!tpu.dma_semaphore, #tpu.memory_space<semaphore_mem>>)
    %scan3A_83 = arith.constant 0 : i32
    %scan3A_84 = arith.constant 0 : i32
    %scan3A_85 = arith.constant 10 : i32
    %scan3A_86 = arith.addi %scan3A_84, %scan3A_85 : i32
    %scan3A_87 = arith.constant 1 : i32
    scf.for %scan3A_113 = %scan3A_84 to %scan3A_86 step %scan3A_87  : i32 {
      %add3A_114 = arith.constant 30 : i32
      %add3A_115 = arith.addi %add3A_114, %scan3A_113 : i32
      "tpu.region"() ({
        %run_scoped3A = tpu.sem_alloc : memref<!tpu.dma_semaphore, #tpu.memory_space<semaphore_mem>>
        %dma_start3A_116 = arith.constant 0 : i32
        %dma_start3A_117 = tpu.memref_slice %arg11[%add3A_115, %dma_start3A_116] : memref<40x128xi32, #tpu.memory_space<vmem>> -> memref<1x128xi32, #tpu.memory_space<vmem>>
        %dma_start3A_118 = tpu.memref_squeeze %dma_start3A_117 : memref<1x128xi32, #tpu.memory_space<vmem>> -> memref<128xi32, #tpu.memory_space<vmem>>
        %dma_start3A_119 = arith.constant 0 : i32
        %dma_start3A_120 = arith.constant 0 : i32
        %dma_start3A_121 = tpu.memref_slice %arg9[%dma_start3A_119, %dma_start3A_120] : memref<10256x32xf32, #tpu.memory_space<vmem_shared>> -> memref<10256x32xf32, #tpu.memory_space<vmem_shared>>
        tpu.enqueue_indirect_dma source(%arg12 : memref<128x32xf32, #tpu.memory_space<vmem>>) target(%dma_start3A_121 : memref<10256x32xf32, #tpu.memory_space<vmem_shared>>) offsets(%dma_start3A_118 : memref<128xi32, #tpu.memory_space<vmem>>) semaphore(%run_scoped3A : memref<!tpu.dma_semaphore, #tpu.memory_space<semaphore_mem>>) {add = true}
        %dma_wait3A_122 = arith.constant 0 : i32
        %dma_wait3A_123 = tpu.memref_slice %arg11[%add3A_115, %dma_wait3A_122] : memref<40x128xi32, #tpu.memory_space<vmem>> -> memref<1x128xi32, #tpu.memory_space<vmem>>
        %dma_wait3A_124 = tpu.memref_squeeze %dma_wait3A_123 : memref<1x128xi32, #tpu.memory_space<vmem>> -> memref<128xi32, #tpu.memory_space<vmem>>
        %dma_wait3A_125 = arith.constant 0 : i32
        %dma_wait3A_126 = arith.constant 0 : i32
        %dma_wait3A_127 = tpu.memref_slice %arg9[%dma_wait3A_125, %dma_wait3A_126] : memref<10256x32xf32, #tpu.memory_space<vmem_shared>> -> memref<10256x32xf32, #tpu.memory_space<vmem_shared>>
        tpu.wait_indirect_dma semaphore(%run_scoped3A : memref<!tpu.dma_semaphore, #tpu.memory_space<semaphore_mem>>) src(%arg12 : memref<128x32xf32, #tpu.memory_space<vmem>>) dst(%dma_wait3A_127 : memref<10256x32xf32, #tpu.memory_space<vmem_shared>>)
        tpu.yield
      }) : () -> ()
    }
    %scan3A_88 = arith.constant 10 : i32
    %dma_wait3A_89 = arith.constant 3840 : i32
    %dma_wait3A_90 = tpu.memref_slice %arg10[%dma_wait3A_89] : memref<5120xi32, #tpu.memory_space<vmem>> -> memref<1280xi32, #tpu.memory_space<vmem>>
    %dma_wait3A_91 = arith.constant 0 : i32
    %dma_wait3A_92 = arith.constant 0 : i32
    %dma_wait3A_93 = tpu.memref_slice %arg2[%dma_wait3A_91, %dma_wait3A_92] : memref<10240x32xf32, #tpu.memory_space<hbm>> -> memref<10240x32xf32, #tpu.memory_space<hbm>>
    tpu.wait_indirect_dma semaphore(%arg15 : memref<!tpu.dma_semaphore, #tpu.memory_space<semaphore_mem>>) src(%dma_wait3A_93 : memref<10240x32xf32, #tpu.memory_space<hbm>>) dst(%arg14 : memref<1280x32xf32, #tpu.memory_space<vmem>>)
    %add3A_94 = arith.constant 3840 : i32
    %add3A_95 = arith.addi %mul3A_6, %add3A_94 : i32
    %dma_start3A_96 = arith.constant 0 : i32
    %dma_start3A_97 = tpu.memref_slice %arg7[%add3A_95, %dma_start3A_96] : memref<163840x32xf32, #tpu.memory_space<hbm>> -> memref<1280x32xf32, #tpu.memory_space<hbm>>
    %dma_start3A_98 = arith.constant 0 : i32
    %dma_start3A_99 = tpu.memref_slice %arg7[%add3A_95, %dma_start3A_98] : memref<163840x32xf32, #tpu.memory_space<hbm>> -> memref<1280x32xf32, #tpu.memory_space<hbm>>
    tpu.enqueue_dma source(%arg14 : memref<1280x32xf32, #tpu.memory_space<vmem>>) target(%dma_start3A_99 : memref<1280x32xf32, #tpu.memory_space<hbm>>) target_semaphore(%arg16 : memref<!tpu.dma_semaphore, #tpu.memory_space<semaphore_mem>>)
    %dma_wait3A_100 = arith.constant 0 : i32
    %dma_wait3A_101 = tpu.memref_slice %arg7[%add3A_69, %dma_wait3A_100] : memref<163840x32xf32, #tpu.memory_space<hbm>> -> memref<1280x32xf32, #tpu.memory_space<hbm>>
    %dma_wait3A_102 = arith.constant 0 : i32
    %dma_wait3A_103 = tpu.memref_slice %arg7[%add3A_69, %dma_wait3A_102] : memref<163840x32xf32, #tpu.memory_space<hbm>> -> memref<1280x32xf32, #tpu.memory_space<hbm>>
    tpu.wait_dma2 semaphore(%arg16 : memref<!tpu.dma_semaphore, #tpu.memory_space<semaphore_mem>>) src(%arg13 : memref<1280x32xf32, #tpu.memory_space<vmem>>) dst(%dma_wait3A_103 : memref<1280x32xf32, #tpu.memory_space<hbm>>)
    %dma_wait3A_104 = arith.constant 0 : i32
    %dma_wait3A_105 = tpu.memref_slice %arg7[%add3A_95, %dma_wait3A_104] : memref<163840x32xf32, #tpu.memory_space<hbm>> -> memref<1280x32xf32, #tpu.memory_space<hbm>>
    %dma_wait3A_106 = arith.constant 0 : i32
    %dma_wait3A_107 = tpu.memref_slice %arg7[%add3A_95, %dma_wait3A_106] : memref<163840x32xf32, #tpu.memory_space<hbm>> -> memref<1280x32xf32, #tpu.memory_space<hbm>>
    tpu.wait_dma2 semaphore(%arg16 : memref<!tpu.dma_semaphore, #tpu.memory_space<semaphore_mem>>) src(%arg14 : memref<1280x32xf32, #tpu.memory_space<vmem>>) dst(%dma_wait3A_107 : memref<1280x32xf32, #tpu.memory_space<hbm>>)
    %barrier3A_108 = arith.constant 0 : index
    tpu.barrier barrier_id(%barrier3A_108)
    %mul3A_109 = arith.constant 640 : i32
    %mul3A_110 = arith.muli %arg1, %mul3A_109 : i32
    %mul3A_111 = arith.constant 640 : i32
    %mul3A_112 = arith.muli %arg1, %mul3A_111 : i32
    "tpu.region"() ({
      %run_scoped3A = tpu.sem_alloc : memref<!tpu.dma_semaphore, #tpu.memory_space<semaphore_mem>>
      %dma_start3A_113 = arith.constant 0 : i32
      %dma_start3A_114 = arith.constant 0 : i32
      %dma_start3A_115 = tpu.memref_slice %arg8[%arg0, %dma_start3A_113, %dma_start3A_114] : memref<2x10240x32xf32, #tpu.memory_space<hbm>> -> memref<1x10240x32xf32, #tpu.memory_space<hbm>>
      %dma_start3A_116 = tpu.memref_squeeze %dma_start3A_115 : memref<1x10240x32xf32, #tpu.memory_space<hbm>> -> memref<10240x32xf32, #tpu.memory_space<hbm>>
      %dma_start3A_117 = arith.constant 0 : i32
      %dma_start3A_118 = tpu.memref_slice %dma_start3A_116[%mul3A_112, %dma_start3A_117] : memref<10240x32xf32, #tpu.memory_space<hbm>> -> memref<640x32xf32, #tpu.memory_space<hbm>>
      %dma_start3A_119 = arith.constant 0 : i32
      %dma_start3A_120 = tpu.memref_slice %arg9[%mul3A_110, %dma_start3A_119] : memref<10256x32xf32, #tpu.memory_space<vmem_shared>> -> memref<640x32xf32, #tpu.memory_space<vmem_shared>>
      tpu.enqueue_dma source(%dma_start3A_120 : memref<640x32xf32, #tpu.memory_space<vmem_shared>>) target(%dma_start3A_118 : memref<640x32xf32, #tpu.memory_space<hbm>>) target_semaphore(%run_scoped3A : memref<!tpu.dma_semaphore, #tpu.memory_space<semaphore_mem>>)
      %dma_wait3A_121 = arith.constant 0 : i32
      %dma_wait3A_122 = arith.constant 0 : i32
      %dma_wait3A_123 = tpu.memref_slice %arg8[%arg0, %dma_wait3A_121, %dma_wait3A_122] : memref<2x10240x32xf32, #tpu.memory_space<hbm>> -> memref<1x10240x32xf32, #tpu.memory_space<hbm>>
      %dma_wait3A_124 = tpu.memref_squeeze %dma_wait3A_123 : memref<1x10240x32xf32, #tpu.memory_space<hbm>> -> memref<10240x32xf32, #tpu.memory_space<hbm>>
      %dma_wait3A_125 = arith.constant 0 : i32
      %dma_wait3A_126 = tpu.memref_slice %dma_wait3A_124[%mul3A_112, %dma_wait3A_125] : memref<10240x32xf32, #tpu.memory_space<hbm>> -> memref<640x32xf32, #tpu.memory_space<hbm>>
      %dma_wait3A_127 = arith.constant 0 : i32
      %dma_wait3A_128 = tpu.memref_slice %arg9[%mul3A_110, %dma_wait3A_127] : memref<10256x32xf32, #tpu.memory_space<vmem_shared>> -> memref<640x32xf32, #tpu.memory_space<vmem_shared>>
      tpu.wait_dma2 semaphore(%run_scoped3A : memref<!tpu.dma_semaphore, #tpu.memory_space<semaphore_mem>>) src(%dma_wait3A_128 : memref<640x32xf32, #tpu.memory_space<vmem_shared>>) dst(%dma_wait3A_126 : memref<640x32xf32, #tpu.memory_space<hbm>>)
      tpu.yield
    }) : () -> ()
    return
  }
}

#map = affine_map<(d0, d1) -> (0, 0)>
#map1 = affine_map<(d0, d1) -> (0, 0, 0)>
module attributes {stable_mosaic.version = 14 : i64} {
  func.func @_scatter_body(%arg0: i32, %arg1: i32, %arg2: memref<163840x32xf32, #tpu.memory_space<hbm>>, %arg3: memref<32x40x128xi32, #tpu.memory_space<hbm>>, %arg4: memref<10256x32xf32, #tpu.memory_space<hbm>>, %arg5: memref<2x10240x32xf32, #tpu.memory_space<hbm>>, %arg6: memref<10256x32xf32, #tpu.memory_space<vmem_shared>>, %arg7: memref<40x128xi32, #tpu.memory_space<vmem>>, %arg8: memref<128x32xf32, #tpu.memory_space<vmem>>) attributes {dimension_semantics = [#tpu.dimension_semantics<core_parallel>, #tpu.dimension_semantics<subcore_parallel>], iteration_bounds = array<i64: 2, 16>, scalar_prefetch = 0 : i64, scratch_operands = 3 : i64, tpu.core_type = #tpu.core_type<sc_vector_subcore>, window_params = [{transform_indices = #map}, {transform_indices = #map1}, {transform_indices = #map}, {transform_indices = #map1}]} {
    %mul3A = arith.constant 2 : i32
    %mul3A_0 = arith.muli %arg1, %mul3A : i32
    %add3A = arith.addi %mul3A_0, %arg0 : i32
    %mul3A_1 = arith.constant 641 : i32
    %mul3A_2 = arith.muli %arg1, %mul3A_1 : i32
    %mul3A_3 = arith.constant 641 : i32
    %mul3A_4 = arith.muli %arg1, %mul3A_3 : i32
    "tpu.region"() ({
      %run_scoped3A = tpu.sem_alloc : memref<!tpu.dma_semaphore, #tpu.memory_space<semaphore_mem>>
      %dma_start3A = arith.constant 0 : i32
      %dma_start3A_15 = tpu.memref_slice %arg6[%mul3A_4, %dma_start3A] : memref<10256x32xf32, #tpu.memory_space<vmem_shared>> -> memref<641x32xf32, #tpu.memory_space<vmem_shared>>
      %dma_start3A_16 = arith.constant 0 : i32
      %dma_start3A_17 = tpu.memref_slice %arg4[%mul3A_2, %dma_start3A_16] : memref<10256x32xf32, #tpu.memory_space<hbm>> -> memref<641x32xf32, #tpu.memory_space<hbm>>
      tpu.enqueue_dma source(%dma_start3A_17 : memref<641x32xf32, #tpu.memory_space<hbm>>) target(%dma_start3A_15 : memref<641x32xf32, #tpu.memory_space<vmem_shared>>) target_semaphore(%run_scoped3A : memref<!tpu.dma_semaphore, #tpu.memory_space<semaphore_mem>>)
      %dma_wait3A = arith.constant 0 : i32
      %dma_wait3A_18 = tpu.memref_slice %arg6[%mul3A_4, %dma_wait3A] : memref<10256x32xf32, #tpu.memory_space<vmem_shared>> -> memref<641x32xf32, #tpu.memory_space<vmem_shared>>
      %dma_wait3A_19 = arith.constant 0 : i32
      %dma_wait3A_20 = tpu.memref_slice %arg4[%mul3A_2, %dma_wait3A_19] : memref<10256x32xf32, #tpu.memory_space<hbm>> -> memref<641x32xf32, #tpu.memory_space<hbm>>
      tpu.wait_dma2 semaphore(%run_scoped3A : memref<!tpu.dma_semaphore, #tpu.memory_space<semaphore_mem>>) src(%dma_wait3A_20 : memref<641x32xf32, #tpu.memory_space<hbm>>) dst(%dma_wait3A_18 : memref<641x32xf32, #tpu.memory_space<vmem_shared>>)
      tpu.yield
    }) : () -> ()
    "tpu.region"() ({
      %run_scoped3A = tpu.sem_alloc : memref<!tpu.dma_semaphore, #tpu.memory_space<semaphore_mem>>
      %dma_start3A = arith.constant 0 : i32
      %dma_start3A_15 = arith.constant 0 : i32
      %dma_start3A_16 = tpu.memref_slice %arg3[%add3A, %dma_start3A, %dma_start3A_15] : memref<32x40x128xi32, #tpu.memory_space<hbm>> -> memref<1x40x128xi32, #tpu.memory_space<hbm>>
      %dma_start3A_17 = tpu.memref_squeeze %dma_start3A_16 : memref<1x40x128xi32, #tpu.memory_space<hbm>> -> memref<40x128xi32, #tpu.memory_space<hbm>>
      %dma_start3A_18 = arith.constant 0 : i32
      %dma_start3A_19 = arith.constant 0 : i32
      %dma_start3A_20 = tpu.memref_slice %arg3[%add3A, %dma_start3A_18, %dma_start3A_19] : memref<32x40x128xi32, #tpu.memory_space<hbm>> -> memref<1x40x128xi32, #tpu.memory_space<hbm>>
      %dma_start3A_21 = tpu.memref_squeeze %dma_start3A_20 : memref<1x40x128xi32, #tpu.memory_space<hbm>> -> memref<40x128xi32, #tpu.memory_space<hbm>>
      tpu.enqueue_dma source(%dma_start3A_21 : memref<40x128xi32, #tpu.memory_space<hbm>>) target(%arg7 : memref<40x128xi32, #tpu.memory_space<vmem>>) target_semaphore(%run_scoped3A : memref<!tpu.dma_semaphore, #tpu.memory_space<semaphore_mem>>)
      %dma_wait3A = arith.constant 0 : i32
      %dma_wait3A_22 = arith.constant 0 : i32
      %dma_wait3A_23 = tpu.memref_slice %arg3[%add3A, %dma_wait3A, %dma_wait3A_22] : memref<32x40x128xi32, #tpu.memory_space<hbm>> -> memref<1x40x128xi32, #tpu.memory_space<hbm>>
      %dma_wait3A_24 = tpu.memref_squeeze %dma_wait3A_23 : memref<1x40x128xi32, #tpu.memory_space<hbm>> -> memref<40x128xi32, #tpu.memory_space<hbm>>
      %dma_wait3A_25 = arith.constant 0 : i32
      %dma_wait3A_26 = arith.constant 0 : i32
      %dma_wait3A_27 = tpu.memref_slice %arg3[%add3A, %dma_wait3A_25, %dma_wait3A_26] : memref<32x40x128xi32, #tpu.memory_space<hbm>> -> memref<1x40x128xi32, #tpu.memory_space<hbm>>
      %dma_wait3A_28 = tpu.memref_squeeze %dma_wait3A_27 : memref<1x40x128xi32, #tpu.memory_space<hbm>> -> memref<40x128xi32, #tpu.memory_space<hbm>>
      tpu.wait_dma2 semaphore(%run_scoped3A : memref<!tpu.dma_semaphore, #tpu.memory_space<semaphore_mem>>) src(%dma_wait3A_28 : memref<40x128xi32, #tpu.memory_space<hbm>>) dst(%arg7 : memref<40x128xi32, #tpu.memory_space<vmem>>)
      tpu.yield
    }) : () -> ()
    %barrier3A = arith.constant 0 : index
    tpu.barrier barrier_id(%barrier3A)
    %scan3A = arith.constant 0 : i32
    %scan3A_5 = arith.constant 0 : i32
    %scan3A_6 = arith.constant 40 : i32
    %scan3A_7 = arith.addi %scan3A_5, %scan3A_6 : i32
    %scan3A_8 = arith.constant 1 : i32
    scf.for %scan3A_15 = %scan3A_5 to %scan3A_7 step %scan3A_8  : i32 {
      %mul3A_16 = arith.constant 5120 : i32
      %mul3A_17 = arith.muli %add3A, %mul3A_16 : i32
      %mul3A_18 = arith.constant 128 : i32
      %mul3A_19 = arith.muli %scan3A_15, %mul3A_18 : i32
      %add3A_20 = arith.addi %mul3A_17, %mul3A_19 : i32
      "tpu.region"() ({
        %run_scoped3A = tpu.sem_alloc : memref<!tpu.dma_semaphore, #tpu.memory_space<semaphore_mem>>
        %dma_start3A = arith.constant 0 : i32
        %dma_start3A_21 = tpu.memref_slice %arg2[%add3A_20, %dma_start3A] : memref<163840x32xf32, #tpu.memory_space<hbm>> -> memref<128x32xf32, #tpu.memory_space<hbm>>
        %dma_start3A_22 = arith.constant 0 : i32
        %dma_start3A_23 = tpu.memref_slice %arg2[%add3A_20, %dma_start3A_22] : memref<163840x32xf32, #tpu.memory_space<hbm>> -> memref<128x32xf32, #tpu.memory_space<hbm>>
        tpu.enqueue_dma source(%dma_start3A_23 : memref<128x32xf32, #tpu.memory_space<hbm>>) target(%arg8 : memref<128x32xf32, #tpu.memory_space<vmem>>) target_semaphore(%run_scoped3A : memref<!tpu.dma_semaphore, #tpu.memory_space<semaphore_mem>>)
        %dma_wait3A = arith.constant 0 : i32
        %dma_wait3A_24 = tpu.memref_slice %arg2[%add3A_20, %dma_wait3A] : memref<163840x32xf32, #tpu.memory_space<hbm>> -> memref<128x32xf32, #tpu.memory_space<hbm>>
        %dma_wait3A_25 = arith.constant 0 : i32
        %dma_wait3A_26 = tpu.memref_slice %arg2[%add3A_20, %dma_wait3A_25] : memref<163840x32xf32, #tpu.memory_space<hbm>> -> memref<128x32xf32, #tpu.memory_space<hbm>>
        tpu.wait_dma2 semaphore(%run_scoped3A : memref<!tpu.dma_semaphore, #tpu.memory_space<semaphore_mem>>) src(%dma_wait3A_26 : memref<128x32xf32, #tpu.memory_space<hbm>>) dst(%arg8 : memref<128x32xf32, #tpu.memory_space<vmem>>)
        tpu.yield
      }) : () -> ()
      "tpu.region"() ({
        %run_scoped3A = tpu.sem_alloc : memref<!tpu.dma_semaphore, #tpu.memory_space<semaphore_mem>>
        %dma_start3A = arith.constant 0 : i32
        %dma_start3A_21 = tpu.memref_slice %arg7[%scan3A_15, %dma_start3A] : memref<40x128xi32, #tpu.memory_space<vmem>> -> memref<1x128xi32, #tpu.memory_space<vmem>>
        %dma_start3A_22 = tpu.memref_squeeze %dma_start3A_21 : memref<1x128xi32, #tpu.memory_space<vmem>> -> memref<128xi32, #tpu.memory_space<vmem>>
        %dma_start3A_23 = arith.constant 0 : i32
        %dma_start3A_24 = arith.constant 0 : i32
        %dma_start3A_25 = tpu.memref_slice %arg6[%dma_start3A_23, %dma_start3A_24] : memref<10256x32xf32, #tpu.memory_space<vmem_shared>> -> memref<10256x32xf32, #tpu.memory_space<vmem_shared>>
        tpu.enqueue_indirect_dma source(%arg8 : memref<128x32xf32, #tpu.memory_space<vmem>>) target(%dma_start3A_25 : memref<10256x32xf32, #tpu.memory_space<vmem_shared>>) offsets(%dma_start3A_22 : memref<128xi32, #tpu.memory_space<vmem>>) semaphore(%run_scoped3A : memref<!tpu.dma_semaphore, #tpu.memory_space<semaphore_mem>>) {add = true}
        %dma_wait3A = arith.constant 0 : i32
        %dma_wait3A_26 = tpu.memref_slice %arg7[%scan3A_15, %dma_wait3A] : memref<40x128xi32, #tpu.memory_space<vmem>> -> memref<1x128xi32, #tpu.memory_space<vmem>>
        %dma_wait3A_27 = tpu.memref_squeeze %dma_wait3A_26 : memref<1x128xi32, #tpu.memory_space<vmem>> -> memref<128xi32, #tpu.memory_space<vmem>>
        %dma_wait3A_28 = arith.constant 0 : i32
        %dma_wait3A_29 = arith.constant 0 : i32
        %dma_wait3A_30 = tpu.memref_slice %arg6[%dma_wait3A_28, %dma_wait3A_29] : memref<10256x32xf32, #tpu.memory_space<vmem_shared>> -> memref<10256x32xf32, #tpu.memory_space<vmem_shared>>
        tpu.wait_indirect_dma semaphore(%run_scoped3A : memref<!tpu.dma_semaphore, #tpu.memory_space<semaphore_mem>>) src(%arg8 : memref<128x32xf32, #tpu.memory_space<vmem>>) dst(%dma_wait3A_30 : memref<10256x32xf32, #tpu.memory_space<vmem_shared>>)
        tpu.yield
      }) : () -> ()
    }
    %scan3A_9 = arith.constant 40 : i32
    %barrier3A_10 = arith.constant 0 : index
    tpu.barrier barrier_id(%barrier3A_10)
    %mul3A_11 = arith.constant 640 : i32
    %mul3A_12 = arith.muli %arg1, %mul3A_11 : i32
    %mul3A_13 = arith.constant 640 : i32
    %mul3A_14 = arith.muli %arg1, %mul3A_13 : i32
    "tpu.region"() ({
      %run_scoped3A = tpu.sem_alloc : memref<!tpu.dma_semaphore, #tpu.memory_space<semaphore_mem>>
      %dma_start3A = arith.constant 0 : i32
      %dma_start3A_15 = arith.constant 0 : i32
      %dma_start3A_16 = tpu.memref_slice %arg5[%arg0, %dma_start3A, %dma_start3A_15] : memref<2x10240x32xf32, #tpu.memory_space<hbm>> -> memref<1x10240x32xf32, #tpu.memory_space<hbm>>
      %dma_start3A_17 = tpu.memref_squeeze %dma_start3A_16 : memref<1x10240x32xf32, #tpu.memory_space<hbm>> -> memref<10240x32xf32, #tpu.memory_space<hbm>>
      %dma_start3A_18 = arith.constant 0 : i32
      %dma_start3A_19 = tpu.memref_slice %dma_start3A_17[%mul3A_14, %dma_start3A_18] : memref<10240x32xf32, #tpu.memory_space<hbm>> -> memref<640x32xf32, #tpu.memory_space<hbm>>
      %dma_start3A_20 = arith.constant 0 : i32
      %dma_start3A_21 = tpu.memref_slice %arg6[%mul3A_12, %dma_start3A_20] : memref<10256x32xf32, #tpu.memory_space<vmem_shared>> -> memref<640x32xf32, #tpu.memory_space<vmem_shared>>
      tpu.enqueue_dma source(%dma_start3A_21 : memref<640x32xf32, #tpu.memory_space<vmem_shared>>) target(%dma_start3A_19 : memref<640x32xf32, #tpu.memory_space<hbm>>) target_semaphore(%run_scoped3A : memref<!tpu.dma_semaphore, #tpu.memory_space<semaphore_mem>>)
      %dma_wait3A = arith.constant 0 : i32
      %dma_wait3A_22 = arith.constant 0 : i32
      %dma_wait3A_23 = tpu.memref_slice %arg5[%arg0, %dma_wait3A, %dma_wait3A_22] : memref<2x10240x32xf32, #tpu.memory_space<hbm>> -> memref<1x10240x32xf32, #tpu.memory_space<hbm>>
      %dma_wait3A_24 = tpu.memref_squeeze %dma_wait3A_23 : memref<1x10240x32xf32, #tpu.memory_space<hbm>> -> memref<10240x32xf32, #tpu.memory_space<hbm>>
      %dma_wait3A_25 = arith.constant 0 : i32
      %dma_wait3A_26 = tpu.memref_slice %dma_wait3A_24[%mul3A_14, %dma_wait3A_25] : memref<10240x32xf32, #tpu.memory_space<hbm>> -> memref<640x32xf32, #tpu.memory_space<hbm>>
      %dma_wait3A_27 = arith.constant 0 : i32
      %dma_wait3A_28 = tpu.memref_slice %arg6[%mul3A_12, %dma_wait3A_27] : memref<10256x32xf32, #tpu.memory_space<vmem_shared>> -> memref<640x32xf32, #tpu.memory_space<vmem_shared>>
      tpu.wait_dma2 semaphore(%run_scoped3A : memref<!tpu.dma_semaphore, #tpu.memory_space<semaphore_mem>>) src(%dma_wait3A_28 : memref<640x32xf32, #tpu.memory_space<vmem_shared>>) dst(%dma_wait3A_26 : memref<640x32xf32, #tpu.memory_space<hbm>>)
      tpu.yield
    }) : () -> ()
    return
  }
}

#map = affine_map<(d0, d1) -> (0, 0)>
module attributes {stable_mosaic.version = 14 : i64} {
  func.func @_gather_body(%arg0: i32, %arg1: i32, %arg2: memref<10240x32xf32, #tpu.memory_space<hbm>>, %arg3: memref<32x5120xi32, #tpu.memory_space<hbm>>, %arg4: memref<163840x32xf32, #tpu.memory_space<hbm>>, %arg5: memref<5120xi32, #tpu.memory_space<vmem>>, %arg6: memref<1280x32xf32, #tpu.memory_space<vmem>>, %arg7: memref<1280x32xf32, #tpu.memory_space<vmem>>, %arg8: memref<!tpu.dma_semaphore, #tpu.memory_space<semaphore_mem>>, %arg9: memref<!tpu.dma_semaphore, #tpu.memory_space<semaphore_mem>>) attributes {dimension_semantics = [#tpu.dimension_semantics<core_parallel>, #tpu.dimension_semantics<subcore_parallel>], iteration_bounds = array<i64: 2, 16>, scalar_prefetch = 0 : i64, scratch_operands = 5 : i64, tpu.core_type = #tpu.core_type<sc_vector_subcore>, window_params = [{transform_indices = #map}, {transform_indices = #map}, {transform_indices = #map}]} {
    %mul3A = arith.constant 2 : i32
    %mul3A_0 = arith.muli %arg1, %mul3A : i32
    %add3A = arith.addi %mul3A_0, %arg0 : i32
    "tpu.region"() ({
      %run_scoped3A = tpu.sem_alloc : memref<!tpu.dma_semaphore, #tpu.memory_space<semaphore_mem>>
      %dma_start3A_81 = arith.constant 0 : i32
      %dma_start3A_82 = tpu.memref_slice %arg3[%add3A, %dma_start3A_81] : memref<32x5120xi32, #tpu.memory_space<hbm>> -> memref<1x5120xi32, #tpu.memory_space<hbm>>
      %dma_start3A_83 = tpu.memref_squeeze %dma_start3A_82 : memref<1x5120xi32, #tpu.memory_space<hbm>> -> memref<5120xi32, #tpu.memory_space<hbm>>
      %dma_start3A_84 = arith.constant 0 : i32
      %dma_start3A_85 = tpu.memref_slice %arg3[%add3A, %dma_start3A_84] : memref<32x5120xi32, #tpu.memory_space<hbm>> -> memref<1x5120xi32, #tpu.memory_space<hbm>>
      %dma_start3A_86 = tpu.memref_squeeze %dma_start3A_85 : memref<1x5120xi32, #tpu.memory_space<hbm>> -> memref<5120xi32, #tpu.memory_space<hbm>>
      tpu.enqueue_dma source(%dma_start3A_86 : memref<5120xi32, #tpu.memory_space<hbm>>) target(%arg5 : memref<5120xi32, #tpu.memory_space<vmem>>) target_semaphore(%run_scoped3A : memref<!tpu.dma_semaphore, #tpu.memory_space<semaphore_mem>>)
      %dma_wait3A_87 = arith.constant 0 : i32
      %dma_wait3A_88 = tpu.memref_slice %arg3[%add3A, %dma_wait3A_87] : memref<32x5120xi32, #tpu.memory_space<hbm>> -> memref<1x5120xi32, #tpu.memory_space<hbm>>
      %dma_wait3A_89 = tpu.memref_squeeze %dma_wait3A_88 : memref<1x5120xi32, #tpu.memory_space<hbm>> -> memref<5120xi32, #tpu.memory_space<hbm>>
      %dma_wait3A_90 = arith.constant 0 : i32
      %dma_wait3A_91 = tpu.memref_slice %arg3[%add3A, %dma_wait3A_90] : memref<32x5120xi32, #tpu.memory_space<hbm>> -> memref<1x5120xi32, #tpu.memory_space<hbm>>
      %dma_wait3A_92 = tpu.memref_squeeze %dma_wait3A_91 : memref<1x5120xi32, #tpu.memory_space<hbm>> -> memref<5120xi32, #tpu.memory_space<hbm>>
      tpu.wait_dma2 semaphore(%run_scoped3A : memref<!tpu.dma_semaphore, #tpu.memory_space<semaphore_mem>>) src(%dma_wait3A_92 : memref<5120xi32, #tpu.memory_space<hbm>>) dst(%arg5 : memref<5120xi32, #tpu.memory_space<vmem>>)
      tpu.yield
    }) : () -> ()
    %mul3A_1 = arith.constant 5120 : i32
    %mul3A_2 = arith.muli %add3A, %mul3A_1 : i32
    %dma_start3A = arith.constant 0 : i32
    %dma_start3A_3 = tpu.memref_slice %arg5[%dma_start3A] : memref<5120xi32, #tpu.memory_space<vmem>> -> memref<1280xi32, #tpu.memory_space<vmem>>
    %dma_start3A_4 = arith.constant 0 : i32
    %dma_start3A_5 = arith.constant 0 : i32
    %dma_start3A_6 = tpu.memref_slice %arg2[%dma_start3A_4, %dma_start3A_5] : memref<10240x32xf32, #tpu.memory_space<hbm>> -> memref<10240x32xf32, #tpu.memory_space<hbm>>
    tpu.enqueue_indirect_dma source(%dma_start3A_6 : memref<10240x32xf32, #tpu.memory_space<hbm>>) target(%arg6 : memref<1280x32xf32, #tpu.memory_space<vmem>>) offsets(%dma_start3A_3 : memref<1280xi32, #tpu.memory_space<vmem>>) semaphore(%arg8 : memref<!tpu.dma_semaphore, #tpu.memory_space<semaphore_mem>>)
    %dma_wait3A = arith.constant 0 : i32
    %dma_wait3A_7 = tpu.memref_slice %arg5[%dma_wait3A] : memref<5120xi32, #tpu.memory_space<vmem>> -> memref<1280xi32, #tpu.memory_space<vmem>>
    %dma_wait3A_8 = arith.constant 0 : i32
    %dma_wait3A_9 = arith.constant 0 : i32
    %dma_wait3A_10 = tpu.memref_slice %arg2[%dma_wait3A_8, %dma_wait3A_9] : memref<10240x32xf32, #tpu.memory_space<hbm>> -> memref<10240x32xf32, #tpu.memory_space<hbm>>
    tpu.wait_indirect_dma semaphore(%arg8 : memref<!tpu.dma_semaphore, #tpu.memory_space<semaphore_mem>>) src(%dma_wait3A_10 : memref<10240x32xf32, #tpu.memory_space<hbm>>) dst(%arg6 : memref<1280x32xf32, #tpu.memory_space<vmem>>)
    %add3A_11 = arith.constant 0 : i32
    %add3A_12 = arith.addi %mul3A_2, %add3A_11 : i32
    %dma_start3A_13 = arith.constant 0 : i32
    %dma_start3A_14 = tpu.memref_slice %arg4[%add3A_12, %dma_start3A_13] : memref<163840x32xf32, #tpu.memory_space<hbm>> -> memref<1280x32xf32, #tpu.memory_space<hbm>>
    %dma_start3A_15 = arith.constant 0 : i32
    %dma_start3A_16 = tpu.memref_slice %arg4[%add3A_12, %dma_start3A_15] : memref<163840x32xf32, #tpu.memory_space<hbm>> -> memref<1280x32xf32, #tpu.memory_space<hbm>>
    tpu.enqueue_dma source(%arg6 : memref<1280x32xf32, #tpu.memory_space<vmem>>) target(%dma_start3A_16 : memref<1280x32xf32, #tpu.memory_space<hbm>>) target_semaphore(%arg9 : memref<!tpu.dma_semaphore, #tpu.memory_space<semaphore_mem>>)
    %dma_start3A_17 = arith.constant 1280 : i32
    %dma_start3A_18 = tpu.memref_slice %arg5[%dma_start3A_17] : memref<5120xi32, #tpu.memory_space<vmem>> -> memref<1280xi32, #tpu.memory_space<vmem>>
    %dma_start3A_19 = arith.constant 0 : i32
    %dma_start3A_20 = arith.constant 0 : i32
    %dma_start3A_21 = tpu.memref_slice %arg2[%dma_start3A_19, %dma_start3A_20] : memref<10240x32xf32, #tpu.memory_space<hbm>> -> memref<10240x32xf32, #tpu.memory_space<hbm>>
    tpu.enqueue_indirect_dma source(%dma_start3A_21 : memref<10240x32xf32, #tpu.memory_space<hbm>>) target(%arg7 : memref<1280x32xf32, #tpu.memory_space<vmem>>) offsets(%dma_start3A_18 : memref<1280xi32, #tpu.memory_space<vmem>>) semaphore(%arg8 : memref<!tpu.dma_semaphore, #tpu.memory_space<semaphore_mem>>)
    %dma_wait3A_22 = arith.constant 1280 : i32
    %dma_wait3A_23 = tpu.memref_slice %arg5[%dma_wait3A_22] : memref<5120xi32, #tpu.memory_space<vmem>> -> memref<1280xi32, #tpu.memory_space<vmem>>
    %dma_wait3A_24 = arith.constant 0 : i32
    %dma_wait3A_25 = arith.constant 0 : i32
    %dma_wait3A_26 = tpu.memref_slice %arg2[%dma_wait3A_24, %dma_wait3A_25] : memref<10240x32xf32, #tpu.memory_space<hbm>> -> memref<10240x32xf32, #tpu.memory_space<hbm>>
    tpu.wait_indirect_dma semaphore(%arg8 : memref<!tpu.dma_semaphore, #tpu.memory_space<semaphore_mem>>) src(%dma_wait3A_26 : memref<10240x32xf32, #tpu.memory_space<hbm>>) dst(%arg7 : memref<1280x32xf32, #tpu.memory_space<vmem>>)
    %add3A_27 = arith.constant 1280 : i32
    %add3A_28 = arith.addi %mul3A_2, %add3A_27 : i32
    %dma_start3A_29 = arith.constant 0 : i32
    %dma_start3A_30 = tpu.memref_slice %arg4[%add3A_28, %dma_start3A_29] : memref<163840x32xf32, #tpu.memory_space<hbm>> -> memref<1280x32xf32, #tpu.memory_space<hbm>>
    %dma_start3A_31 = arith.constant 0 : i32
    %dma_start3A_32 = tpu.memref_slice %arg4[%add3A_28, %dma_start3A_31] : memref<163840x32xf32, #tpu.memory_space<hbm>> -> memref<1280x32xf32, #tpu.memory_space<hbm>>
    tpu.enqueue_dma source(%arg7 : memref<1280x32xf32, #tpu.memory_space<vmem>>) target(%dma_start3A_32 : memref<1280x32xf32, #tpu.memory_space<hbm>>) target_semaphore(%arg9 : memref<!tpu.dma_semaphore, #tpu.memory_space<semaphore_mem>>)
    %dma_wait3A_33 = arith.constant 0 : i32
    %dma_wait3A_34 = tpu.memref_slice %arg4[%add3A_12, %dma_wait3A_33] : memref<163840x32xf32, #tpu.memory_space<hbm>> -> memref<1280x32xf32, #tpu.memory_space<hbm>>
    %dma_wait3A_35 = arith.constant 0 : i32
    %dma_wait3A_36 = tpu.memref_slice %arg4[%add3A_12, %dma_wait3A_35] : memref<163840x32xf32, #tpu.memory_space<hbm>> -> memref<1280x32xf32, #tpu.memory_space<hbm>>
    tpu.wait_dma2 semaphore(%arg9 : memref<!tpu.dma_semaphore, #tpu.memory_space<semaphore_mem>>) src(%arg6 : memref<1280x32xf32, #tpu.memory_space<vmem>>) dst(%dma_wait3A_36 : memref<1280x32xf32, #tpu.memory_space<hbm>>)
    %dma_start3A_37 = arith.constant 2560 : i32
    %dma_start3A_38 = tpu.memref_slice %arg5[%dma_start3A_37] : memref<5120xi32, #tpu.memory_space<vmem>> -> memref<1280xi32, #tpu.memory_space<vmem>>
    %dma_start3A_39 = arith.constant 0 : i32
    %dma_start3A_40 = arith.constant 0 : i32
    %dma_start3A_41 = tpu.memref_slice %arg2[%dma_start3A_39, %dma_start3A_40] : memref<10240x32xf32, #tpu.memory_space<hbm>> -> memref<10240x32xf32, #tpu.memory_space<hbm>>
    tpu.enqueue_indirect_dma source(%dma_start3A_41 : memref<10240x32xf32, #tpu.memory_space<hbm>>) target(%arg6 : memref<1280x32xf32, #tpu.memory_space<vmem>>) offsets(%dma_start3A_38 : memref<1280xi32, #tpu.memory_space<vmem>>) semaphore(%arg8 : memref<!tpu.dma_semaphore, #tpu.memory_space<semaphore_mem>>)
    %dma_wait3A_42 = arith.constant 2560 : i32
    %dma_wait3A_43 = tpu.memref_slice %arg5[%dma_wait3A_42] : memref<5120xi32, #tpu.memory_space<vmem>> -> memref<1280xi32, #tpu.memory_space<vmem>>
    %dma_wait3A_44 = arith.constant 0 : i32
    %dma_wait3A_45 = arith.constant 0 : i32
    %dma_wait3A_46 = tpu.memref_slice %arg2[%dma_wait3A_44, %dma_wait3A_45] : memref<10240x32xf32, #tpu.memory_space<hbm>> -> memref<10240x32xf32, #tpu.memory_space<hbm>>
    tpu.wait_indirect_dma semaphore(%arg8 : memref<!tpu.dma_semaphore, #tpu.memory_space<semaphore_mem>>) src(%dma_wait3A_46 : memref<10240x32xf32, #tpu.memory_space<hbm>>) dst(%arg6 : memref<1280x32xf32, #tpu.memory_space<vmem>>)
    %add3A_47 = arith.constant 2560 : i32
    %add3A_48 = arith.addi %mul3A_2, %add3A_47 : i32
    %dma_start3A_49 = arith.constant 0 : i32
    %dma_start3A_50 = tpu.memref_slice %arg4[%add3A_48, %dma_start3A_49] : memref<163840x32xf32, #tpu.memory_space<hbm>> -> memref<1280x32xf32, #tpu.memory_space<hbm>>
    %dma_start3A_51 = arith.constant 0 : i32
    %dma_start3A_52 = tpu.memref_slice %arg4[%add3A_48, %dma_start3A_51] : memref<163840x32xf32, #tpu.memory_space<hbm>> -> memref<1280x32xf32, #tpu.memory_space<hbm>>
    tpu.enqueue_dma source(%arg6 : memref<1280x32xf32, #tpu.memory_space<vmem>>) target(%dma_start3A_52 : memref<1280x32xf32, #tpu.memory_space<hbm>>) target_semaphore(%arg9 : memref<!tpu.dma_semaphore, #tpu.memory_space<semaphore_mem>>)
    %dma_wait3A_53 = arith.constant 0 : i32
    %dma_wait3A_54 = tpu.memref_slice %arg4[%add3A_28, %dma_wait3A_53] : memref<163840x32xf32, #tpu.memory_space<hbm>> -> memref<1280x32xf32, #tpu.memory_space<hbm>>
    %dma_wait3A_55 = arith.constant 0 : i32
    %dma_wait3A_56 = tpu.memref_slice %arg4[%add3A_28, %dma_wait3A_55] : memref<163840x32xf32, #tpu.memory_space<hbm>> -> memref<1280x32xf32, #tpu.memory_space<hbm>>
    tpu.wait_dma2 semaphore(%arg9 : memref<!tpu.dma_semaphore, #tpu.memory_space<semaphore_mem>>) src(%arg7 : memref<1280x32xf32, #tpu.memory_space<vmem>>) dst(%dma_wait3A_56 : memref<1280x32xf32, #tpu.memory_space<hbm>>)
    %dma_start3A_57 = arith.constant 3840 : i32
    %dma_start3A_58 = tpu.memref_slice %arg5[%dma_start3A_57] : memref<5120xi32, #tpu.memory_space<vmem>> -> memref<1280xi32, #tpu.memory_space<vmem>>
    %dma_start3A_59 = arith.constant 0 : i32
    %dma_start3A_60 = arith.constant 0 : i32
    %dma_start3A_61 = tpu.memref_slice %arg2[%dma_start3A_59, %dma_start3A_60] : memref<10240x32xf32, #tpu.memory_space<hbm>> -> memref<10240x32xf32, #tpu.memory_space<hbm>>
    tpu.enqueue_indirect_dma source(%dma_start3A_61 : memref<10240x32xf32, #tpu.memory_space<hbm>>) target(%arg7 : memref<1280x32xf32, #tpu.memory_space<vmem>>) offsets(%dma_start3A_58 : memref<1280xi32, #tpu.memory_space<vmem>>) semaphore(%arg8 : memref<!tpu.dma_semaphore, #tpu.memory_space<semaphore_mem>>)
    %dma_wait3A_62 = arith.constant 3840 : i32
    %dma_wait3A_63 = tpu.memref_slice %arg5[%dma_wait3A_62] : memref<5120xi32, #tpu.memory_space<vmem>> -> memref<1280xi32, #tpu.memory_space<vmem>>
    %dma_wait3A_64 = arith.constant 0 : i32
    %dma_wait3A_65 = arith.constant 0 : i32
    %dma_wait3A_66 = tpu.memref_slice %arg2[%dma_wait3A_64, %dma_wait3A_65] : memref<10240x32xf32, #tpu.memory_space<hbm>> -> memref<10240x32xf32, #tpu.memory_space<hbm>>
    tpu.wait_indirect_dma semaphore(%arg8 : memref<!tpu.dma_semaphore, #tpu.memory_space<semaphore_mem>>) src(%dma_wait3A_66 : memref<10240x32xf32, #tpu.memory_space<hbm>>) dst(%arg7 : memref<1280x32xf32, #tpu.memory_space<vmem>>)
    %add3A_67 = arith.constant 3840 : i32
    %add3A_68 = arith.addi %mul3A_2, %add3A_67 : i32
    %dma_start3A_69 = arith.constant 0 : i32
    %dma_start3A_70 = tpu.memref_slice %arg4[%add3A_68, %dma_start3A_69] : memref<163840x32xf32, #tpu.memory_space<hbm>> -> memref<1280x32xf32, #tpu.memory_space<hbm>>
    %dma_start3A_71 = arith.constant 0 : i32
    %dma_start3A_72 = tpu.memref_slice %arg4[%add3A_68, %dma_start3A_71] : memref<163840x32xf32, #tpu.memory_space<hbm>> -> memref<1280x32xf32, #tpu.memory_space<hbm>>
    tpu.enqueue_dma source(%arg7 : memref<1280x32xf32, #tpu.memory_space<vmem>>) target(%dma_start3A_72 : memref<1280x32xf32, #tpu.memory_space<hbm>>) target_semaphore(%arg9 : memref<!tpu.dma_semaphore, #tpu.memory_space<semaphore_mem>>)
    %dma_wait3A_73 = arith.constant 0 : i32
    %dma_wait3A_74 = tpu.memref_slice %arg4[%add3A_48, %dma_wait3A_73] : memref<163840x32xf32, #tpu.memory_space<hbm>> -> memref<1280x32xf32, #tpu.memory_space<hbm>>
    %dma_wait3A_75 = arith.constant 0 : i32
    %dma_wait3A_76 = tpu.memref_slice %arg4[%add3A_48, %dma_wait3A_75] : memref<163840x32xf32, #tpu.memory_space<hbm>> -> memref<1280x32xf32, #tpu.memory_space<hbm>>
    tpu.wait_dma2 semaphore(%arg9 : memref<!tpu.dma_semaphore, #tpu.memory_space<semaphore_mem>>) src(%arg6 : memref<1280x32xf32, #tpu.memory_space<vmem>>) dst(%dma_wait3A_76 : memref<1280x32xf32, #tpu.memory_space<hbm>>)
    %dma_wait3A_77 = arith.constant 0 : i32
    %dma_wait3A_78 = tpu.memref_slice %arg4[%add3A_68, %dma_wait3A_77] : memref<163840x32xf32, #tpu.memory_space<hbm>> -> memref<1280x32xf32, #tpu.memory_space<hbm>>
    %dma_wait3A_79 = arith.constant 0 : i32
    %dma_wait3A_80 = tpu.memref_slice %arg4[%add3A_68, %dma_wait3A_79] : memref<163840x32xf32, #tpu.memory_space<hbm>> -> memref<1280x32xf32, #tpu.memory_space<hbm>>
    tpu.wait_dma2 semaphore(%arg9 : memref<!tpu.dma_semaphore, #tpu.memory_space<semaphore_mem>>) src(%arg7 : memref<1280x32xf32, #tpu.memory_space<vmem>>) dst(%dma_wait3A_80 : memref<1280x32xf32, #tpu.memory_space<hbm>>)
    return
  }
}

#map = affine_map<(d0, d1) -> (0, 0)>
#map1 = affine_map<(d0, d1) -> (0, 0, 0)>
module attributes {stable_mosaic.version = 14 : i64} {
  func.func @_scatter_body(%arg0: i32, %arg1: i32, %arg2: memref<163840x32xf32, #tpu.memory_space<hbm>>, %arg3: memref<32x40x128xi32, #tpu.memory_space<hbm>>, %arg4: memref<10256x32xf32, #tpu.memory_space<hbm>>, %arg5: memref<2x10240x32xf32, #tpu.memory_space<hbm>>, %arg6: memref<10256x32xf32, #tpu.memory_space<vmem_shared>>, %arg7: memref<40x128xi32, #tpu.memory_space<vmem>>, %arg8: memref<128x32xf32, #tpu.memory_space<vmem>>) attributes {dimension_semantics = [#tpu.dimension_semantics<core_parallel>, #tpu.dimension_semantics<subcore_parallel>], iteration_bounds = array<i64: 2, 16>, scalar_prefetch = 0 : i64, scratch_operands = 3 : i64, tpu.core_type = #tpu.core_type<sc_vector_subcore>, window_params = [{transform_indices = #map}, {transform_indices = #map1}, {transform_indices = #map}, {transform_indices = #map1}]} {
    %mul3A = arith.constant 2 : i32
    %mul3A_0 = arith.muli %arg1, %mul3A : i32
    %add3A = arith.addi %mul3A_0, %arg0 : i32
    %mul3A_1 = arith.constant 641 : i32
    %mul3A_2 = arith.muli %arg1, %mul3A_1 : i32
    %mul3A_3 = arith.constant 641 : i32
    %mul3A_4 = arith.muli %arg1, %mul3A_3 : i32
    "tpu.region"() ({
      %run_scoped3A = tpu.sem_alloc : memref<!tpu.dma_semaphore, #tpu.memory_space<semaphore_mem>>
      %dma_start3A = arith.constant 0 : i32
      %dma_start3A_15 = tpu.memref_slice %arg6[%mul3A_4, %dma_start3A] : memref<10256x32xf32, #tpu.memory_space<vmem_shared>> -> memref<641x32xf32, #tpu.memory_space<vmem_shared>>
      %dma_start3A_16 = arith.constant 0 : i32
      %dma_start3A_17 = tpu.memref_slice %arg4[%mul3A_2, %dma_start3A_16] : memref<10256x32xf32, #tpu.memory_space<hbm>> -> memref<641x32xf32, #tpu.memory_space<hbm>>
      tpu.enqueue_dma source(%dma_start3A_17 : memref<641x32xf32, #tpu.memory_space<hbm>>) target(%dma_start3A_15 : memref<641x32xf32, #tpu.memory_space<vmem_shared>>) target_semaphore(%run_scoped3A : memref<!tpu.dma_semaphore, #tpu.memory_space<semaphore_mem>>)
      %dma_wait3A = arith.constant 0 : i32
      %dma_wait3A_18 = tpu.memref_slice %arg6[%mul3A_4, %dma_wait3A] : memref<10256x32xf32, #tpu.memory_space<vmem_shared>> -> memref<641x32xf32, #tpu.memory_space<vmem_shared>>
      %dma_wait3A_19 = arith.constant 0 : i32
      %dma_wait3A_20 = tpu.memref_slice %arg4[%mul3A_2, %dma_wait3A_19] : memref<10256x32xf32, #tpu.memory_space<hbm>> -> memref<641x32xf32, #tpu.memory_space<hbm>>
      tpu.wait_dma2 semaphore(%run_scoped3A : memref<!tpu.dma_semaphore, #tpu.memory_space<semaphore_mem>>) src(%dma_wait3A_20 : memref<641x32xf32, #tpu.memory_space<hbm>>) dst(%dma_wait3A_18 : memref<641x32xf32, #tpu.memory_space<vmem_shared>>)
      tpu.yield
    }) : () -> ()
    "tpu.region"() ({
      %run_scoped3A = tpu.sem_alloc : memref<!tpu.dma_semaphore, #tpu.memory_space<semaphore_mem>>
      %dma_start3A = arith.constant 0 : i32
      %dma_start3A_15 = arith.constant 0 : i32
      %dma_start3A_16 = tpu.memref_slice %arg3[%add3A, %dma_start3A, %dma_start3A_15] : memref<32x40x128xi32, #tpu.memory_space<hbm>> -> memref<1x40x128xi32, #tpu.memory_space<hbm>>
      %dma_start3A_17 = tpu.memref_squeeze %dma_start3A_16 : memref<1x40x128xi32, #tpu.memory_space<hbm>> -> memref<40x128xi32, #tpu.memory_space<hbm>>
      %dma_start3A_18 = arith.constant 0 : i32
      %dma_start3A_19 = arith.constant 0 : i32
      %dma_start3A_20 = tpu.memref_slice %arg3[%add3A, %dma_start3A_18, %dma_start3A_19] : memref<32x40x128xi32, #tpu.memory_space<hbm>> -> memref<1x40x128xi32, #tpu.memory_space<hbm>>
      %dma_start3A_21 = tpu.memref_squeeze %dma_start3A_20 : memref<1x40x128xi32, #tpu.memory_space<hbm>> -> memref<40x128xi32, #tpu.memory_space<hbm>>
      tpu.enqueue_dma source(%dma_start3A_21 : memref<40x128xi32, #tpu.memory_space<hbm>>) target(%arg7 : memref<40x128xi32, #tpu.memory_space<vmem>>) target_semaphore(%run_scoped3A : memref<!tpu.dma_semaphore, #tpu.memory_space<semaphore_mem>>)
      %dma_wait3A = arith.constant 0 : i32
      %dma_wait3A_22 = arith.constant 0 : i32
      %dma_wait3A_23 = tpu.memref_slice %arg3[%add3A, %dma_wait3A, %dma_wait3A_22] : memref<32x40x128xi32, #tpu.memory_space<hbm>> -> memref<1x40x128xi32, #tpu.memory_space<hbm>>
      %dma_wait3A_24 = tpu.memref_squeeze %dma_wait3A_23 : memref<1x40x128xi32, #tpu.memory_space<hbm>> -> memref<40x128xi32, #tpu.memory_space<hbm>>
      %dma_wait3A_25 = arith.constant 0 : i32
      %dma_wait3A_26 = arith.constant 0 : i32
      %dma_wait3A_27 = tpu.memref_slice %arg3[%add3A, %dma_wait3A_25, %dma_wait3A_26] : memref<32x40x128xi32, #tpu.memory_space<hbm>> -> memref<1x40x128xi32, #tpu.memory_space<hbm>>
      %dma_wait3A_28 = tpu.memref_squeeze %dma_wait3A_27 : memref<1x40x128xi32, #tpu.memory_space<hbm>> -> memref<40x128xi32, #tpu.memory_space<hbm>>
      tpu.wait_dma2 semaphore(%run_scoped3A : memref<!tpu.dma_semaphore, #tpu.memory_space<semaphore_mem>>) src(%dma_wait3A_28 : memref<40x128xi32, #tpu.memory_space<hbm>>) dst(%arg7 : memref<40x128xi32, #tpu.memory_space<vmem>>)
      tpu.yield
    }) : () -> ()
    %barrier3A = arith.constant 0 : index
    tpu.barrier barrier_id(%barrier3A)
    %scan3A = arith.constant 0 : i32
    %scan3A_5 = arith.constant 0 : i32
    %scan3A_6 = arith.constant 40 : i32
    %scan3A_7 = arith.addi %scan3A_5, %scan3A_6 : i32
    %scan3A_8 = arith.constant 1 : i32
    scf.for %scan3A_15 = %scan3A_5 to %scan3A_7 step %scan3A_8  : i32 {
      %mul3A_16 = arith.constant 5120 : i32
      %mul3A_17 = arith.muli %add3A, %mul3A_16 : i32
      %mul3A_18 = arith.constant 128 : i32
      %mul3A_19 = arith.muli %scan3A_15, %mul3A_18 : i32
      %add3A_20 = arith.addi %mul3A_17, %mul3A_19 : i32
      "tpu.region"() ({
        %run_scoped3A = tpu.sem_alloc : memref<!tpu.dma_semaphore, #tpu.memory_space<semaphore_mem>>
        %dma_start3A = arith.constant 0 : i32
        %dma_start3A_21 = tpu.memref_slice %arg2[%add3A_20, %dma_start3A] : memref<163840x32xf32, #tpu.memory_space<hbm>> -> memref<128x32xf32, #tpu.memory_space<hbm>>
        %dma_start3A_22 = arith.constant 0 : i32
        %dma_start3A_23 = tpu.memref_slice %arg2[%add3A_20, %dma_start3A_22] : memref<163840x32xf32, #tpu.memory_space<hbm>> -> memref<128x32xf32, #tpu.memory_space<hbm>>
        tpu.enqueue_dma source(%dma_start3A_23 : memref<128x32xf32, #tpu.memory_space<hbm>>) target(%arg8 : memref<128x32xf32, #tpu.memory_space<vmem>>) target_semaphore(%run_scoped3A : memref<!tpu.dma_semaphore, #tpu.memory_space<semaphore_mem>>)
        %dma_wait3A = arith.constant 0 : i32
        %dma_wait3A_24 = tpu.memref_slice %arg2[%add3A_20, %dma_wait3A] : memref<163840x32xf32, #tpu.memory_space<hbm>> -> memref<128x32xf32, #tpu.memory_space<hbm>>
        %dma_wait3A_25 = arith.constant 0 : i32
        %dma_wait3A_26 = tpu.memref_slice %arg2[%add3A_20, %dma_wait3A_25] : memref<163840x32xf32, #tpu.memory_space<hbm>> -> memref<128x32xf32, #tpu.memory_space<hbm>>
        tpu.wait_dma2 semaphore(%run_scoped3A : memref<!tpu.dma_semaphore, #tpu.memory_space<semaphore_mem>>) src(%dma_wait3A_26 : memref<128x32xf32, #tpu.memory_space<hbm>>) dst(%arg8 : memref<128x32xf32, #tpu.memory_space<vmem>>)
        tpu.yield
      }) : () -> ()
      "tpu.region"() ({
        %run_scoped3A = tpu.sem_alloc : memref<!tpu.dma_semaphore, #tpu.memory_space<semaphore_mem>>
        %dma_start3A = arith.constant 0 : i32
        %dma_start3A_21 = tpu.memref_slice %arg7[%scan3A_15, %dma_start3A] : memref<40x128xi32, #tpu.memory_space<vmem>> -> memref<1x128xi32, #tpu.memory_space<vmem>>
        %dma_start3A_22 = tpu.memref_squeeze %dma_start3A_21 : memref<1x128xi32, #tpu.memory_space<vmem>> -> memref<128xi32, #tpu.memory_space<vmem>>
        %dma_start3A_23 = arith.constant 0 : i32
        %dma_start3A_24 = arith.constant 0 : i32
        %dma_start3A_25 = tpu.memref_slice %arg6[%dma_start3A_23, %dma_start3A_24] : memref<10256x32xf32, #tpu.memory_space<vmem_shared>> -> memref<10256x32xf32, #tpu.memory_space<vmem_shared>>
        tpu.enqueue_indirect_dma source(%arg8 : memref<128x32xf32, #tpu.memory_space<vmem>>) target(%dma_start3A_25 : memref<10256x32xf32, #tpu.memory_space<vmem_shared>>) offsets(%dma_start3A_22 : memref<128xi32, #tpu.memory_space<vmem>>) semaphore(%run_scoped3A : memref<!tpu.dma_semaphore, #tpu.memory_space<semaphore_mem>>) {add = true}
        %dma_wait3A = arith.constant 0 : i32
        %dma_wait3A_26 = tpu.memref_slice %arg7[%scan3A_15, %dma_wait3A] : memref<40x128xi32, #tpu.memory_space<vmem>> -> memref<1x128xi32, #tpu.memory_space<vmem>>
        %dma_wait3A_27 = tpu.memref_squeeze %dma_wait3A_26 : memref<1x128xi32, #tpu.memory_space<vmem>> -> memref<128xi32, #tpu.memory_space<vmem>>
        %dma_wait3A_28 = arith.constant 0 : i32
        %dma_wait3A_29 = arith.constant 0 : i32
        %dma_wait3A_30 = tpu.memref_slice %arg6[%dma_wait3A_28, %dma_wait3A_29] : memref<10256x32xf32, #tpu.memory_space<vmem_shared>> -> memref<10256x32xf32, #tpu.memory_space<vmem_shared>>
        tpu.wait_indirect_dma semaphore(%run_scoped3A : memref<!tpu.dma_semaphore, #tpu.memory_space<semaphore_mem>>) src(%arg8 : memref<128x32xf32, #tpu.memory_space<vmem>>) dst(%dma_wait3A_30 : memref<10256x32xf32, #tpu.memory_space<vmem_shared>>)
        tpu.yield
      }) : () -> ()
    }
    %scan3A_9 = arith.constant 40 : i32
    %barrier3A_10 = arith.constant 0 : index
    tpu.barrier barrier_id(%barrier3A_10)
    %mul3A_11 = arith.constant 640 : i32
    %mul3A_12 = arith.muli %arg1, %mul3A_11 : i32
    %mul3A_13 = arith.constant 640 : i32
    %mul3A_14 = arith.muli %arg1, %mul3A_13 : i32
    "tpu.region"() ({
      %run_scoped3A = tpu.sem_alloc : memref<!tpu.dma_semaphore, #tpu.memory_space<semaphore_mem>>
      %dma_start3A = arith.constant 0 : i32
      %dma_start3A_15 = arith.constant 0 : i32
      %dma_start3A_16 = tpu.memref_slice %arg5[%arg0, %dma_start3A, %dma_start3A_15] : memref<2x10240x32xf32, #tpu.memory_space<hbm>> -> memref<1x10240x32xf32, #tpu.memory_space<hbm>>
      %dma_start3A_17 = tpu.memref_squeeze %dma_start3A_16 : memref<1x10240x32xf32, #tpu.memory_space<hbm>> -> memref<10240x32xf32, #tpu.memory_space<hbm>>
      %dma_start3A_18 = arith.constant 0 : i32
      %dma_start3A_19 = tpu.memref_slice %dma_start3A_17[%mul3A_14, %dma_start3A_18] : memref<10240x32xf32, #tpu.memory_space<hbm>> -> memref<640x32xf32, #tpu.memory_space<hbm>>
      %dma_start3A_20 = arith.constant 0 : i32
      %dma_start3A_21 = tpu.memref_slice %arg6[%mul3A_12, %dma_start3A_20] : memref<10256x32xf32, #tpu.memory_space<vmem_shared>> -> memref<640x32xf32, #tpu.memory_space<vmem_shared>>
      tpu.enqueue_dma source(%dma_start3A_21 : memref<640x32xf32, #tpu.memory_space<vmem_shared>>) target(%dma_start3A_19 : memref<640x32xf32, #tpu.memory_space<hbm>>) target_semaphore(%run_scoped3A : memref<!tpu.dma_semaphore, #tpu.memory_space<semaphore_mem>>)
      %dma_wait3A = arith.constant 0 : i32
      %dma_wait3A_22 = arith.constant 0 : i32
      %dma_wait3A_23 = tpu.memref_slice %arg5[%arg0, %dma_wait3A, %dma_wait3A_22] : memref<2x10240x32xf32, #tpu.memory_space<hbm>> -> memref<1x10240x32xf32, #tpu.memory_space<hbm>>
      %dma_wait3A_24 = tpu.memref_squeeze %dma_wait3A_23 : memref<1x10240x32xf32, #tpu.memory_space<hbm>> -> memref<10240x32xf32, #tpu.memory_space<hbm>>
      %dma_wait3A_25 = arith.constant 0 : i32
      %dma_wait3A_26 = tpu.memref_slice %dma_wait3A_24[%mul3A_14, %dma_wait3A_25] : memref<10240x32xf32, #tpu.memory_space<hbm>> -> memref<640x32xf32, #tpu.memory_space<hbm>>
      %dma_wait3A_27 = arith.constant 0 : i32
      %dma_wait3A_28 = tpu.memref_slice %arg6[%mul3A_12, %dma_wait3A_27] : memref<10256x32xf32, #tpu.memory_space<vmem_shared>> -> memref<640x32xf32, #tpu.memory_space<vmem_shared>>
      tpu.wait_dma2 semaphore(%run_scoped3A : memref<!tpu.dma_semaphore, #tpu.memory_space<semaphore_mem>>) src(%dma_wait3A_28 : memref<640x32xf32, #tpu.memory_space<vmem_shared>>) dst(%dma_wait3A_26 : memref<640x32xf32, #tpu.memory_space<hbm>>)
      tpu.yield
    }) : () -> ()
    return
  }
}

module attributes {stable_mosaic.version = 14 : i64} {
  func.func @_proj_body(%arg0: memref<2560x512xf32, #tpu.memory_space<vmem>>, %arg1: memref<512x128xf32, #tpu.memory_space<vmem>>, %arg2: memref<1x128xf32, #tpu.memory_space<vmem>>, %arg3: memref<2560x128xf32, #tpu.memory_space<vmem>>) attributes {dimension_semantics = [], scalar_prefetch = 0 : i64, scratch_operands = 0 : i64, tpu.core_type = #tpu.core_type<tc>} {
    %get3A = arith.constant 0 : index
    %get3A_0 = arith.constant 0 : index
    %get3A_1 = vector.load %arg0[%get3A, %get3A_0] : memref<2560x512xf32, #tpu.memory_space<vmem>>, vector<2560x512xf32>
    %get3A_2 = arith.constant 0 : index
    %get3A_3 = arith.constant 0 : index
    %get3A_4 = vector.load %arg1[%get3A_2, %get3A_3] : memref<512x128xf32, #tpu.memory_space<vmem>>, vector<512x128xf32>
    %dot_general3A = arith.constant dense<0.000000e+00> : vector<2560x128xf32>
    %dot_general3A_5 = tpu.matmul %get3A_1, %get3A_4, %dot_general3A {dimension_numbers = #tpu.dot_dimension_numbers<[1], [0], [0], [1], [0, 0, 1, 1], [], []>, transpose_lhs_hint = false} : vector<2560x512xf32>, vector<512x128xf32>, vector<2560x128xf32> -> vector<2560x128xf32>
    %get3A_6 = arith.constant 0 : index
    %get3A_7 = arith.constant 0 : index
    %get3A_8 = vector.load %arg2[%get3A_6, %get3A_7] : memref<1x128xf32, #tpu.memory_space<vmem>>, vector<1x128xf32>
    %add3A = vector.broadcast %get3A_8 : vector<1x128xf32> to vector<2560x128xf32>
    %add3A_9 = arith.addf %dot_general3A_5, %add3A : vector<2560x128xf32>
    %max3A = arith.constant 0.000000e+00 : f32
    %max3A_10 = vector.broadcast %max3A : f32 to vector<2560x128xf32>
    %max3A_11 = arith.maximumf %add3A_9, %max3A_10 : vector<2560x128xf32>
    %swap3A = arith.constant 0 : index
    %swap3A_12 = arith.constant 0 : index
    %swap3A_13 = vector.load %arg3[%swap3A, %swap3A_12] : memref<2560x128xf32, #tpu.memory_space<vmem>>, vector<2560x128xf32>
    tpu.vector_store %arg3[%swap3A, %swap3A_12], %max3A_11 {strides = array<i32>} : memref<2560x128xf32, #tpu.memory_space<vmem>>, vector<2560x128xf32>,
    return
  }
}

module attributes {stable_mosaic.version = 14 : i64} {
  func.func @_edge_body(%arg0: i32, %arg1: memref<1024x128xbf16, #tpu.memory_space<vmem>>, %arg2: memref<1024x128xf32, #tpu.memory_space<vmem>>, %arg3: memref<128x256xbf16, #tpu.memory_space<vmem>>, %arg4: memref<1x256xf32, #tpu.memory_space<vmem>>, %arg5: memref<256x4096xbf16, #tpu.memory_space<vmem>>, %arg6: memref<1x4096xf32, #tpu.memory_space<vmem>>, %arg7: memref<128x4096xbf16, #tpu.memory_space<vmem>>, %arg8: memref<1024x128xf32, #tpu.memory_space<vmem>>) attributes {dimension_semantics = [#tpu.dimension_semantics<arbitrary>], iteration_bounds = array<i64: 40>, scalar_prefetch = 0 : i64, scratch_operands = 0 : i64, tpu.core_type = #tpu.core_type<tc>, window_params = [{transform_indices = @transform_0, window_bounds = array<i64: 1024, 128>}, {transform_indices = @transform_1, window_bounds = array<i64: 1024, 128>}, {pipeline_mode = #tpu.pipeline_mode<synchronous>, transform_indices = @transform_2, window_bounds = array<i64: 128, 256>}, {pipeline_mode = #tpu.pipeline_mode<synchronous>, transform_indices = @transform_3, window_bounds = array<i64: 1, 256>}, {pipeline_mode = #tpu.pipeline_mode<synchronous>, transform_indices = @transform_4, window_bounds = array<i64: 256, 4096>}, {pipeline_mode = #tpu.pipeline_mode<synchronous>, transform_indices = @transform_5, window_bounds = array<i64: 1, 4096>}, {pipeline_mode = #tpu.pipeline_mode<synchronous>, transform_indices = @transform_6, window_bounds = array<i64: 128, 4096>}, {transform_indices = @transform_7, window_bounds = array<i64: 1024, 128>}]} {
    %get3A = arith.constant 0 : index
    %get3A_0 = arith.constant 0 : index
    %get3A_1 = vector.load %arg1[%get3A, %get3A_0] : memref<1024x128xbf16, #tpu.memory_space<vmem>>, vector<1024x128xbf16>
    %get3A_2 = arith.constant 0 : index
    %get3A_3 = arith.constant 0 : index
    %get3A_4 = vector.load %arg3[%get3A_2, %get3A_3] : memref<128x256xbf16, #tpu.memory_space<vmem>>, vector<128x256xbf16>
    %dot_general3A = arith.constant dense<0.000000e+00> : vector<1024x256xf32>
    %dot_general3A_5 = tpu.matmul %get3A_1, %get3A_4, %dot_general3A {dimension_numbers = #tpu.dot_dimension_numbers<[1], [0], [0], [1], [0, 0, 1, 1], [], []>, transpose_lhs_hint = false} : vector<1024x128xbf16>, vector<128x256xbf16>, vector<1024x256xf32> -> vector<1024x256xf32>
    %get3A_6 = arith.constant 0 : index
    %get3A_7 = arith.constant 0 : index
    %get3A_8 = vector.load %arg4[%get3A_6, %get3A_7] : memref<1x256xf32, #tpu.memory_space<vmem>>, vector<1x256xf32>
    %add3A = vector.broadcast %get3A_8 : vector<1x256xf32> to vector<1024x256xf32>
    %add3A_9 = arith.addf %dot_general3A_5, %add3A : vector<1024x256xf32>
    %max3A = arith.constant 0.000000e+00 : f32
    %max3A_10 = vector.broadcast %max3A : f32 to vector<1024x256xf32>
    %max3A_11 = arith.maximumf %add3A_9, %max3A_10 : vector<1024x256xf32>
    %convert_element_type3A = arith.truncf %max3A_11 : vector<1024x256xf32> to vector<1024x256xbf16>
    %get3A_12 = arith.constant 0 : index
    %get3A_13 = arith.constant 0 : index
    %get3A_14 = vector.load %arg5[%get3A_12, %get3A_13] : memref<256x4096xbf16, #tpu.memory_space<vmem>>, vector<256x4096xbf16>
    %dot_general3A_15 = arith.constant dense<0.000000e+00> : vector<1024x4096xf32>
    %dot_general3A_16 = tpu.matmul %convert_element_type3A, %get3A_14, %dot_general3A_15 {dimension_numbers = #tpu.dot_dimension_numbers<[1], [0], [0], [1], [0, 0, 1, 1], [], []>, transpose_lhs_hint = false} : vector<1024x256xbf16>, vector<256x4096xbf16>, vector<1024x4096xf32> -> vector<1024x4096xf32>
    %get3A_17 = arith.constant 0 : index
    %get3A_18 = arith.constant 0 : index
    %get3A_19 = vector.load %arg6[%get3A_17, %get3A_18] : memref<1x4096xf32, #tpu.memory_space<vmem>>, vector<1x4096xf32>
    %add3A_20 = vector.broadcast %get3A_19 : vector<1x4096xf32> to vector<1024x4096xf32>
    %add3A_21 = arith.addf %dot_general3A_16, %add3A_20 : vector<1024x4096xf32>
    %get3A_22 = arith.constant 0 : index
    %get3A_23 = arith.constant 0 : index
    %get3A_24 = vector.load %arg2[%get3A_22, %get3A_23] : memref<1024x128xf32, #tpu.memory_space<vmem>>, vector<1024x128xf32>
    %convert_element_type3A_25 = arith.truncf %get3A_24 : vector<1024x128xf32> to vector<1024x128xbf16>
    %get3A_26 = arith.constant 0 : index
    %get3A_27 = arith.constant 0 : index
    %get3A_28 = vector.load %arg7[%get3A_26, %get3A_27] : memref<128x4096xbf16, #tpu.memory_space<vmem>>, vector<128x4096xbf16>
    %dot_general3A_29 = arith.constant dense<0.000000e+00> : vector<1024x4096xf32>
    %dot_general3A_30 = tpu.matmul %convert_element_type3A_25, %get3A_28, %dot_general3A_29 {dimension_numbers = #tpu.dot_dimension_numbers<[1], [0], [0], [1], [0, 0, 1, 1], [], []>, transpose_lhs_hint = false} : vector<1024x128xbf16>, vector<128x4096xbf16>, vector<1024x4096xf32> -> vector<1024x4096xf32>
    %mul3A = arith.mulf %add3A_21, %dot_general3A_30 : vector<1024x4096xf32>
    %slice3A = vector.extract_strided_slice %mul3A {offsets = [0, 0], sizes = [1024, 128], strides = [1, 1]} : vector<1024x4096xf32> to vector<1024x128xf32>
    %slice3A_31 = vector.extract_strided_slice %mul3A {offsets = [0, 128], sizes = [1024, 128], strides = [1, 1]} : vector<1024x4096xf32> to vector<1024x128xf32>
    %add3A_32 = arith.addf %slice3A, %slice3A_31 : vector<1024x128xf32>
    %slice3A_33 = vector.extract_strided_slice %mul3A {offsets = [0, 256], sizes = [1024, 128], strides = [1, 1]} : vector<1024x4096xf32> to vector<1024x128xf32>
    %add3A_34 = arith.addf %add3A_32, %slice3A_33 : vector<1024x128xf32>
    %slice3A_35 = vector.extract_strided_slice %mul3A {offsets = [0, 384], sizes = [1024, 128], strides = [1, 1]} : vector<1024x4096xf32> to vector<1024x128xf32>
    %add3A_36 = arith.addf %add3A_34, %slice3A_35 : vector<1024x128xf32>
    %slice3A_37 = vector.extract_strided_slice %mul3A {offsets = [0, 512], sizes = [1024, 128], strides = [1, 1]} : vector<1024x4096xf32> to vector<1024x128xf32>
    %add3A_38 = arith.addf %add3A_36, %slice3A_37 : vector<1024x128xf32>
    %slice3A_39 = vector.extract_strided_slice %mul3A {offsets = [0, 640], sizes = [1024, 128], strides = [1, 1]} : vector<1024x4096xf32> to vector<1024x128xf32>
    %add3A_40 = arith.addf %add3A_38, %slice3A_39 : vector<1024x128xf32>
    %slice3A_41 = vector.extract_strided_slice %mul3A {offsets = [0, 768], sizes = [1024, 128], strides = [1, 1]} : vector<1024x4096xf32> to vector<1024x128xf32>
    %add3A_42 = arith.addf %add3A_40, %slice3A_41 : vector<1024x128xf32>
    %slice3A_43 = vector.extract_strided_slice %mul3A {offsets = [0, 896], sizes = [1024, 128], strides = [1, 1]} : vector<1024x4096xf32> to vector<1024x128xf32>
    %add3A_44 = arith.addf %add3A_42, %slice3A_43 : vector<1024x128xf32>
    %slice3A_45 = vector.extract_strided_slice %add3A_44 {offsets = [0, 0], sizes = [1024, 32], strides = [1, 1]} : vector<1024x128xf32> to vector<1024x32xf32>
    %slice3A_46 = vector.extract_strided_slice %add3A_44 {offsets = [0, 32], sizes = [1024, 32], strides = [1, 1]} : vector<1024x128xf32> to vector<1024x32xf32>
    %add3A_47 = arith.addf %slice3A_45, %slice3A_46 : vector<1024x32xf32>
    %slice3A_48 = vector.extract_strided_slice %add3A_44 {offsets = [0, 64], sizes = [1024, 32], strides = [1, 1]} : vector<1024x128xf32> to vector<1024x32xf32>
    %add3A_49 = arith.addf %add3A_47, %slice3A_48 : vector<1024x32xf32>
    %slice3A_50 = vector.extract_strided_slice %add3A_44 {offsets = [0, 96], sizes = [1024, 32], strides = [1, 1]} : vector<1024x128xf32> to vector<1024x32xf32>
    %add3A_51 = arith.addf %add3A_49, %slice3A_50 : vector<1024x32xf32>
    %swap3A = arith.constant 0 : index
    %swap3A_52 = arith.constant 0 : index
    %swap3A_53 = vector.load %arg8[%swap3A, %swap3A_52] : memref<1024x128xf32, #tpu.memory_space<vmem>>, vector<1024x32xf32>
    tpu.vector_store %arg8[%swap3A, %swap3A_52], %add3A_51 {strides = array<i32>} : memref<1024x128xf32, #tpu.memory_space<vmem>>, vector<1024x32xf32>,
    %slice3A_54 = vector.extract_strided_slice %mul3A {offsets = [0, 1024], sizes = [1024, 128], strides = [1, 1]} : vector<1024x4096xf32> to vector<1024x128xf32>
    %slice3A_55 = vector.extract_strided_slice %mul3A {offsets = [0, 1152], sizes = [1024, 128], strides = [1, 1]} : vector<1024x4096xf32> to vector<1024x128xf32>
    %add3A_56 = arith.addf %slice3A_54, %slice3A_55 : vector<1024x128xf32>
    %slice3A_57 = vector.extract_strided_slice %mul3A {offsets = [0, 1280], sizes = [1024, 128], strides = [1, 1]} : vector<1024x4096xf32> to vector<1024x128xf32>
    %add3A_58 = arith.addf %add3A_56, %slice3A_57 : vector<1024x128xf32>
    %slice3A_59 = vector.extract_strided_slice %mul3A {offsets = [0, 1408], sizes = [1024, 128], strides = [1, 1]} : vector<1024x4096xf32> to vector<1024x128xf32>
    %add3A_60 = arith.addf %add3A_58, %slice3A_59 : vector<1024x128xf32>
    %slice3A_61 = vector.extract_strided_slice %mul3A {offsets = [0, 1536], sizes = [1024, 128], strides = [1, 1]} : vector<1024x4096xf32> to vector<1024x128xf32>
    %add3A_62 = arith.addf %add3A_60, %slice3A_61 : vector<1024x128xf32>
    %slice3A_63 = vector.extract_strided_slice %mul3A {offsets = [0, 1664], sizes = [1024, 128], strides = [1, 1]} : vector<1024x4096xf32> to vector<1024x128xf32>
    %add3A_64 = arith.addf %add3A_62, %slice3A_63 : vector<1024x128xf32>
    %slice3A_65 = vector.extract_strided_slice %mul3A {offsets = [0, 1792], sizes = [1024, 128], strides = [1, 1]} : vector<1024x4096xf32> to vector<1024x128xf32>
    %add3A_66 = arith.addf %add3A_64, %slice3A_65 : vector<1024x128xf32>
    %slice3A_67 = vector.extract_strided_slice %mul3A {offsets = [0, 1920], sizes = [1024, 128], strides = [1, 1]} : vector<1024x4096xf32> to vector<1024x128xf32>
    %add3A_68 = arith.addf %add3A_66, %slice3A_67 : vector<1024x128xf32>
    %slice3A_69 = vector.extract_strided_slice %add3A_68 {offsets = [0, 0], sizes = [1024, 32], strides = [1, 1]} : vector<1024x128xf32> to vector<1024x32xf32>
    %slice3A_70 = vector.extract_strided_slice %add3A_68 {offsets = [0, 32], sizes = [1024, 32], strides = [1, 1]} : vector<1024x128xf32> to vector<1024x32xf32>
    %add3A_71 = arith.addf %slice3A_69, %slice3A_70 : vector<1024x32xf32>
    %slice3A_72 = vector.extract_strided_slice %add3A_68 {offsets = [0, 64], sizes = [1024, 32], strides = [1, 1]} : vector<1024x128xf32> to vector<1024x32xf32>
    %add3A_73 = arith.addf %add3A_71, %slice3A_72 : vector<1024x32xf32>
    %slice3A_74 = vector.extract_strided_slice %add3A_68 {offsets = [0, 96], sizes = [1024, 32], strides = [1, 1]} : vector<1024x128xf32> to vector<1024x32xf32>
    %add3A_75 = arith.addf %add3A_73, %slice3A_74 : vector<1024x32xf32>
    %swap3A_76 = arith.constant 0 : index
    %swap3A_77 = arith.constant 32 : index
    %swap3A_78 = vector.load %arg8[%swap3A_76, %swap3A_77] : memref<1024x128xf32, #tpu.memory_space<vmem>>, vector<1024x32xf32>
    tpu.vector_store %arg8[%swap3A_76, %swap3A_77], %add3A_75 {strides = array<i32>} : memref<1024x128xf32, #tpu.memory_space<vmem>>, vector<1024x32xf32>,
    %slice3A_79 = vector.extract_strided_slice %mul3A {offsets = [0, 2048], sizes = [1024, 128], strides = [1, 1]} : vector<1024x4096xf32> to vector<1024x128xf32>
    %slice3A_80 = vector.extract_strided_slice %mul3A {offsets = [0, 2176], sizes = [1024, 128], strides = [1, 1]} : vector<1024x4096xf32> to vector<1024x128xf32>
    %add3A_81 = arith.addf %slice3A_79, %slice3A_80 : vector<1024x128xf32>
    %slice3A_82 = vector.extract_strided_slice %mul3A {offsets = [0, 2304], sizes = [1024, 128], strides = [1, 1]} : vector<1024x4096xf32> to vector<1024x128xf32>
    %add3A_83 = arith.addf %add3A_81, %slice3A_82 : vector<1024x128xf32>
    %slice3A_84 = vector.extract_strided_slice %mul3A {offsets = [0, 2432], sizes = [1024, 128], strides = [1, 1]} : vector<1024x4096xf32> to vector<1024x128xf32>
    %add3A_85 = arith.addf %add3A_83, %slice3A_84 : vector<1024x128xf32>
    %slice3A_86 = vector.extract_strided_slice %mul3A {offsets = [0, 2560], sizes = [1024, 128], strides = [1, 1]} : vector<1024x4096xf32> to vector<1024x128xf32>
    %add3A_87 = arith.addf %add3A_85, %slice3A_86 : vector<1024x128xf32>
    %slice3A_88 = vector.extract_strided_slice %mul3A {offsets = [0, 2688], sizes = [1024, 128], strides = [1, 1]} : vector<1024x4096xf32> to vector<1024x128xf32>
    %add3A_89 = arith.addf %add3A_87, %slice3A_88 : vector<1024x128xf32>
    %slice3A_90 = vector.extract_strided_slice %mul3A {offsets = [0, 2816], sizes = [1024, 128], strides = [1, 1]} : vector<1024x4096xf32> to vector<1024x128xf32>
    %add3A_91 = arith.addf %add3A_89, %slice3A_90 : vector<1024x128xf32>
    %slice3A_92 = vector.extract_strided_slice %mul3A {offsets = [0, 2944], sizes = [1024, 128], strides = [1, 1]} : vector<1024x4096xf32> to vector<1024x128xf32>
    %add3A_93 = arith.addf %add3A_91, %slice3A_92 : vector<1024x128xf32>
    %slice3A_94 = vector.extract_strided_slice %add3A_93 {offsets = [0, 0], sizes = [1024, 32], strides = [1, 1]} : vector<1024x128xf32> to vector<1024x32xf32>
    %slice3A_95 = vector.extract_strided_slice %add3A_93 {offsets = [0, 32], sizes = [1024, 32], strides = [1, 1]} : vector<1024x128xf32> to vector<1024x32xf32>
    %add3A_96 = arith.addf %slice3A_94, %slice3A_95 : vector<1024x32xf32>
    %slice3A_97 = vector.extract_strided_slice %add3A_93 {offsets = [0, 64], sizes = [1024, 32], strides = [1, 1]} : vector<1024x128xf32> to vector<1024x32xf32>
    %add3A_98 = arith.addf %add3A_96, %slice3A_97 : vector<1024x32xf32>
    %slice3A_99 = vector.extract_strided_slice %add3A_93 {offsets = [0, 96], sizes = [1024, 32], strides = [1, 1]} : vector<1024x128xf32> to vector<1024x32xf32>
    %add3A_100 = arith.addf %add3A_98, %slice3A_99 : vector<1024x32xf32>
    %swap3A_101 = arith.constant 0 : index
    %swap3A_102 = arith.constant 64 : index
    %swap3A_103 = vector.load %arg8[%swap3A_101, %swap3A_102] : memref<1024x128xf32, #tpu.memory_space<vmem>>, vector<1024x32xf32>
    tpu.vector_store %arg8[%swap3A_101, %swap3A_102], %add3A_100 {strides = array<i32>} : memref<1024x128xf32, #tpu.memory_space<vmem>>, vector<1024x32xf32>,
    %slice3A_104 = vector.extract_strided_slice %mul3A {offsets = [0, 3072], sizes = [1024, 128], strides = [1, 1]} : vector<1024x4096xf32> to vector<1024x128xf32>
    %slice3A_105 = vector.extract_strided_slice %mul3A {offsets = [0, 3200], sizes = [1024, 128], strides = [1, 1]} : vector<1024x4096xf32> to vector<1024x128xf32>
    %add3A_106 = arith.addf %slice3A_104, %slice3A_105 : vector<1024x128xf32>
    %slice3A_107 = vector.extract_strided_slice %mul3A {offsets = [0, 3328], sizes = [1024, 128], strides = [1, 1]} : vector<1024x4096xf32> to vector<1024x128xf32>
    %add3A_108 = arith.addf %add3A_106, %slice3A_107 : vector<1024x128xf32>
    %slice3A_109 = vector.extract_strided_slice %mul3A {offsets = [0, 3456], sizes = [1024, 128], strides = [1, 1]} : vector<1024x4096xf32> to vector<1024x128xf32>
    %add3A_110 = arith.addf %add3A_108, %slice3A_109 : vector<1024x128xf32>
    %slice3A_111 = vector.extract_strided_slice %mul3A {offsets = [0, 3584], sizes = [1024, 128], strides = [1, 1]} : vector<1024x4096xf32> to vector<1024x128xf32>
    %add3A_112 = arith.addf %add3A_110, %slice3A_111 : vector<1024x128xf32>
    %slice3A_113 = vector.extract_strided_slice %mul3A {offsets = [0, 3712], sizes = [1024, 128], strides = [1, 1]} : vector<1024x4096xf32> to vector<1024x128xf32>
    %add3A_114 = arith.addf %add3A_112, %slice3A_113 : vector<1024x128xf32>
    %slice3A_115 = vector.extract_strided_slice %mul3A {offsets = [0, 3840], sizes = [1024, 128], strides = [1, 1]} : vector<1024x4096xf32> to vector<1024x128xf32>
    %add3A_116 = arith.addf %add3A_114, %slice3A_115 : vector<1024x128xf32>
    %slice3A_117 = vector.extract_strided_slice %mul3A {offsets = [0, 3968], sizes = [1024, 128], strides = [1, 1]} : vector<1024x4096xf32> to vector<1024x128xf32>
    %add3A_118 = arith.addf %add3A_116, %slice3A_117 : vector<1024x128xf32>
    %slice3A_119 = vector.extract_strided_slice %add3A_118 {offsets = [0, 0], sizes = [1024, 32], strides = [1, 1]} : vector<1024x128xf32> to vector<1024x32xf32>
    %slice3A_120 = vector.extract_strided_slice %add3A_118 {offsets = [0, 32], sizes = [1024, 32], strides = [1, 1]} : vector<1024x128xf32> to vector<1024x32xf32>
    %add3A_121 = arith.addf %slice3A_119, %slice3A_120 : vector<1024x32xf32>
    %slice3A_122 = vector.extract_strided_slice %add3A_118 {offsets = [0, 64], sizes = [1024, 32], strides = [1, 1]} : vector<1024x128xf32> to vector<1024x32xf32>
    %add3A_123 = arith.addf %add3A_121, %slice3A_122 : vector<1024x32xf32>
    %slice3A_124 = vector.extract_strided_slice %add3A_118 {offsets = [0, 96], sizes = [1024, 32], strides = [1, 1]} : vector<1024x128xf32> to vector<1024x32xf32>
    %add3A_125 = arith.addf %add3A_123, %slice3A_124 : vector<1024x32xf32>
    %swap3A_126 = arith.constant 0 : index
    %swap3A_127 = arith.constant 96 : index
    %swap3A_128 = vector.load %arg8[%swap3A_126, %swap3A_127] : memref<1024x128xf32, #tpu.memory_space<vmem>>, vector<1024x32xf32>
    tpu.vector_store %arg8[%swap3A_126, %swap3A_127], %add3A_125 {strides = array<i32>} : memref<1024x128xf32, #tpu.memory_space<vmem>>, vector<1024x32xf32>,
    return
  }
  func.func @transform_0(%arg0: i32) -> (i32, i32) {
    %c0_i32 = arith.constant 0 : i32
    %c0_i32_0 = arith.constant 0 : i32
    return %arg0, %c0_i32 : i32, i32
  }
  func.func @transform_1(%arg0: i32) -> (i32, i32) {
    %c0_i32 = arith.constant 0 : i32
    %c0_i32_0 = arith.constant 0 : i32
    return %arg0, %c0_i32 : i32, i32
  }
  func.func @transform_2(%arg0: i32) -> (i32, i32) {
    %c0_i32 = arith.constant 0 : i32
    %c0_i32_0 = arith.constant 0 : i32
    %c0_i32_1 = arith.constant 0 : i32
    return %c0_i32, %c0_i32_0 : i32, i32
  }
  func.func @transform_3(%arg0: i32) -> (i32, i32) {
    %c0_i32 = arith.constant 0 : i32
    %c0_i32_0 = arith.constant 0 : i32
    %c0_i32_1 = arith.constant 0 : i32
    return %c0_i32, %c0_i32_0 : i32, i32
  }
  func.func @transform_4(%arg0: i32) -> (i32, i32) {
    %c0_i32 = arith.constant 0 : i32
    %c0_i32_0 = arith.constant 0 : i32
    %c0_i32_1 = arith.constant 0 : i32
    return %c0_i32, %c0_i32_0 : i32, i32
  }
  func.func @transform_5(%arg0: i32) -> (i32, i32) {
    %c0_i32 = arith.constant 0 : i32
    %c0_i32_0 = arith.constant 0 : i32
    %c0_i32_1 = arith.constant 0 : i32
    return %c0_i32, %c0_i32_0 : i32, i32
  }
  func.func @transform_6(%arg0: i32) -> (i32, i32) {
    %c0_i32 = arith.constant 0 : i32
    %c0_i32_0 = arith.constant 0 : i32
    %c0_i32_1 = arith.constant 0 : i32
    return %c0_i32, %c0_i32_0 : i32, i32
  }
  func.func @transform_7(%arg0: i32) -> (i32, i32) {
    %c0_i32 = arith.constant 0 : i32
    %c0_i32_0 = arith.constant 0 : i32
    return %arg0, %c0_i32 : i32, i32
  }
}

module attributes {stable_mosaic.version = 14 : i64} {
  func.func @_gru_body(%arg0: memref<2x2560x128xf32, #tpu.memory_space<vmem>>, %arg1: memref<2x2560x128xf32, #tpu.memory_space<vmem>>, %arg2: memref<2560x128xf32, #tpu.memory_space<vmem>>, %arg3: memref<1x128xf32, #tpu.memory_space<vmem>>, %arg4: memref<128x384xf32, #tpu.memory_space<vmem>>, %arg5: memref<128x384xf32, #tpu.memory_space<vmem>>, %arg6: memref<1x384xf32, #tpu.memory_space<vmem>>, %arg7: memref<1x384xf32, #tpu.memory_space<vmem>>, %arg8: memref<2560x128xf32, #tpu.memory_space<vmem>>) attributes {dimension_semantics = [], scalar_prefetch = 0 : i64, scratch_operands = 0 : i64, tpu.core_type = #tpu.core_type<tc>} {
    %get3A = arith.constant 0 : index
    %get3A_0 = arith.constant 0 : index
    %get3A_1 = arith.constant 0 : index
    %get3A_2 = vector.load %arg0[%get3A, %get3A_0, %get3A_1] : memref<2x2560x128xf32, #tpu.memory_space<vmem>>, vector<1x2560x128xf32>
    %get3A_3 = vector.shape_cast %get3A_2 : vector<1x2560x128xf32> to vector<2560x128xf32>
    %get3A_4 = arith.constant 1 : index
    %get3A_5 = arith.constant 0 : index
    %get3A_6 = arith.constant 0 : index
    %get3A_7 = vector.load %arg0[%get3A_4, %get3A_5, %get3A_6] : memref<2x2560x128xf32, #tpu.memory_space<vmem>>, vector<1x2560x128xf32>
    %get3A_8 = vector.shape_cast %get3A_7 : vector<1x2560x128xf32> to vector<2560x128xf32>
    %add3A = arith.addf %get3A_3, %get3A_8 : vector<2560x128xf32>
    %get3A_9 = arith.constant 0 : index
    %get3A_10 = arith.constant 0 : index
    %get3A_11 = arith.constant 0 : index
    %get3A_12 = vector.load %arg1[%get3A_9, %get3A_10, %get3A_11] : memref<2x2560x128xf32, #tpu.memory_space<vmem>>, vector<1x2560x128xf32>
    %get3A_13 = vector.shape_cast %get3A_12 : vector<1x2560x128xf32> to vector<2560x128xf32>
    %get3A_14 = arith.constant 1 : index
    %get3A_15 = arith.constant 0 : index
    %get3A_16 = arith.constant 0 : index
    %get3A_17 = vector.load %arg1[%get3A_14, %get3A_15, %get3A_16] : memref<2x2560x128xf32, #tpu.memory_space<vmem>>, vector<1x2560x128xf32>
    %get3A_18 = vector.shape_cast %get3A_17 : vector<1x2560x128xf32> to vector<2560x128xf32>
    %add3A_19 = arith.addf %get3A_13, %get3A_18 : vector<2560x128xf32>
    %max3A = arith.constant 1.000000e+00 : f32
    %max3A_20 = vector.broadcast %max3A : f32 to vector<2560x128xf32>
    %max3A_21 = arith.maximumf %add3A_19, %max3A_20 : vector<2560x128xf32>
    %div3A = arith.constant 1.000000e+00 : f32
    %div3A_22 = vector.broadcast %div3A : f32 to vector<2560x128xf32>
    %div3A_23 = arith.divf %div3A_22, %max3A_21 : vector<2560x128xf32>
    %mul3A = arith.mulf %add3A, %div3A_23 : vector<2560x128xf32>
    %get3A_24 = arith.constant 0 : index
    %get3A_25 = arith.constant 0 : index
    %get3A_26 = vector.load %arg3[%get3A_24, %get3A_25] : memref<1x128xf32, #tpu.memory_space<vmem>>, vector<1x128xf32>
    %add3A_27 = vector.broadcast %get3A_26 : vector<1x128xf32> to vector<2560x128xf32>
    %add3A_28 = arith.addf %mul3A, %add3A_27 : vector<2560x128xf32>
    %max3A_29 = arith.constant 0.000000e+00 : f32
    %max3A_30 = vector.broadcast %max3A_29 : f32 to vector<2560x128xf32>
    %max3A_31 = arith.maximumf %add3A_28, %max3A_30 : vector<2560x128xf32>
    %get3A_32 = arith.constant 0 : index
    %get3A_33 = arith.constant 0 : index
    %get3A_34 = vector.load %arg2[%get3A_32, %get3A_33] : memref<2560x128xf32, #tpu.memory_space<vmem>>, vector<2560x128xf32>
    %get3A_35 = arith.constant 0 : index
    %get3A_36 = arith.constant 0 : index
    %get3A_37 = vector.load %arg4[%get3A_35, %get3A_36] : memref<128x384xf32, #tpu.memory_space<vmem>>, vector<128x384xf32>
    %dot_general3A = arith.constant dense<0.000000e+00> : vector<2560x384xf32>
    %dot_general3A_38 = tpu.matmul %max3A_31, %get3A_37, %dot_general3A {dimension_numbers = #tpu.dot_dimension_numbers<[1], [0], [0], [1], [0, 0, 1, 1], [], []>, transpose_lhs_hint = false} : vector<2560x128xf32>, vector<128x384xf32>, vector<2560x384xf32> -> vector<2560x384xf32>
    %get3A_39 = arith.constant 0 : index
    %get3A_40 = arith.constant 0 : index
    %get3A_41 = vector.load %arg6[%get3A_39, %get3A_40] : memref<1x384xf32, #tpu.memory_space<vmem>>, vector<1x384xf32>
    %add3A_42 = vector.broadcast %get3A_41 : vector<1x384xf32> to vector<2560x384xf32>
    %add3A_43 = arith.addf %dot_general3A_38, %add3A_42 : vector<2560x384xf32>
    %get3A_44 = arith.constant 0 : index
    %get3A_45 = arith.constant 0 : index
    %get3A_46 = vector.load %arg5[%get3A_44, %get3A_45] : memref<128x384xf32, #tpu.memory_space<vmem>>, vector<128x384xf32>
    %dot_general3A_47 = arith.constant dense<0.000000e+00> : vector<2560x384xf32>
    %dot_general3A_48 = tpu.matmul %get3A_34, %get3A_46, %dot_general3A_47 {dimension_numbers = #tpu.dot_dimension_numbers<[1], [0], [0], [1], [0, 0, 1, 1], [], []>, transpose_lhs_hint = false} : vector<2560x128xf32>, vector<128x384xf32>, vector<2560x384xf32> -> vector<2560x384xf32>
    %get3A_49 = arith.constant 0 : index
    %get3A_50 = arith.constant 0 : index
    %get3A_51 = vector.load %arg7[%get3A_49, %get3A_50] : memref<1x384xf32, #tpu.memory_space<vmem>>, vector<1x384xf32>
    %add3A_52 = vector.broadcast %get3A_51 : vector<1x384xf32> to vector<2560x384xf32>
    %add3A_53 = arith.addf %dot_general3A_48, %add3A_52 : vector<2560x384xf32>
    %slice3A = vector.extract_strided_slice %add3A_43 {offsets = [0, 0], sizes = [2560, 128], strides = [1, 1]} : vector<2560x384xf32> to vector<2560x128xf32>
    %slice3A_54 = vector.extract_strided_slice %add3A_53 {offsets = [0, 0], sizes = [2560, 128], strides = [1, 1]} : vector<2560x384xf32> to vector<2560x128xf32>
    %add3A_55 = arith.addf %slice3A, %slice3A_54 : vector<2560x128xf32>
    %logistic3A = arith.negf %add3A_55 : vector<2560x128xf32>
    %logistic3A_56 = math.exp %logistic3A : vector<2560x128xf32>
    %logistic3A_57 = arith.constant 1.000000e+00 : f32
    %logistic3A_58 = vector.broadcast %logistic3A_57 : f32 to vector<2560x128xf32>
    %logistic3A_59 = arith.addf %logistic3A_58, %logistic3A_56 : vector<2560x128xf32>
    %logistic3A_60 = arith.divf %logistic3A_58, %logistic3A_59 : vector<2560x128xf32>
    %slice3A_61 = vector.extract_strided_slice %add3A_43 {offsets = [0, 128], sizes = [2560, 128], strides = [1, 1]} : vector<2560x384xf32> to vector<2560x128xf32>
    %slice3A_62 = vector.extract_strided_slice %add3A_53 {offsets = [0, 128], sizes = [2560, 128], strides = [1, 1]} : vector<2560x384xf32> to vector<2560x128xf32>
    %add3A_63 = arith.addf %slice3A_61, %slice3A_62 : vector<2560x128xf32>
    %logistic3A_64 = arith.negf %add3A_63 : vector<2560x128xf32>
    %logistic3A_65 = math.exp %logistic3A_64 : vector<2560x128xf32>
    %logistic3A_66 = arith.constant 1.000000e+00 : f32
    %logistic3A_67 = vector.broadcast %logistic3A_66 : f32 to vector<2560x128xf32>
    %logistic3A_68 = arith.addf %logistic3A_67, %logistic3A_65 : vector<2560x128xf32>
    %logistic3A_69 = arith.divf %logistic3A_67, %logistic3A_68 : vector<2560x128xf32>
    %slice3A_70 = vector.extract_strided_slice %add3A_43 {offsets = [0, 256], sizes = [2560, 128], strides = [1, 1]} : vector<2560x384xf32> to vector<2560x128xf32>
    %slice3A_71 = vector.extract_strided_slice %add3A_53 {offsets = [0, 256], sizes = [2560, 128], strides = [1, 1]} : vector<2560x384xf32> to vector<2560x128xf32>
    %mul3A_72 = arith.mulf %logistic3A_60, %slice3A_71 : vector<2560x128xf32>
    %add3A_73 = arith.addf %slice3A_70, %mul3A_72 : vector<2560x128xf32>
    %tanh3A = math.tanh %add3A_73 : vector<2560x128xf32>
    %sub3A = arith.constant 1.000000e+00 : f32
    %sub3A_74 = vector.broadcast %sub3A : f32 to vector<2560x128xf32>
    %sub3A_75 = arith.subf %sub3A_74, %logistic3A_69 : vector<2560x128xf32>
    %mul3A_76 = arith.mulf %sub3A_75, %tanh3A : vector<2560x128xf32>
    %mul3A_77 = arith.mulf %logistic3A_69, %get3A_34 : vector<2560x128xf32>
    %add3A_78 = arith.addf %mul3A_76, %mul3A_77 : vector<2560x128xf32>
    %swap3A = arith.constant 0 : index
    %swap3A_79 = arith.constant 0 : index
    %swap3A_80 = vector.load %arg8[%swap3A, %swap3A_79] : memref<2560x128xf32, #tpu.memory_space<vmem>>, vector<2560x128xf32>
    tpu.vector_store %arg8[%swap3A, %swap3A_79], %add3A_78 {strides = array<i32>} : memref<2560x128xf32, #tpu.memory_space<vmem>>, vector<2560x128xf32>,
    return
  }
}

module attributes {stable_mosaic.version = 14 : i64} {
  func.func @_s2s_body(%arg0: memref<10240x32xf32, #tpu.memory_space<vmem>>, %arg1: memref<10240x1xi32, #tpu.memory_space<vmem>>, %arg2: memref<64x128xf32, #tpu.memory_space<vmem>>, %arg3: memref<32x128xf32, #tpu.memory_space<vmem>>, %arg4: memref<1x128xf32, #tpu.memory_space<vmem>>, %arg5: memref<1x128xf32, #tpu.memory_space<vmem>>, %arg6: memref<64x64xf32, #tpu.memory_space<vmem>>) attributes {dimension_semantics = [], scalar_prefetch = 0 : i64, scratch_operands = 0 : i64, tpu.core_type = #tpu.core_type<tc>} {
    %get3A = arith.constant 0 : index
    %get3A_0 = arith.constant 0 : index
    %get3A_1 = vector.load %arg0[%get3A, %get3A_0] : memref<10240x32xf32, #tpu.memory_space<vmem>>, vector<10240x32xf32>
    %get3A_2 = arith.constant 0 : index
    %get3A_3 = arith.constant 0 : index
    %get3A_4 = vector.load %arg1[%get3A_2, %get3A_3] : memref<10240x1xi32, #tpu.memory_space<vmem>>, vector<10240x1xi32>
    %iota3A = tpu.iota {dimensions = array<i32: 1>} : vector<10240x64xi32>
    %eq3A = vector.broadcast %get3A_4 : vector<10240x1xi32> to vector<10240x64xi32>
    %eq3A_5 = arith.cmpi eq, %eq3A, %iota3A : vector<10240x64xi32>
    %convert_element_type3A = arith.extui %eq3A_5 : vector<10240x64xi1> to vector<10240x64xi32>
    %convert_element_type3A_6 = arith.sitofp %convert_element_type3A : vector<10240x64xi32> to vector<10240x64xf32>
    %broadcast_in_dim3A = arith.constant 0.000000e+00 : f32
    %broadcast_in_dim3A_7 = vector.broadcast %broadcast_in_dim3A : f32 to vector<64x32xf32>
    %broadcast_in_dim3A_8 = arith.constant 0.000000e+00 : f32
    %broadcast_in_dim3A_9 = vector.broadcast %broadcast_in_dim3A_8 : f32 to vector<64x32xf32>
    %broadcast_in_dim3A_10 = arith.constant 0.000000e+00 : f32
    %broadcast_in_dim3A_11 = vector.broadcast %broadcast_in_dim3A_10 : f32 to vector<64x64xf32>
    %get3A_12 = arith.constant 0 : index
    %get3A_13 = arith.constant 0 : index
    %get3A_14 = vector.load %arg2[%get3A_12, %get3A_13] : memref<64x128xf32, #tpu.memory_space<vmem>>, vector<64x128xf32>
    %dot_general3A = arith.constant dense<0.000000e+00> : vector<64x128xf32>
    %dot_general3A_15 = tpu.matmul %broadcast_in_dim3A_11, %get3A_14, %dot_general3A {dimension_numbers = #tpu.dot_dimension_numbers<[1], [0], [0], [1], [0, 0, 1, 1], [], []>, transpose_lhs_hint = false} : vector<64x64xf32>, vector<64x128xf32>, vector<64x128xf32> -> vector<64x128xf32>
    %get3A_16 = arith.constant 0 : index
    %get3A_17 = arith.constant 0 : index
    %get3A_18 = vector.load %arg4[%get3A_16, %get3A_17] : memref<1x128xf32, #tpu.memory_space<vmem>>, vector<1x128xf32>
    %add3A = vector.broadcast %get3A_18 : vector<1x128xf32> to vector<64x128xf32>
    %add3A_19 = arith.addf %dot_general3A_15, %add3A : vector<64x128xf32>
    %get3A_20 = arith.constant 0 : index
    %get3A_21 = arith.constant 0 : index
    %get3A_22 = vector.load %arg3[%get3A_20, %get3A_21] : memref<32x128xf32, #tpu.memory_space<vmem>>, vector<32x128xf32>
    %dot_general3A_23 = arith.constant dense<0.000000e+00> : vector<64x128xf32>
    %dot_general3A_24 = tpu.matmul %broadcast_in_dim3A_7, %get3A_22, %dot_general3A_23 {dimension_numbers = #tpu.dot_dimension_numbers<[1], [0], [0], [1], [0, 0, 1, 1], [], []>, transpose_lhs_hint = false} : vector<64x32xf32>, vector<32x128xf32>, vector<64x128xf32> -> vector<64x128xf32>
    %add3A_25 = arith.addf %add3A_19, %dot_general3A_24 : vector<64x128xf32>
    %get3A_26 = arith.constant 0 : index
    %get3A_27 = arith.constant 0 : index
    %get3A_28 = vector.load %arg5[%get3A_26, %get3A_27] : memref<1x128xf32, #tpu.memory_space<vmem>>, vector<1x128xf32>
    %add3A_29 = vector.broadcast %get3A_28 : vector<1x128xf32> to vector<64x128xf32>
    %add3A_30 = arith.addf %add3A_25, %add3A_29 : vector<64x128xf32>
    %slice3A = vector.extract_strided_slice %add3A_30 {offsets = [0, 0], sizes = [64, 32], strides = [1, 1]} : vector<64x128xf32> to vector<64x32xf32>
    %logistic3A = arith.negf %slice3A : vector<64x32xf32>
    %logistic3A_31 = math.exp %logistic3A : vector<64x32xf32>
    %logistic3A_32 = arith.constant 1.000000e+00 : f32
    %logistic3A_33 = vector.broadcast %logistic3A_32 : f32 to vector<64x32xf32>
    %logistic3A_34 = arith.addf %logistic3A_33, %logistic3A_31 : vector<64x32xf32>
    %logistic3A_35 = arith.divf %logistic3A_33, %logistic3A_34 : vector<64x32xf32>
    %slice3A_36 = vector.extract_strided_slice %add3A_30 {offsets = [0, 32], sizes = [64, 32], strides = [1, 1]} : vector<64x128xf32> to vector<64x32xf32>
    %logistic3A_37 = arith.negf %slice3A_36 : vector<64x32xf32>
    %logistic3A_38 = math.exp %logistic3A_37 : vector<64x32xf32>
    %logistic3A_39 = arith.constant 1.000000e+00 : f32
    %logistic3A_40 = vector.broadcast %logistic3A_39 : f32 to vector<64x32xf32>
    %logistic3A_41 = arith.addf %logistic3A_40, %logistic3A_38 : vector<64x32xf32>
    %logistic3A_42 = arith.divf %logistic3A_40, %logistic3A_41 : vector<64x32xf32>
    %slice3A_43 = vector.extract_strided_slice %add3A_30 {offsets = [0, 64], sizes = [64, 32], strides = [1, 1]} : vector<64x128xf32> to vector<64x32xf32>
    %tanh3A = math.tanh %slice3A_43 : vector<64x32xf32>
    %slice3A_44 = vector.extract_strided_slice %add3A_30 {offsets = [0, 96], sizes = [64, 32], strides = [1, 1]} : vector<64x128xf32> to vector<64x32xf32>
    %logistic3A_45 = arith.negf %slice3A_44 : vector<64x32xf32>
    %logistic3A_46 = math.exp %logistic3A_45 : vector<64x32xf32>
    %logistic3A_47 = arith.constant 1.000000e+00 : f32
    %logistic3A_48 = vector.broadcast %logistic3A_47 : f32 to vector<64x32xf32>
    %logistic3A_49 = arith.addf %logistic3A_48, %logistic3A_46 : vector<64x32xf32>
    %logistic3A_50 = arith.divf %logistic3A_48, %logistic3A_49 : vector<64x32xf32>
    %mul3A = arith.mulf %logistic3A_42, %broadcast_in_dim3A_9 : vector<64x32xf32>
    %mul3A_51 = arith.mulf %logistic3A_35, %tanh3A : vector<64x32xf32>
    %add3A_52 = arith.addf %mul3A, %mul3A_51 : vector<64x32xf32>
    %tanh3A_53 = math.tanh %add3A_52 : vector<64x32xf32>
    %mul3A_54 = arith.mulf %logistic3A_50, %tanh3A_53 : vector<64x32xf32>
    %dot_general3A_55 = arith.constant dense<0.000000e+00> : vector<10240x32xf32>
    %dot_general3A_56 = tpu.matmul %convert_element_type3A_6, %mul3A_54, %dot_general3A_55 {dimension_numbers = #tpu.dot_dimension_numbers<[1], [0], [0], [1], [0, 0, 1, 1], [], []>, transpose_lhs_hint = false} : vector<10240x64xf32>, vector<64x32xf32>, vector<10240x32xf32> -> vector<10240x32xf32>
    %mul3A_57 = arith.mulf %get3A_1, %dot_general3A_56 : vector<10240x32xf32>
    %reduce_sum3A = arith.constant dense<0.000000e+00> : vector<10240xf32>
    %reduce_sum3A_58 = vector.multi_reduction <add>, %mul3A_57, %reduce_sum3A [1] : vector<10240x32xf32> to vector<10240xf32>
    %broadcast_in_dim3A_59 = vector.shape_cast %reduce_sum3A_58 : vector<10240xf32> to vector<10240x1xf32>
    %gt3A = arith.constant 0.000000e+00 : f32
    %gt3A_60 = vector.broadcast %gt3A : f32 to vector<10240x64xf32>
    %gt3A_61 = arith.cmpf ogt, %convert_element_type3A_6, %gt3A_60 : vector<10240x64xf32>
    %jit3A = arith.constant -3.000000e+38 : f32
    %broadcast_in_dim3A_62 = vector.shape_cast %broadcast_in_dim3A_59 : vector<10240x1xf32> to vector<10240x1xf32>
    %broadcast_in_dim3A_63 = vector.broadcast %broadcast_in_dim3A_62 : vector<10240x1xf32> to vector<10240x64xf32>
    %broadcast_in_dim3A_64 = vector.broadcast %jit3A : f32 to vector<10240x64xf32>
    %select_n3A = arith.select %gt3A_61, %broadcast_in_dim3A_63, %broadcast_in_dim3A_64 : vector<10240x64xi1>, vector<10240x64xf32>
    %reduce_max3A = arith.constant dense<0xFF800000> : vector<64xf32>
    %reduce_max3A_65 = vector.multi_reduction <maximumf>, %select_n3A, %reduce_max3A [0] : vector<10240x64xf32> to vector<64xf32>
    %broadcast_in_dim3A_66 = vector.shape_cast %reduce_max3A_65 : vector<64xf32> to vector<1x64xf32>
    %gt3A_67 = arith.constant -9.99999968E+37 : f32
    %gt3A_68 = vector.broadcast %gt3A_67 : f32 to vector<1x64xf32>
    %gt3A_69 = arith.cmpf ogt, %broadcast_in_dim3A_66, %gt3A_68 : vector<1x64xf32>
    %jit3A_70 = arith.constant 0.000000e+00 : f32
    %broadcast_in_dim3A_71 = vector.broadcast %jit3A_70 : f32 to vector<1x64xf32>
    %select_n3A_72 = arith.select %gt3A_69, %broadcast_in_dim3A_66, %broadcast_in_dim3A_71 : vector<1x64xi1>, vector<1x64xf32>
    %reshape3A = vector.shape_cast %select_n3A_72 : vector<1x64xf32> to vector<64x1xf32>
    %dot_general3A_73 = arith.constant dense<0.000000e+00> : vector<10240x1xf32>
    %dot_general3A_74 = tpu.matmul %convert_element_type3A_6, %reshape3A, %dot_general3A_73 {dimension_numbers = #tpu.dot_dimension_numbers<[1], [0], [0], [1], [0, 0, 1, 1], [], []>, transpose_lhs_hint = false} : vector<10240x64xf32>, vector<64x1xf32>, vector<10240x1xf32> -> vector<10240x1xf32>
    %sub3A = arith.subf %broadcast_in_dim3A_59, %dot_general3A_74 : vector<10240x1xf32>
    %exp3A = math.exp %sub3A : vector<10240x1xf32>
    %dot_general3A_75 = arith.constant dense<0.000000e+00> : vector<64x1xf32>
    %dot_general3A_76 = tpu.matmul %convert_element_type3A_6, %exp3A, %dot_general3A_75 {dimension_numbers = #tpu.dot_dimension_numbers<[0], [0], [1], [1], [0, 1, 1, 1], [], []>, transpose_lhs_hint = false} : vector<10240x64xf32>, vector<10240x1xf32>, vector<64x1xf32> -> vector<64x1xf32>
    %dot_general3A_77 = arith.constant dense<0.000000e+00> : vector<10240x1xf32>
    %dot_general3A_78 = tpu.matmul %convert_element_type3A_6, %dot_general3A_76, %dot_general3A_77 {dimension_numbers = #tpu.dot_dimension_numbers<[1], [0], [0], [1], [0, 0, 1, 1], [], []>, transpose_lhs_hint = false} : vector<10240x64xf32>, vector<64x1xf32>, vector<10240x1xf32> -> vector<10240x1xf32>
    %add3A_79 = arith.constant 1.000000e-16 : f32
    %add3A_80 = vector.broadcast %add3A_79 : f32 to vector<10240x1xf32>
    %add3A_81 = arith.addf %dot_general3A_78, %add3A_80 : vector<10240x1xf32>
    %div3A = arith.divf %exp3A, %add3A_81 : vector<10240x1xf32>
    %mul3A_82 = vector.broadcast %div3A : vector<10240x1xf32> to vector<10240x32xf32>
    %mul3A_83 = arith.mulf %mul3A_82, %get3A_1 : vector<10240x32xf32>
    %dot_general3A_84 = arith.constant dense<0.000000e+00> : vector<64x32xf32>
    %dot_general3A_85 = tpu.matmul %convert_element_type3A_6, %mul3A_83, %dot_general3A_84 {dimension_numbers = #tpu.dot_dimension_numbers<[0], [0], [1], [1], [0, 1, 1, 1], [], []>, transpose_lhs_hint = false} : vector<10240x64xf32>, vector<10240x32xf32>, vector<64x32xf32> -> vector<64x32xf32>
    %concatenate3A = tpu.concatenate %mul3A_54, %dot_general3A_85 in 1 : vector<64x32xf32>, vector<64x32xf32> -> vector<64x64xf32>
    %get3A_86 = arith.constant 0 : index
    %get3A_87 = arith.constant 0 : index
    %get3A_88 = vector.load %arg2[%get3A_86, %get3A_87] : memref<64x128xf32, #tpu.memory_space<vmem>>, vector<64x128xf32>
    %dot_general3A_89 = arith.constant dense<0.000000e+00> : vector<64x128xf32>
    %dot_general3A_90 = tpu.matmul %concatenate3A, %get3A_88, %dot_general3A_89 {dimension_numbers = #tpu.dot_dimension_numbers<[1], [0], [0], [1], [0, 0, 1, 1], [], []>, transpose_lhs_hint = false} : vector<64x64xf32>, vector<64x128xf32>, vector<64x128xf32> -> vector<64x128xf32>
    %get3A_91 = arith.constant 0 : index
    %get3A_92 = arith.constant 0 : index
    %get3A_93 = vector.load %arg4[%get3A_91, %get3A_92] : memref<1x128xf32, #tpu.memory_space<vmem>>, vector<1x128xf32>
    %add3A_94 = vector.broadcast %get3A_93 : vector<1x128xf32> to vector<64x128xf32>
    %add3A_95 = arith.addf %dot_general3A_90, %add3A_94 : vector<64x128xf32>
    %get3A_96 = arith.constant 0 : index
    %get3A_97 = arith.constant 0 : index
    %get3A_98 = vector.load %arg3[%get3A_96, %get3A_97] : memref<32x128xf32, #tpu.memory_space<vmem>>, vector<32x128xf32>
    %dot_general3A_99 = arith.constant dense<0.000000e+00> : vector<64x128xf32>
    %dot_general3A_100 = tpu.matmul %mul3A_54, %get3A_98, %dot_general3A_99 {dimension_numbers = #tpu.dot_dimension_numbers<[1], [0], [0], [1], [0, 0, 1, 1], [], []>, transpose_lhs_hint = false} : vector<64x32xf32>, vector<32x128xf32>, vector<64x128xf32> -> vector<64x128xf32>
    %add3A_101 = arith.addf %add3A_95, %dot_general3A_100 : vector<64x128xf32>
    %get3A_102 = arith.constant 0 : index
    %get3A_103 = arith.constant 0 : index
    %get3A_104 = vector.load %arg5[%get3A_102, %get3A_103] : memref<1x128xf32, #tpu.memory_space<vmem>>, vector<1x128xf32>
    %add3A_105 = vector.broadcast %get3A_104 : vector<1x128xf32> to vector<64x128xf32>
    %add3A_106 = arith.addf %add3A_101, %add3A_105 : vector<64x128xf32>
    %slice3A_107 = vector.extract_strided_slice %add3A_106 {offsets = [0, 0], sizes = [64, 32], strides = [1, 1]} : vector<64x128xf32> to vector<64x32xf32>
    %logistic3A_108 = arith.negf %slice3A_107 : vector<64x32xf32>
    %logistic3A_109 = math.exp %logistic3A_108 : vector<64x32xf32>
    %logistic3A_110 = arith.constant 1.000000e+00 : f32
    %logistic3A_111 = vector.broadcast %logistic3A_110 : f32 to vector<64x32xf32>
    %logistic3A_112 = arith.addf %logistic3A_111, %logistic3A_109 : vector<64x32xf32>
    %logistic3A_113 = arith.divf %logistic3A_111, %logistic3A_112 : vector<64x32xf32>
    %slice3A_114 = vector.extract_strided_slice %add3A_106 {offsets = [0, 32], sizes = [64, 32], strides = [1, 1]} : vector<64x128xf32> to vector<64x32xf32>
    %logistic3A_115 = arith.negf %slice3A_114 : vector<64x32xf32>
    %logistic3A_116 = math.exp %logistic3A_115 : vector<64x32xf32>
    %logistic3A_117 = arith.constant 1.000000e+00 : f32
    %logistic3A_118 = vector.broadcast %logistic3A_117 : f32 to vector<64x32xf32>
    %logistic3A_119 = arith.addf %logistic3A_118, %logistic3A_116 : vector<64x32xf32>
    %logistic3A_120 = arith.divf %logistic3A_118, %logistic3A_119 : vector<64x32xf32>
    %slice3A_121 = vector.extract_strided_slice %add3A_106 {offsets = [0, 64], sizes = [64, 32], strides = [1, 1]} : vector<64x128xf32> to vector<64x32xf32>
    %tanh3A_122 = math.tanh %slice3A_121 : vector<64x32xf32>
    %slice3A_123 = vector.extract_strided_slice %add3A_106 {offsets = [0, 96], sizes = [64, 32], strides = [1, 1]} : vector<64x128xf32> to vector<64x32xf32>
    %logistic3A_124 = arith.negf %slice3A_123 : vector<64x32xf32>
    %logistic3A_125 = math.exp %logistic3A_124 : vector<64x32xf32>
    %logistic3A_126 = arith.constant 1.000000e+00 : f32
    %logistic3A_127 = vector.broadcast %logistic3A_126 : f32 to vector<64x32xf32>
    %logistic3A_128 = arith.addf %logistic3A_127, %logistic3A_125 : vector<64x32xf32>
    %logistic3A_129 = arith.divf %logistic3A_127, %logistic3A_128 : vector<64x32xf32>
    %mul3A_130 = arith.mulf %logistic3A_120, %add3A_52 : vector<64x32xf32>
    %mul3A_131 = arith.mulf %logistic3A_113, %tanh3A_122 : vector<64x32xf32>
    %add3A_132 = arith.addf %mul3A_130, %mul3A_131 : vector<64x32xf32>
    %tanh3A_133 = math.tanh %add3A_132 : vector<64x32xf32>
    %mul3A_134 = arith.mulf %logistic3A_129, %tanh3A_133 : vector<64x32xf32>
    %dot_general3A_135 = arith.constant dense<0.000000e+00> : vector<10240x32xf32>
    %dot_general3A_136 = tpu.matmul %convert_element_type3A_6, %mul3A_134, %dot_general3A_135 {dimension_numbers = #tpu.dot_dimension_numbers<[1], [0], [0], [1], [0, 0, 1, 1], [], []>, transpose_lhs_hint = false} : vector<10240x64xf32>, vector<64x32xf32>, vector<10240x32xf32> -> vector<10240x32xf32>
    %mul3A_137 = arith.mulf %get3A_1, %dot_general3A_136 : vector<10240x32xf32>
    %reduce_sum3A_138 = arith.constant dense<0.000000e+00> : vector<10240xf32>
    %reduce_sum3A_139 = vector.multi_reduction <add>, %mul3A_137, %reduce_sum3A_138 [1] : vector<10240x32xf32> to vector<10240xf32>
    %broadcast_in_dim3A_140 = vector.shape_cast %reduce_sum3A_139 : vector<10240xf32> to vector<10240x1xf32>
    %gt3A_141 = arith.constant 0.000000e+00 : f32
    %gt3A_142 = vector.broadcast %gt3A_141 : f32 to vector<10240x64xf32>
    %gt3A_143 = arith.cmpf ogt, %convert_element_type3A_6, %gt3A_142 : vector<10240x64xf32>
    %jit3A_144 = arith.constant -3.000000e+38 : f32
    %broadcast_in_dim3A_145 = vector.shape_cast %broadcast_in_dim3A_140 : vector<10240x1xf32> to vector<10240x1xf32>
    %broadcast_in_dim3A_146 = vector.broadcast %broadcast_in_dim3A_145 : vector<10240x1xf32> to vector<10240x64xf32>
    %broadcast_in_dim3A_147 = vector.broadcast %jit3A_144 : f32 to vector<10240x64xf32>
    %select_n3A_148 = arith.select %gt3A_143, %broadcast_in_dim3A_146, %broadcast_in_dim3A_147 : vector<10240x64xi1>, vector<10240x64xf32>
    %reduce_max3A_149 = arith.constant dense<0xFF800000> : vector<64xf32>
    %reduce_max3A_150 = vector.multi_reduction <maximumf>, %select_n3A_148, %reduce_max3A_149 [0] : vector<10240x64xf32> to vector<64xf32>
    %broadcast_in_dim3A_151 = vector.shape_cast %reduce_max3A_150 : vector<64xf32> to vector<1x64xf32>
    %gt3A_152 = arith.constant -9.99999968E+37 : f32
    %gt3A_153 = vector.broadcast %gt3A_152 : f32 to vector<1x64xf32>
    %gt3A_154 = arith.cmpf ogt, %broadcast_in_dim3A_151, %gt3A_153 : vector<1x64xf32>
    %jit3A_155 = arith.constant 0.000000e+00 : f32
    %broadcast_in_dim3A_156 = vector.broadcast %jit3A_155 : f32 to vector<1x64xf32>
    %select_n3A_157 = arith.select %gt3A_154, %broadcast_in_dim3A_151, %broadcast_in_dim3A_156 : vector<1x64xi1>, vector<1x64xf32>
    %reshape3A_158 = vector.shape_cast %select_n3A_157 : vector<1x64xf32> to vector<64x1xf32>
    %dot_general3A_159 = arith.constant dense<0.000000e+00> : vector<10240x1xf32>
    %dot_general3A_160 = tpu.matmul %convert_element_type3A_6, %reshape3A_158, %dot_general3A_159 {dimension_numbers = #tpu.dot_dimension_numbers<[1], [0], [0], [1], [0, 0, 1, 1], [], []>, transpose_lhs_hint = false} : vector<10240x64xf32>, vector<64x1xf32>, vector<10240x1xf32> -> vector<10240x1xf32>
    %sub3A_161 = arith.subf %broadcast_in_dim3A_140, %dot_general3A_160 : vector<10240x1xf32>
    %exp3A_162 = math.exp %sub3A_161 : vector<10240x1xf32>
    %dot_general3A_163 = arith.constant dense<0.000000e+00> : vector<64x1xf32>
    %dot_general3A_164 = tpu.matmul %convert_element_type3A_6, %exp3A_162, %dot_general3A_163 {dimension_numbers = #tpu.dot_dimension_numbers<[0], [0], [1], [1], [0, 1, 1, 1], [], []>, transpose_lhs_hint = false} : vector<10240x64xf32>, vector<10240x1xf32>, vector<64x1xf32> -> vector<64x1xf32>
    %dot_general3A_165 = arith.constant dense<0.000000e+00> : vector<10240x1xf32>
    %dot_general3A_166 = tpu.matmul %convert_element_type3A_6, %dot_general3A_164, %dot_general3A_165 {dimension_numbers = #tpu.dot_dimension_numbers<[1], [0], [0], [1], [0, 0, 1, 1], [], []>, transpose_lhs_hint = false} : vector<10240x64xf32>, vector<64x1xf32>, vector<10240x1xf32> -> vector<10240x1xf32>
    %add3A_167 = arith.constant 1.000000e-16 : f32
    %add3A_168 = vector.broadcast %add3A_167 : f32 to vector<10240x1xf32>
    %add3A_169 = arith.addf %dot_general3A_166, %add3A_168 : vector<10240x1xf32>
    %div3A_170 = arith.divf %exp3A_162, %add3A_169 : vector<10240x1xf32>
    %mul3A_171 = vector.broadcast %div3A_170 : vector<10240x1xf32> to vector<10240x32xf32>
    %mul3A_172 = arith.mulf %mul3A_171, %get3A_1 : vector<10240x32xf32>
    %dot_general3A_173 = arith.constant dense<0.000000e+00> : vector<64x32xf32>
    %dot_general3A_174 = tpu.matmul %convert_element_type3A_6, %mul3A_172, %dot_general3A_173 {dimension_numbers = #tpu.dot_dimension_numbers<[0], [0], [1], [1], [0, 1, 1, 1], [], []>, transpose_lhs_hint = false} : vector<10240x64xf32>, vector<10240x32xf32>, vector<64x32xf32> -> vector<64x32xf32>
    %concatenate3A_175 = tpu.concatenate %mul3A_134, %dot_general3A_174 in 1 : vector<64x32xf32>, vector<64x32xf32> -> vector<64x64xf32>
    %get3A_176 = arith.constant 0 : index
    %get3A_177 = arith.constant 0 : index
    %get3A_178 = vector.load %arg2[%get3A_176, %get3A_177] : memref<64x128xf32, #tpu.memory_space<vmem>>, vector<64x128xf32>
    %dot_general3A_179 = arith.constant dense<0.000000e+00> : vector<64x128xf32>
    %dot_general3A_180 = tpu.matmul %concatenate3A_175, %get3A_178, %dot_general3A_179 {dimension_numbers = #tpu.dot_dimension_numbers<[1], [0], [0], [1], [0, 0, 1, 1], [], []>, transpose_lhs_hint = false} : vector<64x64xf32>, vector<64x128xf32>, vector<64x128xf32> -> vector<64x128xf32>
    %get3A_181 = arith.constant 0 : index
    %get3A_182 = arith.constant 0 : index
    %get3A_183 = vector.load %arg4[%get3A_181, %get3A_182] : memref<1x128xf32, #tpu.memory_space<vmem>>, vector<1x128xf32>
    %add3A_184 = vector.broadcast %get3A_183 : vector<1x128xf32> to vector<64x128xf32>
    %add3A_185 = arith.addf %dot_general3A_180, %add3A_184 : vector<64x128xf32>
    %get3A_186 = arith.constant 0 : index
    %get3A_187 = arith.constant 0 : index
    %get3A_188 = vector.load %arg3[%get3A_186, %get3A_187] : memref<32x128xf32, #tpu.memory_space<vmem>>, vector<32x128xf32>
    %dot_general3A_189 = arith.constant dense<0.000000e+00> : vector<64x128xf32>
    %dot_general3A_190 = tpu.matmul %mul3A_134, %get3A_188, %dot_general3A_189 {dimension_numbers = #tpu.dot_dimension_numbers<[1], [0], [0], [1], [0, 0, 1, 1], [], []>, transpose_lhs_hint = false} : vector<64x32xf32>, vector<32x128xf32>, vector<64x128xf32> -> vector<64x128xf32>
    %add3A_191 = arith.addf %add3A_185, %dot_general3A_190 : vector<64x128xf32>
    %get3A_192 = arith.constant 0 : index
    %get3A_193 = arith.constant 0 : index
    %get3A_194 = vector.load %arg5[%get3A_192, %get3A_193] : memref<1x128xf32, #tpu.memory_space<vmem>>, vector<1x128xf32>
    %add3A_195 = vector.broadcast %get3A_194 : vector<1x128xf32> to vector<64x128xf32>
    %add3A_196 = arith.addf %add3A_191, %add3A_195 : vector<64x128xf32>
    %slice3A_197 = vector.extract_strided_slice %add3A_196 {offsets = [0, 0], sizes = [64, 32], strides = [1, 1]} : vector<64x128xf32> to vector<64x32xf32>
    %logistic3A_198 = arith.negf %slice3A_197 : vector<64x32xf32>
    %logistic3A_199 = math.exp %logistic3A_198 : vector<64x32xf32>
    %logistic3A_200 = arith.constant 1.000000e+00 : f32
    %logistic3A_201 = vector.broadcast %logistic3A_200 : f32 to vector<64x32xf32>
    %logistic3A_202 = arith.addf %logistic3A_201, %logistic3A_199 : vector<64x32xf32>
    %logistic3A_203 = arith.divf %logistic3A_201, %logistic3A_202 : vector<64x32xf32>
    %slice3A_204 = vector.extract_strided_slice %add3A_196 {offsets = [0, 32], sizes = [64, 32], strides = [1, 1]} : vector<64x128xf32> to vector<64x32xf32>
    %logistic3A_205 = arith.negf %slice3A_204 : vector<64x32xf32>
    %logistic3A_206 = math.exp %logistic3A_205 : vector<64x32xf32>
    %logistic3A_207 = arith.constant 1.000000e+00 : f32
    %logistic3A_208 = vector.broadcast %logistic3A_207 : f32 to vector<64x32xf32>
    %logistic3A_209 = arith.addf %logistic3A_208, %logistic3A_206 : vector<64x32xf32>
    %logistic3A_210 = arith.divf %logistic3A_208, %logistic3A_209 : vector<64x32xf32>
    %slice3A_211 = vector.extract_strided_slice %add3A_196 {offsets = [0, 64], sizes = [64, 32], strides = [1, 1]} : vector<64x128xf32> to vector<64x32xf32>
    %tanh3A_212 = math.tanh %slice3A_211 : vector<64x32xf32>
    %slice3A_213 = vector.extract_strided_slice %add3A_196 {offsets = [0, 96], sizes = [64, 32], strides = [1, 1]} : vector<64x128xf32> to vector<64x32xf32>
    %logistic3A_214 = arith.negf %slice3A_213 : vector<64x32xf32>
    %logistic3A_215 = math.exp %logistic3A_214 : vector<64x32xf32>
    %logistic3A_216 = arith.constant 1.000000e+00 : f32
    %logistic3A_217 = vector.broadcast %logistic3A_216 : f32 to vector<64x32xf32>
    %logistic3A_218 = arith.addf %logistic3A_217, %logistic3A_215 : vector<64x32xf32>
    %logistic3A_219 = arith.divf %logistic3A_217, %logistic3A_218 : vector<64x32xf32>
    %mul3A_220 = arith.mulf %logistic3A_210, %add3A_132 : vector<64x32xf32>
    %mul3A_221 = arith.mulf %logistic3A_203, %tanh3A_212 : vector<64x32xf32>
    %add3A_222 = arith.addf %mul3A_220, %mul3A_221 : vector<64x32xf32>
    %tanh3A_223 = math.tanh %add3A_222 : vector<64x32xf32>
    %mul3A_224 = arith.mulf %logistic3A_219, %tanh3A_223 : vector<64x32xf32>
    %dot_general3A_225 = arith.constant dense<0.000000e+00> : vector<10240x32xf32>
    %dot_general3A_226 = tpu.matmul %convert_element_type3A_6, %mul3A_224, %dot_general3A_225 {dimension_numbers = #tpu.dot_dimension_numbers<[1], [0], [0], [1], [0, 0, 1, 1], [], []>, transpose_lhs_hint = false} : vector<10240x64xf32>, vector<64x32xf32>, vector<10240x32xf32> -> vector<10240x32xf32>
    %mul3A_227 = arith.mulf %get3A_1, %dot_general3A_226 : vector<10240x32xf32>
    %reduce_sum3A_228 = arith.constant dense<0.000000e+00> : vector<10240xf32>
    %reduce_sum3A_229 = vector.multi_reduction <add>, %mul3A_227, %reduce_sum3A_228 [1] : vector<10240x32xf32> to vector<10240xf32>
    %broadcast_in_dim3A_230 = vector.shape_cast %reduce_sum3A_229 : vector<10240xf32> to vector<10240x1xf32>
    %gt3A_231 = arith.constant 0.000000e+00 : f32
    %gt3A_232 = vector.broadcast %gt3A_231 : f32 to vector<10240x64xf32>
    %gt3A_233 = arith.cmpf ogt, %convert_element_type3A_6, %gt3A_232 : vector<10240x64xf32>
    %jit3A_234 = arith.constant -3.000000e+38 : f32
    %broadcast_in_dim3A_235 = vector.shape_cast %broadcast_in_dim3A_230 : vector<10240x1xf32> to vector<10240x1xf32>
    %broadcast_in_dim3A_236 = vector.broadcast %broadcast_in_dim3A_235 : vector<10240x1xf32> to vector<10240x64xf32>
    %broadcast_in_dim3A_237 = vector.broadcast %jit3A_234 : f32 to vector<10240x64xf32>
    %select_n3A_238 = arith.select %gt3A_233, %broadcast_in_dim3A_236, %broadcast_in_dim3A_237 : vector<10240x64xi1>, vector<10240x64xf32>
    %reduce_max3A_239 = arith.constant dense<0xFF800000> : vector<64xf32>
    %reduce_max3A_240 = vector.multi_reduction <maximumf>, %select_n3A_238, %reduce_max3A_239 [0] : vector<10240x64xf32> to vector<64xf32>
    %broadcast_in_dim3A_241 = vector.shape_cast %reduce_max3A_240 : vector<64xf32> to vector<1x64xf32>
    %gt3A_242 = arith.constant -9.99999968E+37 : f32
    %gt3A_243 = vector.broadcast %gt3A_242 : f32 to vector<1x64xf32>
    %gt3A_244 = arith.cmpf ogt, %broadcast_in_dim3A_241, %gt3A_243 : vector<1x64xf32>
    %jit3A_245 = arith.constant 0.000000e+00 : f32
    %broadcast_in_dim3A_246 = vector.broadcast %jit3A_245 : f32 to vector<1x64xf32>
    %select_n3A_247 = arith.select %gt3A_244, %broadcast_in_dim3A_241, %broadcast_in_dim3A_246 : vector<1x64xi1>, vector<1x64xf32>
    %reshape3A_248 = vector.shape_cast %select_n3A_247 : vector<1x64xf32> to vector<64x1xf32>
    %dot_general3A_249 = arith.constant dense<0.000000e+00> : vector<10240x1xf32>
    %dot_general3A_250 = tpu.matmul %convert_element_type3A_6, %reshape3A_248, %dot_general3A_249 {dimension_numbers = #tpu.dot_dimension_numbers<[1], [0], [0], [1], [0, 0, 1, 1], [], []>, transpose_lhs_hint = false} : vector<10240x64xf32>, vector<64x1xf32>, vector<10240x1xf32> -> vector<10240x1xf32>
    %sub3A_251 = arith.subf %broadcast_in_dim3A_230, %dot_general3A_250 : vector<10240x1xf32>
    %exp3A_252 = math.exp %sub3A_251 : vector<10240x1xf32>
    %dot_general3A_253 = arith.constant dense<0.000000e+00> : vector<64x1xf32>
    %dot_general3A_254 = tpu.matmul %convert_element_type3A_6, %exp3A_252, %dot_general3A_253 {dimension_numbers = #tpu.dot_dimension_numbers<[0], [0], [1], [1], [0, 1, 1, 1], [], []>, transpose_lhs_hint = false} : vector<10240x64xf32>, vector<10240x1xf32>, vector<64x1xf32> -> vector<64x1xf32>
    %dot_general3A_255 = arith.constant dense<0.000000e+00> : vector<10240x1xf32>
    %dot_general3A_256 = tpu.matmul %convert_element_type3A_6, %dot_general3A_254, %dot_general3A_255 {dimension_numbers = #tpu.dot_dimension_numbers<[1], [0], [0], [1], [0, 0, 1, 1], [], []>, transpose_lhs_hint = false} : vector<10240x64xf32>, vector<64x1xf32>, vector<10240x1xf32> -> vector<10240x1xf32>
    %add3A_257 = arith.constant 1.000000e-16 : f32
    %add3A_258 = vector.broadcast %add3A_257 : f32 to vector<10240x1xf32>
    %add3A_259 = arith.addf %dot_general3A_256, %add3A_258 : vector<10240x1xf32>
    %div3A_260 = arith.divf %exp3A_252, %add3A_259 : vector<10240x1xf32>
    %mul3A_261 = vector.broadcast %div3A_260 : vector<10240x1xf32> to vector<10240x32xf32>
    %mul3A_262 = arith.mulf %mul3A_261, %get3A_1 : vector<10240x32xf32>
    %dot_general3A_263 = arith.constant dense<0.000000e+00> : vector<64x32xf32>
    %dot_general3A_264 = tpu.matmul %convert_element_type3A_6, %mul3A_262, %dot_general3A_263 {dimension_numbers = #tpu.dot_dimension_numbers<[0], [0], [1], [1], [0, 1, 1, 1], [], []>, transpose_lhs_hint = false} : vector<10240x64xf32>, vector<10240x32xf32>, vector<64x32xf32> -> vector<64x32xf32>
    %concatenate3A_265 = tpu.concatenate %mul3A_224, %dot_general3A_264 in 1 : vector<64x32xf32>, vector<64x32xf32> -> vector<64x64xf32>
    %swap3A = arith.constant 0 : index
    %swap3A_266 = arith.constant 0 : index
    %swap3A_267 = vector.load %arg6[%swap3A, %swap3A_266] : memref<64x64xf32, #tpu.memory_space<vmem>>, vector<64x64xf32>
    tpu.vector_store %arg6[%swap3A, %swap3A_266], %concatenate3A_265 {strides = array<i32>} : memref<64x64xf32, #tpu.memory_space<vmem>>, vector<64x64xf32>,
    return
  }
}

</mosaic_0001>

<sc_bundles>
// kernel: kernel.16.cloned.1.call-start
scs
__scs_entry_jumppad:
0x0: {  	(pc) =	sbr.rel $0x88, $3  }
0x1: {  	(tag) =	ssettag $0x0;
	lr =	simm.s32 $0x1  }
0x2: {  	[smem:$0x3F8E] =	sst lr;
	_ =	strace $0xD0000000  }
0x3: {  	_ = 	snop  }
0x4: {  	_ = 	snop  }
0x5: {  	_ = 	snop  }
0x6: {  	_ = 	snop  }
0x7: {  	_ = 	snop  }
__scs_overlays_trampoline_lowered:
0x8: {  	[smem:$0x3F9D] =	sst s0  }
0x9: {  	[smem:$0x3F9E] =	sst s1  }
0xa: {  	[smem:$0x3F9F] =	sst s2  }
0xb: {  	[smem:$0x3FA0] =	sst s3  }
0xc: {  	[smem:$0x3FA1] =	sst s4  }
0xd: {  	[smem:$0x3FA2] =	sst s5  }
0xe: {  	[smem:$0x3FA3] =	sst s6  }
0xf: {  	[smem:$0x3FA4] =	sst s7  }
0x10: {  	[smem:$0x3FA5] =	sst s8  }
0x11: {  	[smem:$0x3FA6] =	sst s9;
	s0 =	simm.s32 @!p0 $0x0  }
0x12: {  	s1 =	sld [smem:$0x3F8C];
	s0 =	simm.s32 @p0 $0x1  }
0x13: {  	[smem:$0x3FA7] =	sst s0;
	s0 =	simm.s32 @!p1 $0x0  }
0x14: {  	s2 =	sld [smem:$0x3F8B];
	s0 =	simm.s32 @p1 $0x1  }
0x15: {  	[smem:$0x3FA8] =	sst s0;
	s0 =	simm.s32 @!p2 $0x0  }
0x16: {  	s3 =	sld [smem:$0x3FDB];
	s0 =	simm.s32 @p2 $0x1  }
0x17: {  	s4 =	simm.s32 $0x1BF5;
	[smem:$0x3FAA] =	sst s0  }
0x18: {  	s0 =	sld [smem:$0x3F8D];
	_ =	swait.ge [sflag:s4], $0x0  }
0x19: {  	s7 =	sld [smem:$0x3F8E]  }
0x1a: {  	s8 =	sadd.s32 $0xFFFFE003, lr  }
0x1b: {  	s9 =	sadd.s32 $0xFFFFFEF7, lr;
	s5 =	simm.s32 $0xFFFFFFFF;
	p2 =	slt.u32 s8, $0xFFFFF086  }
0x1c: {  	p1 =	slt.u32 s9, $0xF7A;
	s5 =	simm.s32 @!p2 $0x0  }
0x1d: {  	s5 =	simm.s32 @p1 $0x1;
	p0 =	seq.s32 s7, s2  }
0x1e: {  	s7 =	smul.u32 @!p0 $0xF7A, s2;
	p2 =	seq.s32 @!p0 s5, $0x0  }
0x1f: {  	s9 =	smul.u32 $0xF7A, s1;
	s8 =	simm.s32 @!p0 $0x1BF5;
	p2 =	por !p2, p0  }
0x20: {  	[sflag:s8] =	ssyncset.s32 @!p0 $0xFFFFF086;
	s6 =	sadd.s32 @!p0 s3, s7;
	s7 =	simm.s32 @!p0 $0x108  }
0x21: {  	s3 =	sadd.s32 s3, s9;
	s6 =	sadd.s32 @!p0 $0x88, s6;
	s7 =	simm.s32 @p2 $0x1082  }
0x22: {  	[simem:s7], [sflag:s8] =	dma.local @!p0 [hbm:s6], $0xF7A  }
0x23: {  	s9 =	sor.u32 $0xD0000000, s2;
	s6 =	simm.s32 $0x108;
	_ =	swait.ge @!p0 [sflag:s8], $0x0  }
0x24: {  	s3 =	sadd.s32 $0x88, s3;
	s6 =	simm.s32 @!p1 $0x1082;
	[sflag:s4] =	ssyncset.s32 $0xFFFFF086  }
0x25: {  	[simem:s6], [sflag:s4] =	dma.local [hbm:s3], $0xF7A  }
0x26: {  	[smem:$0x3F8E] =	sst s1;
	(tag) =	ssettag s2;
	_ =	strace s9  }
0x27: {  	s1 =	sld [smem:$0x3F9E]  }
0x28: {  	s2 =	sld [smem:$0x3F9F]  }
0x29: {  	s4 =	sld [smem:$0x3FA1]  }
0x2a: {  	p0 =	seq.s32 s5, $0x0;
	s5 =	sld [smem:$0x3FA2]  }
0x2b: {  	s6 =	sld [smem:$0x3FA3]  }
0x2c: {  	s7 =	sld [smem:$0x3FA4]  }
0x2d: {  	s3 =	simm.s32 $0x108;
	s8 =	sld [smem:$0x3FA5]  }
0x2e: {  	s3 =	simm.s32 @!p0 $0x1082;
	s9 =	sld [smem:$0x3FA6]  }
0x2f: {  	lr =	sadd.s32 s0, s3;
	s0 =	sld [smem:$0x3F9D]  }
0x30: {  	s3 =	sld [smem:$0x3FA0]  }
0x31: {  	[smem:$0x3FA9] =	sst s10  }
0x32: {  	s10 =	sld [smem:$0x3FA7];
	_ =	sdelay $0x3  }
0x33: {  	p0 =	seq.s32 s10, $0x1;
	s10 =	sld [smem:$0x3FA9];
	_ =	sdelay $0x3  }
0x34: {  	[smem:$0x3FA9] =	sst s10  }
0x35: {  	s10 =	sld [smem:$0x3FA8];
	_ =	sdelay $0x3  }
0x36: {  	p1 =	seq.s32 s10, $0x1;
	s10 =	sld [smem:$0x3FA9];
	_ =	sdelay $0x3  }
0x37: {  	[smem:$0x3FA9] =	sst s10  }
0x38: {  	s10 =	sld [smem:$0x3FAA]  }
0x39: {  	_ = 	snop;
	(pc) =	sbr.ind lr, $3  }
0x3a: {  	_ = 	snop  }
0x3b: {  	_ = 	snop  }
0x3c: {  	p2 =	seq.s32 s10, $0x1;
	s10 =	sld [smem:$0x3FA9]  }
0x3d: {  	_ =	shalt  }
0x3e: {  	_ =	shalt  }
0x3f: {  	_ =	shalt  }
0x40: {  	_ =	shalt  }
0x41: {  	_ =	shalt  }
0x42: {  	_ =	shalt  }
0x43: {  	_ =	shalt  }
0x44: {  	_ =	shalt  }
0x45: {  	_ =	shalt  }
0x46: {  	_ =	shalt  }
0x47: {  	_ =	shalt  }
0x48: {  	_ =	shalt  }
0x49: {  	_ =	shalt  }
0x4a: {  	_ =	shalt  }
0x4b: {  	_ =	shalt  }
0x4c: {  	_ =	shalt  }
0x4d: {  	_ =	shalt  }
0x4e: {  	_ =	shalt  }
0x4f: {  	_ =	shalt  }
0x50: {  	_ =	shalt  }
0x51: {  	_ =	shalt  }
0x52: {  	_ =	shalt  }
0x53: {  	_ =	shalt  }
0x54: {  	_ =	shalt  }
0x55: {  	_ =	shalt  }
0x56: {  	_ =	shalt  }
0x57: {  	_ =	shalt  }
0x58: {  	_ =	shalt  }
0x59: {  	_ =	shalt  }
0x5a: {  	_ =	shalt  }
0x5b: {  	_ =	shalt  }
0x5c: {  	_ =	shalt  }
0x5d: {  	_ =	shalt  }
0x5e: {  	_ =	shalt  }
0x5f: {  	_ =	shalt  }
0x60: {  	_ =	shalt  }
0x61: {  	_ =	shalt  }
0x62: {  	_ =	shalt  }
0x63: {  	_ =	shalt  }
0x64: {  	_ =	shalt  }
0x65: {  	_ =	shalt  }
0x66: {  	_ =	shalt  }
0x67: {  	_ =	shalt  }
0x68: {  	_ =	shalt  }
0x69: {  	_ =	shalt  }
0x6a: {  	_ =	shalt  }
0x6b: {  	_ =	shalt  }
0x6c: {  	_ =	shalt  }
0x6d: {  	_ =	shalt  }
0x6e: {  	_ =	shalt  }
0x6f: {  	_ =	shalt  }
0x70: {  	_ =	shalt  }
0x71: {  	_ =	shalt  }
0x72: {  	_ =	shalt  }
0x73: {  	_ =	shalt  }
0x74: {  	_ =	shalt  }
0x75: {  	_ =	shalt  }
0x76: {  	_ =	shalt  }
0x77: {  	_ =	shalt  }
0x78: {  	_ =	shalt  }
0x79: {  	_ =	shalt  }
0x7a: {  	_ =	shalt  }
0x7b: {  	_ =	shalt  }
0x7c: {  	_ =	shalt  }
0x7d: {  	_ =	shalt  }
0x7e: {  	_ =	shalt  }
0x7f: {  	_ =	shalt  }
0x80: {  	_ =	shalt  }
0x81: {  	_ =	shalt  }
0x82: {  	_ =	shalt  }
0x83: {  	_ =	shalt  }
0x84: {  	_ =	shalt  }
0x85: {  	_ =	shalt  }
0x86: {  	_ =	shalt  }
0x87: {  	_ =	shalt  }
.Lfunc_end0:
.L_simem_size_0:
called_computation_lowered:
.L_overlay_start_0:
0x88: {  	s2 =	sld [smem:$0x3FD9]  }
0x89: {  	s3 =	sld [smem:$0x3FFE];
	_ =	sdelay $0x1  }
0x8a: {  	s1 =	srdreg.scid  }
0x8b: {  	s0 =	sand.u32 $0x1, s1  }
0x8c: {  	s14 =	sshll.u32 s0, $0xA;
	s2 =	sadd.s32 s3, s2  }
0x8d: {  	s2 =	sadd.s32 s2, s14  }
0x8e: {  	[smem:$0x3FB5] =	sst s2  }
0x8f: {  	_ = 	snop  }
0x90: {  	s2 =	sld [smem:$0x3FD0];
	_ =	sdelay $0x2  }
0x91: {  	s15 =	simm.s32 $0xA;
	s4 =	simm.s32 $0x10  }
0x92: {  	[smem:s4], [sflag:s15] =	dma.local [hbm:s2], $0x1  }
0x93: {  	_ =	swait.eq [sflag:s15], $0x1  }
0x94: {  	[sflag:s15] =	ssyncset.done $0x0  }
0x95: {  	s16 =	sld [smem:$0x10];
	[sflag:s15] =	ssyncadd.s32 $0xFFFFFFFF  }
0x96: {  	s17 =	sld [smem:$0x11];
	(tm) =	ssettm $0x1  }
0x97: {  	s18 =	sld [smem:$0x3FFB];
	_ =	sdelay $0x3  }
0x98: {  	_ =	strace s18  }
0x99: {  	s4 =	sld [smem:$0x3FFC];
	_ =	sdelay $0x3  }
0x9a: {  	_ =	strace s4  }
0x9b: {  	s4 =	sld [smem:$0x3FFD];
	_ =	sdelay $0x3  }
0x9c: {  	_ =	strace s4  }
0x9d: {  	_ =	strace $0x8FFFFFFF  }
0x9e: {  	s19 =	sld [smem:$0x3FDB];
	_ =	sdelay $0x1  }
0x9f: {  	s5 =	simm.s32 $_scs_section_size  }
0xa0: {  	s6 =	simm.s32 $_size__tile_overlayer_lowered;
	s7 =	simm.s32 $_tile_overlayer_lowered  }
0xa1: {  	s22 =	simm.s32 $0x1BFF;
	s21 =	sshll.u32 s7, $0x1;
	s4 =	sadd.s32 s5, s19  }
0xa2: {  	s8 =	simm.s32 $0x0;
	s20 =	sshll.u32 s6, $0x1;
	s6 =	sadd.s32 s21, s4  }
0xa3: {  	[timem:s8], [sflag:s22] =	dma.local [hbm:s6], s20  }
0xa4: {  	_ =	swait.ge [sflag:s22], s20  }
0xa5: {  	s5 =	ssub.s32 $0x0, s20;
	[sflag:s22] =	ssyncset.done $0x0  }
0xa6: {  	[sflag:s22] =	ssyncadd.s32 s5;
	_ =	sdelay $0x1  }
0xa7: {  	s23 =	simm.s32 $0x1B8B  }
0xa8: {  	_ =	swait.ge [sflag:s23], $0x1  }
0xa9: {  	[sflag:s23] =	ssyncset.done $0x0  }
0xaa: {  	s25 =	simm.s32 $0x1B8E;
	s24 =	sld [smem:$0x3FFE];
	[sflag:s23] =	ssyncadd.s32 $0xFFFFFFFF  }
0xab: {  	s26 =	simm.s32 $execute0_lowered;
	[smem:$0x3FD2] =	sst s25  }
0xac: {  	s6 =	sshll.u32 s26, $0x1;
	_ =	strace $0x80000046;
	[dreg:$0x1] =	wrdreg $0xFFFFFFFF  }
0xad: {  	s28 =	simm.s32 $_size_execute0_lowered;
	s4 =	sadd.s32 s4, s6;
	[dreg:$0x0] =	wrdreg $0x0  }
0xae: {  	s6 =	sshll.u32 s28, $0x1;
	[dreg:$0x2] =	wrdreg s4  }
0xaf: {  	[dreg:$0x3] =	wrdreg s6  }
0xb0: {  	[dreg:$0x4] =	wrdreg $0xC0  }
0xb1: {  	_ =	task [dreg:s8], $0x5FFFF  }
0xb2: {  	[dreg:$0x1] =	wrdreg $0xFFFFFFFF  }
0xb3: {  	[dreg:$0x0] =	wrdreg $0x60  }
0xb4: {  	[dreg:$0x2] =	wrdreg s24  }
0xb5: {  	[dreg:$0x3] =	wrdreg s17  }
0xb6: {  	[dreg:$0x4] =	wrdreg s16  }
0xb7: {  	[dreg:$0x5] =	wrdreg $0x0  }
0xb8: {  	[dreg:$0x6] =	wrdreg $0x9  }
0xb9: {  	_ =	task.clear_ibuf [dreg:s8], $0x7FFFF;
	_ =	strace $0x90000046  }
0xba: {  	s29 =	simm.s32 $0x9;
	_ =	strace $0x80000048  }
0xbb: {  	_ =	swait.ge [sflag:s29], $0x1  }
0xbc: {  	[sflag:s29] =	ssyncadd.s32 $0xFFFFFFFF  }
0xbd: {  	_ =	strace $0x90000048  }
0xbe: {  	_ =	sfence  }
0xbf: {  	s30 =	sld [smem:$0x0];
	_ =	sdelay $0x2  }
0xc0: {  	s31 =	sshll.u32 s1, $0xD;
	s1 =	sshrl.u32 s1, $0x2  }
0xc1: {  	s3 =	sand.u32 $0x4000, s31;
	s1 =	sadd.s32 s1, s30  }
0xc2: {  	s0 =	sor.u32 s3, s0;
	s1 =	sshll.u32 s1, $0x11  }
0xc3: {  	s0 =	sor.u32 s1, s0  }
0xc4: {  	s0 =	sadd.s32 $0x8F2B, s0  }
0xc5: {  	[sflag:s0] =	ssyncadd.remote.s32 $0x1  }
0xc6: {  	_ =	sfence.sel $0xFFFF  }
0xc7: {  	[dreg:$0x0] =	wrdreg $0xFFFFFFFF;
	(pc) =	sbr.abs _section_cstart, $3  }
0xc8: {  	[dreg:$0x1] =	wrdreg $0xFFFFFFFF  }
0xc9: {  	_ =	task.clear_ibuf [dreg:s8], $0x2FFFF;
	_ =	strace $0x9FFFFFFF  }
0xca: {  	(tm) =	ssettm $0x7FFFFFFF  }
0xcb: {  	_ =	shalt  }
tec
execute0_lowered:
.L_overlay_start_1:
0x0: {  	(tag) =	ssettag $0x1  }
0x1: {  	s0 =	rddreg [dreg:$0x0]  }
0x2: {  	s1 =	rddreg [dreg:$0x1]  }
0x3: {  	s2 =	rddreg [dreg:$0x2]  }
0x4: {  	s3 =	srdreg.scid;
	[dreg:$0x5] =	wrdreg s2  }
0x5: {  	s4 =	sand.u32 $0x1, s3;
	s3 =	rddreg [dreg:$0x3];
	s2 =	simm.s32 $0x0  }
0x6: {  	s13 =	simm.s32 $0x64A0;
	[smem:$0x7FF] =	sst s2  }
0x7: {  	s14 =	simm.s32 $0x6520;
	_ =	strace $0x80000047;
	[dreg:$0xe] =	wrdreg s13  }
0x8: {  	s15 =	simm.s32 $0x65A0;
	[dreg:$0xf] =	wrdreg s14  }
0x9: {  	s12 =	stileid.u32;
	s16 =	simm.s32 $0x6620;
	[dreg:$0x10] =	wrdreg s15  }
0xa: {  	s17 =	simm.s32 $0x66A0;
	s18 =	simm.s32 $0x6720;
	[dreg:$0x11] =	wrdreg s16  }
0xb: {  	s19 =	simm.s32 $0x67A0;
	s21 =	simm.s32 $0x6820;
	[dreg:$0x12] =	wrdreg s17  }
0xc: {  	s22 =	simm.s32 $0x68A0;
	s23 =	simm.s32 $0x5520;
	[dreg:$0x13] =	wrdreg s18  }
0xd: {  	s30 =	simm.s32 $0x5020;
	s31 =	simm.s32 $0x6420;
	[dreg:$0x14] =	wrdreg s19  }
0xe: {  	s29 =	simm.s32 $0x7220;
	s28 =	simm.s32 $0x72A0;
	[dreg:$0x15] =	wrdreg s21  }
0xf: {  	p0 =	por $0x0, $0x0;
	s24 =	sshll.u32 s12, $0x1;
	[dreg:$0x16] =	wrdreg s22  }
0x10: {  	s5 =	sor.u32 s4, s24;
	s24 =	simm.s32 $0x6920;
	[dreg:$0x17] =	wrdreg s23  }
0x11: {  	s6 =	smul.u32 $0x5020, s12;
	[dreg:$0x18] =	wrdreg s24;
	s13 =	simm.s32 $0x6BA0  }
0x12: {  	s10 =	sadd.s32 $0x1DE00, s0;
	s14 =	simm.s32 $0x6C20;
	[dreg:$0x1d] =	wrdreg s13  }
0x13: {  	s20 =	smul.u32 $0xA000, s4;
	s15 =	simm.s32 $0x6CA0;
	[dreg:$0x1e] =	wrdreg s14  }
0x14: {  	s4 =	ssub.s32 $0x2, s4;
	s16 =	simm.s32 $0x6D20;
	[dreg:$0x1f] =	wrdreg s15  }
0x15: {  	s7 =	smul.u32 $0x280, s5;
	s17 =	simm.s32 $0x6DA0;
	[smem:$0x7F3] =	sst s16  }
0x16: {  	s8 =	sshrl.u32 s6, $0x3;
	s18 =	simm.s32 $0x5A20;
	[smem:$0x7F4] =	sst s17  }
0x17: {  	s11 =	smul.u32 $0x28000, s5;
	s19 =	simm.s32 $0x6E20;
	[smem:$0x7F5] =	sst s18  }
0x18: {  	s5 =	smul.u32 $0x5000, s5;
	s21 =	simm.s32 $0x6F20;
	[smem:$0x7F6] =	sst s19  }
0x19: {  	s6 =	sadd.s32 s6, s3;
	s22 =	simm.s32 $0x6FA0;
	[smem:$0x7F8] =	sst s21  }
0x1a: {  	s23 =	simm.s32 $0x7020;
	s24 =	simm.s32 $0x70A0;
	[smem:$0x7F9] =	sst s22  }
0x1b: {  	s8 =	sadd.s32 s8, s0;
	s15 =	simm.s32 $0x500;
	[smem:$0x7FA] =	sst s23  }
0x1c: {  	s19 =	simm.s32 $0x8820;
	[smem:$0x7FB] =	sst s24;
	s24 =	simm.s32 $0x73A0  }
0x1d: {  	s23 =	simm.s32 $0x7420;
	s21 =	simm.s32 $0x74A0;
	s22 =	simm.s32 $0x7520  }
0x1e: {  	s18 =	simm.s32 $0x7620;
	s17 =	simm.s32 $0x76A0;
	s16 =	simm.s32 $0x7720  }
0x1f: {  	s9 =	sadd.s32 s7, s0;
	s8 =	sadd.s32 $0x13C00, s8;
	s1 =	sadd.s32 s1, s7  }
0x20: {  	s26 =	sshrl.u32 s11, $0x3;
	s5 =	sadd.s32 s10, s5;
	[dreg:$0x6] =	wrdreg s8  }
0x21: {  	s11 =	sshrl.u32 s6, $0x3;
	s6 =	sadd.s32 $0x9C00, s0;
	[dreg:$0x7] =	wrdreg s1  }
0x22: {  	s0 =	sadd.s32 s20, s0;
	s20 =	simm.s32 $0x6EA0;
	[dreg:$0x9] =	wrdreg s5  }
0x23: {  	s25 =	sadd.s32 $0x4C00, s9;
	s7 =	sadd.s32 s10, s26;
	[dreg:$0xd] =	wrdreg s11  }
0x24: {  	s26 =	simm.s32 $0x69A0;
	s11 =	smul.u32 $0x5000, s12;
	[smem:$0x7F7] =	sst s20  }
0x25: {  	s0 =	sadd.s32 $0xBDE00, s0;
	s20 =	simm.s32 $0x75A0;
	[dreg:$0x8] =	wrdreg s25  }
0x26: {  	s8 =	sadd.s32 $0x1400, s7;
	s9 =	sadd.s32 $0x2800, s7;
	[dreg:$0x19] =	wrdreg s26  }
0x27: {  	s10 =	sadd.s32 $0x3C00, s7;
	s25 =	sshrl.u32 s4, $0x1;
	[dreg:$0xa] =	wrdreg s8  }
0x28: {  	s7 =	simm.s32 $0x6A20;
	s26 =	simm.s32 $0x71A0;
	[dreg:$0xb] =	wrdreg s9  }
0x29: {  	[dreg:$0xc] =	wrdreg s10;
	s5 =	ssub.s32 s4, s25;
	s8 =	sshll.u32 s12, $0x6  }
0x2a: {  	[dreg:$0x1a] =	wrdreg s7;
	s9 =	simm.s32 $0x6AA0;
	s10 =	simm.s32 $0x6B20  }
0x2b: {  	s12 =	sshrl.u32 s11, $0x3;
	s13 =	sadd.s32 s11, s3;
	s7 =	simm.s32 $0x7820  }
0x2c: {  	s11 =	simm.s32 $0x80;
	s25 =	simm.s32 $0x7120;
	s14 =	smax.u32 s5, $0x1  }
0x2d: {  	[smem:$0x7FD] =	sst s26;
	s26 =	simm.s32 $0x7320;
	p1 =	sne.s32 s14, $0x1  }
.Ltmp0:
0x2e: {  	s4 =	sor.u32 $0x1C03, s8;
	[dreg:$0x1b] =	wrdreg s9;
	(pc) =	sbr.rel @!p1 .LBB2_3-.Ltmp0, $4  }
0x2f: {  	[dreg:$0x1c] =	wrdreg s10;
	s5 =	simm.s32 $0x3;
	s9 =	simm.s32 $0x1  }
0x30: {  	s10 =	simm.s32 $0x12820;
	[smem:$0x7FC] =	sst s25;
	s8 =	simm.s32 $0x2  }
0x31: {  	s25 =	simm.s32 $0x5F20;
	s12 =	sadd.s32 s12, s0;
	s13 =	sshrl.u32 s13, $0x3  }
0x32: {  	s0 =	rddreg [dreg:$0x6];
	s1 =	sadd.s32 $0xFFFFFFFF, s14;
	s14 =	simm.s32 $0x77A0  }
0x33: {  	[smem:$0x7F2] =	sst s1  }
0x34: {  	s1 =	rddreg [dreg:$0xd]  }
0x35: {  	[spmem:s1], [sflag:s4] =	dma.local [hbm:s0], $0xA04  }
0x36: {  	_ =	swait.ge [sflag:s5], $0xA04  }
0x37: {  	[sflag:s5] =	ssyncset.done $0x0  }
0x38: {  	s1 =	rddreg [dreg:$0x7];
	[sflag:s5] =	ssyncadd.s32 $0xFFFFF5FC  }
0x39: {  	[tilespmem:s30], [sflag:$0x3] =	stream.linear.gather [hbm4b:s1+s2], $0x1400, $0x38;
	[tilespmem:$0x1C820] =	vst v63  }
0x3a: {  	_ =	swait.ge [sflag:s5], $0x1400  }
0x3b: {  	[sflag:s5] =	ssyncset.done $0x0  }
0x3c: {  	s1 =	rddreg [dreg:$0x8];
	[sflag:s5] =	ssyncadd.s32 $0xFFFFEC00  }
0x3d: {  	[tilespmem:s31], [sflag:$0x3] =	stream.linear.gather [hbm4b:s1+s2], $0x1400, $0x38;
	[tilespmem:$0x1C820] =	vst v63  }
0x3e: {  	_ =	swait.ge [sflag:s5], $0x1400  }
0x3f: {  	[sflag:s5] =	ssyncset.done $0x0  }
0x40: {  	s1 =	rddreg [dreg:$0x5];
	[sflag:s5] =	ssyncadd.s32 $0xFFFFEC00  }
0x41: {  	[tilespmem:s7], [sflag:$0x3] =	stream.linear.gather [hbm4b:s1+s2], $0x1000, $0x38;
	[tilespmem:$0x1C820] =	vst v63  }
0x42: {  	_ =	swait.ge [sflag:s5], $0x1000  }
0x43: {  	[sflag:s5] =	ssyncset.done $0x0  }
0x44: {  	[sflag:s5] =	ssyncadd.s32 $0xFFFFF000  }
0x45: {  	[bflag:$0x0] =	sbarrier.arrive $0xFFFF  }
0x46: {  	[tilespmem:s19], [sflag:$0x1] =	stream.indirect.gather [hbm4b:s6+s15], $0x20, s30, s15, $0xb8;
	[tilespmem:$0x1C820] =	vst v63  }
0x47: {  	_ = 	snop  }
0x48: {  	[spmem:s3] =	stream.indirect.scatter.add.f32 [tilespmem:s7], [sflag:$0x3], $0x20, s31, s11, $0xb8;
	[tilespmem:$0x1C820] =	vst v63  }
0x49: {  	_ =	swait.ge [sflag:s5], $0x1000  }
0x4a: {  	[sflag:s5] =	ssyncset.done $0x0  }
0x4b: {  	s1 =	rddreg [dreg:$0xe];
	[sflag:s5] =	ssyncadd.s32 $0xFFFFF000  }
0x4c: {  	[spmem:s3] =	stream.indirect.scatter.add.f32 [tilespmem:s7], [sflag:$0x3], $0x20, s1, s11, $0xb8;
	[tilespmem:$0x1C820] =	vst v63  }
0x4d: {  	_ =	swait.ge [sflag:s5], $0x1000  }
0x4e: {  	[sflag:s5] =	ssyncset.done $0x0  }
0x4f: {  	s1 =	rddreg [dreg:$0xf];
	[sflag:s5] =	ssyncadd.s32 $0xFFFFF000  }
0x50: {  	[spmem:s3] =	stream.indirect.scatter.add.f32 [tilespmem:s7], [sflag:$0x3], $0x20, s1, s11, $0xb8;
	[tilespmem:$0x1C820] =	vst v63  }
0x51: {  	_ =	swait.ge [sflag:s5], $0x1000  }
0x52: {  	[sflag:s5] =	ssyncset.done $0x0  }
0x53: {  	s1 =	rddreg [dreg:$0x10];
	[sflag:s5] =	ssyncadd.s32 $0xFFFFF000  }
0x54: {  	[spmem:s3] =	stream.indirect.scatter.add.f32 [tilespmem:s7], [sflag:$0x3], $0x20, s1, s11, $0xb8;
	[tilespmem:$0x1C820] =	vst v63  }
0x55: {  	_ =	swait.ge [sflag:s5], $0x1000  }
0x56: {  	[sflag:s5] =	ssyncset.done $0x0  }
0x57: {  	s1 =	rddreg [dreg:$0x11];
	[sflag:s5] =	ssyncadd.s32 $0xFFFFF000  }
0x58: {  	[spmem:s3] =	stream.indirect.scatter.add.f32 [tilespmem:s7], [sflag:$0x3], $0x20, s1, s11, $0xb8;
	[tilespmem:$0x1C820] =	vst v63  }
0x59: {  	_ =	swait.ge [sflag:s5], $0x1000  }
0x5a: {  	[sflag:s5] =	ssyncset.done $0x0  }
0x5b: {  	s1 =	rddreg [dreg:$0x12];
	[sflag:s5] =	ssyncadd.s32 $0xFFFFF000  }
0x5c: {  	[spmem:s3] =	stream.indirect.scatter.add.f32 [tilespmem:s7], [sflag:$0x3], $0x20, s1, s11, $0xb8;
	[tilespmem:$0x1C820] =	vst v63  }
0x5d: {  	_ =	swait.ge [sflag:s5], $0x1000  }
0x5e: {  	[sflag:s5] =	ssyncset.done $0x0  }
0x5f: {  	s1 =	rddreg [dreg:$0x13];
	[sflag:s5] =	ssyncadd.s32 $0xFFFFF000  }
0x60: {  	[spmem:s3] =	stream.indirect.scatter.add.f32 [tilespmem:s7], [sflag:$0x3], $0x20, s1, s11, $0xb8;
	[tilespmem:$0x1C820] =	vst v63  }
0x61: {  	_ =	swait.ge [sflag:s5], $0x1000  }
0x62: {  	[sflag:s5] =	ssyncset.done $0x0  }
0x63: {  	s1 =	rddreg [dreg:$0x14];
	[sflag:s5] =	ssyncadd.s32 $0xFFFFF000  }
0x64: {  	[spmem:s3] =	stream.indirect.scatter.add.f32 [tilespmem:s7], [sflag:$0x3], $0x20, s1, s11, $0xb8;
	[tilespmem:$0x1C820] =	vst v63  }
0x65: {  	_ =	swait.ge [sflag:s5], $0x1000  }
0x66: {  	[sflag:s5] =	ssyncset.done $0x0  }
0x67: {  	s1 =	rddreg [dreg:$0x15];
	[sflag:s5] =	ssyncadd.s32 $0xFFFFF000  }
0x68: {  	[spmem:s3] =	stream.indirect.scatter.add.f32 [tilespmem:s7], [sflag:$0x3], $0x20, s1, s11, $0xb8;
	[tilespmem:$0x1C820] =	vst v63  }
0x69: {  	_ =	swait.ge [sflag:s5], $0x1000  }
0x6a: {  	[sflag:s5] =	ssyncset.done $0x0  }
0x6b: {  	s1 =	rddreg [dreg:$0x16];
	[sflag:s5] =	ssyncadd.s32 $0xFFFFF000  }
0x6c: {  	[spmem:s3] =	stream.indirect.scatter.add.f32 [tilespmem:s7], [sflag:$0x3], $0x20, s1, s11, $0xb8;
	[tilespmem:$0x1C820] =	vst v63  }
0x6d: {  	_ =	swait.ge [sflag:s5], $0x1000  }
0x6e: {  	[sflag:s5] =	ssyncset.done $0x0  }
0x6f: {  	[sflag:s5] =	ssyncadd.s32 $0xFFFFF000  }
0x70: {  	_ =	swait.ge [sflag:s9], $0xA000  }
0x71: {  	[sflag:s9] =	ssyncset.done $0x0  }
0x72: {  	s0 =	rddreg [dreg:$0x9];
	[sflag:s9] =	ssyncadd.s32 $0xFFFF6000  }
0x73: {  	[hbm4b:s0+s2] =	stream.linear.scatter [tilespmem:s19], [sflag:$0x2], $0xA000, $0x38;
	[tilespmem:$0x1C820] =	vst v63  }
0x74: {  	s1 =	rddreg [dreg:$0x17]  }
0x75: {  	[tilespmem:s10], [sflag:$0x1] =	stream.indirect.gather [hbm4b:s6+s15], $0x20, s1, s15, $0xb8;
	[tilespmem:$0x1C820] =	vst v63  }
0x76: {  	s0 =	rddreg [dreg:$0x18]  }
0x77: {  	[spmem:s3] =	stream.indirect.scatter.add.f32 [tilespmem:s7], [sflag:$0x3], $0x20, s0, s11, $0xb8;
	[tilespmem:$0x1C820] =	vst v63  }
0x78: {  	_ =	swait.ge [sflag:s5], $0x1000  }
0x79: {  	[sflag:s5] =	ssyncset.done $0x0  }
0x7a: {  	s1 =	rddreg [dreg:$0x19];
	[sflag:s5] =	ssyncadd.s32 $0xFFFFF000  }
0x7b: {  	[spmem:s3] =	stream.indirect.scatter.add.f32 [tilespmem:s7], [sflag:$0x3], $0x20, s1, s11, $0xb8;
	[tilespmem:$0x1C820] =	vst v63  }
0x7c: {  	_ =	swait.ge [sflag:s5], $0x1000  }
0x7d: {  	[sflag:s5] =	ssyncset.done $0x0  }
0x7e: {  	s1 =	rddreg [dreg:$0x1a];
	[sflag:s5] =	ssyncadd.s32 $0xFFFFF000  }
0x7f: {  	[spmem:s3] =	stream.indirect.scatter.add.f32 [tilespmem:s7], [sflag:$0x3], $0x20, s1, s11, $0xb8;
	[tilespmem:$0x1C820] =	vst v63  }
0x80: {  	_ =	swait.ge [sflag:s5], $0x1000  }
0x81: {  	[sflag:s5] =	ssyncset.done $0x0  }
0x82: {  	s1 =	rddreg [dreg:$0x1b];
	[sflag:s5] =	ssyncadd.s32 $0xFFFFF000  }
0x83: {  	[spmem:s3] =	stream.indirect.scatter.add.f32 [tilespmem:s7], [sflag:$0x3], $0x20, s1, s11, $0xb8;
	[tilespmem:$0x1C820] =	vst v63  }
0x84: {  	_ =	swait.ge [sflag:s5], $0x1000  }
0x85: {  	[sflag:s5] =	ssyncset.done $0x0  }
0x86: {  	s1 =	rddreg [dreg:$0x1c];
	[sflag:s5] =	ssyncadd.s32 $0xFFFFF000  }
0x87: {  	[spmem:s3] =	stream.indirect.scatter.add.f32 [tilespmem:s7], [sflag:$0x3], $0x20, s1, s11, $0xb8;
	[tilespmem:$0x1C820] =	vst v63  }
0x88: {  	_ =	swait.ge [sflag:s5], $0x1000  }
0x89: {  	[sflag:s5] =	ssyncset.done $0x0  }
0x8a: {  	s1 =	rddreg [dreg:$0x1d];
	[sflag:s5] =	ssyncadd.s32 $0xFFFFF000  }
0x8b: {  	[spmem:s3] =	stream.indirect.scatter.add.f32 [tilespmem:s7], [sflag:$0x3], $0x20, s1, s11, $0xb8;
	[tilespmem:$0x1C820] =	vst v63  }
0x8c: {  	_ =	swait.ge [sflag:s5], $0x1000  }
0x8d: {  	[sflag:s5] =	ssyncset.done $0x0  }
0x8e: {  	s1 =	rddreg [dreg:$0x1e];
	[sflag:s5] =	ssyncadd.s32 $0xFFFFF000  }
0x8f: {  	[spmem:s3] =	stream.indirect.scatter.add.f32 [tilespmem:s7], [sflag:$0x3], $0x20, s1, s11, $0xb8;
	[tilespmem:$0x1C820] =	vst v63  }
0x90: {  	_ =	swait.ge [sflag:s5], $0x1000  }
0x91: {  	[sflag:s5] =	ssyncset.done $0x0  }
0x92: {  	s1 =	rddreg [dreg:$0x1f];
	[sflag:s5] =	ssyncadd.s32 $0xFFFFF000  }
0x93: {  	[spmem:s3] =	stream.indirect.scatter.add.f32 [tilespmem:s7], [sflag:$0x3], $0x20, s1, s11, $0xb8;
	[tilespmem:$0x1C820] =	vst v63  }
0x94: {  	_ =	swait.ge [sflag:s5], $0x1000  }
0x95: {  	s1 =	sld [smem:$0x7F3]  }
0x96: {  	[sflag:s5] =	ssyncset.done $0x0  }
0x97: {  	[sflag:s5] =	ssyncadd.s32 $0xFFFFF000  }
0x98: {  	[spmem:s3] =	stream.indirect.scatter.add.f32 [tilespmem:s7], [sflag:$0x3], $0x20, s1, s11, $0xb8;
	[tilespmem:$0x1C820] =	vst v63  }
0x99: {  	_ =	swait.ge [sflag:s5], $0x1000  }
0x9a: {  	s1 =	sld [smem:$0x7F4]  }
0x9b: {  	[sflag:s5] =	ssyncset.done $0x0  }
0x9c: {  	[sflag:s5] =	ssyncadd.s32 $0xFFFFF000  }
0x9d: {  	[spmem:s3] =	stream.indirect.scatter.add.f32 [tilespmem:s7], [sflag:$0x3], $0x20, s1, s11, $0xb8;
	[tilespmem:$0x1C820] =	vst v63  }
0x9e: {  	_ =	swait.ge [sflag:s5], $0x1000  }
0x9f: {  	[sflag:s5] =	ssyncset.done $0x0  }
0xa0: {  	[sflag:s5] =	ssyncadd.s32 $0xFFFFF000  }
0xa1: {  	_ =	swait.ge [sflag:s9], $0xA000  }
0xa2: {  	[sflag:s9] =	ssyncset.done $0x0  }
0xa3: {  	s1 =	rddreg [dreg:$0xa];
	[sflag:s9] =	ssyncadd.s32 $0xFFFF6000  }
0xa4: {  	[hbm4b:s1+s2] =	stream.linear.scatter [tilespmem:s10], [sflag:$0x2], $0xA000, $0x38;
	[tilespmem:$0x1C820] =	vst v63  }
0xa5: {  	_ =	swait.ge [sflag:s8], $0xA000  }
0xa6: {  	s0 =	sld [smem:$0x7F5]  }
0xa7: {  	[sflag:s8] =	ssyncset.done $0x0  }
0xa8: {  	s1 =	sld [smem:$0x7F6];
	[sflag:s8] =	ssyncadd.s32 $0xFFFF6000  }
0xa9: {  	[tilespmem:s19], [sflag:$0x1] =	stream.indirect.gather [hbm4b:s6+s15], $0x20, s0, s15, $0xb8;
	[tilespmem:$0x1C820] =	vst v63  }
0xaa: {  	_ = 	snop  }
0xab: {  	[spmem:s3] =	stream.indirect.scatter.add.f32 [tilespmem:s7], [sflag:$0x3], $0x20, s1, s11, $0xb8;
	[tilespmem:$0x1C820] =	vst v63  }
0xac: {  	_ =	swait.ge [sflag:s5], $0x1000  }
0xad: {  	s1 =	sld [smem:$0x7F7]  }
0xae: {  	[sflag:s5] =	ssyncset.done $0x0  }
0xaf: {  	[sflag:s5] =	ssyncadd.s32 $0xFFFFF000  }
0xb0: {  	[spmem:s3] =	stream.indirect.scatter.add.f32 [tilespmem:s7], [sflag:$0x3], $0x20, s1, s11, $0xb8;
	[tilespmem:$0x1C820] =	vst v63  }
0xb1: {  	_ =	swait.ge [sflag:s5], $0x1000  }
0xb2: {  	s1 =	sld [smem:$0x7F8]  }
0xb3: {  	[sflag:s5] =	ssyncset.done $0x0  }
0xb4: {  	[sflag:s5] =	ssyncadd.s32 $0xFFFFF000  }
0xb5: {  	[spmem:s3] =	stream.indirect.scatter.add.f32 [tilespmem:s7], [sflag:$0x3], $0x20, s1, s11, $0xb8;
	[tilespmem:$0x1C820] =	vst v63  }
0xb6: {  	_ =	swait.ge [sflag:s5], $0x1000  }
0xb7: {  	s1 =	sld [smem:$0x7F9]  }
0xb8: {  	[sflag:s5] =	ssyncset.done $0x0  }
0xb9: {  	[sflag:s5] =	ssyncadd.s32 $0xFFFFF000  }
0xba: {  	[spmem:s3] =	stream.indirect.scatter.add.f32 [tilespmem:s7], [sflag:$0x3], $0x20, s1, s11, $0xb8;
	[tilespmem:$0x1C820] =	vst v63  }
0xbb: {  	_ =	swait.ge [sflag:s5], $0x1000  }
0xbc: {  	s1 =	sld [smem:$0x7FA]  }
0xbd: {  	[sflag:s5] =	ssyncset.done $0x0  }
0xbe: {  	[sflag:s5] =	ssyncadd.s32 $0xFFFFF000  }
0xbf: {  	[spmem:s3] =	stream.indirect.scatter.add.f32 [tilespmem:s7], [sflag:$0x3], $0x20, s1, s11, $0xb8;
	[tilespmem:$0x1C820] =	vst v63  }
0xc0: {  	_ =	swait.ge [sflag:s5], $0x1000  }
0xc1: {  	s1 =	sld [smem:$0x7FB]  }
0xc2: {  	[sflag:s5] =	ssyncset.done $0x0  }
0xc3: {  	[sflag:s5] =	ssyncadd.s32 $0xFFFFF000  }
0xc4: {  	[spmem:s3] =	stream.indirect.scatter.add.f32 [tilespmem:s7], [sflag:$0x3], $0x20, s1, s11, $0xb8;
	[tilespmem:$0x1C820] =	vst v63  }
0xc5: {  	_ =	swait.ge [sflag:s5], $0x1000  }
0xc6: {  	s1 =	sld [smem:$0x7FC]  }
0xc7: {  	[sflag:s5] =	ssyncset.done $0x0  }
0xc8: {  	[sflag:s5] =	ssyncadd.s32 $0xFFFFF000  }
0xc9: {  	[spmem:s3] =	stream.indirect.scatter.add.f32 [tilespmem:s7], [sflag:$0x3], $0x20, s1, s11, $0xb8;
	[tilespmem:$0x1C820] =	vst v63  }
0xca: {  	_ =	swait.ge [sflag:s5], $0x1000  }
0xcb: {  	s1 =	sld [smem:$0x7FD]  }
0xcc: {  	[sflag:s5] =	ssyncset.done $0x0  }
0xcd: {  	[sflag:s5] =	ssyncadd.s32 $0xFFFFF000  }
0xce: {  	[spmem:s3] =	stream.indirect.scatter.add.f32 [tilespmem:s7], [sflag:$0x3], $0x20, s1, s11, $0xb8;
	[tilespmem:$0x1C820] =	vst v63  }
0xcf: {  	_ =	swait.ge [sflag:s5], $0x1000  }
0xd0: {  	[sflag:s5] =	ssyncset.done $0x0  }
0xd1: {  	[sflag:s5] =	ssyncadd.s32 $0xFFFFF000  }
0xd2: {  	[spmem:s3] =	stream.indirect.scatter.add.f32 [tilespmem:s7], [sflag:$0x3], $0x20, s29, s11, $0xb8;
	[tilespmem:$0x1C820] =	vst v63  }
0xd3: {  	_ =	swait.ge [sflag:s5], $0x1000  }
0xd4: {  	[sflag:s5] =	ssyncset.done $0x0  }
0xd5: {  	[sflag:s5] =	ssyncadd.s32 $0xFFFFF000  }
0xd6: {  	[spmem:s3] =	stream.indirect.scatter.add.f32 [tilespmem:s7], [sflag:$0x3], $0x20, s28, s11, $0xb8;
	[tilespmem:$0x1C820] =	vst v63  }
0xd7: {  	_ =	swait.ge [sflag:s5], $0x1000  }
0xd8: {  	[sflag:s5] =	ssyncset.done $0x0  }
0xd9: {  	[sflag:s5] =	ssyncadd.s32 $0xFFFFF000  }
0xda: {  	_ =	swait.ge [sflag:s9], $0xA000  }
0xdb: {  	[sflag:s9] =	ssyncset.done $0x0  }
0xdc: {  	s1 =	rddreg [dreg:$0xb];
	[sflag:s9] =	ssyncadd.s32 $0xFFFF6000  }
0xdd: {  	[hbm4b:s1+s2] =	stream.linear.scatter [tilespmem:s19], [sflag:$0x2], $0xA000, $0x38;
	[tilespmem:$0x1C820] =	vst v63  }
0xde: {  	_ =	swait.ge [sflag:s8], $0xA000  }
0xdf: {  	[sflag:s8] =	ssyncset.done $0x0  }
0xe0: {  	[sflag:s8] =	ssyncadd.s32 $0xFFFF6000  }
0xe1: {  	[tilespmem:s10], [sflag:$0x1] =	stream.indirect.gather [hbm4b:s6+s15], $0x20, s25, s15, $0xb8;
	[tilespmem:$0x1C820] =	vst v63  }
0xe2: {  	_ = 	snop  }
0xe3: {  	[spmem:s3] =	stream.indirect.scatter.add.f32 [tilespmem:s7], [sflag:$0x3], $0x20, s26, s11, $0xb8;
	[tilespmem:$0x1C820] =	vst v63  }
0xe4: {  	_ =	swait.ge [sflag:s5], $0x1000  }
0xe5: {  	[sflag:s5] =	ssyncset.done $0x0  }
0xe6: {  	[sflag:s5] =	ssyncadd.s32 $0xFFFFF000  }
0xe7: {  	[spmem:s3] =	stream.indirect.scatter.add.f32 [tilespmem:s7], [sflag:$0x3], $0x20, s24, s11, $0xb8;
	[tilespmem:$0x1C820] =	vst v63  }
0xe8: {  	_ =	swait.ge [sflag:s5], $0x1000  }
0xe9: {  	[sflag:s5] =	ssyncset.done $0x0  }
0xea: {  	[sflag:s5] =	ssyncadd.s32 $0xFFFFF000  }
0xeb: {  	[spmem:s3] =	stream.indirect.scatter.add.f32 [tilespmem:s7], [sflag:$0x3], $0x20, s23, s11, $0xb8;
	[tilespmem:$0x1C820] =	vst v63  }
0xec: {  	_ =	swait.ge [sflag:s5], $0x1000  }
0xed: {  	[sflag:s5] =	ssyncset.done $0x0  }
0xee: {  	[sflag:s5] =	ssyncadd.s32 $0xFFFFF000  }
0xef: {  	[spmem:s3] =	stream.indirect.scatter.add.f32 [tilespmem:s7], [sflag:$0x3], $0x20, s21, s11, $0xb8;
	[tilespmem:$0x1C820] =	vst v63  }
0xf0: {  	_ =	swait.ge [sflag:s5], $0x1000  }
0xf1: {  	[sflag:s5] =	ssyncset.done $0x0  }
0xf2: {  	[sflag:s5] =	ssyncadd.s32 $0xFFFFF000  }
0xf3: {  	[spmem:s3] =	stream.indirect.scatter.add.f32 [tilespmem:s7], [sflag:$0x3], $0x20, s22, s11, $0xb8;
	[tilespmem:$0x1C820] =	vst v63  }
0xf4: {  	_ =	swait.ge [sflag:s5], $0x1000  }
0xf5: {  	[sflag:s5] =	ssyncset.done $0x0  }
0xf6: {  	[sflag:s5] =	ssyncadd.s32 $0xFFFFF000  }
0xf7: {  	[spmem:s3] =	stream.indirect.scatter.add.f32 [tilespmem:s7], [sflag:$0x3], $0x20, s20, s11, $0xb8;
	[tilespmem:$0x1C820] =	vst v63  }
0xf8: {  	_ =	swait.ge [sflag:s5], $0x1000  }
0xf9: {  	[sflag:s5] =	ssyncset.done $0x0  }
0xfa: {  	[sflag:s5] =	ssyncadd.s32 $0xFFFFF000  }
0xfb: {  	[spmem:s3] =	stream.indirect.scatter.add.f32 [tilespmem:s7], [sflag:$0x3], $0x20, s18, s11, $0xb8;
	[tilespmem:$0x1C820] =	vst v63  }
0xfc: {  	_ =	swait.ge [sflag:s5], $0x1000  }
0xfd: {  	[sflag:s5] =	ssyncset.done $0x0  }
0xfe: {  	[sflag:s5] =	ssyncadd.s32 $0xFFFFF000  }
0xff: {  	[spmem:s3] =	stream.indirect.scatter.add.f32 [tilespmem:s7], [sflag:$0x3], $0x20, s17, s11, $0xb8;
	[tilespmem:$0x1C820] =	vst v63  }
0x100: {  	_ =	swait.ge [sflag:s5], $0x1000  }
0x101: {  	[sflag:s5] =	ssyncset.done $0x0  }
0x102: {  	[sflag:s5] =	ssyncadd.s32 $0xFFFFF000  }
0x103: {  	[spmem:s3] =	stream.indirect.scatter.add.f32 [tilespmem:s7], [sflag:$0x3], $0x20, s16, s11, $0xb8;
	[tilespmem:$0x1C820] =	vst v63  }
0x104: {  	_ =	swait.ge [sflag:s5], $0x1000  }
0x105: {  	[sflag:s5] =	ssyncset.done $0x0  }
0x106: {  	[sflag:s5] =	ssyncadd.s32 $0xFFFFF000  }
0x107: {  	[spmem:s3] =	stream.indirect.scatter.add.f32 [tilespmem:s7], [sflag:$0x3], $0x20, s14, s11, $0xb8;
	[tilespmem:$0x1C820] =	vst v63  }
0x108: {  	_ =	swait.ge [sflag:s5], $0x1000  }
0x109: {  	[sflag:s5] =	ssyncset.done $0x0  }
0x10a: {  	[sflag:s5] =	ssyncadd.s32 $0xFFFFF000  }
0x10b: {  	_ =	swait.ge [sflag:s9], $0xA000  }
0x10c: {  	[sflag:s9] =	ssyncset.done $0x0  }
0x10d: {  	s1 =	rddreg [dreg:$0xc];
	[sflag:s9] =	ssyncadd.s32 $0xFFFF6000  }
0x10e: {  	[hbm4b:s1+s2] =	stream.linear.scatter [tilespmem:s10], [sflag:$0x2], $0xA000, $0x38;
	[tilespmem:$0x1C820] =	vst v63  }
0x10f: {  	_ =	swait.ge [sflag:s8], $0xA000  }
0x110: {  	[sflag:s8] =	ssyncset.done $0x0  }
0x111: {  	[sflag:s8] =	ssyncadd.s32 $0xFFFF6000  }
0x112: {  	_ =	swait.ge [sflag:s8], $0xA000  }
0x113: {  	[sflag:s8] =	ssyncset.done $0x0  }
0x114: {  	[sflag:s8] =	ssyncadd.s32 $0xFFFF6000  }
0x115: {  	[bflag:$0x0] =	sbarrier.arrive $0xFFFF  }
0x116: {  	[hbm:s12], [sflag:s4] =	dma.local [spmem:s13], $0xA00  }
0x117: {  	s1 =	sld [smem:$0x7F2];
	_ =	sdelay $0x2  }
0x118: {  	p1 =	sne.s32 s1, $0x1  }
.Ltmp1:
0x119: {  	_ = 	snop;
	(pc) =	sbr.rel @!p1 .LBB2_3-.Ltmp1, $3  }
0x11a: {  	_ =	sdelay $0x1  }
0x11b: {  	p0 =	por $0x1, $0x1;
	_ =	swait.ge [sflag:s5], $0xA00  }
0x11c: {  	s0 =	rddreg [dreg:$0x6];
	[sflag:s5] =	ssyncset.done $0x0;
	s1 =	sadd.s32 $0xFFFFFFFF, s1  }
.LBB2_2:
0x11d: {  	s14 =	rddreg [dreg:$0xd];
	[sflag:s5] =	ssyncadd.s32 $0xFFFFF600  }
0x11e: {  	[spmem:s14], [sflag:s4] =	dma.local [hbm:s0], $0xA04  }
0x11f: {  	_ =	swait.ge [sflag:s5], $0xA04  }
0x120: {  	[sflag:s5] =	ssyncset.done $0x0  }
0x121: {  	s14 =	rddreg [dreg:$0x7];
	[sflag:s5] =	ssyncadd.s32 $0xFFFFF5FC  }
0x122: {  	[tilespmem:s30], [sflag:$0x3] =	stream.linear.gather [hbm4b:s14+s2], $0x1400, $0x38;
	[tilespmem:$0x1C820] =	vst v63  }
0x123: {  	_ =	swait.ge [sflag:s5], $0x1400  }
0x124: {  	[sflag:s5] =	ssyncset.done $0x0  }
0x125: {  	s14 =	rddreg [dreg:$0x8];
	[sflag:s5] =	ssyncadd.s32 $0xFFFFEC00  }
0x126: {  	[tilespmem:s31], [sflag:$0x3] =	stream.linear.gather [hbm4b:s14+s2], $0x1400, $0x38;
	[tilespmem:$0x1C820] =	vst v63  }
0x127: {  	_ =	swait.ge [sflag:s5], $0x1400  }
0x128: {  	[sflag:s5] =	ssyncset.done $0x0  }
0x129: {  	s14 =	rddreg [dreg:$0x5];
	[sflag:s5] =	ssyncadd.s32 $0xFFFFEC00  }
0x12a: {  	[tilespmem:s7], [sflag:$0x3] =	stream.linear.gather [hbm4b:s14+s2], $0x1000, $0x38;
	[tilespmem:$0x1C820] =	vst v63  }
0x12b: {  	_ =	swait.ge [sflag:s5], $0x1000  }
0x12c: {  	[sflag:s5] =	ssyncset.done $0x0  }
0x12d: {  	[sflag:s5] =	ssyncadd.s32 $0xFFFFF000  }
0x12e: {  	[bflag:$0x0] =	sbarrier.arrive $0xFFFF  }
0x12f: {  	[tilespmem:s19], [sflag:$0x1] =	stream.indirect.gather [hbm4b:s6+s15], $0x20, s30, s15, $0xb8;
	[tilespmem:$0x1C820] =	vst v63  }
0x130: {  	_ = 	snop  }
0x131: {  	[spmem:s3] =	stream.indirect.scatter.add.f32 [tilespmem:s7], [sflag:$0x3], $0x20, s31, s11, $0xb8;
	[tilespmem:$0x1C820] =	vst v63  }
0x132: {  	_ =	swait.ge [sflag:s5], $0x1000  }
0x133: {  	[sflag:s5] =	ssyncset.done $0x0  }
0x134: {  	s14 =	rddreg [dreg:$0xe];
	[sflag:s5] =	ssyncadd.s32 $0xFFFFF000  }
0x135: {  	[spmem:s3] =	stream.indirect.scatter.add.f32 [tilespmem:s7], [sflag:$0x3], $0x20, s14, s11, $0xb8;
	[tilespmem:$0x1C820] =	vst v63  }
0x136: {  	_ =	swait.ge [sflag:s5], $0x1000  }
0x137: {  	[sflag:s5] =	ssyncset.done $0x0  }
0x138: {  	s14 =	rddreg [dreg:$0xf];
	[sflag:s5] =	ssyncadd.s32 $0xFFFFF000  }
0x139: {  	[spmem:s3] =	stream.indirect.scatter.add.f32 [tilespmem:s7], [sflag:$0x3], $0x20, s14, s11, $0xb8;
	[tilespmem:$0x1C820] =	vst v63  }
0x13a: {  	_ =	swait.ge [sflag:s5], $0x1000  }
0x13b: {  	[sflag:s5] =	ssyncset.done $0x0  }
0x13c: {  	s14 =	rddreg [dreg:$0x10];
	[sflag:s5] =	ssyncadd.s32 $0xFFFFF000  }
0x13d: {  	[spmem:s3] =	stream.indirect.scatter.add.f32 [tilespmem:s7], [sflag:$0x3], $0x20, s14, s11, $0xb8;
	[tilespmem:$0x1C820] =	vst v63  }
0x13e: {  	_ =	swait.ge [sflag:s5], $0x1000  }
0x13f: {  	[sflag:s5] =	ssyncset.done $0x0  }
0x140: {  	s14 =	rddreg [dreg:$0x11];
	[sflag:s5] =	ssyncadd.s32 $0xFFFFF000  }
0x141: {  	[spmem:s3] =	stream.indirect.scatter.add.f32 [tilespmem:s7], [sflag:$0x3], $0x20, s14, s11, $0xb8;
	[tilespmem:$0x1C820] =	vst v63  }
0x142: {  	_ =	swait.ge [sflag:s5], $0x1000  }
0x143: {  	[sflag:s5] =	ssyncset.done $0x0  }
0x144: {  	s14 =	rddreg [dreg:$0x12];
	[sflag:s5] =	ssyncadd.s32 $0xFFFFF000  }
0x145: {  	[spmem:s3] =	stream.indirect.scatter.add.f32 [tilespmem:s7], [sflag:$0x3], $0x20, s14, s11, $0xb8;
	[tilespmem:$0x1C820] =	vst v63  }
0x146: {  	_ =	swait.ge [sflag:s5], $0x1000  }
0x147: {  	[sflag:s5] =	ssyncset.done $0x0  }
0x148: {  	s14 =	rddreg [dreg:$0x13];
	[sflag:s5] =	ssyncadd.s32 $0xFFFFF000  }
0x149: {  	[spmem:s3] =	stream.indirect.scatter.add.f32 [tilespmem:s7], [sflag:$0x3], $0x20, s14, s11, $0xb8;
	[tilespmem:$0x1C820] =	vst v63  }
0x14a: {  	_ =	swait.ge [sflag:s5], $0x1000  }
0x14b: {  	[sflag:s5] =	ssyncset.done $0x0  }
0x14c: {  	s14 =	rddreg [dreg:$0x14];
	[sflag:s5] =	ssyncadd.s32 $0xFFFFF000  }
0x14d: {  	[spmem:s3] =	stream.indirect.scatter.add.f32 [tilespmem:s7], [sflag:$0x3], $0x20, s14, s11, $0xb8;
	[tilespmem:$0x1C820] =	vst v63  }
0x14e: {  	_ =	swait.ge [sflag:s5], $0x1000  }
0x14f: {  	[sflag:s5] =	ssyncset.done $0x0  }
0x150: {  	s14 =	rddreg [dreg:$0x15];
	[sflag:s5] =	ssyncadd.s32 $0xFFFFF000  }
0x151: {  	[spmem:s3] =	stream.indirect.scatter.add.f32 [tilespmem:s7], [sflag:$0x3], $0x20, s14, s11, $0xb8;
	[tilespmem:$0x1C820] =	vst v63  }
0x152: {  	_ =	swait.ge [sflag:s5], $0x1000  }
0x153: {  	[sflag:s5] =	ssyncset.done $0x0  }
0x154: {  	s14 =	rddreg [dreg:$0x16];
	[sflag:s5] =	ssyncadd.s32 $0xFFFFF000  }
0x155: {  	[spmem:s3] =	stream.indirect.scatter.add.f32 [tilespmem:s7], [sflag:$0x3], $0x20, s14, s11, $0xb8;
	[tilespmem:$0x1C820] =	vst v63  }
0x156: {  	_ =	swait.ge [sflag:s5], $0x1000  }
0x157: {  	[sflag:s5] =	ssyncset.done $0x0  }
0x158: {  	[sflag:s5] =	ssyncadd.s32 $0xFFFFF000  }
0x159: {  	_ =	swait.ge [sflag:s9], $0xA000  }
0x15a: {  	[sflag:s9] =	ssyncset.done $0x0  }
0x15b: {  	s0 =	rddreg [dreg:$0x9];
	[sflag:s9] =	ssyncadd.s32 $0xFFFF6000  }
0x15c: {  	[hbm4b:s0+s2] =	stream.linear.scatter [tilespmem:s19], [sflag:$0x2], $0xA000, $0x38;
	[tilespmem:$0x1C820] =	vst v63  }
0x15d: {  	s14 =	rddreg [dreg:$0x17]  }
0x15e: {  	[tilespmem:s10], [sflag:$0x1] =	stream.indirect.gather [hbm4b:s6+s15], $0x20, s14, s15, $0xb8;
	[tilespmem:$0x1C820] =	vst v63  }
0x15f: {  	s0 =	rddreg [dreg:$0x18]  }
0x160: {  	[spmem:s3] =	stream.indirect.scatter.add.f32 [tilespmem:s7], [sflag:$0x3], $0x20, s0, s11, $0xb8;
	[tilespmem:$0x1C820] =	vst v63  }
0x161: {  	_ =	swait.ge [sflag:s5], $0x1000  }
0x162: {  	[sflag:s5] =	ssyncset.done $0x0  }
0x163: {  	s14 =	rddreg [dreg:$0x19];
	[sflag:s5] =	ssyncadd.s32 $0xFFFFF000  }
0x164: {  	[spmem:s3] =	stream.indirect.scatter.add.f32 [tilespmem:s7], [sflag:$0x3], $0x20, s14, s11, $0xb8;
	[tilespmem:$0x1C820] =	vst v63  }
0x165: {  	_ =	swait.ge [sflag:s5], $0x1000  }
0x166: {  	[sflag:s5] =	ssyncset.done $0x0  }
0x167: {  	s14 =	rddreg [dreg:$0x1a];
	[sflag:s5] =	ssyncadd.s32 $0xFFFFF000  }
0x168: {  	[spmem:s3] =	stream.indirect.scatter.add.f32 [tilespmem:s7], [sflag:$0x3], $0x20, s14, s11, $0xb8;
	[tilespmem:$0x1C820] =	vst v63  }
0x169: {  	_ =	swait.ge [sflag:s5], $0x1000  }
0x16a: {  	[sflag:s5] =	ssyncset.done $0x0  }
0x16b: {  	s14 =	rddreg [dreg:$0x1b];
	[sflag:s5] =	ssyncadd.s32 $0xFFFFF000  }
0x16c: {  	[spmem:s3] =	stream.indirect.scatter.add.f32 [tilespmem:s7], [sflag:$0x3], $0x20, s14, s11, $0xb8;
	[tilespmem:$0x1C820] =	vst v63  }
0x16d: {  	_ =	swait.ge [sflag:s5], $0x1000  }
0x16e: {  	[sflag:s5] =	ssyncset.done $0x0  }
0x16f: {  	s14 =	rddreg [dreg:$0x1c];
	[sflag:s5] =	ssyncadd.s32 $0xFFFFF000  }
0x170: {  	[spmem:s3] =	stream.indirect.scatter.add.f32 [tilespmem:s7], [sflag:$0x3], $0x20, s14, s11, $0xb8;
	[tilespmem:$0x1C820] =	vst v63  }
0x171: {  	_ =	swait.ge [sflag:s5], $0x1000  }
0x172: {  	[sflag:s5] =	ssyncset.done $0x0  }
0x173: {  	s14 =	rddreg [dreg:$0x1d];
	[sflag:s5] =	ssyncadd.s32 $0xFFFFF000  }
0x174: {  	[spmem:s3] =	stream.indirect.scatter.add.f32 [tilespmem:s7], [sflag:$0x3], $0x20, s14, s11, $0xb8;
	[tilespmem:$0x1C820] =	vst v63  }
0x175: {  	_ =	swait.ge [sflag:s5], $0x1000  }
0x176: {  	[sflag:s5] =	ssyncset.done $0x0  }
0x177: {  	s14 =	rddreg [dreg:$0x1e];
	[sflag:s5] =	ssyncadd.s32 $0xFFFFF000  }
0x178: {  	[spmem:s3] =	stream.indirect.scatter.add.f32 [tilespmem:s7], [sflag:$0x3], $0x20, s14, s11, $0xb8;
	[tilespmem:$0x1C820] =	vst v63  }
0x179: {  	_ =	swait.ge [sflag:s5], $0x1000  }
0x17a: {  	[sflag:s5] =	ssyncset.done $0x0  }
0x17b: {  	s14 =	rddreg [dreg:$0x1f];
	[sflag:s5] =	ssyncadd.s32 $0xFFFFF000  }
0x17c: {  	[spmem:s3] =	stream.indirect.scatter.add.f32 [tilespmem:s7], [sflag:$0x3], $0x20, s14, s11, $0xb8;
	[tilespmem:$0x1C820] =	vst v63  }
0x17d: {  	_ =	swait.ge [sflag:s5], $0x1000  }
0x17e: {  	s14 =	sld [smem:$0x7F3]  }
0x17f: {  	[sflag:s5] =	ssyncset.done $0x0  }
0x180: {  	[sflag:s5] =	ssyncadd.s32 $0xFFFFF000  }
0x181: {  	[spmem:s3] =	stream.indirect.scatter.add.f32 [tilespmem:s7], [sflag:$0x3], $0x20, s14, s11, $0xb8;
	[tilespmem:$0x1C820] =	vst v63  }
0x182: {  	_ =	swait.ge [sflag:s5], $0x1000  }
0x183: {  	s14 =	sld [smem:$0x7F4]  }
0x184: {  	[sflag:s5] =	ssyncset.done $0x0  }
0x185: {  	[sflag:s5] =	ssyncadd.s32 $0xFFFFF000  }
0x186: {  	[spmem:s3] =	stream.indirect.scatter.add.f32 [tilespmem:s7], [sflag:$0x3], $0x20, s14, s11, $0xb8;
	[tilespmem:$0x1C820] =	vst v63  }
0x187: {  	_ =	swait.ge [sflag:s5], $0x1000  }
0x188: {  	[sflag:s5] =	ssyncset.done $0x0  }
0x189: {  	[sflag:s5] =	ssyncadd.s32 $0xFFFFF000  }
0x18a: {  	_ =	swait.ge [sflag:s9], $0xA000  }
0x18b: {  	[sflag:s9] =	ssyncset.done $0x0  }
0x18c: {  	s14 =	rddreg [dreg:$0xa];
	[sflag:s9] =	ssyncadd.s32 $0xFFFF6000  }
0x18d: {  	[hbm4b:s14+s2] =	stream.linear.scatter [tilespmem:s10], [sflag:$0x2], $0xA000, $0x38;
	[tilespmem:$0x1C820] =	vst v63  }
0x18e: {  	_ =	swait.ge [sflag:s8], $0xA000  }
0x18f: {  	s0 =	sld [smem:$0x7F5]  }
0x190: {  	[sflag:s8] =	ssyncset.done $0x0  }
0x191: {  	s14 =	sld [smem:$0x7F6];
	[sflag:s8] =	ssyncadd.s32 $0xFFFF6000  }
0x192: {  	[tilespmem:s19], [sflag:$0x1] =	stream.indirect.gather [hbm4b:s6+s15], $0x20, s0, s15, $0xb8;
	[tilespmem:$0x1C820] =	vst v63  }
0x193: {  	_ = 	snop  }
0x194: {  	[spmem:s3] =	stream.indirect.scatter.add.f32 [tilespmem:s7], [sflag:$0x3], $0x20, s14, s11, $0xb8;
	[tilespmem:$0x1C820] =	vst v63  }
0x195: {  	_ =	swait.ge [sflag:s5], $0x1000  }
0x196: {  	s0 =	sld [smem:$0x7F7]  }
0x197: {  	[sflag:s5] =	ssyncset.done $0x0  }
0x198: {  	[sflag:s5] =	ssyncadd.s32 $0xFFFFF000  }
0x199: {  	[spmem:s3] =	stream.indirect.scatter.add.f32 [tilespmem:s7], [sflag:$0x3], $0x20, s0, s11, $0xb8;
	[tilespmem:$0x1C820] =	vst v63  }
0x19a: {  	_ =	swait.ge [sflag:s5], $0x1000  }
0x19b: {  	s0 =	sld [smem:$0x7F8]  }
0x19c: {  	[sflag:s5] =	ssyncset.done $0x0  }
0x19d: {  	[sflag:s5] =	ssyncadd.s32 $0xFFFFF000  }
0x19e: {  	[spmem:s3] =	stream.indirect.scatter.add.f32 [tilespmem:s7], [sflag:$0x3], $0x20, s0, s11, $0xb8;
	[tilespmem:$0x1C820] =	vst v63  }
0x19f: {  	_ =	swait.ge [sflag:s5], $0x1000  }
0x1a0: {  	s0 =	sld [smem:$0x7F9]  }
0x1a1: {  	[sflag:s5] =	ssyncset.done $0x0  }
0x1a2: {  	[sflag:s5] =	ssyncadd.s32 $0xFFFFF000  }
0x1a3: {  	[spmem:s3] =	stream.indirect.scatter.add.f32 [tilespmem:s7], [sflag:$0x3], $0x20, s0, s11, $0xb8;
	[tilespmem:$0x1C820] =	vst v63  }
0x1a4: {  	_ =	swait.ge [sflag:s5], $0x1000  }
0x1a5: {  	s0 =	sld [smem:$0x7FA]  }
0x1a6: {  	[sflag:s5] =	ssyncset.done $0x0  }
0x1a7: {  	[sflag:s5] =	ssyncadd.s32 $0xFFFFF000  }
0x1a8: {  	[spmem:s3] =	stream.indirect.scatter.add.f32 [tilespmem:s7], [sflag:$0x3], $0x20, s0, s11, $0xb8;
	[tilespmem:$0x1C820] =	vst v63  }
0x1a9: {  	_ =	swait.ge [sflag:s5], $0x1000  }
0x1aa: {  	s0 =	sld [smem:$0x7FB]  }
0x1ab: {  	[sflag:s5] =	ssyncset.done $0x0  }
0x1ac: {  	[sflag:s5] =	ssyncadd.s32 $0xFFFFF000  }
0x1ad: {  	[spmem:s3] =	stream.indirect.scatter.add.f32 [tilespmem:s7], [sflag:$0x3], $0x20, s0, s11, $0xb8;
	[tilespmem:$0x1C820] =	vst v63  }
0x1ae: {  	_ =	swait.ge [sflag:s5], $0x1000  }
0x1af: {  	s0 =	sld [smem:$0x7FC]  }
0x1b0: {  	[sflag:s5] =	ssyncset.done $0x0  }
0x1b1: {  	[sflag:s5] =	ssyncadd.s32 $0xFFFFF000  }
0x1b2: {  	[spmem:s3] =	stream.indirect.scatter.add.f32 [tilespmem:s7], [sflag:$0x3], $0x20, s0, s11, $0xb8;
	[tilespmem:$0x1C820] =	vst v63  }
0x1b3: {  	_ =	swait.ge [sflag:s5], $0x1000  }
0x1b4: {  	s0 =	sld [smem:$0x7FD]  }
0x1b5: {  	[sflag:s5] =	ssyncset.done $0x0  }
0x1b6: {  	[sflag:s5] =	ssyncadd.s32 $0xFFFFF000  }
0x1b7: {  	[spmem:s3] =	stream.indirect.scatter.add.f32 [tilespmem:s7], [sflag:$0x3], $0x20, s0, s11, $0xb8;
	[tilespmem:$0x1C820] =	vst v63  }
0x1b8: {  	_ =	swait.ge [sflag:s5], $0x1000  }
0x1b9: {  	[sflag:s5] =	ssyncset.done $0x0  }
0x1ba: {  	[sflag:s5] =	ssyncadd.s32 $0xFFFFF000  }
0x1bb: {  	[spmem:s3] =	stream.indirect.scatter.add.f32 [tilespmem:s7], [sflag:$0x3], $0x20, s29, s11, $0xb8;
	[tilespmem:$0x1C820] =	vst v63  }
0x1bc: {  	_ =	swait.ge [sflag:s5], $0x1000  }
0x1bd: {  	[sflag:s5] =	ssyncset.done $0x0  }
0x1be: {  	[sflag:s5] =	ssyncadd.s32 $0xFFFFF000  }
0x1bf: {  	[spmem:s3] =	stream.indirect.scatter.add.f32 [tilespmem:s7], [sflag:$0x3], $0x20, s28, s11, $0xb8;
	[tilespmem:$0x1C820] =	vst v63  }
0x1c0: {  	_ =	swait.ge [sflag:s5], $0x1000  }
0x1c1: {  	[sflag:s5] =	ssyncset.done $0x0  }
0x1c2: {  	[sflag:s5] =	ssyncadd.s32 $0xFFFFF000  }
0x1c3: {  	_ =	swait.ge [sflag:s9], $0xA000  }
0x1c4: {  	[sflag:s9] =	ssyncset.done $0x0  }
0x1c5: {  	s0 =	rddreg [dreg:$0xb];
	[sflag:s9] =	ssyncadd.s32 $0xFFFF6000  }
0x1c6: {  	[hbm4b:s0+s2] =	stream.linear.scatter [tilespmem:s19], [sflag:$0x2], $0xA000, $0x38;
	[tilespmem:$0x1C820] =	vst v63  }
0x1c7: {  	_ =	swait.ge [sflag:s8], $0xA000  }
0x1c8: {  	[sflag:s8] =	ssyncset.done $0x0  }
0x1c9: {  	[sflag:s8] =	ssyncadd.s32 $0xFFFF6000  }
0x1ca: {  	[tilespmem:s10], [sflag:$0x1] =	stream.indirect.gather [hbm4b:s6+s15], $0x20, s25, s15, $0xb8;
	[tilespmem:$0x1C820] =	vst v63  }
0x1cb: {  	_ = 	snop  }
0x1cc: {  	[spmem:s3] =	stream.indirect.scatter.add.f32 [tilespmem:s7], [sflag:$0x3], $0x20, s26, s11, $0xb8;
	[tilespmem:$0x1C820] =	vst v63  }
0x1cd: {  	_ =	swait.ge [sflag:s5], $0x1000  }
0x1ce: {  	[sflag:s5] =	ssyncset.done $0x0  }
0x1cf: {  	[sflag:s5] =	ssyncadd.s32 $0xFFFFF000  }
0x1d0: {  	[spmem:s3] =	stream.indirect.scatter.add.f32 [tilespmem:s7], [sflag:$0x3], $0x20, s24, s11, $0xb8;
	[tilespmem:$0x1C820] =	vst v63  }
0x1d1: {  	_ =	swait.ge [sflag:s5], $0x1000  }
0x1d2: {  	[sflag:s5] =	ssyncset.done $0x0  }
0x1d3: {  	[sflag:s5] =	ssyncadd.s32 $0xFFFFF000  }
0x1d4: {  	[spmem:s3] =	stream.indirect.scatter.add.f32 [tilespmem:s7], [sflag:$0x3], $0x20, s23, s11, $0xb8;
	[tilespmem:$0x1C820] =	vst v63  }
0x1d5: {  	_ =	swait.ge [sflag:s5], $0x1000  }
0x1d6: {  	[sflag:s5] =	ssyncset.done $0x0  }
0x1d7: {  	[sflag:s5] =	ssyncadd.s32 $0xFFFFF000  }
0x1d8: {  	[spmem:s3] =	stream.indirect.scatter.add.f32 [tilespmem:s7], [sflag:$0x3], $0x20, s21, s11, $0xb8;
	[tilespmem:$0x1C820] =	vst v63  }
0x1d9: {  	_ =	swait.ge [sflag:s5], $0x1000  }
0x1da: {  	[sflag:s5] =	ssyncset.done $0x0  }
0x1db: {  	[sflag:s5] =	ssyncadd.s32 $0xFFFFF000  }
0x1dc: {  	[spmem:s3] =	stream.indirect.scatter.add.f32 [tilespmem:s7], [sflag:$0x3], $0x20, s22, s11, $0xb8;
	[tilespmem:$0x1C820] =	vst v63  }
0x1dd: {  	_ =	swait.ge [sflag:s5], $0x1000  }
0x1de: {  	[sflag:s5] =	ssyncset.done $0x0  }
0x1df: {  	[sflag:s5] =	ssyncadd.s32 $0xFFFFF000  }
0x1e0: {  	[spmem:s3] =	stream.indirect.scatter.add.f32 [tilespmem:s7], [sflag:$0x3], $0x20, s20, s11, $0xb8;
	[tilespmem:$0x1C820] =	vst v63  }
0x1e1: {  	_ =	swait.ge [sflag:s5], $0x1000  }
0x1e2: {  	[sflag:s5] =	ssyncset.done $0x0  }
0x1e3: {  	[sflag:s5] =	ssyncadd.s32 $0xFFFFF000  }
0x1e4: {  	[spmem:s3] =	stream.indirect.scatter.add.f32 [tilespmem:s7], [sflag:$0x3], $0x20, s18, s11, $0xb8;
	[tilespmem:$0x1C820] =	vst v63  }
0x1e5: {  	_ =	swait.ge [sflag:s5], $0x1000  }
0x1e6: {  	[sflag:s5] =	ssyncset.done $0x0  }
0x1e7: {  	[sflag:s5] =	ssyncadd.s32 $0xFFFFF000  }
0x1e8: {  	[spmem:s3] =	stream.indirect.scatter.add.f32 [tilespmem:s7], [sflag:$0x3], $0x20, s17, s11, $0xb8;
	[tilespmem:$0x1C820] =	vst v63  }
0x1e9: {  	_ =	swait.ge [sflag:s5], $0x1000  }
0x1ea: {  	[sflag:s5] =	ssyncset.done $0x0  }
0x1eb: {  	[sflag:s5] =	ssyncadd.s32 $0xFFFFF000  }
0x1ec: {  	[spmem:s3] =	stream.indirect.scatter.add.f32 [tilespmem:s7], [sflag:$0x3], $0x20, s16, s11, $0xb8;
	[tilespmem:$0x1C820] =	vst v63  }
0x1ed: {  	_ =	swait.ge [sflag:s5], $0x1000  }
0x1ee: {  	[sflag:s5] =	ssyncset.done $0x0  }
0x1ef: {  	s14 =	simm.s32 $0x77A0;
	[sflag:s5] =	ssyncadd.s32 $0xFFFFF000  }
0x1f0: {  	[spmem:s3] =	stream.indirect.scatter.add.f32 [tilespmem:s7], [sflag:$0x3], $0x20, s14, s11, $0xb8;
	[tilespmem:$0x1C820] =	vst v63  }
0x1f1: {  	_ =	swait.ge [sflag:s5], $0x1000  }
0x1f2: {  	[sflag:s5] =	ssyncset.done $0x0  }
0x1f3: {  	[sflag:s5] =	ssyncadd.s32 $0xFFFFF000  }
0x1f4: {  	_ =	swait.ge [sflag:s9], $0xA000  }
0x1f5: {  	[sflag:s9] =	ssyncset.done $0x0  }
0x1f6: {  	s0 =	rddreg [dreg:$0xc];
	[sflag:s9] =	ssyncadd.s32 $0xFFFF6000  }
0x1f7: {  	[hbm4b:s0+s2] =	stream.linear.scatter [tilespmem:s10], [sflag:$0x2], $0xA000, $0x38;
	[tilespmem:$0x1C820] =	vst v63  }
0x1f8: {  	_ =	swait.ge [sflag:s8], $0xA000  }
0x1f9: {  	[sflag:s8] =	ssyncset.done $0x0  }
0x1fa: {  	[sflag:s8] =	ssyncadd.s32 $0xFFFF6000  }
0x1fb: {  	_ =	swait.ge [sflag:s8], $0xA000  }
0x1fc: {  	p1 =	sne.s32 s1, $0x1;
	[sflag:s8] =	ssyncset.done $0x0  }
.Ltmp2:
0x1fd: {  	[sflag:s8] =	ssyncadd.s32 $0xFFFF6000;
	(pc) =	sbr.rel @p1 .LBB2_2-.Ltmp2, $4  }
0x1fe: {  	[bflag:$0x0] =	sbarrier.arrive $0xFFFF  }
0x1ff: {  	[hbm:s12], [sflag:s4] =	dma.local [spmem:s13], $0xA00  }
0x200: {  	_ =	swait.ge [sflag:s5], $0xA00  }
0x201: {  	s1 =	sadd.s32 $0xFFFFFFFF, s1;
	s0 =	rddreg [dreg:$0x6];
	[sflag:s5] =	ssyncset.done $0x0  }
.LBB2_3:
0x202: {  	s1 =	rddreg [dreg:$0xd];
	[sflag:s5] =	ssyncadd.s32 @p0 $0xFFFFF600  }
0x203: {  	[spmem:s1], [sflag:s4] =	dma.local [hbm:s0], $0xA04  }
0x204: {  	_ =	swait.ge [sflag:s5], $0xA04  }
0x205: {  	[sflag:s5] =	ssyncset.done $0x0  }
0x206: {  	s1 =	rddreg [dreg:$0x7];
	[sflag:s5] =	ssyncadd.s32 $0xFFFFF5FC  }
0x207: {  	[tilespmem:s30], [sflag:$0x3] =	stream.linear.gather [hbm4b:s1+s2], $0x1400, $0x38;
	[tilespmem:$0x1C820] =	vst v63  }
0x208: {  	_ =	swait.ge [sflag:s5], $0x1400  }
0x209: {  	[sflag:s5] =	ssyncset.done $0x0  }
0x20a: {  	s1 =	rddreg [dreg:$0x8];
	[sflag:s5] =	ssyncadd.s32 $0xFFFFEC00  }
0x20b: {  	[tilespmem:s31], [sflag:$0x3] =	stream.linear.gather [hbm4b:s1+s2], $0x1400, $0x38;
	[tilespmem:$0x1C820] =	vst v63  }
0x20c: {  	_ =	swait.ge [sflag:s5], $0x1400  }
0x20d: {  	[sflag:s5] =	ssyncset.done $0x0  }
0x20e: {  	s1 =	rddreg [dreg:$0x5];
	[sflag:s5] =	ssyncadd.s32 $0xFFFFEC00  }
0x20f: {  	[tilespmem:s7], [sflag:$0x3] =	stream.linear.gather [hbm4b:s1+s2], $0x1000, $0x38;
	[tilespmem:$0x1C820] =	vst v63  }
0x210: {  	_ =	swait.ge [sflag:s5], $0x1000  }
0x211: {  	[sflag:s5] =	ssyncset.done $0x0  }
0x212: {  	[sflag:s5] =	ssyncadd.s32 $0xFFFFF000  }
0x213: {  	[bflag:$0x0] =	sbarrier.arrive $0xFFFF  }
0x214: {  	[tilespmem:s19], [sflag:$0x1] =	stream.indirect.gather [hbm4b:s6+s15], $0x20, s30, s15, $0xb8;
	[tilespmem:$0x1C820] =	vst v63  }
0x215: {  	_ = 	snop  }
0x216: {  	[spmem:s3] =	stream.indirect.scatter.add.f32 [tilespmem:s7], [sflag:$0x3], $0x20, s31, s11, $0xb8;
	[tilespmem:$0x1C820] =	vst v63  }
0x217: {  	_ =	swait.ge [sflag:s5], $0x1000  }
0x218: {  	[sflag:s5] =	ssyncset.done $0x0  }
0x219: {  	s1 =	rddreg [dreg:$0xe];
	[sflag:s5] =	ssyncadd.s32 $0xFFFFF000  }
0x21a: {  	[spmem:s3] =	stream.indirect.scatter.add.f32 [tilespmem:s7], [sflag:$0x3], $0x20, s1, s11, $0xb8;
	[tilespmem:$0x1C820] =	vst v63  }
0x21b: {  	_ =	swait.ge [sflag:s5], $0x1000  }
0x21c: {  	[sflag:s5] =	ssyncset.done $0x0  }
0x21d: {  	s30 =	rddreg [dreg:$0xf];
	[sflag:s5] =	ssyncadd.s32 $0xFFFFF000  }
0x21e: {  	[spmem:s3] =	stream.indirect.scatter.add.f32 [tilespmem:s7], [sflag:$0x3], $0x20, s30, s11, $0xb8;
	[tilespmem:$0x1C820] =	vst v63  }
0x21f: {  	_ =	swait.ge [sflag:s5], $0x1000  }
0x220: {  	[sflag:s5] =	ssyncset.done $0x0  }
0x221: {  	s31 =	rddreg [dreg:$0x10];
	[sflag:s5] =	ssyncadd.s32 $0xFFFFF000  }
0x222: {  	[spmem:s3] =	stream.indirect.scatter.add.f32 [tilespmem:s7], [sflag:$0x3], $0x20, s31, s11, $0xb8;
	[tilespmem:$0x1C820] =	vst v63  }
0x223: {  	_ =	swait.ge [sflag:s5], $0x1000  }
0x224: {  	[sflag:s5] =	ssyncset.done $0x0  }
0x225: {  	s1 =	rddreg [dreg:$0x11];
	[sflag:s5] =	ssyncadd.s32 $0xFFFFF000  }
0x226: {  	[spmem:s3] =	stream.indirect.scatter.add.f32 [tilespmem:s7], [sflag:$0x3], $0x20, s1, s11, $0xb8;
	[tilespmem:$0x1C820] =	vst v63  }
0x227: {  	_ =	swait.ge [sflag:s5], $0x1000  }
0x228: {  	[sflag:s5] =	ssyncset.done $0x0  }
0x229: {  	s30 =	rddreg [dreg:$0x12];
	[sflag:s5] =	ssyncadd.s32 $0xFFFFF000  }
0x22a: {  	[spmem:s3] =	stream.indirect.scatter.add.f32 [tilespmem:s7], [sflag:$0x3], $0x20, s30, s11, $0xb8;
	[tilespmem:$0x1C820] =	vst v63  }
0x22b: {  	_ =	swait.ge [sflag:s5], $0x1000  }
0x22c: {  	[sflag:s5] =	ssyncset.done $0x0  }
0x22d: {  	s31 =	rddreg [dreg:$0x13];
	[sflag:s5] =	ssyncadd.s32 $0xFFFFF000  }
0x22e: {  	[spmem:s3] =	stream.indirect.scatter.add.f32 [tilespmem:s7], [sflag:$0x3], $0x20, s31, s11, $0xb8;
	[tilespmem:$0x1C820] =	vst v63  }
0x22f: {  	_ =	swait.ge [sflag:s5], $0x1000  }
0x230: {  	[sflag:s5] =	ssyncset.done $0x0  }
0x231: {  	s1 =	rddreg [dreg:$0x14];
	[sflag:s5] =	ssyncadd.s32 $0xFFFFF000  }
0x232: {  	[spmem:s3] =	stream.indirect.scatter.add.f32 [tilespmem:s7], [sflag:$0x3], $0x20, s1, s11, $0xb8;
	[tilespmem:$0x1C820] =	vst v63  }
0x233: {  	_ =	swait.ge [sflag:s5], $0x1000  }
0x234: {  	[sflag:s5] =	ssyncset.done $0x0  }
0x235: {  	s30 =	rddreg [dreg:$0x15];
	[sflag:s5] =	ssyncadd.s32 $0xFFFFF000  }
0x236: {  	[spmem:s3] =	stream.indirect.scatter.add.f32 [tilespmem:s7], [sflag:$0x3], $0x20, s30, s11, $0xb8;
	[tilespmem:$0x1C820] =	vst v63  }
0x237: {  	_ =	swait.ge [sflag:s5], $0x1000  }
0x238: {  	[sflag:s5] =	ssyncset.done $0x0  }
0x239: {  	s31 =	rddreg [dreg:$0x16];
	[sflag:s5] =	ssyncadd.s32 $0xFFFFF000  }
0x23a: {  	[spmem:s3] =	stream.indirect.scatter.add.f32 [tilespmem:s7], [sflag:$0x3], $0x20, s31, s11, $0xb8;
	[tilespmem:$0x1C820] =	vst v63  }
0x23b: {  	_ =	swait.ge [sflag:s5], $0x1000  }
0x23c: {  	[sflag:s5] =	ssyncset.done $0x0  }
0x23d: {  	[sflag:s5] =	ssyncadd.s32 $0xFFFFF000  }
0x23e: {  	_ =	swait.ge [sflag:s9], $0xA000  }
0x23f: {  	[sflag:s9] =	ssyncset.done $0x0  }
0x240: {  	s1 =	rddreg [dreg:$0x9];
	[sflag:s9] =	ssyncadd.s32 $0xFFFF6000  }
0x241: {  	[hbm4b:s1+s2] =	stream.linear.scatter [tilespmem:s19], [sflag:$0x2], $0xA000, $0x38;
	[tilespmem:$0x1C820] =	vst v63  }
0x242: {  	s30 =	rddreg [dreg:$0x17]  }
0x243: {  	[tilespmem:s10], [sflag:$0x1] =	stream.indirect.gather [hbm4b:s6+s15], $0x20, s30, s15, $0xb8;
	[tilespmem:$0x1C820] =	vst v63  }
0x244: {  	s31 =	rddreg [dreg:$0x18]  }
0x245: {  	[spmem:s3] =	stream.indirect.scatter.add.f32 [tilespmem:s7], [sflag:$0x3], $0x20, s31, s11, $0xb8;
	[tilespmem:$0x1C820] =	vst v63  }
0x246: {  	_ =	swait.ge [sflag:s5], $0x1000  }
0x247: {  	[sflag:s5] =	ssyncset.done $0x0  }
0x248: {  	s1 =	rddreg [dreg:$0x19];
	[sflag:s5] =	ssyncadd.s32 $0xFFFFF000  }
0x249: {  	[spmem:s3] =	stream.indirect.scatter.add.f32 [tilespmem:s7], [sflag:$0x3], $0x20, s1, s11, $0xb8;
	[tilespmem:$0x1C820] =	vst v63  }
0x24a: {  	_ =	swait.ge [sflag:s5], $0x1000  }
0x24b: {  	[sflag:s5] =	ssyncset.done $0x0  }
0x24c: {  	s30 =	rddreg [dreg:$0x1a];
	[sflag:s5] =	ssyncadd.s32 $0xFFFFF000  }
0x24d: {  	[spmem:s3] =	stream.indirect.scatter.add.f32 [tilespmem:s7], [sflag:$0x3], $0x20, s30, s11, $0xb8;
	[tilespmem:$0x1C820] =	vst v63  }
0x24e: {  	_ =	swait.ge [sflag:s5], $0x1000  }
0x24f: {  	[sflag:s5] =	ssyncset.done $0x0  }
0x250: {  	s31 =	rddreg [dreg:$0x1b];
	[sflag:s5] =	ssyncadd.s32 $0xFFFFF000  }
0x251: {  	[spmem:s3] =	stream.indirect.scatter.add.f32 [tilespmem:s7], [sflag:$0x3], $0x20, s31, s11, $0xb8;
	[tilespmem:$0x1C820] =	vst v63  }
0x252: {  	_ =	swait.ge [sflag:s5], $0x1000  }
0x253: {  	[sflag:s5] =	ssyncset.done $0x0  }
0x254: {  	s1 =	rddreg [dreg:$0x1c];
	[sflag:s5] =	ssyncadd.s32 $0xFFFFF000  }
0x255: {  	[spmem:s3] =	stream.indirect.scatter.add.f32 [tilespmem:s7], [sflag:$0x3], $0x20, s1, s11, $0xb8;
	[tilespmem:$0x1C820] =	vst v63  }
0x256: {  	_ =	swait.ge [sflag:s5], $0x1000  }
0x257: {  	[sflag:s5] =	ssyncset.done $0x0  }
0x258: {  	s30 =	rddreg [dreg:$0x1d];
	[sflag:s5] =	ssyncadd.s32 $0xFFFFF000  }
0x259: {  	[spmem:s3] =	stream.indirect.scatter.add.f32 [tilespmem:s7], [sflag:$0x3], $0x20, s30, s11, $0xb8;
	[tilespmem:$0x1C820] =	vst v63  }
0x25a: {  	_ =	swait.ge [sflag:s5], $0x1000  }
0x25b: {  	[sflag:s5] =	ssyncset.done $0x0  }
0x25c: {  	s31 =	rddreg [dreg:$0x1e];
	[sflag:s5] =	ssyncadd.s32 $0xFFFFF000  }
0x25d: {  	[spmem:s3] =	stream.indirect.scatter.add.f32 [tilespmem:s7], [sflag:$0x3], $0x20, s31, s11, $0xb8;
	[tilespmem:$0x1C820] =	vst v63  }
0x25e: {  	_ =	swait.ge [sflag:s5], $0x1000  }
0x25f: {  	[sflag:s5] =	ssyncset.done $0x0  }
0x260: {  	s1 =	rddreg [dreg:$0x1f];
	[sflag:s5] =	ssyncadd.s32 $0xFFFFF000  }
0x261: {  	[spmem:s3] =	stream.indirect.scatter.add.f32 [tilespmem:s7], [sflag:$0x3], $0x20, s1, s11, $0xb8;
	[tilespmem:$0x1C820] =	vst v63  }
0x262: {  	_ =	swait.ge [sflag:s5], $0x1000  }
0x263: {  	s30 =	sld [smem:$0x7F3]  }
0x264: {  	[sflag:s5] =	ssyncset.done $0x0  }
0x265: {  	[sflag:s5] =	ssyncadd.s32 $0xFFFFF000  }
0x266: {  	[spmem:s3] =	stream.indirect.scatter.add.f32 [tilespmem:s7], [sflag:$0x3], $0x20, s30, s11, $0xb8;
	[tilespmem:$0x1C820] =	vst v63  }
0x267: {  	_ =	swait.ge [sflag:s5], $0x1000  }
0x268: {  	s31 =	sld [smem:$0x7F4]  }
0x269: {  	[sflag:s5] =	ssyncset.done $0x0  }
0x26a: {  	[sflag:s5] =	ssyncadd.s32 $0xFFFFF000  }
0x26b: {  	[spmem:s3] =	stream.indirect.scatter.add.f32 [tilespmem:s7], [sflag:$0x3], $0x20, s31, s11, $0xb8;
	[tilespmem:$0x1C820] =	vst v63  }
0x26c: {  	_ =	swait.ge [sflag:s5], $0x1000  }
0x26d: {  	[sflag:s5] =	ssyncset.done $0x0  }
0x26e: {  	[sflag:s5] =	ssyncadd.s32 $0xFFFFF000  }
0x26f: {  	_ =	swait.ge [sflag:s9], $0xA000  }
0x270: {  	[sflag:s9] =	ssyncset.done $0x0  }
0x271: {  	s1 =	rddreg [dreg:$0xa];
	[sflag:s9] =	ssyncadd.s32 $0xFFFF6000  }
0x272: {  	[hbm4b:s1+s2] =	stream.linear.scatter [tilespmem:s10], [sflag:$0x2], $0xA000, $0x38;
	[tilespmem:$0x1C820] =	vst v63  }
0x273: {  	_ =	swait.ge [sflag:s8], $0xA000  }
0x274: {  	s30 =	sld [smem:$0x7F5]  }
0x275: {  	[sflag:s8] =	ssyncset.done $0x0  }
0x276: {  	s31 =	sld [smem:$0x7F6];
	[sflag:s8] =	ssyncadd.s32 $0xFFFF6000  }
0x277: {  	[tilespmem:s19], [sflag:$0x1] =	stream.indirect.gather [hbm4b:s6+s15], $0x20, s30, s15, $0xb8;
	[tilespmem:$0x1C820] =	vst v63  }
0x278: {  	_ = 	snop  }
0x279: {  	[spmem:s3] =	stream.indirect.scatter.add.f32 [tilespmem:s7], [sflag:$0x3], $0x20, s31, s11, $0xb8;
	[tilespmem:$0x1C820] =	vst v63  }
0x27a: {  	_ =	swait.ge [sflag:s5], $0x1000  }
0x27b: {  	s1 =	sld [smem:$0x7F7]  }
0x27c: {  	[sflag:s5] =	ssyncset.done $0x0  }
0x27d: {  	[sflag:s5] =	ssyncadd.s32 $0xFFFFF000  }
0x27e: {  	[spmem:s3] =	stream.indirect.scatter.add.f32 [tilespmem:s7], [sflag:$0x3], $0x20, s1, s11, $0xb8;
	[tilespmem:$0x1C820] =	vst v63  }
0x27f: {  	_ =	swait.ge [sflag:s5], $0x1000  }
0x280: {  	s30 =	sld [smem:$0x7F8]  }
0x281: {  	[sflag:s5] =	ssyncset.done $0x0  }
0x282: {  	[sflag:s5] =	ssyncadd.s32 $0xFFFFF000  }
0x283: {  	[spmem:s3] =	stream.indirect.scatter.add.f32 [tilespmem:s7], [sflag:$0x3], $0x20, s30, s11, $0xb8;
	[tilespmem:$0x1C820] =	vst v63  }
0x284: {  	_ =	swait.ge [sflag:s5], $0x1000  }
0x285: {  	s31 =	sld [smem:$0x7F9]  }
0x286: {  	[sflag:s5] =	ssyncset.done $0x0  }
0x287: {  	[sflag:s5] =	ssyncadd.s32 $0xFFFFF000  }
0x288: {  	[spmem:s3] =	stream.indirect.scatter.add.f32 [tilespmem:s7], [sflag:$0x3], $0x20, s31, s11, $0xb8;
	[tilespmem:$0x1C820] =	vst v63  }
0x289: {  	_ =	swait.ge [sflag:s5], $0x1000  }
0x28a: {  	s1 =	sld [smem:$0x7FA]  }
0x28b: {  	[sflag:s5] =	ssyncset.done $0x0  }
0x28c: {  	[sflag:s5] =	ssyncadd.s32 $0xFFFFF000  }
0x28d: {  	[spmem:s3] =	stream.indirect.scatter.add.f32 [tilespmem:s7], [sflag:$0x3], $0x20, s1, s11, $0xb8;
	[tilespmem:$0x1C820] =	vst v63  }
0x28e: {  	_ =	swait.ge [sflag:s5], $0x1000  }
0x28f: {  	s30 =	sld [smem:$0x7FB]  }
0x290: {  	[sflag:s5] =	ssyncset.done $0x0  }
0x291: {  	[sflag:s5] =	ssyncadd.s32 $0xFFFFF000  }
0x292: {  	[spmem:s3] =	stream.indirect.scatter.add.f32 [tilespmem:s7], [sflag:$0x3], $0x20, s30, s11, $0xb8;
	[tilespmem:$0x1C820] =	vst v63  }
0x293: {  	_ =	swait.ge [sflag:s5], $0x1000  }
0x294: {  	s31 =	sld [smem:$0x7FC]  }
0x295: {  	[sflag:s5] =	ssyncset.done $0x0  }
0x296: {  	[sflag:s5] =	ssyncadd.s32 $0xFFFFF000  }
0x297: {  	[spmem:s3] =	stream.indirect.scatter.add.f32 [tilespmem:s7], [sflag:$0x3], $0x20, s31, s11, $0xb8;
	[tilespmem:$0x1C820] =	vst v63  }
0x298: {  	_ =	swait.ge [sflag:s5], $0x1000  }
0x299: {  	s1 =	sld [smem:$0x7FD]  }
0x29a: {  	[sflag:s5] =	ssyncset.done $0x0  }
0x29b: {  	[sflag:s5] =	ssyncadd.s32 $0xFFFFF000  }
0x29c: {  	[spmem:s3] =	stream.indirect.scatter.add.f32 [tilespmem:s7], [sflag:$0x3], $0x20, s1, s11, $0xb8;
	[tilespmem:$0x1C820] =	vst v63  }
0x29d: {  	_ =	swait.ge [sflag:s5], $0x1000  }
0x29e: {  	[sflag:s5] =	ssyncset.done $0x0  }
0x29f: {  	[sflag:s5] =	ssyncadd.s32 $0xFFFFF000  }
0x2a0: {  	[spmem:s3] =	stream.indirect.scatter.add.f32 [tilespmem:s7], [sflag:$0x3], $0x20, s29, s11, $0xb8;
	[tilespmem:$0x1C820] =	vst v63  }
0x2a1: {  	_ =	swait.ge [sflag:s5], $0x1000  }
0x2a2: {  	[sflag:s5] =	ssyncset.done $0x0  }
0x2a3: {  	[sflag:s5] =	ssyncadd.s32 $0xFFFFF000  }
0x2a4: {  	[spmem:s3] =	stream.indirect.scatter.add.f32 [tilespmem:s7], [sflag:$0x3], $0x20, s28, s11, $0xb8;
	[tilespmem:$0x1C820] =	vst v63  }
0x2a5: {  	_ =	swait.ge [sflag:s5], $0x1000  }
0x2a6: {  	[sflag:s5] =	ssyncset.done $0x0  }
0x2a7: {  	[sflag:s5] =	ssyncadd.s32 $0xFFFFF000  }
0x2a8: {  	_ =	swait.ge [sflag:s9], $0xA000  }
0x2a9: {  	[sflag:s9] =	ssyncset.done $0x0  }
0x2aa: {  	s29 =	rddreg [dreg:$0xb];
	[sflag:s9] =	ssyncadd.s32 $0xFFFF6000  }
0x2ab: {  	[hbm4b:s29+s2] =	stream.linear.scatter [tilespmem:s19], [sflag:$0x2], $0xA000, $0x38;
	[tilespmem:$0x1C820] =	vst v63  }
0x2ac: {  	_ =	swait.ge [sflag:s8], $0xA000  }
0x2ad: {  	[sflag:s8] =	ssyncset.done $0x0  }
0x2ae: {  	[sflag:s8] =	ssyncadd.s32 $0xFFFF6000  }
0x2af: {  	[tilespmem:s10], [sflag:$0x1] =	stream.indirect.gather [hbm4b:s6+s15], $0x20, s25, s15, $0xb8;
	[tilespmem:$0x1C820] =	vst v63  }
0x2b0: {  	_ = 	snop  }
0x2b1: {  	[spmem:s3] =	stream.indirect.scatter.add.f32 [tilespmem:s7], [sflag:$0x3], $0x20, s26, s11, $0xb8;
	[tilespmem:$0x1C820] =	vst v63  }
0x2b2: {  	_ =	swait.ge [sflag:s5], $0x1000  }
0x2b3: {  	[sflag:s5] =	ssyncset.done $0x0  }
0x2b4: {  	[sflag:s5] =	ssyncadd.s32 $0xFFFFF000  }
0x2b5: {  	[spmem:s3] =	stream.indirect.scatter.add.f32 [tilespmem:s7], [sflag:$0x3], $0x20, s24, s11, $0xb8;
	[tilespmem:$0x1C820] =	vst v63  }
0x2b6: {  	_ =	swait.ge [sflag:s5], $0x1000  }
0x2b7: {  	[sflag:s5] =	ssyncset.done $0x0  }
0x2b8: {  	[sflag:s5] =	ssyncadd.s32 $0xFFFFF000  }
0x2b9: {  	[spmem:s3] =	stream.indirect.scatter.add.f32 [tilespmem:s7], [sflag:$0x3], $0x20, s23, s11, $0xb8;
	[tilespmem:$0x1C820] =	vst v63  }
0x2ba: {  	_ =	swait.ge [sflag:s5], $0x1000  }
0x2bb: {  	[sflag:s5] =	ssyncset.done $0x0  }
0x2bc: {  	[sflag:s5] =	ssyncadd.s32 $0xFFFFF000  }
0x2bd: {  	[spmem:s3] =	stream.indirect.scatter.add.f32 [tilespmem:s7], [sflag:$0x3], $0x20, s21, s11, $0xb8;
	[tilespmem:$0x1C820] =	vst v63  }
0x2be: {  	_ =	swait.ge [sflag:s5], $0x1000  }
0x2bf: {  	[sflag:s5] =	ssyncset.done $0x0  }
0x2c0: {  	[sflag:s5] =	ssyncadd.s32 $0xFFFFF000  }
0x2c1: {  	[spmem:s3] =	stream.indirect.scatter.add.f32 [tilespmem:s7], [sflag:$0x3], $0x20, s22, s11, $0xb8;
	[tilespmem:$0x1C820] =	vst v63  }
0x2c2: {  	_ =	swait.ge [sflag:s5], $0x1000  }
0x2c3: {  	[sflag:s5] =	ssyncset.done $0x0  }
0x2c4: {  	[sflag:s5] =	ssyncadd.s32 $0xFFFFF000  }
0x2c5: {  	[spmem:s3] =	stream.indirect.scatter.add.f32 [tilespmem:s7], [sflag:$0x3], $0x20, s20, s11, $0xb8;
	[tilespmem:$0x1C820] =	vst v63  }
0x2c6: {  	_ =	swait.ge [sflag:s5], $0x1000  }
0x2c7: {  	[sflag:s5] =	ssyncset.done $0x0  }
0x2c8: {  	[sflag:s5] =	ssyncadd.s32 $0xFFFFF000  }
0x2c9: {  	[spmem:s3] =	stream.indirect.scatter.add.f32 [tilespmem:s7], [sflag:$0x3], $0x20, s18, s11, $0xb8;
	[tilespmem:$0x1C820] =	vst v63  }
0x2ca: {  	_ =	swait.ge [sflag:s5], $0x1000  }
0x2cb: {  	[sflag:s5] =	ssyncset.done $0x0  }
0x2cc: {  	[sflag:s5] =	ssyncadd.s32 $0xFFFFF000  }
0x2cd: {  	[spmem:s3] =	stream.indirect.scatter.add.f32 [tilespmem:s7], [sflag:$0x3], $0x20, s17, s11, $0xb8;
	[tilespmem:$0x1C820] =	vst v63  }
0x2ce: {  	_ =	swait.ge [sflag:s5], $0x1000  }
0x2cf: {  	[sflag:s5] =	ssyncset.done $0x0  }
0x2d0: {  	[sflag:s5] =	ssyncadd.s32 $0xFFFFF000  }
0x2d1: {  	[spmem:s3] =	stream.indirect.scatter.add.f32 [tilespmem:s7], [sflag:$0x3], $0x20, s16, s11, $0xb8;
	[tilespmem:$0x1C820] =	vst v63  }
0x2d2: {  	_ =	swait.ge [sflag:s5], $0x1000  }
0x2d3: {  	[sflag:s5] =	ssyncset.done $0x0  }
0x2d4: {  	[sflag:s5] =	ssyncadd.s32 $0xFFFFF000  }
0x2d5: {  	[spmem:s3] =	stream.indirect.scatter.add.f32 [tilespmem:s7], [sflag:$0x3], $0x20, s14, s11, $0xb8;
	[tilespmem:$0x1C820] =	vst v63  }
0x2d6: {  	_ =	swait.ge [sflag:s5], $0x1000  }
0x2d7: {  	[sflag:s5] =	ssyncset.done $0x0  }
0x2d8: {  	[sflag:s5] =	ssyncadd.s32 $0xFFFFF000  }
0x2d9: {  	_ =	swait.ge [sflag:s9], $0xA000  }
0x2da: {  	[sflag:s9] =	ssyncset.done $0x0  }
0x2db: {  	s30 =	rddreg [dreg:$0xc];
	[sflag:s9] =	ssyncadd.s32 $0xFFFF6000  }
0x2dc: {  	[hbm4b:s30+s2] =	stream.linear.scatter [tilespmem:s10], [sflag:$0x2], $0xA000, $0x38;
	[tilespmem:$0x1C820] =	vst v63  }
0x2dd: {  	_ =	swait.ge [sflag:s8], $0xA000  }
0x2de: {  	[sflag:s8] =	ssyncset.done $0x0  }
0x2df: {  	[sflag:s8] =	ssyncadd.s32 $0xFFFF6000  }
0x2e0: {  	_ =	swait.ge [sflag:s8], $0xA000  }
0x2e1: {  	[sflag:s8] =	ssyncset.done $0x0  }
0x2e2: {  	[sflag:s8] =	ssyncadd.s32 $0xFFFF6000  }
0x2e3: {  	[bflag:$0x0] =	sbarrier.arrive $0xFFFF  }
0x2e4: {  	[hbm:s12], [sflag:s4] =	dma.local [spmem:s13], $0xA00  }
0x2e5: {  	_ =	swait.ge [sflag:s5], $0xA00  }
0x2e6: {  	[sflag:s5] =	ssyncset.done $0x0  }
0x2e7: {  	[sflag:s5] =	ssyncadd.s32 $0xFFFFF600  }
0x2e8: {  	_ =	sfence.sel $0x180000  }
0x2e9: {  	[bflag:$0x0] =	sbarrier.arrive $0xFFFF  }
0x2ea: {  	_ =	strace $0x90000047  }
0x2eb: {  	s31 =	stileid.u32;
	[bflag:$0x2] =	sbarrier.arrive $0xFFFF  }
0x2ec: {  	p0 =	sne.s32 s31, $0x0;
	s0 =	rddreg [dreg:$0x4]  }
0x2ed: {  	s0 =	sadd.s32 @!p0 $0x100000, s0  }
0x2ee: {  	[sflag:s0] =	ssyncadd.tile.s32 @!p0 $0x1;
	_ =	shalt  }
.Lfunc_end2:
_tile_overlayer_lowered:
.L_overlay_start_2:
0x2ef: {  	(tag) =	ssettag $0x2  }
0x2f0: {  	s0 =	rddreg [dreg:$0x0];
	s2 =	stileid.u32  }
0x2f1: {  	s1 =	rddreg [dreg:$0x1];
	p0 =	sne.s32 s2, $0x0  }
0x2f2: {  	s3 =	rddreg [dreg:$0x2];
	[bflag:$0x3] =	sbarrier.arrive $0xFFFF;
	s2 =	simm.s32 @!p0 $0x1C03  }
0x2f3: {  	[timem:s3], [sflag:s2] =	dma.local @!p0 [hbm:s0], s1  }
0x2f4: {  	s0 =	simm.s32 @!p0 $0x3  }
0x2f5: {  	_ =	swait.ge @!p0 [sflag:s0], s1  }
0x2f6: {  	s1 =	ssub.s32 @!p0 $0x0, s1;
	[sflag:s0] =	ssyncset.done @!p0 $0x0  }
0x2f7: {  	[sflag:s0] =	ssyncadd.s32 @!p0 s1  }
0x2f8: {  	[bflag:$0x3] =	sbarrier.arrive $0xFFFF  }
0x2f9: {  	_ =	shalt  }

// kernel: kernel.19.cloned.1.call-start
scs
__scs_entry_jumppad:
0x0: {  	(pc) =	sbr.rel $0x88, $3  }
0x1: {  	(tag) =	ssettag $0x0;
	lr =	simm.s32 $0x1  }
0x2: {  	[smem:$0x3F8E] =	sst lr;
	_ =	strace $0xD0000000  }
0x3: {  	_ = 	snop  }
0x4: {  	_ = 	snop  }
0x5: {  	_ = 	snop  }
0x6: {  	_ = 	snop  }
0x7: {  	_ = 	snop  }
__scs_overlays_trampoline_lowered:
0x8: {  	[smem:$0x3F9D] =	sst s0  }
0x9: {  	[smem:$0x3F9E] =	sst s1  }
0xa: {  	[smem:$0x3F9F] =	sst s2  }
0xb: {  	[smem:$0x3FA0] =	sst s3  }
0xc: {  	[smem:$0x3FA1] =	sst s4  }
0xd: {  	[smem:$0x3FA2] =	sst s5  }
0xe: {  	[smem:$0x3FA3] =	sst s6  }
0xf: {  	[smem:$0x3FA4] =	sst s7  }
0x10: {  	[smem:$0x3FA5] =	sst s8  }
0x11: {  	[smem:$0x3FA6] =	sst s9;
	s0 =	simm.s32 @!p0 $0x0  }
0x12: {  	s1 =	sld [smem:$0x3F8C];
	s0 =	simm.s32 @p0 $0x1  }
0x13: {  	[smem:$0x3FA7] =	sst s0;
	s0 =	simm.s32 @!p1 $0x0  }
0x14: {  	s2 =	sld [smem:$0x3F8B];
	s0 =	simm.s32 @p1 $0x1  }
0x15: {  	[smem:$0x3FA8] =	sst s0;
	s0 =	simm.s32 @!p2 $0x0  }
0x16: {  	s3 =	sld [smem:$0x3FDB];
	s0 =	simm.s32 @p2 $0x1  }
0x17: {  	s4 =	simm.s32 $0x1BF5;
	[smem:$0x3FAA] =	sst s0  }
0x18: {  	s0 =	sld [smem:$0x3F8D];
	_ =	swait.ge [sflag:s4], $0x0  }
0x19: {  	s7 =	sld [smem:$0x3F8E]  }
0x1a: {  	s8 =	sadd.s32 $0xFFFFE003, lr  }
0x1b: {  	s9 =	sadd.s32 $0xFFFFFEF7, lr;
	s5 =	simm.s32 $0xFFFFFFFF;
	p2 =	slt.u32 s8, $0xFFFFF086  }
0x1c: {  	p1 =	slt.u32 s9, $0xF7A;
	s5 =	simm.s32 @!p2 $0x0  }
0x1d: {  	s5 =	simm.s32 @p1 $0x1;
	p0 =	seq.s32 s7, s2  }
0x1e: {  	s7 =	smul.u32 @!p0 $0xF7A, s2;
	p2 =	seq.s32 @!p0 s5, $0x0  }
0x1f: {  	s9 =	smul.u32 $0xF7A, s1;
	s8 =	simm.s32 @!p0 $0x1BF5;
	p2 =	por !p2, p0  }
0x20: {  	[sflag:s8] =	ssyncset.s32 @!p0 $0xFFFFF086;
	s6 =	sadd.s32 @!p0 s3, s7;
	s7 =	simm.s32 @!p0 $0x108  }
0x21: {  	s3 =	sadd.s32 s3, s9;
	s6 =	sadd.s32 @!p0 $0x88, s6;
	s7 =	simm.s32 @p2 $0x1082  }
0x22: {  	[simem:s7], [sflag:s8] =	dma.local @!p0 [hbm:s6], $0xF7A  }
0x23: {  	s9 =	sor.u32 $0xD0000000, s2;
	s6 =	simm.s32 $0x108;
	_ =	swait.ge @!p0 [sflag:s8], $0x0  }
0x24: {  	s3 =	sadd.s32 $0x88, s3;
	s6 =	simm.s32 @!p1 $0x1082;
	[sflag:s4] =	ssyncset.s32 $0xFFFFF086  }
0x25: {  	[simem:s6], [sflag:s4] =	dma.local [hbm:s3], $0xF7A  }
0x26: {  	[smem:$0x3F8E] =	sst s1;
	(tag) =	ssettag s2;
	_ =	strace s9  }
0x27: {  	s1 =	sld [smem:$0x3F9E]  }
0x28: {  	s2 =	sld [smem:$0x3F9F]  }
0x29: {  	s4 =	sld [smem:$0x3FA1]  }
0x2a: {  	p0 =	seq.s32 s5, $0x0;
	s5 =	sld [smem:$0x3FA2]  }
0x2b: {  	s6 =	sld [smem:$0x3FA3]  }
0x2c: {  	s7 =	sld [smem:$0x3FA4]  }
0x2d: {  	s3 =	simm.s32 $0x108;
	s8 =	sld [smem:$0x3FA5]  }
0x2e: {  	s3 =	simm.s32 @!p0 $0x1082;
	s9 =	sld [smem:$0x3FA6]  }
0x2f: {  	lr =	sadd.s32 s0, s3;
	s0 =	sld [smem:$0x3F9D]  }
0x30: {  	s3 =	sld [smem:$0x3FA0]  }
0x31: {  	[smem:$0x3FA9] =	sst s10  }
0x32: {  	s10 =	sld [smem:$0x3FA7];
	_ =	sdelay $0x3  }
0x33: {  	p0 =	seq.s32 s10, $0x1;
	s10 =	sld [smem:$0x3FA9];
	_ =	sdelay $0x3  }
0x34: {  	[smem:$0x3FA9] =	sst s10  }
0x35: {  	s10 =	sld [smem:$0x3FA8];
	_ =	sdelay $0x3  }
0x36: {  	p1 =	seq.s32 s10, $0x1;
	s10 =	sld [smem:$0x3FA9];
	_ =	sdelay $0x3  }
0x37: {  	[smem:$0x3FA9] =	sst s10  }
0x38: {  	s10 =	sld [smem:$0x3FAA]  }
0x39: {  	_ = 	snop;
	(pc) =	sbr.ind lr, $3  }
0x3a: {  	_ = 	snop  }
0x3b: {  	_ = 	snop  }
0x3c: {  	p2 =	seq.s32 s10, $0x1;
	s10 =	sld [smem:$0x3FA9]  }
0x3d: {  	_ =	shalt  }
0x3e: {  	_ =	shalt  }
0x3f: {  	_ =	shalt  }
0x40: {  	_ =	shalt  }
0x41: {  	_ =	shalt  }
0x42: {  	_ =	shalt  }
0x43: {  	_ =	shalt  }
0x44: {  	_ =	shalt  }
0x45: {  	_ =	shalt  }
0x46: {  	_ =	shalt  }
0x47: {  	_ =	shalt  }
0x48: {  	_ =	shalt  }
0x49: {  	_ =	shalt  }
0x4a: {  	_ =	shalt  }
0x4b: {  	_ =	shalt  }
0x4c: {  	_ =	shalt  }
0x4d: {  	_ =	shalt  }
0x4e: {  	_ =	shalt  }
0x4f: {  	_ =	shalt  }
0x50: {  	_ =	shalt  }
0x51: {  	_ =	shalt  }
0x52: {  	_ =	shalt  }
0x53: {  	_ =	shalt  }
0x54: {  	_ =	shalt  }
0x55: {  	_ =	shalt  }
0x56: {  	_ =	shalt  }
0x57: {  	_ =	shalt  }
0x58: {  	_ =	shalt  }
0x59: {  	_ =	shalt  }
0x5a: {  	_ =	shalt  }
0x5b: {  	_ =	shalt  }
0x5c: {  	_ =	shalt  }
0x5d: {  	_ =	shalt  }
0x5e: {  	_ =	shalt  }
0x5f: {  	_ =	shalt  }
0x60: {  	_ =	shalt  }
0x61: {  	_ =	shalt  }
0x62: {  	_ =	shalt  }
0x63: {  	_ =	shalt  }
0x64: {  	_ =	shalt  }
0x65: {  	_ =	shalt  }
0x66: {  	_ =	shalt  }
0x67: {  	_ =	shalt  }
0x68: {  	_ =	shalt  }
0x69: {  	_ =	shalt  }
0x6a: {  	_ =	shalt  }
0x6b: {  	_ =	shalt  }
0x6c: {  	_ =	shalt  }
0x6d: {  	_ =	shalt  }
0x6e: {  	_ =	shalt  }
0x6f: {  	_ =	shalt  }
0x70: {  	_ =	shalt  }
0x71: {  	_ =	shalt  }
0x72: {  	_ =	shalt  }
0x73: {  	_ =	shalt  }
0x74: {  	_ =	shalt  }
0x75: {  	_ =	shalt  }
0x76: {  	_ =	shalt  }
0x77: {  	_ =	shalt  }
0x78: {  	_ =	shalt  }
0x79: {  	_ =	shalt  }
0x7a: {  	_ =	shalt  }
0x7b: {  	_ =	shalt  }
0x7c: {  	_ =	shalt  }
0x7d: {  	_ =	shalt  }
0x7e: {  	_ =	shalt  }
0x7f: {  	_ =	shalt  }
0x80: {  	_ =	shalt  }
0x81: {  	_ =	shalt  }
0x82: {  	_ =	shalt  }
0x83: {  	_ =	shalt  }
0x84: {  	_ =	shalt  }
0x85: {  	_ =	shalt  }
0x86: {  	_ =	shalt  }
0x87: {  	_ =	shalt  }
.Lfunc_end0:
.L_simem_size_0:
called_computation.1_lowered:
.L_overlay_start_0:
0x88: {  	s2 =	sld [smem:$0x3FD9]  }
0x89: {  	s3 =	sld [smem:$0x3FFE];
	_ =	sdelay $0x1  }
0x8a: {  	s1 =	srdreg.scid  }
0x8b: {  	s0 =	sand.u32 $0x1, s1  }
0x8c: {  	s16 =	sshll.u32 s0, $0xA;
	s2 =	sadd.s32 s3, s2  }
0x8d: {  	s2 =	sadd.s32 s2, s16  }
0x8e: {  	[smem:$0x3FB5] =	sst s2  }
0x8f: {  	_ = 	snop  }
0x90: {  	(tm) =	ssettm $0x1  }
0x91: {  	s17 =	sld [smem:$0x3FFB];
	_ =	sdelay $0x3  }
0x92: {  	_ =	strace s17  }
0x93: {  	s2 =	sld [smem:$0x3FFC];
	_ =	sdelay $0x3  }
0x94: {  	_ =	strace s2  }
0x95: {  	s2 =	sld [smem:$0x3FFD];
	_ =	sdelay $0x3  }
0x96: {  	_ =	strace s2  }
0x97: {  	_ =	strace $0x8FFFFFFF  }
0x98: {  	s18 =	sld [smem:$0x3FDB];
	_ =	sdelay $0x1  }
0x99: {  	s19 =	simm.s32 $_scs_section_size  }
0x9a: {  	s4 =	simm.s32 $_size__tile_overlayer_lowered;
	s5 =	simm.s32 $_tile_overlayer_lowered  }
0x9b: {  	s22 =	simm.s32 $0x1BFF;
	s21 =	sshll.u32 s5, $0x1;
	s2 =	sadd.s32 s19, s18  }
0x9c: {  	s6 =	simm.s32 $0x0;
	s20 =	sshll.u32 s4, $0x1;
	s4 =	sadd.s32 s21, s2  }
0x9d: {  	[timem:s6], [sflag:s22] =	dma.local [hbm:s4], s20  }
0x9e: {  	_ =	swait.ge [sflag:s22], s20  }
0x9f: {  	s3 =	ssub.s32 $0x0, s20;
	[sflag:s22] =	ssyncset.done $0x0  }
0xa0: {  	[sflag:s22] =	ssyncadd.s32 s3;
	_ =	sdelay $0x1  }
0xa1: {  	s23 =	simm.s32 $0x1B8B  }
0xa2: {  	_ =	swait.ge [sflag:s23], $0x1  }
0xa3: {  	[sflag:s23] =	ssyncset.done $0x0  }
0xa4: {  	s25 =	simm.s32 $0x1B8E;
	s24 =	sld [smem:$0x3FFE];
	[sflag:s23] =	ssyncadd.s32 $0xFFFFFFFF  }
0xa5: {  	s26 =	simm.s32 $execute0_lowered;
	[smem:$0x3FD2] =	sst s25  }
0xa6: {  	s4 =	sshll.u32 s26, $0x1;
	_ =	strace $0x80000049;
	[dreg:$0x1] =	wrdreg $0xFFFFFFFF  }
0xa7: {  	s28 =	simm.s32 $_size_execute0_lowered;
	s2 =	sadd.s32 s2, s4;
	[dreg:$0x0] =	wrdreg $0x0  }
0xa8: {  	s4 =	sshll.u32 s28, $0x1;
	[dreg:$0x2] =	wrdreg s2  }
0xa9: {  	[dreg:$0x3] =	wrdreg s4  }
0xaa: {  	[dreg:$0x4] =	wrdreg $0xC0  }
0xab: {  	_ =	task [dreg:s6], $0x5FFFF  }
0xac: {  	[dreg:$0x1] =	wrdreg $0xFFFFFFFF  }
0xad: {  	[dreg:$0x0] =	wrdreg $0x60  }
0xae: {  	[dreg:$0x2] =	wrdreg s24  }
0xaf: {  	[dreg:$0x3] =	wrdreg $0x0  }
0xb0: {  	[dreg:$0x4] =	wrdreg $0x9  }
0xb1: {  	_ =	task.clear_ibuf [dreg:s6], $0x5FFFF;
	_ =	strace $0x90000049  }
0xb2: {  	s29 =	simm.s32 $0x9;
	_ =	strace $0x8000004B  }
0xb3: {  	_ =	swait.ge [sflag:s29], $0x1  }
0xb4: {  	[sflag:s29] =	ssyncadd.s32 $0xFFFFFFFF  }
0xb5: {  	_ =	strace $0x9000004B  }
0xb6: {  	_ =	sfence  }
0xb7: {  	s30 =	sld [smem:$0x0];
	_ =	sdelay $0x2  }
0xb8: {  	s31 =	sshll.u32 s1, $0xD;
	s1 =	sshrl.u32 s1, $0x2  }
0xb9: {  	s3 =	sand.u32 $0x4000, s31;
	s1 =	sadd.s32 s1, s30  }
0xba: {  	s0 =	sor.u32 s3, s0;
	s1 =	sshll.u32 s1, $0x11  }
0xbb: {  	s0 =	sor.u32 s1, s0  }
0xbc: {  	s0 =	sadd.s32 $0x8F2B, s0  }
0xbd: {  	[sflag:s0] =	ssyncadd.remote.s32 $0x1  }
0xbe: {  	_ =	sfence.sel $0xFFFF  }
0xbf: {  	[dreg:$0x0] =	wrdreg $0xFFFFFFFF;
	(pc) =	sbr.abs _section_cstart, $3  }
0xc0: {  	[dreg:$0x1] =	wrdreg $0xFFFFFFFF  }
0xc1: {  	_ =	task.clear_ibuf [dreg:s6], $0x2FFFF;
	_ =	strace $0x9FFFFFFF  }
0xc2: {  	(tm) =	ssettm $0x7FFFFFFF  }
0xc3: {  	_ =	shalt  }
tec
execute0_lowered:
.L_overlay_start_1:
0x0: {  	(tag) =	ssettag $0x1  }
0x1: {  	s4 =	rddreg [dreg:$0x0];
	s1 =	stileid.u32  }
0x2: {  	s2 =	rddreg [dreg:$0x1];
	s7 =	smul.u32 $0xA000, s1  }
0x3: {  	s3 =	srdreg.scid;
	s28 =	smul.u32 $0x5020, s1  }
0x4: {  	s0 =	rddreg [dreg:$0x2];
	s6 =	sand.u32 $0x1, s3;
	s13 =	smul.u32 $0x5000, s1  }
0x5: {  	s5 =	sshll.u32 s1, $0x1;
	s3 =	simm.s32 $0x0;
	s9 =	smul.u32 $0xA000, s6  }
0x6: {  	s31 =	sshll.u32 s1, $0x6;
	s5 =	sor.u32 s6, s5;
	s14 =	smul.u32 $0x5000, s6  }
0x7: {  	[smem:$0x7FF] =	sst s3;
	s10 =	ssub.s32 $0x2, s6;
	s5 =	smul.u32 $0x1400, s5  }
0x8: {  	_ =	strace $0x8000004A;
	s8 =	sadd.s32 s7, s4;
	s29 =	sshrl.u32 s28, $0x3  }
0x9: {  	s12 =	sshrl.u32 s10, $0x1;
	s30 =	sadd.s32 s28, s2;
	s16 =	sshrl.u32 s13, $0x3  }
0xa: {  	s17 =	sadd.s32 s13, s2;
	s13 =	simm.s32 $0x80;
	s9 =	sadd.s32 s9, s4  }
0xb: {  	s10 =	ssub.s32 s10, s12;
	s8 =	sadd.s32 s14, s8;
	s12 =	simm.s32 $0x6420  }
0xc: {  	s5 =	sshrl.u32 s5, $0x3;
	s15 =	sadd.s32 $0x1DE00, s9;
	s7 =	smax.u32 s10, $0x1  }
0xd: {  	s8 =	sadd.s32 $0xD1E00, s8;
	s9 =	sshrl.u32 s30, $0x3;
	s10 =	simm.s32 $0x1  }
0xe: {  	s11 =	sadd.s32 s5, s4;
	s5 =	sadd.s32 s29, s4;
	s14 =	sadd.s32 s16, s15  }
0xf: {  	s15 =	sshrl.u32 s17, $0x3;
	s16 =	simm.s32 $0x0;
	s4 =	sadd.s32 $0x13C00, s5  }
0x10: {  	s5 =	sor.u32 $0x1C01, s31;
	s6 =	sadd.s32 $0x4C00, s11;
	s11 =	simm.s32 $0x5020  }
.LBB2_1:
0x11: {  	[spmem:s9], [sflag:s5] =	dma.local [hbm:s4], $0xA04  }
0x12: {  	_ =	swait.ge [sflag:s10], $0xA04  }
0x13: {  	[sflag:s10] =	ssyncset.done $0x0  }
0x14: {  	[sflag:s10] =	ssyncadd.s32 $0xFFFFF5FC  }
0x15: {  	[tilespmem:s11], [sflag:$0x1] =	stream.linear.gather [hbm4b:s6+s3], $0x1400, $0x38;
	[tilespmem:$0x7420] =	vst v63  }
0x16: {  	_ =	swait.ge [sflag:s10], $0x1400  }
0x17: {  	[sflag:s10] =	ssyncset.done $0x0  }
0x18: {  	[sflag:s10] =	ssyncadd.s32 $0xFFFFEC00  }
0x19: {  	s17 =	sadd.s32 $0x0, s8;
	[bflag:$0x0] =	sbarrier.arrive $0xFFFF  }
0x1a: {  	[tilespmem:s12], [sflag:$0x1] =	stream.linear.gather [hbm4b:s17+s3], $0x1000, $0x38;
	[tilespmem:$0x7420] =	vst v63  }
0x1b: {  	_ =	swait.ge [sflag:s10], $0x1000  }
0x1c: {  	[sflag:s10] =	ssyncset.done $0x0  }
0x1d: {  	s31 =	simm.s32 $0x5020;
	[sflag:s10] =	ssyncadd.s32 $0xFFFFF000  }
0x1e: {  	[spmem:s2] =	stream.indirect.scatter.add.f32 [tilespmem:s12], [sflag:$0x1], $0x20, s31, s13, $0xb8;
	[tilespmem:$0x7420] =	vst v63  }
0x1f: {  	_ =	swait.ge [sflag:s10], $0x1000  }
0x20: {  	s18 =	simm.s32 $0x400;
	s17 =	simm.s32 $0x200;
	[sflag:s10] =	ssyncset.done $0x0  }
.LBB2_2:
0x21: {  	s19 =	sadd.s32 s17, s8  }
0x22: {  	[sflag:s10] =	ssyncadd.s32 $0xFFFFF000;
	s20 =	smov.u32 s18;
	s21 =	sadd.s32 $0x200, s18  }
0x23: {  	[tilespmem:s12], [sflag:$0x1] =	stream.linear.gather [hbm4b:s19+s3], $0x1000, $0x38;
	[tilespmem:$0x7420] =	vst v63  }
0x24: {  	p0 =	sne.s32 s18, $0x4E00;
	_ =	swait.ge [sflag:s10], $0x1000  }
.Ltmp0:
0x25: {  	s17 =	sshra.s32 s17, $0x2;
	[sflag:s10] =	ssyncset.done $0x0;
	(pc) =	sbr.rel @p0 .LBB2_2-.Ltmp0, $4  }
0x26: {  	s18 =	sadd.s32 $0x5020, s17;
	s17 =	smov.u32 s20;
	[sflag:s10] =	ssyncadd.s32 $0xFFFFF000  }
0x27: {  	[spmem:s2] =	stream.indirect.scatter.add.f32 [tilespmem:s12], [sflag:$0x1], $0x20, s18, s13, $0xb8;
	[tilespmem:$0x7420] =	vst v63  }
0x28: {  	_ =	swait.ge [sflag:s10], $0x1000  }
0x29: {  	s18 =	smov.u32 s21;
	[sflag:s10] =	ssyncset.done $0x0  }
0x2a: {  	s18 =	sadd.s32 s17, s8;
	[sflag:s10] =	ssyncadd.s32 $0xFFFFF000  }
0x2b: {  	[tilespmem:s12], [sflag:$0x1] =	stream.linear.gather [hbm4b:s18+s3], $0x1000, $0x38;
	[tilespmem:$0x7420] =	vst v63  }
0x2c: {  	_ =	swait.ge [sflag:s10], $0x1000  }
0x2d: {  	s31 =	sshra.s32 s17, $0x2;
	[sflag:s10] =	ssyncset.done $0x0  }
0x2e: {  	s17 =	sadd.s32 $0x5020, s31;
	[sflag:s10] =	ssyncadd.s32 $0xFFFFF000  }
0x2f: {  	[spmem:s2] =	stream.indirect.scatter.add.f32 [tilespmem:s12], [sflag:$0x1], $0x20, s17, s13, $0xb8;
	[tilespmem:$0x7420] =	vst v63  }
0x30: {  	_ =	swait.ge [sflag:s10], $0x1000  }
0x31: {  	s16 =	sadd.s32 $0x1, s16;
	[sflag:s10] =	ssyncset.done $0x0  }
0x32: {  	p0 =	sne.s32 s16, s7;
	[sflag:s10] =	ssyncadd.s32 $0xFFFFF000  }
.Ltmp1:
0x33: {  	[bflag:$0x0] =	sbarrier.arrive $0xFFFF;
	(pc) =	sbr.rel @p0 .LBB2_1-.Ltmp1, $4  }
0x34: {  	[hbm:s14], [sflag:s5] =	dma.local [spmem:s15], $0xA00  }
0x35: {  	_ =	swait.ge [sflag:s10], $0xA00  }
0x36: {  	[sflag:s10] =	ssyncset.done $0x0  }
0x37: {  	[sflag:s10] =	ssyncadd.s32 $0xFFFFF600  }
0x38: {  	_ =	sfence.sel $0x180000  }
0x39: {  	[bflag:$0x0] =	sbarrier.arrive $0xFFFF  }
0x3a: {  	p0 =	sne.s32 s1, $0x0;
	_ =	strace $0x9000004A  }
0x3b: {  	s0 =	sadd.s32 @!p0 $0x100000, s0;
	[bflag:$0x2] =	sbarrier.arrive $0xFFFF  }
0x3c: {  	[sflag:s0] =	ssyncadd.tile.s32 @!p0 $0x1;
	_ =	shalt  }
.Lfunc_end2:
_tile_overlayer_lowered:
.L_overlay_start_2:
0x3d: {  	(tag) =	ssettag $0x2  }
0x3e: {  	s0 =	rddreg [dreg:$0x0];
	s2 =	stileid.u32  }
0x3f: {  	s1 =	rddreg [dreg:$0x1];
	p0 =	sne.s32 s2, $0x0  }
0x40: {  	s3 =	rddreg [dreg:$0x2];
	[bflag:$0x3] =	sbarrier.arrive $0xFFFF;
	s2 =	simm.s32 @!p0 $0x1C01  }
0x41: {  	[timem:s3], [sflag:s2] =	dma.local @!p0 [hbm:s0], s1  }
0x42: {  	s0 =	simm.s32 @!p0 $0x1  }
0x43: {  	_ =	swait.ge @!p0 [sflag:s0], s1  }
0x44: {  	s1 =	ssub.s32 @!p0 $0x0, s1;
	[sflag:s0] =	ssyncset.done @!p0 $0x0  }
0x45: {  	[sflag:s0] =	ssyncadd.s32 @!p0 s1  }
0x46: {  	[bflag:$0x3] =	sbarrier.arrive $0xFFFF  }
0x47: {  	_ =	shalt  }

// kernel: kernel.22.cloned.1.call-start
scs
__scs_entry_jumppad:
0x0: {  	(pc) =	sbr.rel $0x88, $3  }
0x1: {  	(tag) =	ssettag $0x0;
	lr =	simm.s32 $0x1  }
0x2: {  	[smem:$0x3F8E] =	sst lr;
	_ =	strace $0xD0000000  }
0x3: {  	_ = 	snop  }
0x4: {  	_ = 	snop  }
0x5: {  	_ = 	snop  }
0x6: {  	_ = 	snop  }
0x7: {  	_ = 	snop  }
__scs_overlays_trampoline_lowered:
0x8: {  	[smem:$0x3F9D] =	sst s0  }
0x9: {  	[smem:$0x3F9E] =	sst s1  }
0xa: {  	[smem:$0x3F9F] =	sst s2  }
0xb: {  	[smem:$0x3FA0] =	sst s3  }
0xc: {  	[smem:$0x3FA1] =	sst s4  }
0xd: {  	[smem:$0x3FA2] =	sst s5  }
0xe: {  	[smem:$0x3FA3] =	sst s6  }
0xf: {  	[smem:$0x3FA4] =	sst s7  }
0x10: {  	[smem:$0x3FA5] =	sst s8  }
0x11: {  	[smem:$0x3FA6] =	sst s9;
	s0 =	simm.s32 @!p0 $0x0  }
0x12: {  	s1 =	sld [smem:$0x3F8C];
	s0 =	simm.s32 @p0 $0x1  }
0x13: {  	[smem:$0x3FA7] =	sst s0;
	s0 =	simm.s32 @!p1 $0x0  }
0x14: {  	s2 =	sld [smem:$0x3F8B];
	s0 =	simm.s32 @p1 $0x1  }
0x15: {  	[smem:$0x3FA8] =	sst s0;
	s0 =	simm.s32 @!p2 $0x0  }
0x16: {  	s3 =	sld [smem:$0x3FDB];
	s0 =	simm.s32 @p2 $0x1  }
0x17: {  	s4 =	simm.s32 $0x1BF5;
	[smem:$0x3FAA] =	sst s0  }
0x18: {  	s0 =	sld [smem:$0x3F8D];
	_ =	swait.ge [sflag:s4], $0x0  }
0x19: {  	s7 =	sld [smem:$0x3F8E]  }
0x1a: {  	s8 =	sadd.s32 $0xFFFFE003, lr  }
0x1b: {  	s9 =	sadd.s32 $0xFFFFFEF7, lr;
	s5 =	simm.s32 $0xFFFFFFFF;
	p2 =	slt.u32 s8, $0xFFFFF086  }
0x1c: {  	p1 =	slt.u32 s9, $0xF7A;
	s5 =	simm.s32 @!p2 $0x0  }
0x1d: {  	s5 =	simm.s32 @p1 $0x1;
	p0 =	seq.s32 s7, s2  }
0x1e: {  	s7 =	smul.u32 @!p0 $0xF7A, s2;
	p2 =	seq.s32 @!p0 s5, $0x0  }
0x1f: {  	s9 =	smul.u32 $0xF7A, s1;
	s8 =	simm.s32 @!p0 $0x1BF5;
	p2 =	por !p2, p0  }
0x20: {  	[sflag:s8] =	ssyncset.s32 @!p0 $0xFFFFF086;
	s6 =	sadd.s32 @!p0 s3, s7;
	s7 =	simm.s32 @!p0 $0x108  }
0x21: {  	s3 =	sadd.s32 s3, s9;
	s6 =	sadd.s32 @!p0 $0x88, s6;
	s7 =	simm.s32 @p2 $0x1082  }
0x22: {  	[simem:s7], [sflag:s8] =	dma.local @!p0 [hbm:s6], $0xF7A  }
0x23: {  	s9 =	sor.u32 $0xD0000000, s2;
	s6 =	simm.s32 $0x108;
	_ =	swait.ge @!p0 [sflag:s8], $0x0  }
0x24: {  	s3 =	sadd.s32 $0x88, s3;
	s6 =	simm.s32 @!p1 $0x1082;
	[sflag:s4] =	ssyncset.s32 $0xFFFFF086  }
0x25: {  	[simem:s6], [sflag:s4] =	dma.local [hbm:s3], $0xF7A  }
0x26: {  	[smem:$0x3F8E] =	sst s1;
	(tag) =	ssettag s2;
	_ =	strace s9  }
0x27: {  	s1 =	sld [smem:$0x3F9E]  }
0x28: {  	s2 =	sld [smem:$0x3F9F]  }
0x29: {  	s4 =	sld [smem:$0x3FA1]  }
0x2a: {  	p0 =	seq.s32 s5, $0x0;
	s5 =	sld [smem:$0x3FA2]  }
0x2b: {  	s6 =	sld [smem:$0x3FA3]  }
0x2c: {  	s7 =	sld [smem:$0x3FA4]  }
0x2d: {  	s3 =	simm.s32 $0x108;
	s8 =	sld [smem:$0x3FA5]  }
0x2e: {  	s3 =	simm.s32 @!p0 $0x1082;
	s9 =	sld [smem:$0x3FA6]  }
0x2f: {  	lr =	sadd.s32 s0, s3;
	s0 =	sld [smem:$0x3F9D]  }
0x30: {  	s3 =	sld [smem:$0x3FA0]  }
0x31: {  	[smem:$0x3FA9] =	sst s10  }
0x32: {  	s10 =	sld [smem:$0x3FA7];
	_ =	sdelay $0x3  }
0x33: {  	p0 =	seq.s32 s10, $0x1;
	s10 =	sld [smem:$0x3FA9];
	_ =	sdelay $0x3  }
0x34: {  	[smem:$0x3FA9] =	sst s10  }
0x35: {  	s10 =	sld [smem:$0x3FA8];
	_ =	sdelay $0x3  }
0x36: {  	p1 =	seq.s32 s10, $0x1;
	s10 =	sld [smem:$0x3FA9];
	_ =	sdelay $0x3  }
0x37: {  	[smem:$0x3FA9] =	sst s10  }
0x38: {  	s10 =	sld [smem:$0x3FAA]  }
0x39: {  	_ = 	snop;
	(pc) =	sbr.ind lr, $3  }
0x3a: {  	_ = 	snop  }
0x3b: {  	_ = 	snop  }
0x3c: {  	p2 =	seq.s32 s10, $0x1;
	s10 =	sld [smem:$0x3FA9]  }
0x3d: {  	_ =	shalt  }
0x3e: {  	_ =	shalt  }
0x3f: {  	_ =	shalt  }
0x40: {  	_ =	shalt  }
0x41: {  	_ =	shalt  }
0x42: {  	_ =	shalt  }
0x43: {  	_ =	shalt  }
0x44: {  	_ =	shalt  }
0x45: {  	_ =	shalt  }
0x46: {  	_ =	shalt  }
0x47: {  	_ =	shalt  }
0x48: {  	_ =	shalt  }
0x49: {  	_ =	shalt  }
0x4a: {  	_ =	shalt  }
0x4b: {  	_ =	shalt  }
0x4c: {  	_ =	shalt  }
0x4d: {  	_ =	shalt  }
0x4e: {  	_ =	shalt  }
0x4f: {  	_ =	shalt  }
0x50: {  	_ =	shalt  }
0x51: {  	_ =	shalt  }
0x52: {  	_ =	shalt  }
0x53: {  	_ =	shalt  }
0x54: {  	_ =	shalt  }
0x55: {  	_ =	shalt  }
0x56: {  	_ =	shalt  }
0x57: {  	_ =	shalt  }
0x58: {  	_ =	shalt  }
0x59: {  	_ =	shalt  }
0x5a: {  	_ =	shalt  }
0x5b: {  	_ =	shalt  }
0x5c: {  	_ =	shalt  }
0x5d: {  	_ =	shalt  }
0x5e: {  	_ =	shalt  }
0x5f: {  	_ =	shalt  }
0x60: {  	_ =	shalt  }
0x61: {  	_ =	shalt  }
0x62: {  	_ =	shalt  }
0x63: {  	_ =	shalt  }
0x64: {  	_ =	shalt  }
0x65: {  	_ =	shalt  }
0x66: {  	_ =	shalt  }
0x67: {  	_ =	shalt  }
0x68: {  	_ =	shalt  }
0x69: {  	_ =	shalt  }
0x6a: {  	_ =	shalt  }
0x6b: {  	_ =	shalt  }
0x6c: {  	_ =	shalt  }
0x6d: {  	_ =	shalt  }
0x6e: {  	_ =	shalt  }
0x6f: {  	_ =	shalt  }
0x70: {  	_ =	shalt  }
0x71: {  	_ =	shalt  }
0x72: {  	_ =	shalt  }
0x73: {  	_ =	shalt  }
0x74: {  	_ =	shalt  }
0x75: {  	_ =	shalt  }
0x76: {  	_ =	shalt  }
0x77: {  	_ =	shalt  }
0x78: {  	_ =	shalt  }
0x79: {  	_ =	shalt  }
0x7a: {  	_ =	shalt  }
0x7b: {  	_ =	shalt  }
0x7c: {  	_ =	shalt  }
0x7d: {  	_ =	shalt  }
0x7e: {  	_ =	shalt  }
0x7f: {  	_ =	shalt  }
0x80: {  	_ =	shalt  }
0x81: {  	_ =	shalt  }
0x82: {  	_ =	shalt  }
0x83: {  	_ =	shalt  }
0x84: {  	_ =	shalt  }
0x85: {  	_ =	shalt  }
0x86: {  	_ =	shalt  }
0x87: {  	_ =	shalt  }
.Lfunc_end0:
.L_simem_size_0:
called_computation.2_lowered:
.L_overlay_start_0:
0x88: {  	s2 =	sld [smem:$0x3FD9]  }
0x89: {  	s3 =	sld [smem:$0x3FFE];
	_ =	sdelay $0x1  }
0x8a: {  	s1 =	srdreg.scid  }
0x8b: {  	s0 =	sand.u32 $0x1, s1  }
0x8c: {  	s14 =	sshll.u32 s0, $0xA;
	s2 =	sadd.s32 s3, s2  }
0x8d: {  	s2 =	sadd.s32 s2, s14  }
0x8e: {  	[smem:$0x3FB5] =	sst s2  }
0x8f: {  	_ = 	snop  }
0x90: {  	s2 =	sld [smem:$0x3FD0];
	_ =	sdelay $0x2  }
0x91: {  	s15 =	simm.s32 $0xA;
	s4 =	simm.s32 $0x10  }
0x92: {  	[smem:s4], [sflag:s15] =	dma.local [hbm:s2], $0x1  }
0x93: {  	_ =	swait.eq [sflag:s15], $0x1  }
0x94: {  	[sflag:s15] =	ssyncset.done $0x0  }
0x95: {  	[sflag:s15] =	ssyncadd.s32 $0xFFFFFFFF  }
0x96: {  	s16 =	sld [smem:$0x11];
	(tm) =	ssettm $0x1  }
0x97: {  	s17 =	sld [smem:$0x3FFB];
	_ =	sdelay $0x3  }
0x98: {  	_ =	strace s17  }
0x99: {  	s3 =	sld [smem:$0x3FFC];
	_ =	sdelay $0x3  }
0x9a: {  	_ =	strace s3  }
0x9b: {  	s3 =	sld [smem:$0x3FFD];
	_ =	sdelay $0x3  }
0x9c: {  	_ =	strace s3  }
0x9d: {  	_ =	strace $0x8FFFFFFF  }
0x9e: {  	s18 =	sld [smem:$0x3FDB];
	_ =	sdelay $0x1  }
0x9f: {  	s19 =	simm.s32 $_scs_section_size  }
0xa0: {  	s5 =	simm.s32 $_size__tile_overlayer_lowered;
	s6 =	simm.s32 $_tile_overlayer_lowered  }
0xa1: {  	s22 =	simm.s32 $0x1BFF;
	s21 =	sshll.u32 s6, $0x1;
	s3 =	sadd.s32 s19, s18  }
0xa2: {  	s7 =	simm.s32 $0x0;
	s20 =	sshll.u32 s5, $0x1;
	s5 =	sadd.s32 s21, s3  }
0xa3: {  	[timem:s7], [sflag:s22] =	dma.local [hbm:s5], s20  }
0xa4: {  	_ =	swait.ge [sflag:s22], s20  }
0xa5: {  	s4 =	ssub.s32 $0x0, s20;
	[sflag:s22] =	ssyncset.done $0x0  }
0xa6: {  	[sflag:s22] =	ssyncadd.s32 s4;
	_ =	sdelay $0x1  }
0xa7: {  	s23 =	simm.s32 $0x1B8B  }
0xa8: {  	_ =	swait.ge [sflag:s23], $0x1  }
0xa9: {  	[sflag:s23] =	ssyncset.done $0x0  }
0xaa: {  	s25 =	simm.s32 $0x1B8E;
	s24 =	sld [smem:$0x3FFE];
	[sflag:s23] =	ssyncadd.s32 $0xFFFFFFFF  }
0xab: {  	s26 =	simm.s32 $execute0_lowered;
	[smem:$0x3FD2] =	sst s25  }
0xac: {  	s5 =	sshll.u32 s26, $0x1;
	_ =	strace $0x8000004C;
	[dreg:$0x1] =	wrdreg $0xFFFFFFFF  }
0xad: {  	s28 =	simm.s32 $_size_execute0_lowered;
	s3 =	sadd.s32 s3, s5;
	[dreg:$0x0] =	wrdreg $0x0  }
0xae: {  	s5 =	sshll.u32 s28, $0x1;
	[dreg:$0x2] =	wrdreg s3  }
0xaf: {  	[dreg:$0x3] =	wrdreg s5  }
0xb0: {  	[dreg:$0x4] =	wrdreg $0xC0  }
0xb1: {  	_ =	task [dreg:s7], $0x5FFFF  }
0xb2: {  	[dreg:$0x1] =	wrdreg $0xFFFFFFFF  }
0xb3: {  	[dreg:$0x0] =	wrdreg $0x60  }
0xb4: {  	[dreg:$0x2] =	wrdreg s24  }
0xb5: {  	[dreg:$0x3] =	wrdreg s16  }
0xb6: {  	[dreg:$0x4] =	wrdreg $0x9  }
0xb7: {  	_ =	task.clear_ibuf [dreg:s7], $0x5FFFF;
	_ =	strace $0x9000004C  }
0xb8: {  	s29 =	simm.s32 $0x9;
	_ =	strace $0x8000004E  }
0xb9: {  	_ =	swait.ge [sflag:s29], $0x1  }
0xba: {  	[sflag:s29] =	ssyncadd.s32 $0xFFFFFFFF  }
0xbb: {  	_ =	strace $0x9000004E  }
0xbc: {  	_ =	sfence  }
0xbd: {  	s30 =	sld [smem:$0x0];
	_ =	sdelay $0x2  }
0xbe: {  	s31 =	sshll.u32 s1, $0xD;
	s1 =	sshrl.u32 s1, $0x2  }
0xbf: {  	s3 =	sand.u32 $0x4000, s31;
	s1 =	sadd.s32 s1, s30  }
0xc0: {  	s0 =	sor.u32 s3, s0;
	s1 =	sshll.u32 s1, $0x11  }
0xc1: {  	s0 =	sor.u32 s1, s0  }
0xc2: {  	s0 =	sadd.s32 $0x8F2B, s0  }
0xc3: {  	[sflag:s0] =	ssyncadd.remote.s32 $0x1  }
0xc4: {  	_ =	sfence.sel $0xFFFF  }
0xc5: {  	[dreg:$0x0] =	wrdreg $0xFFFFFFFF;
	(pc) =	sbr.abs _section_cstart, $3  }
0xc6: {  	[dreg:$0x1] =	wrdreg $0xFFFFFFFF  }
0xc7: {  	_ =	task.clear_ibuf [dreg:s7], $0x2FFFF;
	_ =	strace $0x9FFFFFFF  }
0xc8: {  	(tm) =	ssettm $0x7FFFFFFF  }
0xc9: {  	_ =	shalt  }
tec
execute0_lowered:
.L_overlay_start_1:
0x0: {  	(tag) =	ssettag $0x1  }
0x1: {  	s1 =	srdreg.scid;
	s0 =	stileid.u32  }
0x2: {  	s9 =	rddreg [dreg:$0x0];
	s16 =	sand.u32 $0x1, s1;
	s29 =	sshll.u32 s0, $0x1  }
0x3: {  	s3 =	rddreg [dreg:$0x1];
	s10 =	sor.u32 s16, s29  }
0x4: {  	s2 =	simm.s32 $0x0;
	s1 =	rddreg [dreg:$0x2];
	s4 =	smul.u32 $0x280, s10  }
0x5: {  	[smem:$0x7FF] =	sst s2  }
0x6: {  	_ =	strace $0x8000004D;
	s3 =	sadd.s32 s3, s4;
	s4 =	simm.s32 $0x3  }
0x7: {  	[tilespmem:s2], [sflag:$0x3] =	stream.linear.gather [hbm4b:s3+s2], $0x1400, $0x38;
	[tilespmem:$0x15400] =	vst v63  }
0x8: {  	_ =	swait.ge [sflag:s4], $0x1400  }
0x9: {  	s6 =	simm.s32 $0x500;
	s7 =	simm.s32 $0x1400;
	[sflag:s4] =	ssyncset.done $0x0  }
0xa: {  	s8 =	simm.s32 $0x1;
	s5 =	sadd.s32 $0x9C00, s9;
	[sflag:s4] =	ssyncadd.s32 $0xFFFFEC00  }
0xb: {  	[tilespmem:s7], [sflag:$0x1] =	stream.indirect.gather [hbm4b:s5+s6], $0x20, s2, s6, $0xb8;
	[tilespmem:$0x15400] =	vst v63  }
0xc: {  	s11 =	smul.u32 $0x5000, s10;
	_ =	swait.ge [sflag:s8], $0xA000  }
0xd: {  	s12 =	sadd.s32 $0x1DE00, s9;
	[sflag:s8] =	ssyncset.done $0x0  }
0xe: {  	s9 =	sadd.s32 s12, s11;
	[sflag:s8] =	ssyncadd.s32 $0xFFFF6000  }
0xf: {  	[hbm4b:s9+s2] =	stream.linear.scatter [tilespmem:s7], [sflag:$0x2], $0xA000, $0x38;
	[tilespmem:$0x15400] =	vst v63  }
0x10: {  	s30 =	smul.u32 $0x28000, s10;
	s10 =	simm.s32 $0xB400  }
0x11: {  	[tilespmem:s10], [sflag:$0x1] =	stream.indirect.gather [hbm4b:s5+s6], $0x20, s6, s6, $0xb8;
	[tilespmem:$0x15400] =	vst v63  }
0x12: {  	s11 =	sshrl.u32 s30, $0x3;
	_ =	swait.ge [sflag:s8], $0xA000  }
0x13: {  	s17 =	sadd.s32 s12, s11;
	[sflag:s8] =	ssyncset.done $0x0  }
0x14: {  	s11 =	simm.s32 $0x2;
	s12 =	sadd.s32 $0x1400, s17;
	[sflag:s8] =	ssyncadd.s32 $0xFFFF6000  }
0x15: {  	[hbm4b:s12+s2] =	stream.linear.scatter [tilespmem:s10], [sflag:$0x2], $0xA000, $0x38;
	[tilespmem:$0x15400] =	vst v63  }
0x16: {  	_ =	swait.ge [sflag:s11], $0xA000  }
0x17: {  	[sflag:s11] =	ssyncset.done $0x0  }
0x18: {  	s13 =	simm.s32 $0xA00;
	[sflag:s11] =	ssyncadd.s32 $0xFFFF6000  }
0x19: {  	[tilespmem:s7], [sflag:$0x1] =	stream.indirect.gather [hbm4b:s5+s6], $0x20, s13, s6, $0xb8;
	[tilespmem:$0x15400] =	vst v63  }
0x1a: {  	_ =	swait.ge [sflag:s8], $0xA000  }
0x1b: {  	[sflag:s8] =	ssyncset.done $0x0  }
0x1c: {  	s14 =	sadd.s32 $0x2800, s17;
	[sflag:s8] =	ssyncadd.s32 $0xFFFF6000  }
0x1d: {  	[hbm4b:s14+s2] =	stream.linear.scatter [tilespmem:s7], [sflag:$0x2], $0xA000, $0x38;
	[tilespmem:$0x15400] =	vst v63  }
0x1e: {  	_ =	swait.ge [sflag:s11], $0xA000  }
0x1f: {  	s18 =	ssub.s32 $0x2, s16;
	[sflag:s11] =	ssyncset.done $0x0  }
0x20: {  	s15 =	simm.s32 $0xF00;
	s31 =	sshrl.u32 s18, $0x1;
	[sflag:s11] =	ssyncadd.s32 $0xFFFF6000  }
0x21: {  	[tilespmem:s10], [sflag:$0x1] =	stream.indirect.gather [hbm4b:s5+s6], $0x20, s15, s6, $0xb8;
	[tilespmem:$0x15400] =	vst v63  }
0x22: {  	s16 =	sadd.s32 $0x3C00, s17;
	s17 =	ssub.s32 s18, s31;
	_ =	swait.ge [sflag:s8], $0xA000  }
0x23: {  	s17 =	smax.u32 s17, $0x1;
	[sflag:s8] =	ssyncset.done $0x0  }
0x24: {  	p0 =	sne.s32 s17, $0x1;
	[sflag:s8] =	ssyncadd.s32 $0xFFFF6000  }
0x25: {  	[hbm4b:s16+s2] =	stream.linear.scatter [tilespmem:s10], [sflag:$0x2], $0xA000, $0x38;
	[tilespmem:$0x15400] =	vst v63  }
.Ltmp0:
0x26: {  	_ =	swait.ge [sflag:s11], $0xA000;
	(pc) =	sbr.rel @!p0 .LBB2_2-.Ltmp0, $4  }
0x27: {  	[sflag:s11] =	ssyncset.done $0x0  }
0x28: {  	[sflag:s11] =	ssyncadd.s32 $0xFFFF6000  }
0x29: {  	_ =	swait.ge [sflag:s11], $0xA000  }
0x2a: {  	s17 =	sadd.s32 $0xFFFFFFFF, s17;
	[sflag:s11] =	ssyncset.done $0x0  }
.LBB2_1:
0x2b: {  	p0 =	sne.s32 s17, $0x1;
	s17 =	sadd.s32 $0xFFFFFFFF, s17;
	[sflag:s11] =	ssyncadd.s32 $0xFFFF6000  }
0x2c: {  	[tilespmem:s2], [sflag:$0x3] =	stream.linear.gather [hbm4b:s3+s2], $0x1400, $0x38;
	[tilespmem:$0x15400] =	vst v63  }
0x2d: {  	_ =	swait.ge [sflag:s4], $0x1400  }
0x2e: {  	[sflag:s4] =	ssyncset.done $0x0  }
0x2f: {  	[sflag:s4] =	ssyncadd.s32 $0xFFFFEC00  }
0x30: {  	[tilespmem:s7], [sflag:$0x1] =	stream.indirect.gather [hbm4b:s5+s6], $0x20, s2, s6, $0xb8;
	[tilespmem:$0x15400] =	vst v63  }
0x31: {  	_ =	swait.ge [sflag:s8], $0xA000  }
0x32: {  	[sflag:s8] =	ssyncset.done $0x0  }
0x33: {  	[sflag:s8] =	ssyncadd.s32 $0xFFFF6000  }
0x34: {  	[hbm4b:s9+s2] =	stream.linear.scatter [tilespmem:s7], [sflag:$0x2], $0xA000, $0x38;
	[tilespmem:$0x15400] =	vst v63  }
0x35: {  	_ = 	snop  }
0x36: {  	[tilespmem:s10], [sflag:$0x1] =	stream.indirect.gather [hbm4b:s5+s6], $0x20, s6, s6, $0xb8;
	[tilespmem:$0x15400] =	vst v63  }
0x37: {  	_ =	swait.ge [sflag:s8], $0xA000  }
0x38: {  	[sflag:s8] =	ssyncset.done $0x0  }
0x39: {  	[sflag:s8] =	ssyncadd.s32 $0xFFFF6000  }
0x3a: {  	[hbm4b:s12+s2] =	stream.linear.scatter [tilespmem:s10], [sflag:$0x2], $0xA000, $0x38;
	[tilespmem:$0x15400] =	vst v63  }
0x3b: {  	_ =	swait.ge [sflag:s11], $0xA000  }
0x3c: {  	[sflag:s11] =	ssyncset.done $0x0  }
0x3d: {  	[sflag:s11] =	ssyncadd.s32 $0xFFFF6000  }
0x3e: {  	[tilespmem:s7], [sflag:$0x1] =	stream.indirect.gather [hbm4b:s5+s6], $0x20, s13, s6, $0xb8;
	[tilespmem:$0x15400] =	vst v63  }
0x3f: {  	_ =	swait.ge [sflag:s8], $0xA000  }
0x40: {  	[sflag:s8] =	ssyncset.done $0x0  }
0x41: {  	[sflag:s8] =	ssyncadd.s32 $0xFFFF6000  }
0x42: {  	[hbm4b:s14+s2] =	stream.linear.scatter [tilespmem:s7], [sflag:$0x2], $0xA000, $0x38;
	[tilespmem:$0x15400] =	vst v63  }
0x43: {  	_ =	swait.ge [sflag:s11], $0xA000  }
0x44: {  	[sflag:s11] =	ssyncset.done $0x0  }
0x45: {  	[sflag:s11] =	ssyncadd.s32 $0xFFFF6000  }
0x46: {  	[tilespmem:s10], [sflag:$0x1] =	stream.indirect.gather [hbm4b:s5+s6], $0x20, s15, s6, $0xb8;
	[tilespmem:$0x15400] =	vst v63  }
0x47: {  	_ =	swait.ge [sflag:s8], $0xA000  }
0x48: {  	[sflag:s8] =	ssyncset.done $0x0  }
0x49: {  	[sflag:s8] =	ssyncadd.s32 $0xFFFF6000  }
0x4a: {  	[hbm4b:s16+s2] =	stream.linear.scatter [tilespmem:s10], [sflag:$0x2], $0xA000, $0x38;
	[tilespmem:$0x15400] =	vst v63  }
.Ltmp1:
0x4b: {  	_ =	swait.ge [sflag:s11], $0xA000;
	(pc) =	sbr.rel @p0 .LBB2_1-.Ltmp1, $4  }
0x4c: {  	[sflag:s11] =	ssyncset.done $0x0  }
0x4d: {  	[sflag:s11] =	ssyncadd.s32 $0xFFFF6000  }
0x4e: {  	_ =	swait.ge [sflag:s11], $0xA000  }
0x4f: {  	[sflag:s11] =	ssyncset.done $0x0  }
.LBB2_2:
0x50: {  	[sflag:s11] =	ssyncadd.s32 $0xFFFF6000  }
0x51: {  	_ =	sfence.sel $0x180000  }
0x52: {  	[bflag:$0x0] =	sbarrier.arrive $0xFFFF  }
0x53: {  	p0 =	sne.s32 s0, $0x0;
	_ =	strace $0x9000004D  }
0x54: {  	s0 =	sadd.s32 @!p0 $0x100000, s1;
	[bflag:$0x2] =	sbarrier.arrive $0xFFFF  }
0x55: {  	[sflag:s0] =	ssyncadd.tile.s32 @!p0 $0x1;
	_ =	shalt  }
.Lfunc_end2:
_tile_overlayer_lowered:
.L_overlay_start_2:
0x56: {  	(tag) =	ssettag $0x2  }
0x57: {  	s0 =	rddreg [dreg:$0x0];
	s2 =	stileid.u32  }
0x58: {  	s1 =	rddreg [dreg:$0x1];
	p0 =	sne.s32 s2, $0x0  }
0x59: {  	s3 =	rddreg [dreg:$0x2];
	[bflag:$0x3] =	sbarrier.arrive $0xFFFF;
	s2 =	simm.s32 @!p0 $0x1C03  }
0x5a: {  	[timem:s3], [sflag:s2] =	dma.local @!p0 [hbm:s0], s1  }
0x5b: {  	s0 =	simm.s32 @!p0 $0x3  }
0x5c: {  	_ =	swait.ge @!p0 [sflag:s0], s1  }
0x5d: {  	s1 =	ssub.s32 @!p0 $0x0, s1;
	[sflag:s0] =	ssyncset.done @!p0 $0x0  }
0x5e: {  	[sflag:s0] =	ssyncadd.s32 @!p0 s1  }
0x5f: {  	[bflag:$0x3] =	sbarrier.arrive $0xFFFF  }
0x60: {  	_ =	shalt  }

// kernel: kernel.25.cloned.1.call-start
scs
__scs_entry_jumppad:
0x0: {  	(pc) =	sbr.rel $0x88, $3  }
0x1: {  	(tag) =	ssettag $0x0;
	lr =	simm.s32 $0x1  }
0x2: {  	[smem:$0x3F8E] =	sst lr;
	_ =	strace $0xD0000000  }
0x3: {  	_ = 	snop  }
0x4: {  	_ = 	snop  }
0x5: {  	_ = 	snop  }
0x6: {  	_ = 	snop  }
0x7: {  	_ = 	snop  }
__scs_overlays_trampoline_lowered:
0x8: {  	[smem:$0x3F9D] =	sst s0  }
0x9: {  	[smem:$0x3F9E] =	sst s1  }
0xa: {  	[smem:$0x3F9F] =	sst s2  }
0xb: {  	[smem:$0x3FA0] =	sst s3  }
0xc: {  	[smem:$0x3FA1] =	sst s4  }
0xd: {  	[smem:$0x3FA2] =	sst s5  }
0xe: {  	[smem:$0x3FA3] =	sst s6  }
0xf: {  	[smem:$0x3FA4] =	sst s7  }
0x10: {  	[smem:$0x3FA5] =	sst s8  }
0x11: {  	[smem:$0x3FA6] =	sst s9;
	s0 =	simm.s32 @!p0 $0x0  }
0x12: {  	s1 =	sld [smem:$0x3F8C];
	s0 =	simm.s32 @p0 $0x1  }
0x13: {  	[smem:$0x3FA7] =	sst s0;
	s0 =	simm.s32 @!p1 $0x0  }
0x14: {  	s2 =	sld [smem:$0x3F8B];
	s0 =	simm.s32 @p1 $0x1  }
0x15: {  	[smem:$0x3FA8] =	sst s0;
	s0 =	simm.s32 @!p2 $0x0  }
0x16: {  	s3 =	sld [smem:$0x3FDB];
	s0 =	simm.s32 @p2 $0x1  }
0x17: {  	s4 =	simm.s32 $0x1BF5;
	[smem:$0x3FAA] =	sst s0  }
0x18: {  	s0 =	sld [smem:$0x3F8D];
	_ =	swait.ge [sflag:s4], $0x0  }
0x19: {  	s7 =	sld [smem:$0x3F8E]  }
0x1a: {  	s8 =	sadd.s32 $0xFFFFE003, lr  }
0x1b: {  	s9 =	sadd.s32 $0xFFFFFEF7, lr;
	s5 =	simm.s32 $0xFFFFFFFF;
	p2 =	slt.u32 s8, $0xFFFFF086  }
0x1c: {  	p1 =	slt.u32 s9, $0xF7A;
	s5 =	simm.s32 @!p2 $0x0  }
0x1d: {  	s5 =	simm.s32 @p1 $0x1;
	p0 =	seq.s32 s7, s2  }
0x1e: {  	s7 =	smul.u32 @!p0 $0xF7A, s2;
	p2 =	seq.s32 @!p0 s5, $0x0  }
0x1f: {  	s9 =	smul.u32 $0xF7A, s1;
	s8 =	simm.s32 @!p0 $0x1BF5;
	p2 =	por !p2, p0  }
0x20: {  	[sflag:s8] =	ssyncset.s32 @!p0 $0xFFFFF086;
	s6 =	sadd.s32 @!p0 s3, s7;
	s7 =	simm.s32 @!p0 $0x108  }
0x21: {  	s3 =	sadd.s32 s3, s9;
	s6 =	sadd.s32 @!p0 $0x88, s6;
	s7 =	simm.s32 @p2 $0x1082  }
0x22: {  	[simem:s7], [sflag:s8] =	dma.local @!p0 [hbm:s6], $0xF7A  }
0x23: {  	s9 =	sor.u32 $0xD0000000, s2;
	s6 =	simm.s32 $0x108;
	_ =	swait.ge @!p0 [sflag:s8], $0x0  }
0x24: {  	s3 =	sadd.s32 $0x88, s3;
	s6 =	simm.s32 @!p1 $0x1082;
	[sflag:s4] =	ssyncset.s32 $0xFFFFF086  }
0x25: {  	[simem:s6], [sflag:s4] =	dma.local [hbm:s3], $0xF7A  }
0x26: {  	[smem:$0x3F8E] =	sst s1;
	(tag) =	ssettag s2;
	_ =	strace s9  }
0x27: {  	s1 =	sld [smem:$0x3F9E]  }
0x28: {  	s2 =	sld [smem:$0x3F9F]  }
0x29: {  	s4 =	sld [smem:$0x3FA1]  }
0x2a: {  	p0 =	seq.s32 s5, $0x0;
	s5 =	sld [smem:$0x3FA2]  }
0x2b: {  	s6 =	sld [smem:$0x3FA3]  }
0x2c: {  	s7 =	sld [smem:$0x3FA4]  }
0x2d: {  	s3 =	simm.s32 $0x108;
	s8 =	sld [smem:$0x3FA5]  }
0x2e: {  	s3 =	simm.s32 @!p0 $0x1082;
	s9 =	sld [smem:$0x3FA6]  }
0x2f: {  	lr =	sadd.s32 s0, s3;
	s0 =	sld [smem:$0x3F9D]  }
0x30: {  	s3 =	sld [smem:$0x3FA0]  }
0x31: {  	[smem:$0x3FA9] =	sst s10  }
0x32: {  	s10 =	sld [smem:$0x3FA7];
	_ =	sdelay $0x3  }
0x33: {  	p0 =	seq.s32 s10, $0x1;
	s10 =	sld [smem:$0x3FA9];
	_ =	sdelay $0x3  }
0x34: {  	[smem:$0x3FA9] =	sst s10  }
0x35: {  	s10 =	sld [smem:$0x3FA8];
	_ =	sdelay $0x3  }
0x36: {  	p1 =	seq.s32 s10, $0x1;
	s10 =	sld [smem:$0x3FA9];
	_ =	sdelay $0x3  }
0x37: {  	[smem:$0x3FA9] =	sst s10  }
0x38: {  	s10 =	sld [smem:$0x3FAA]  }
0x39: {  	_ = 	snop;
	(pc) =	sbr.ind lr, $3  }
0x3a: {  	_ = 	snop  }
0x3b: {  	_ = 	snop  }
0x3c: {  	p2 =	seq.s32 s10, $0x1;
	s10 =	sld [smem:$0x3FA9]  }
0x3d: {  	_ =	shalt  }
0x3e: {  	_ =	shalt  }
0x3f: {  	_ =	shalt  }
0x40: {  	_ =	shalt  }
0x41: {  	_ =	shalt  }
0x42: {  	_ =	shalt  }
0x43: {  	_ =	shalt  }
0x44: {  	_ =	shalt  }
0x45: {  	_ =	shalt  }
0x46: {  	_ =	shalt  }
0x47: {  	_ =	shalt  }
0x48: {  	_ =	shalt  }
0x49: {  	_ =	shalt  }
0x4a: {  	_ =	shalt  }
0x4b: {  	_ =	shalt  }
0x4c: {  	_ =	shalt  }
0x4d: {  	_ =	shalt  }
0x4e: {  	_ =	shalt  }
0x4f: {  	_ =	shalt  }
0x50: {  	_ =	shalt  }
0x51: {  	_ =	shalt  }
0x52: {  	_ =	shalt  }
0x53: {  	_ =	shalt  }
0x54: {  	_ =	shalt  }
0x55: {  	_ =	shalt  }
0x56: {  	_ =	shalt  }
0x57: {  	_ =	shalt  }
0x58: {  	_ =	shalt  }
0x59: {  	_ =	shalt  }
0x5a: {  	_ =	shalt  }
0x5b: {  	_ =	shalt  }
0x5c: {  	_ =	shalt  }
0x5d: {  	_ =	shalt  }
0x5e: {  	_ =	shalt  }
0x5f: {  	_ =	shalt  }
0x60: {  	_ =	shalt  }
0x61: {  	_ =	shalt  }
0x62: {  	_ =	shalt  }
0x63: {  	_ =	shalt  }
0x64: {  	_ =	shalt  }
0x65: {  	_ =	shalt  }
0x66: {  	_ =	shalt  }
0x67: {  	_ =	shalt  }
0x68: {  	_ =	shalt  }
0x69: {  	_ =	shalt  }
0x6a: {  	_ =	shalt  }
0x6b: {  	_ =	shalt  }
0x6c: {  	_ =	shalt  }
0x6d: {  	_ =	shalt  }
0x6e: {  	_ =	shalt  }
0x6f: {  	_ =	shalt  }
0x70: {  	_ =	shalt  }
0x71: {  	_ =	shalt  }
0x72: {  	_ =	shalt  }
0x73: {  	_ =	shalt  }
0x74: {  	_ =	shalt  }
0x75: {  	_ =	shalt  }
0x76: {  	_ =	shalt  }
0x77: {  	_ =	shalt  }
0x78: {  	_ =	shalt  }
0x79: {  	_ =	shalt  }
0x7a: {  	_ =	shalt  }
0x7b: {  	_ =	shalt  }
0x7c: {  	_ =	shalt  }
0x7d: {  	_ =	shalt  }
0x7e: {  	_ =	shalt  }
0x7f: {  	_ =	shalt  }
0x80: {  	_ =	shalt  }
0x81: {  	_ =	shalt  }
0x82: {  	_ =	shalt  }
0x83: {  	_ =	shalt  }
0x84: {  	_ =	shalt  }
0x85: {  	_ =	shalt  }
0x86: {  	_ =	shalt  }
0x87: {  	_ =	shalt  }
.Lfunc_end0:
.L_simem_size_0:
called_computation.3_lowered:
.L_overlay_start_0:
0x88: {  	s2 =	sld [smem:$0x3FD9]  }
0x89: {  	s3 =	sld [smem:$0x3FFE];
	_ =	sdelay $0x1  }
0x8a: {  	s1 =	srdreg.scid  }
0x8b: {  	s0 =	sand.u32 $0x1, s1  }
0x8c: {  	s16 =	sshll.u32 s0, $0xA;
	s2 =	sadd.s32 s3, s2  }
0x8d: {  	s2 =	sadd.s32 s2, s16  }
0x8e: {  	[smem:$0x3FB5] =	sst s2  }
0x8f: {  	_ = 	snop  }
0x90: {  	(tm) =	ssettm $0x1  }
0x91: {  	s17 =	sld [smem:$0x3FFB];
	_ =	sdelay $0x3  }
0x92: {  	_ =	strace s17  }
0x93: {  	s2 =	sld [smem:$0x3FFC];
	_ =	sdelay $0x3  }
0x94: {  	_ =	strace s2  }
0x95: {  	s2 =	sld [smem:$0x3FFD];
	_ =	sdelay $0x3  }
0x96: {  	_ =	strace s2  }
0x97: {  	_ =	strace $0x8FFFFFFF  }
0x98: {  	s18 =	sld [smem:$0x3FDB];
	_ =	sdelay $0x1  }
0x99: {  	s19 =	simm.s32 $_scs_section_size  }
0x9a: {  	s4 =	simm.s32 $_size__tile_overlayer_lowered;
	s5 =	simm.s32 $_tile_overlayer_lowered  }
0x9b: {  	s22 =	simm.s32 $0x1BFF;
	s21 =	sshll.u32 s5, $0x1;
	s2 =	sadd.s32 s19, s18  }
0x9c: {  	s6 =	simm.s32 $0x0;
	s20 =	sshll.u32 s4, $0x1;
	s4 =	sadd.s32 s21, s2  }
0x9d: {  	[timem:s6], [sflag:s22] =	dma.local [hbm:s4], s20  }
0x9e: {  	_ =	swait.ge [sflag:s22], s20  }
0x9f: {  	s3 =	ssub.s32 $0x0, s20;
	[sflag:s22] =	ssyncset.done $0x0  }
0xa0: {  	[sflag:s22] =	ssyncadd.s32 s3;
	_ =	sdelay $0x1  }
0xa1: {  	s23 =	simm.s32 $0x1B8B  }
0xa2: {  	_ =	swait.ge [sflag:s23], $0x1  }
0xa3: {  	[sflag:s23] =	ssyncset.done $0x0  }
0xa4: {  	s25 =	simm.s32 $0x1B8E;
	s24 =	sld [smem:$0x3FFE];
	[sflag:s23] =	ssyncadd.s32 $0xFFFFFFFF  }
0xa5: {  	s26 =	simm.s32 $execute0_lowered;
	[smem:$0x3FD2] =	sst s25  }
0xa6: {  	s4 =	sshll.u32 s26, $0x1;
	_ =	strace $0x8000004F;
	[dreg:$0x1] =	wrdreg $0xFFFFFFFF  }
0xa7: {  	s28 =	simm.s32 $_size_execute0_lowered;
	s2 =	sadd.s32 s2, s4;
	[dreg:$0x0] =	wrdreg $0x0  }
0xa8: {  	s4 =	sshll.u32 s28, $0x1;
	[dreg:$0x2] =	wrdreg s2  }
0xa9: {  	[dreg:$0x3] =	wrdreg s4  }
0xaa: {  	[dreg:$0x4] =	wrdreg $0xC0  }
0xab: {  	_ =	task [dreg:s6], $0x5FFFF  }
0xac: {  	[dreg:$0x1] =	wrdreg $0xFFFFFFFF  }
0xad: {  	[dreg:$0x0] =	wrdreg $0x60  }
0xae: {  	[dreg:$0x2] =	wrdreg s24  }
0xaf: {  	[dreg:$0x3] =	wrdreg $0x0  }
0xb0: {  	[dreg:$0x4] =	wrdreg $0x9  }
0xb1: {  	_ =	task.clear_ibuf [dreg:s6], $0x5FFFF;
	_ =	strace $0x9000004F  }
0xb2: {  	s29 =	simm.s32 $0x9;
	_ =	strace $0x80000051  }
0xb3: {  	_ =	swait.ge [sflag:s29], $0x1  }
0xb4: {  	[sflag:s29] =	ssyncadd.s32 $0xFFFFFFFF  }
0xb5: {  	_ =	strace $0x90000051  }
0xb6: {  	_ =	sfence  }
0xb7: {  	s30 =	sld [smem:$0x0];
	_ =	sdelay $0x2  }
0xb8: {  	s31 =	sshll.u32 s1, $0xD;
	s1 =	sshrl.u32 s1, $0x2  }
0xb9: {  	s3 =	sand.u32 $0x4000, s31;
	s1 =	sadd.s32 s1, s30  }
0xba: {  	s0 =	sor.u32 s3, s0;
	s1 =	sshll.u32 s1, $0x11  }
0xbb: {  	s0 =	sor.u32 s1, s0  }
0xbc: {  	s0 =	sadd.s32 $0x8F2B, s0  }
0xbd: {  	[sflag:s0] =	ssyncadd.remote.s32 $0x1  }
0xbe: {  	_ =	sfence.sel $0xFFFF  }
0xbf: {  	[dreg:$0x0] =	wrdreg $0xFFFFFFFF;
	(pc) =	sbr.abs _section_cstart, $3  }
0xc0: {  	[dreg:$0x1] =	wrdreg $0xFFFFFFFF  }
0xc1: {  	_ =	task.clear_ibuf [dreg:s6], $0x2FFFF;
	_ =	strace $0x9FFFFFFF  }
0xc2: {  	(tm) =	ssettm $0x7FFFFFFF  }
0xc3: {  	_ =	shalt  }
tec
execute0_lowered:
.L_overlay_start_1:
0x0: {  	(tag) =	ssettag $0x1  }
0x1: {  	s4 =	rddreg [dreg:$0x0];
	s1 =	stileid.u32  }
0x2: {  	s2 =	rddreg [dreg:$0x1];
	s7 =	smul.u32 $0xA000, s1  }
0x3: {  	s3 =	srdreg.scid;
	s28 =	smul.u32 $0x5020, s1  }
0x4: {  	s0 =	rddreg [dreg:$0x2];
	s6 =	sand.u32 $0x1, s3;
	s13 =	smul.u32 $0x5000, s1  }
0x5: {  	s5 =	sshll.u32 s1, $0x1;
	s3 =	simm.s32 $0x0;
	s9 =	smul.u32 $0xA000, s6  }
0x6: {  	s31 =	sshll.u32 s1, $0x6;
	s5 =	sor.u32 s6, s5;
	s14 =	smul.u32 $0x5000, s6  }
0x7: {  	[smem:$0x7FF] =	sst s3;
	s10 =	ssub.s32 $0x2, s6;
	s5 =	smul.u32 $0x1400, s5  }
0x8: {  	_ =	strace $0x80000050;
	s8 =	sadd.s32 s7, s4;
	s29 =	sshrl.u32 s28, $0x3  }
0x9: {  	s12 =	sshrl.u32 s10, $0x1;
	s30 =	sadd.s32 s28, s2;
	s16 =	sshrl.u32 s13, $0x3  }
0xa: {  	s17 =	sadd.s32 s13, s2;
	s13 =	simm.s32 $0x80;
	s9 =	sadd.s32 s9, s4  }
0xb: {  	s10 =	ssub.s32 s10, s12;
	s8 =	sadd.s32 s14, s8;
	s12 =	simm.s32 $0x6420  }
0xc: {  	s5 =	sshrl.u32 s5, $0x3;
	s15 =	sadd.s32 $0x1DE00, s9;
	s7 =	smax.u32 s10, $0x1  }
0xd: {  	s8 =	sadd.s32 $0xBDE00, s8;
	s9 =	sshrl.u32 s30, $0x3;
	s10 =	simm.s32 $0x1  }
0xe: {  	s11 =	sadd.s32 s5, s4;
	s5 =	sadd.s32 s29, s4;
	s14 =	sadd.s32 s16, s15  }
0xf: {  	s15 =	sshrl.u32 s17, $0x3;
	s16 =	simm.s32 $0x0;
	s4 =	sadd.s32 $0x13C00, s5  }
0x10: {  	s5 =	sor.u32 $0x1C01, s31;
	s6 =	sadd.s32 $0x4C00, s11;
	s11 =	simm.s32 $0x5020  }
.LBB2_1:
0x11: {  	[spmem:s9], [sflag:s5] =	dma.local [hbm:s4], $0xA04  }
0x12: {  	_ =	swait.ge [sflag:s10], $0xA04  }
0x13: {  	[sflag:s10] =	ssyncset.done $0x0  }
0x14: {  	[sflag:s10] =	ssyncadd.s32 $0xFFFFF5FC  }
0x15: {  	[tilespmem:s11], [sflag:$0x1] =	stream.linear.gather [hbm4b:s6+s3], $0x1400, $0x38;
	[tilespmem:$0x7420] =	vst v63  }
0x16: {  	_ =	swait.ge [sflag:s10], $0x1400  }
0x17: {  	[sflag:s10] =	ssyncset.done $0x0  }
0x18: {  	[sflag:s10] =	ssyncadd.s32 $0xFFFFEC00  }
0x19: {  	s17 =	sadd.s32 $0x0, s8;
	[bflag:$0x0] =	sbarrier.arrive $0xFFFF  }
0x1a: {  	[tilespmem:s12], [sflag:$0x1] =	stream.linear.gather [hbm4b:s17+s3], $0x1000, $0x38;
	[tilespmem:$0x7420] =	vst v63  }
0x1b: {  	_ =	swait.ge [sflag:s10], $0x1000  }
0x1c: {  	[sflag:s10] =	ssyncset.done $0x0  }
0x1d: {  	s31 =	simm.s32 $0x5020;
	[sflag:s10] =	ssyncadd.s32 $0xFFFFF000  }
0x1e: {  	[spmem:s2] =	stream.indirect.scatter.add.f32 [tilespmem:s12], [sflag:$0x1], $0x20, s31, s13, $0xb8;
	[tilespmem:$0x7420] =	vst v63  }
0x1f: {  	_ =	swait.ge [sflag:s10], $0x1000  }
0x20: {  	s18 =	simm.s32 $0x400;
	s17 =	simm.s32 $0x200;
	[sflag:s10] =	ssyncset.done $0x0  }
.LBB2_2:
0x21: {  	s19 =	sadd.s32 s17, s8  }
0x22: {  	[sflag:s10] =	ssyncadd.s32 $0xFFFFF000;
	s20 =	smov.u32 s18;
	s21 =	sadd.s32 $0x200, s18  }
0x23: {  	[tilespmem:s12], [sflag:$0x1] =	stream.linear.gather [hbm4b:s19+s3], $0x1000, $0x38;
	[tilespmem:$0x7420] =	vst v63  }
0x24: {  	p0 =	sne.s32 s18, $0x4E00;
	_ =	swait.ge [sflag:s10], $0x1000  }
.Ltmp0:
0x25: {  	s17 =	sshra.s32 s17, $0x2;
	[sflag:s10] =	ssyncset.done $0x0;
	(pc) =	sbr.rel @p0 .LBB2_2-.Ltmp0, $4  }
0x26: {  	s18 =	sadd.s32 $0x5020, s17;
	s17 =	smov.u32 s20;
	[sflag:s10] =	ssyncadd.s32 $0xFFFFF000  }
0x27: {  	[spmem:s2] =	stream.indirect.scatter.add.f32 [tilespmem:s12], [sflag:$0x1], $0x20, s18, s13, $0xb8;
	[tilespmem:$0x7420] =	vst v63  }
0x28: {  	_ =	swait.ge [sflag:s10], $0x1000  }
0x29: {  	s18 =	smov.u32 s21;
	[sflag:s10] =	ssyncset.done $0x0  }
0x2a: {  	s18 =	sadd.s32 s17, s8;
	[sflag:s10] =	ssyncadd.s32 $0xFFFFF000  }
0x2b: {  	[tilespmem:s12], [sflag:$0x1] =	stream.linear.gather [hbm4b:s18+s3], $0x1000, $0x38;
	[tilespmem:$0x7420] =	vst v63  }
0x2c: {  	_ =	swait.ge [sflag:s10], $0x1000  }
0x2d: {  	s31 =	sshra.s32 s17, $0x2;
	[sflag:s10] =	ssyncset.done $0x0  }
0x2e: {  	s17 =	sadd.s32 $0x5020, s31;
	[sflag:s10] =	ssyncadd.s32 $0xFFFFF000  }
0x2f: {  	[spmem:s2] =	stream.indirect.scatter.add.f32 [tilespmem:s12], [sflag:$0x1], $0x20, s17, s13, $0xb8;
	[tilespmem:$0x7420] =	vst v63  }
0x30: {  	_ =	swait.ge [sflag:s10], $0x1000  }
0x31: {  	s16 =	sadd.s32 $0x1, s16;
	[sflag:s10] =	ssyncset.done $0x0  }
0x32: {  	p0 =	sne.s32 s16, s7;
	[sflag:s10] =	ssyncadd.s32 $0xFFFFF000  }
.Ltmp1:
0x33: {  	[bflag:$0x0] =	sbarrier.arrive $0xFFFF;
	(pc) =	sbr.rel @p0 .LBB2_1-.Ltmp1, $4  }
0x34: {  	[hbm:s14], [sflag:s5] =	dma.local [spmem:s15], $0xA00  }
0x35: {  	_ =	swait.ge [sflag:s10], $0xA00  }
0x36: {  	[sflag:s10] =	ssyncset.done $0x0  }
0x37: {  	[sflag:s10] =	ssyncadd.s32 $0xFFFFF600  }
0x38: {  	_ =	sfence.sel $0x180000  }
0x39: {  	[bflag:$0x0] =	sbarrier.arrive $0xFFFF  }
0x3a: {  	p0 =	sne.s32 s1, $0x0;
	_ =	strace $0x90000050  }
0x3b: {  	s0 =	sadd.s32 @!p0 $0x100000, s0;
	[bflag:$0x2] =	sbarrier.arrive $0xFFFF  }
0x3c: {  	[sflag:s0] =	ssyncadd.tile.s32 @!p0 $0x1;
	_ =	shalt  }
.Lfunc_end2:
_tile_overlayer_lowered:
.L_overlay_start_2:
0x3d: {  	(tag) =	ssettag $0x2  }
0x3e: {  	s0 =	rddreg [dreg:$0x0];
	s2 =	stileid.u32  }
0x3f: {  	s1 =	rddreg [dreg:$0x1];
	p0 =	sne.s32 s2, $0x0  }
0x40: {  	s3 =	rddreg [dreg:$0x2];
	[bflag:$0x3] =	sbarrier.arrive $0xFFFF;
	s2 =	simm.s32 @!p0 $0x1C01  }
0x41: {  	[timem:s3], [sflag:s2] =	dma.local @!p0 [hbm:s0], s1  }
0x42: {  	s0 =	simm.s32 @!p0 $0x1  }
0x43: {  	_ =	swait.ge @!p0 [sflag:s0], s1  }
0x44: {  	s1 =	ssub.s32 @!p0 $0x0, s1;
	[sflag:s0] =	ssyncset.done @!p0 $0x0  }
0x45: {  	[sflag:s0] =	ssyncadd.s32 @!p0 s1  }
0x46: {  	[bflag:$0x3] =	sbarrier.arrive $0xFFFF  }
0x47: {  	_ =	shalt  }

// kernel: kernel.28.cloned.1.call-start
scs
__scs_entry_jumppad:
0x0: {  	(pc) =	sbr.rel $0x88, $3  }
0x1: {  	(tag) =	ssettag $0x0;
	lr =	simm.s32 $0x1  }
0x2: {  	[smem:$0x3F8E] =	sst lr;
	_ =	strace $0xD0000000  }
0x3: {  	_ = 	snop  }
0x4: {  	_ = 	snop  }
0x5: {  	_ = 	snop  }
0x6: {  	_ = 	snop  }
0x7: {  	_ = 	snop  }
__scs_overlays_trampoline_lowered:
0x8: {  	[smem:$0x3F9D] =	sst s0  }
0x9: {  	[smem:$0x3F9E] =	sst s1  }
0xa: {  	[smem:$0x3F9F] =	sst s2  }
0xb: {  	[smem:$0x3FA0] =	sst s3  }
0xc: {  	[smem:$0x3FA1] =	sst s4  }
0xd: {  	[smem:$0x3FA2] =	sst s5  }
0xe: {  	[smem:$0x3FA3] =	sst s6  }
0xf: {  	[smem:$0x3FA4] =	sst s7  }
0x10: {  	[smem:$0x3FA5] =	sst s8  }
0x11: {  	[smem:$0x3FA6] =	sst s9;
	s0 =	simm.s32 @!p0 $0x0  }
0x12: {  	s1 =	sld [smem:$0x3F8C];
	s0 =	simm.s32 @p0 $0x1  }
0x13: {  	[smem:$0x3FA7] =	sst s0;
	s0 =	simm.s32 @!p1 $0x0  }
0x14: {  	s2 =	sld [smem:$0x3F8B];
	s0 =	simm.s32 @p1 $0x1  }
0x15: {  	[smem:$0x3FA8] =	sst s0;
	s0 =	simm.s32 @!p2 $0x0  }
0x16: {  	s3 =	sld [smem:$0x3FDB];
	s0 =	simm.s32 @p2 $0x1  }
0x17: {  	s4 =	simm.s32 $0x1BF5;
	[smem:$0x3FAA] =	sst s0  }
0x18: {  	s0 =	sld [smem:$0x3F8D];
	_ =	swait.ge [sflag:s4], $0x0  }
0x19: {  	s7 =	sld [smem:$0x3F8E]  }
0x1a: {  	s8 =	sadd.s32 $0xFFFFE003, lr  }
0x1b: {  	s9 =	sadd.s32 $0xFFFFFEF7, lr;
	s5 =	simm.s32 $0xFFFFFFFF;
	p2 =	slt.u32 s8, $0xFFFFF086  }
0x1c: {  	p1 =	slt.u32 s9, $0xF7A;
	s5 =	simm.s32 @!p2 $0x0  }
0x1d: {  	s5 =	simm.s32 @p1 $0x1;
	p0 =	seq.s32 s7, s2  }
0x1e: {  	s7 =	smul.u32 @!p0 $0xF7A, s2;
	p2 =	seq.s32 @!p0 s5, $0x0  }
0x1f: {  	s9 =	smul.u32 $0xF7A, s1;
	s8 =	simm.s32 @!p0 $0x1BF5;
	p2 =	por !p2, p0  }
0x20: {  	[sflag:s8] =	ssyncset.s32 @!p0 $0xFFFFF086;
	s6 =	sadd.s32 @!p0 s3, s7;
	s7 =	simm.s32 @!p0 $0x108  }
0x21: {  	s3 =	sadd.s32 s3, s9;
	s6 =	sadd.s32 @!p0 $0x88, s6;
	s7 =	simm.s32 @p2 $0x1082  }
0x22: {  	[simem:s7], [sflag:s8] =	dma.local @!p0 [hbm:s6], $0xF7A  }
0x23: {  	s9 =	sor.u32 $0xD0000000, s2;
	s6 =	simm.s32 $0x108;
	_ =	swait.ge @!p0 [sflag:s8], $0x0  }
0x24: {  	s3 =	sadd.s32 $0x88, s3;
	s6 =	simm.s32 @!p1 $0x1082;
	[sflag:s4] =	ssyncset.s32 $0xFFFFF086  }
0x25: {  	[simem:s6], [sflag:s4] =	dma.local [hbm:s3], $0xF7A  }
0x26: {  	[smem:$0x3F8E] =	sst s1;
	(tag) =	ssettag s2;
	_ =	strace s9  }
0x27: {  	s1 =	sld [smem:$0x3F9E]  }
0x28: {  	s2 =	sld [smem:$0x3F9F]  }
0x29: {  	s4 =	sld [smem:$0x3FA1]  }
0x2a: {  	p0 =	seq.s32 s5, $0x0;
	s5 =	sld [smem:$0x3FA2]  }
0x2b: {  	s6 =	sld [smem:$0x3FA3]  }
0x2c: {  	s7 =	sld [smem:$0x3FA4]  }
0x2d: {  	s3 =	simm.s32 $0x108;
	s8 =	sld [smem:$0x3FA5]  }
0x2e: {  	s3 =	simm.s32 @!p0 $0x1082;
	s9 =	sld [smem:$0x3FA6]  }
0x2f: {  	lr =	sadd.s32 s0, s3;
	s0 =	sld [smem:$0x3F9D]  }
0x30: {  	s3 =	sld [smem:$0x3FA0]  }
0x31: {  	[smem:$0x3FA9] =	sst s10  }
0x32: {  	s10 =	sld [smem:$0x3FA7];
	_ =	sdelay $0x3  }
0x33: {  	p0 =	seq.s32 s10, $0x1;
	s10 =	sld [smem:$0x3FA9];
	_ =	sdelay $0x3  }
0x34: {  	[smem:$0x3FA9] =	sst s10  }
0x35: {  	s10 =	sld [smem:$0x3FA8];
	_ =	sdelay $0x3  }
0x36: {  	p1 =	seq.s32 s10, $0x1;
	s10 =	sld [smem:$0x3FA9];
	_ =	sdelay $0x3  }
0x37: {  	[smem:$0x3FA9] =	sst s10  }
0x38: {  	s10 =	sld [smem:$0x3FAA]  }
0x39: {  	_ = 	snop;
	(pc) =	sbr.ind lr, $3  }
0x3a: {  	_ = 	snop  }
0x3b: {  	_ = 	snop  }
0x3c: {  	p2 =	seq.s32 s10, $0x1;
	s10 =	sld [smem:$0x3FA9]  }
0x3d: {  	_ =	shalt  }
0x3e: {  	_ =	shalt  }
0x3f: {  	_ =	shalt  }
0x40: {  	_ =	shalt  }
0x41: {  	_ =	shalt  }
0x42: {  	_ =	shalt  }
0x43: {  	_ =	shalt  }
0x44: {  	_ =	shalt  }
0x45: {  	_ =	shalt  }
0x46: {  	_ =	shalt  }
0x47: {  	_ =	shalt  }
0x48: {  	_ =	shalt  }
0x49: {  	_ =	shalt  }
0x4a: {  	_ =	shalt  }
0x4b: {  	_ =	shalt  }
0x4c: {  	_ =	shalt  }
0x4d: {  	_ =	shalt  }
0x4e: {  	_ =	shalt  }
0x4f: {  	_ =	shalt  }
0x50: {  	_ =	shalt  }
0x51: {  	_ =	shalt  }
0x52: {  	_ =	shalt  }
0x53: {  	_ =	shalt  }
0x54: {  	_ =	shalt  }
0x55: {  	_ =	shalt  }
0x56: {  	_ =	shalt  }
0x57: {  	_ =	shalt  }
0x58: {  	_ =	shalt  }
0x59: {  	_ =	shalt  }
0x5a: {  	_ =	shalt  }
0x5b: {  	_ =	shalt  }
0x5c: {  	_ =	shalt  }
0x5d: {  	_ =	shalt  }
0x5e: {  	_ =	shalt  }
0x5f: {  	_ =	shalt  }
0x60: {  	_ =	shalt  }
0x61: {  	_ =	shalt  }
0x62: {  	_ =	shalt  }
0x63: {  	_ =	shalt  }
0x64: {  	_ =	shalt  }
0x65: {  	_ =	shalt  }
0x66: {  	_ =	shalt  }
0x67: {  	_ =	shalt  }
0x68: {  	_ =	shalt  }
0x69: {  	_ =	shalt  }
0x6a: {  	_ =	shalt  }
0x6b: {  	_ =	shalt  }
0x6c: {  	_ =	shalt  }
0x6d: {  	_ =	shalt  }
0x6e: {  	_ =	shalt  }
0x6f: {  	_ =	shalt  }
0x70: {  	_ =	shalt  }
0x71: {  	_ =	shalt  }
0x72: {  	_ =	shalt  }
0x73: {  	_ =	shalt  }
0x74: {  	_ =	shalt  }
0x75: {  	_ =	shalt  }
0x76: {  	_ =	shalt  }
0x77: {  	_ =	shalt  }
0x78: {  	_ =	shalt  }
0x79: {  	_ =	shalt  }
0x7a: {  	_ =	shalt  }
0x7b: {  	_ =	shalt  }
0x7c: {  	_ =	shalt  }
0x7d: {  	_ =	shalt  }
0x7e: {  	_ =	shalt  }
0x7f: {  	_ =	shalt  }
0x80: {  	_ =	shalt  }
0x81: {  	_ =	shalt  }
0x82: {  	_ =	shalt  }
0x83: {  	_ =	shalt  }
0x84: {  	_ =	shalt  }
0x85: {  	_ =	shalt  }
0x86: {  	_ =	shalt  }
0x87: {  	_ =	shalt  }
.Lfunc_end0:
.L_simem_size_0:
called_computation.4_lowered:
.L_overlay_start_0:
0x88: {  	s2 =	sld [smem:$0x3FD9]  }
0x89: {  	s3 =	sld [smem:$0x3FFE];
	_ =	sdelay $0x1  }
0x8a: {  	s1 =	srdreg.scid  }
0x8b: {  	s0 =	sand.u32 $0x1, s1  }
0x8c: {  	s14 =	sshll.u32 s0, $0xA;
	s2 =	sadd.s32 s3, s2  }
0x8d: {  	s2 =	sadd.s32 s2, s14  }
0x8e: {  	[smem:$0x3FB5] =	sst s2  }
0x8f: {  	_ = 	snop  }
0x90: {  	s2 =	sld [smem:$0x3FD0];
	_ =	sdelay $0x2  }
0x91: {  	s15 =	simm.s32 $0xA;
	s4 =	simm.s32 $0x10  }
0x92: {  	[smem:s4], [sflag:s15] =	dma.local [hbm:s2], $0x1  }
0x93: {  	_ =	swait.eq [sflag:s15], $0x1  }
0x94: {  	[sflag:s15] =	ssyncset.done $0x0  }
0x95: {  	[sflag:s15] =	ssyncadd.s32 $0xFFFFFFFF  }
0x96: {  	s16 =	sld [smem:$0x11];
	(tm) =	ssettm $0x1  }
0x97: {  	s17 =	sld [smem:$0x3FFB];
	_ =	sdelay $0x3  }
0x98: {  	_ =	strace s17  }
0x99: {  	s3 =	sld [smem:$0x3FFC];
	_ =	sdelay $0x3  }
0x9a: {  	_ =	strace s3  }
0x9b: {  	s3 =	sld [smem:$0x3FFD];
	_ =	sdelay $0x3  }
0x9c: {  	_ =	strace s3  }
0x9d: {  	_ =	strace $0x8FFFFFFF  }
0x9e: {  	s18 =	sld [smem:$0x3FDB];
	_ =	sdelay $0x1  }
0x9f: {  	s19 =	simm.s32 $_scs_section_size  }
0xa0: {  	s5 =	simm.s32 $_size__tile_overlayer_lowered;
	s6 =	simm.s32 $_tile_overlayer_lowered  }
0xa1: {  	s22 =	simm.s32 $0x1BFF;
	s21 =	sshll.u32 s6, $0x1;
	s3 =	sadd.s32 s19, s18  }
0xa2: {  	s7 =	simm.s32 $0x0;
	s20 =	sshll.u32 s5, $0x1;
	s5 =	sadd.s32 s21, s3  }
0xa3: {  	[timem:s7], [sflag:s22] =	dma.local [hbm:s5], s20  }
0xa4: {  	_ =	swait.ge [sflag:s22], s20  }
0xa5: {  	s4 =	ssub.s32 $0x0, s20;
	[sflag:s22] =	ssyncset.done $0x0  }
0xa6: {  	[sflag:s22] =	ssyncadd.s32 s4;
	_ =	sdelay $0x1  }
0xa7: {  	s23 =	simm.s32 $0x1B8B  }
0xa8: {  	_ =	swait.ge [sflag:s23], $0x1  }
0xa9: {  	[sflag:s23] =	ssyncset.done $0x0  }
0xaa: {  	s25 =	simm.s32 $0x1B8E;
	s24 =	sld [smem:$0x3FFE];
	[sflag:s23] =	ssyncadd.s32 $0xFFFFFFFF  }
0xab: {  	s26 =	simm.s32 $execute0_lowered;
	[smem:$0x3FD2] =	sst s25  }
0xac: {  	s5 =	sshll.u32 s26, $0x1;
	_ =	strace $0x80000052;
	[dreg:$0x1] =	wrdreg $0xFFFFFFFF  }
0xad: {  	s28 =	simm.s32 $_size_execute0_lowered;
	s3 =	sadd.s32 s3, s5;
	[dreg:$0x0] =	wrdreg $0x0  }
0xae: {  	s5 =	sshll.u32 s28, $0x1;
	[dreg:$0x2] =	wrdreg s3  }
0xaf: {  	[dreg:$0x3] =	wrdreg s5  }
0xb0: {  	[dreg:$0x4] =	wrdreg $0xC0  }
0xb1: {  	_ =	task [dreg:s7], $0x5FFFF  }
0xb2: {  	[dreg:$0x1] =	wrdreg $0xFFFFFFFF  }
0xb3: {  	[dreg:$0x0] =	wrdreg $0x60  }
0xb4: {  	[dreg:$0x2] =	wrdreg s24  }
0xb5: {  	[dreg:$0x3] =	wrdreg s16  }
0xb6: {  	[dreg:$0x4] =	wrdreg $0x9  }
0xb7: {  	_ =	task.clear_ibuf [dreg:s7], $0x5FFFF;
	_ =	strace $0x90000052  }
0xb8: {  	s29 =	simm.s32 $0x9;
	_ =	strace $0x80000054  }
0xb9: {  	_ =	swait.ge [sflag:s29], $0x1  }
0xba: {  	[sflag:s29] =	ssyncadd.s32 $0xFFFFFFFF  }
0xbb: {  	_ =	strace $0x90000054  }
0xbc: {  	_ =	sfence  }
0xbd: {  	s30 =	sld [smem:$0x0];
	_ =	sdelay $0x2  }
0xbe: {  	s31 =	sshll.u32 s1, $0xD;
	s1 =	sshrl.u32 s1, $0x2  }
0xbf: {  	s3 =	sand.u32 $0x4000, s31;
	s1 =	sadd.s32 s1, s30  }
0xc0: {  	s0 =	sor.u32 s3, s0;
	s1 =	sshll.u32 s1, $0x11  }
0xc1: {  	s0 =	sor.u32 s1, s0  }
0xc2: {  	s0 =	sadd.s32 $0x8F2B, s0  }
0xc3: {  	[sflag:s0] =	ssyncadd.remote.s32 $0x1  }
0xc4: {  	_ =	sfence.sel $0xFFFF  }
0xc5: {  	[dreg:$0x0] =	wrdreg $0xFFFFFFFF;
	(pc) =	sbr.abs _section_cstart, $3  }
0xc6: {  	[dreg:$0x1] =	wrdreg $0xFFFFFFFF  }
0xc7: {  	_ =	task.clear_ibuf [dreg:s7], $0x2FFFF;
	_ =	strace $0x9FFFFFFF  }
0xc8: {  	(tm) =	ssettm $0x7FFFFFFF  }
0xc9: {  	_ =	shalt  }
tec
execute0_lowered:
.L_overlay_start_1:
0x0: {  	(tag) =	ssettag $0x1  }
0x1: {  	s1 =	srdreg.scid;
	s0 =	stileid.u32  }
0x2: {  	s9 =	rddreg [dreg:$0x0];
	s16 =	sand.u32 $0x1, s1;
	s29 =	sshll.u32 s0, $0x1  }
0x3: {  	s3 =	rddreg [dreg:$0x1];
	s10 =	sor.u32 s16, s29  }
0x4: {  	s2 =	simm.s32 $0x0;
	s1 =	rddreg [dreg:$0x2];
	s4 =	smul.u32 $0x280, s10  }
0x5: {  	[smem:$0x7FF] =	sst s2  }
0x6: {  	_ =	strace $0x80000053;
	s3 =	sadd.s32 s3, s4;
	s4 =	simm.s32 $0x3  }
0x7: {  	[tilespmem:s2], [sflag:$0x3] =	stream.linear.gather [hbm4b:s3+s2], $0x1400, $0x38;
	[tilespmem:$0x15400] =	vst v63  }
0x8: {  	_ =	swait.ge [sflag:s4], $0x1400  }
0x9: {  	s6 =	simm.s32 $0x500;
	s7 =	simm.s32 $0x1400;
	[sflag:s4] =	ssyncset.done $0x0  }
0xa: {  	s8 =	simm.s32 $0x1;
	s5 =	sadd.s32 $0x9C00, s9;
	[sflag:s4] =	ssyncadd.s32 $0xFFFFEC00  }
0xb: {  	[tilespmem:s7], [sflag:$0x1] =	stream.indirect.gather [hbm4b:s5+s6], $0x20, s2, s6, $0xb8;
	[tilespmem:$0x15400] =	vst v63  }
0xc: {  	s11 =	smul.u32 $0x5000, s10;
	_ =	swait.ge [sflag:s8], $0xA000  }
0xd: {  	s12 =	sadd.s32 $0x1DE00, s9;
	[sflag:s8] =	ssyncset.done $0x0  }
0xe: {  	s9 =	sadd.s32 s12, s11;
	[sflag:s8] =	ssyncadd.s32 $0xFFFF6000  }
0xf: {  	[hbm4b:s9+s2] =	stream.linear.scatter [tilespmem:s7], [sflag:$0x2], $0xA000, $0x38;
	[tilespmem:$0x15400] =	vst v63  }
0x10: {  	s30 =	smul.u32 $0x28000, s10;
	s10 =	simm.s32 $0xB400  }
0x11: {  	[tilespmem:s10], [sflag:$0x1] =	stream.indirect.gather [hbm4b:s5+s6], $0x20, s6, s6, $0xb8;
	[tilespmem:$0x15400] =	vst v63  }
0x12: {  	s11 =	sshrl.u32 s30, $0x3;
	_ =	swait.ge [sflag:s8], $0xA000  }
0x13: {  	s17 =	sadd.s32 s12, s11;
	[sflag:s8] =	ssyncset.done $0x0  }
0x14: {  	s11 =	simm.s32 $0x2;
	s12 =	sadd.s32 $0x1400, s17;
	[sflag:s8] =	ssyncadd.s32 $0xFFFF6000  }
0x15: {  	[hbm4b:s12+s2] =	stream.linear.scatter [tilespmem:s10], [sflag:$0x2], $0xA000, $0x38;
	[tilespmem:$0x15400] =	vst v63  }
0x16: {  	_ =	swait.ge [sflag:s11], $0xA000  }
0x17: {  	[sflag:s11] =	ssyncset.done $0x0  }
0x18: {  	s13 =	simm.s32 $0xA00;
	[sflag:s11] =	ssyncadd.s32 $0xFFFF6000  }
0x19: {  	[tilespmem:s7], [sflag:$0x1] =	stream.indirect.gather [hbm4b:s5+s6], $0x20, s13, s6, $0xb8;
	[tilespmem:$0x15400] =	vst v63  }
0x1a: {  	_ =	swait.ge [sflag:s8], $0xA000  }
0x1b: {  	[sflag:s8] =	ssyncset.done $0x0  }
0x1c: {  	s14 =	sadd.s32 $0x2800, s17;
	[sflag:s8] =	ssyncadd.s32 $0xFFFF6000  }
0x1d: {  	[hbm4b:s14+s2] =	stream.linear.scatter [tilespmem:s7], [sflag:$0x2], $0xA000, $0x38;
	[tilespmem:$0x15400] =	vst v63  }
0x1e: {  	_ =	swait.ge [sflag:s11], $0xA000  }
0x1f: {  	s18 =	ssub.s32 $0x2, s16;
	[sflag:s11] =	ssyncset.done $0x0  }
0x20: {  	s15 =	simm.s32 $0xF00;
	s31 =	sshrl.u32 s18, $0x1;
	[sflag:s11] =	ssyncadd.s32 $0xFFFF6000  }
0x21: {  	[tilespmem:s10], [sflag:$0x1] =	stream.indirect.gather [hbm4b:s5+s6], $0x20, s15, s6, $0xb8;
	[tilespmem:$0x15400] =	vst v63  }
0x22: {  	s16 =	sadd.s32 $0x3C00, s17;
	s17 =	ssub.s32 s18, s31;
	_ =	swait.ge [sflag:s8], $0xA000  }
0x23: {  	s17 =	smax.u32 s17, $0x1;
	[sflag:s8] =	ssyncset.done $0x0  }
0x24: {  	p0 =	sne.s32 s17, $0x1;
	[sflag:s8] =	ssyncadd.s32 $0xFFFF6000  }
0x25: {  	[hbm4b:s16+s2] =	stream.linear.scatter [tilespmem:s10], [sflag:$0x2], $0xA000, $0x38;
	[tilespmem:$0x15400] =	vst v63  }
.Ltmp0:
0x26: {  	_ =	swait.ge [sflag:s11], $0xA000;
	(pc) =	sbr.rel @!p0 .LBB2_2-.Ltmp0, $4  }
0x27: {  	[sflag:s11] =	ssyncset.done $0x0  }
0x28: {  	[sflag:s11] =	ssyncadd.s32 $0xFFFF6000  }
0x29: {  	_ =	swait.ge [sflag:s11], $0xA000  }
0x2a: {  	s17 =	sadd.s32 $0xFFFFFFFF, s17;
	[sflag:s11] =	ssyncset.done $0x0  }
.LBB2_1:
0x2b: {  	p0 =	sne.s32 s17, $0x1;
	s17 =	sadd.s32 $0xFFFFFFFF, s17;
	[sflag:s11] =	ssyncadd.s32 $0xFFFF6000  }
0x2c: {  	[tilespmem:s2], [sflag:$0x3] =	stream.linear.gather [hbm4b:s3+s2], $0x1400, $0x38;
	[tilespmem:$0x15400] =	vst v63  }
0x2d: {  	_ =	swait.ge [sflag:s4], $0x1400  }
0x2e: {  	[sflag:s4] =	ssyncset.done $0x0  }
0x2f: {  	[sflag:s4] =	ssyncadd.s32 $0xFFFFEC00  }
0x30: {  	[tilespmem:s7], [sflag:$0x1] =	stream.indirect.gather [hbm4b:s5+s6], $0x20, s2, s6, $0xb8;
	[tilespmem:$0x15400] =	vst v63  }
0x31: {  	_ =	swait.ge [sflag:s8], $0xA000  }
0x32: {  	[sflag:s8] =	ssyncset.done $0x0  }
0x33: {  	[sflag:s8] =	ssyncadd.s32 $0xFFFF6000  }
0x34: {  	[hbm4b:s9+s2] =	stream.linear.scatter [tilespmem:s7], [sflag:$0x2], $0xA000, $0x38;
	[tilespmem:$0x15400] =	vst v63  }
0x35: {  	_ = 	snop  }
0x36: {  	[tilespmem:s10], [sflag:$0x1] =	stream.indirect.gather [hbm4b:s5+s6], $0x20, s6, s6, $0xb8;
	[tilespmem:$0x15400] =	vst v63  }
0x37: {  	_ =	swait.ge [sflag:s8], $0xA000  }
0x38: {  	[sflag:s8] =	ssyncset.done $0x0  }
0x39: {  	[sflag:s8] =	ssyncadd.s32 $0xFFFF6000  }
0x3a: {  	[hbm4b:s12+s2] =	stream.linear.scatter [tilespmem:s10], [sflag:$0x2], $0xA000, $0x38;
	[tilespmem:$0x15400] =	vst v63  }
0x3b: {  	_ =	swait.ge [sflag:s11], $0xA000  }
0x3c: {  	[sflag:s11] =	ssyncset.done $0x0  }
0x3d: {  	[sflag:s11] =	ssyncadd.s32 $0xFFFF6000  }
0x3e: {  	[tilespmem:s7], [sflag:$0x1] =	stream.indirect.gather [hbm4b:s5+s6], $0x20, s13, s6, $0xb8;
	[tilespmem:$0x15400] =	vst v63  }
0x3f: {  	_ =	swait.ge [sflag:s8], $0xA000  }
0x40: {  	[sflag:s8] =	ssyncset.done $0x0  }
0x41: {  	[sflag:s8] =	ssyncadd.s32 $0xFFFF6000  }
0x42: {  	[hbm4b:s14+s2] =	stream.linear.scatter [tilespmem:s7], [sflag:$0x2], $0xA000, $0x38;
	[tilespmem:$0x15400] =	vst v63  }
0x43: {  	_ =	swait.ge [sflag:s11], $0xA000  }
0x44: {  	[sflag:s11] =	ssyncset.done $0x0  }
0x45: {  	[sflag:s11] =	ssyncadd.s32 $0xFFFF6000  }
0x46: {  	[tilespmem:s10], [sflag:$0x1] =	stream.indirect.gather [hbm4b:s5+s6], $0x20, s15, s6, $0xb8;
	[tilespmem:$0x15400] =	vst v63  }
0x47: {  	_ =	swait.ge [sflag:s8], $0xA000  }
0x48: {  	[sflag:s8] =	ssyncset.done $0x0  }
0x49: {  	[sflag:s8] =	ssyncadd.s32 $0xFFFF6000  }
0x4a: {  	[hbm4b:s16+s2] =	stream.linear.scatter [tilespmem:s10], [sflag:$0x2], $0xA000, $0x38;
	[tilespmem:$0x15400] =	vst v63  }
.Ltmp1:
0x4b: {  	_ =	swait.ge [sflag:s11], $0xA000;
	(pc) =	sbr.rel @p0 .LBB2_1-.Ltmp1, $4  }
0x4c: {  	[sflag:s11] =	ssyncset.done $0x0  }
0x4d: {  	[sflag:s11] =	ssyncadd.s32 $0xFFFF6000  }
0x4e: {  	_ =	swait.ge [sflag:s11], $0xA000  }
0x4f: {  	[sflag:s11] =	ssyncset.done $0x0  }
.LBB2_2:
0x50: {  	[sflag:s11] =	ssyncadd.s32 $0xFFFF6000  }
0x51: {  	_ =	sfence.sel $0x180000  }
0x52: {  	[bflag:$0x0] =	sbarrier.arrive $0xFFFF  }
0x53: {  	p0 =	sne.s32 s0, $0x0;
	_ =	strace $0x90000053  }
0x54: {  	s0 =	sadd.s32 @!p0 $0x100000, s1;
	[bflag:$0x2] =	sbarrier.arrive $0xFFFF  }
0x55: {  	[sflag:s0] =	ssyncadd.tile.s32 @!p0 $0x1;
	_ =	shalt  }
.Lfunc_end2:
_tile_overlayer_lowered:
.L_overlay_start_2:
0x56: {  	(tag) =	ssettag $0x2  }
0x57: {  	s0 =	rddreg [dreg:$0x0];
	s2 =	stileid.u32  }
0x58: {  	s1 =	rddreg [dreg:$0x1];
	p0 =	sne.s32 s2, $0x0  }
0x59: {  	s3 =	rddreg [dreg:$0x2];
	[bflag:$0x3] =	sbarrier.arrive $0xFFFF;
	s2 =	simm.s32 @!p0 $0x1C03  }
0x5a: {  	[timem:s3], [sflag:s2] =	dma.local @!p0 [hbm:s0], s1  }
0x5b: {  	s0 =	simm.s32 @!p0 $0x3  }
0x5c: {  	_ =	swait.ge @!p0 [sflag:s0], s1  }
0x5d: {  	s1 =	ssub.s32 @!p0 $0x0, s1;
	[sflag:s0] =	ssyncset.done @!p0 $0x0  }
0x5e: {  	[sflag:s0] =	ssyncadd.s32 @!p0 s1  }
0x5f: {  	[bflag:$0x3] =	sbarrier.arrive $0xFFFF  }
0x60: {  	_ =	shalt  }

// kernel: kernel.31.cloned.1.call-start
scs
__scs_entry_jumppad:
0x0: {  	(pc) =	sbr.rel $0x88, $3  }
0x1: {  	(tag) =	ssettag $0x0;
	lr =	simm.s32 $0x1  }
0x2: {  	[smem:$0x3F8E] =	sst lr;
	_ =	strace $0xD0000000  }
0x3: {  	_ = 	snop  }
0x4: {  	_ = 	snop  }
0x5: {  	_ = 	snop  }
0x6: {  	_ = 	snop  }
0x7: {  	_ = 	snop  }
__scs_overlays_trampoline_lowered:
0x8: {  	[smem:$0x3F9D] =	sst s0  }
0x9: {  	[smem:$0x3F9E] =	sst s1  }
0xa: {  	[smem:$0x3F9F] =	sst s2  }
0xb: {  	[smem:$0x3FA0] =	sst s3  }
0xc: {  	[smem:$0x3FA1] =	sst s4  }
0xd: {  	[smem:$0x3FA2] =	sst s5  }
0xe: {  	[smem:$0x3FA3] =	sst s6  }
0xf: {  	[smem:$0x3FA4] =	sst s7  }
0x10: {  	[smem:$0x3FA5] =	sst s8  }
0x11: {  	[smem:$0x3FA6] =	sst s9;
	s0 =	simm.s32 @!p0 $0x0  }
0x12: {  	s1 =	sld [smem:$0x3F8C];
	s0 =	simm.s32 @p0 $0x1  }
0x13: {  	[smem:$0x3FA7] =	sst s0;
	s0 =	simm.s32 @!p1 $0x0  }
0x14: {  	s2 =	sld [smem:$0x3F8B];
	s0 =	simm.s32 @p1 $0x1  }
0x15: {  	[smem:$0x3FA8] =	sst s0;
	s0 =	simm.s32 @!p2 $0x0  }
0x16: {  	s3 =	sld [smem:$0x3FDB];
	s0 =	simm.s32 @p2 $0x1  }
0x17: {  	s4 =	simm.s32 $0x1BF5;
	[smem:$0x3FAA] =	sst s0  }
0x18: {  	s0 =	sld [smem:$0x3F8D];
	_ =	swait.ge [sflag:s4], $0x0  }
0x19: {  	s7 =	sld [smem:$0x3F8E]  }
0x1a: {  	s8 =	sadd.s32 $0xFFFFE003, lr  }
0x1b: {  	s9 =	sadd.s32 $0xFFFFFEF7, lr;
	s5 =	simm.s32 $0xFFFFFFFF;
	p2 =	slt.u32 s8, $0xFFFFF086  }
0x1c: {  	p1 =	slt.u32 s9, $0xF7A;
	s5 =	simm.s32 @!p2 $0x0  }
0x1d: {  	s5 =	simm.s32 @p1 $0x1;
	p0 =	seq.s32 s7, s2  }
0x1e: {  	s7 =	smul.u32 @!p0 $0xF7A, s2;
	p2 =	seq.s32 @!p0 s5, $0x0  }
0x1f: {  	s9 =	smul.u32 $0xF7A, s1;
	s8 =	simm.s32 @!p0 $0x1BF5;
	p2 =	por !p2, p0  }
0x20: {  	[sflag:s8] =	ssyncset.s32 @!p0 $0xFFFFF086;
	s6 =	sadd.s32 @!p0 s3, s7;
	s7 =	simm.s32 @!p0 $0x108  }
0x21: {  	s3 =	sadd.s32 s3, s9;
	s6 =	sadd.s32 @!p0 $0x88, s6;
	s7 =	simm.s32 @p2 $0x1082  }
0x22: {  	[simem:s7], [sflag:s8] =	dma.local @!p0 [hbm:s6], $0xF7A  }
0x23: {  	s9 =	sor.u32 $0xD0000000, s2;
	s6 =	simm.s32 $0x108;
	_ =	swait.ge @!p0 [sflag:s8], $0x0  }
0x24: {  	s3 =	sadd.s32 $0x88, s3;
	s6 =	simm.s32 @!p1 $0x1082;
	[sflag:s4] =	ssyncset.s32 $0xFFFFF086  }
0x25: {  	[simem:s6], [sflag:s4] =	dma.local [hbm:s3], $0xF7A  }
0x26: {  	[smem:$0x3F8E] =	sst s1;
	(tag) =	ssettag s2;
	_ =	strace s9  }
0x27: {  	s1 =	sld [smem:$0x3F9E]  }
0x28: {  	s2 =	sld [smem:$0x3F9F]  }
0x29: {  	s4 =	sld [smem:$0x3FA1]  }
0x2a: {  	p0 =	seq.s32 s5, $0x0;
	s5 =	sld [smem:$0x3FA2]  }
0x2b: {  	s6 =	sld [smem:$0x3FA3]  }
0x2c: {  	s7 =	sld [smem:$0x3FA4]  }
0x2d: {  	s3 =	simm.s32 $0x108;
	s8 =	sld [smem:$0x3FA5]  }
0x2e: {  	s3 =	simm.s32 @!p0 $0x1082;
	s9 =	sld [smem:$0x3FA6]  }
0x2f: {  	lr =	sadd.s32 s0, s3;
	s0 =	sld [smem:$0x3F9D]  }
0x30: {  	s3 =	sld [smem:$0x3FA0]  }
0x31: {  	[smem:$0x3FA9] =	sst s10  }
0x32: {  	s10 =	sld [smem:$0x3FA7];
	_ =	sdelay $0x3  }
0x33: {  	p0 =	seq.s32 s10, $0x1;
	s10 =	sld [smem:$0x3FA9];
	_ =	sdelay $0x3  }
0x34: {  	[smem:$0x3FA9] =	sst s10  }
0x35: {  	s10 =	sld [smem:$0x3FA8];
	_ =	sdelay $0x3  }
0x36: {  	p1 =	seq.s32 s10, $0x1;
	s10 =	sld [smem:$0x3FA9];
	_ =	sdelay $0x3  }
0x37: {  	[smem:$0x3FA9] =	sst s10  }
0x38: {  	s10 =	sld [smem:$0x3FAA]  }
0x39: {  	_ = 	snop;
	(pc) =	sbr.ind lr, $3  }
0x3a: {  	_ = 	snop  }
0x3b: {  	_ = 	snop  }
0x3c: {  	p2 =	seq.s32 s10, $0x1;
	s10 =	sld [smem:$0x3FA9]  }
0x3d: {  	_ =	shalt  }
0x3e: {  	_ =	shalt  }
0x3f: {  	_ =	shalt  }
0x40: {  	_ =	shalt  }
0x41: {  	_ =	shalt  }
0x42: {  	_ =	shalt  }
0x43: {  	_ =	shalt  }
0x44: {  	_ =	shalt  }
0x45: {  	_ =	shalt  }
0x46: {  	_ =	shalt  }
0x47: {  	_ =	shalt  }
0x48: {  	_ =	shalt  }
0x49: {  	_ =	shalt  }
0x4a: {  	_ =	shalt  }
0x4b: {  	_ =	shalt  }
0x4c: {  	_ =	shalt  }
0x4d: {  	_ =	shalt  }
0x4e: {  	_ =	shalt  }
0x4f: {  	_ =	shalt  }
0x50: {  	_ =	shalt  }
0x51: {  	_ =	shalt  }
0x52: {  	_ =	shalt  }
0x53: {  	_ =	shalt  }
0x54: {  	_ =	shalt  }
0x55: {  	_ =	shalt  }
0x56: {  	_ =	shalt  }
0x57: {  	_ =	shalt  }
0x58: {  	_ =	shalt  }
0x59: {  	_ =	shalt  }
0x5a: {  	_ =	shalt  }
0x5b: {  	_ =	shalt  }
0x5c: {  	_ =	shalt  }
0x5d: {  	_ =	shalt  }
0x5e: {  	_ =	shalt  }
0x5f: {  	_ =	shalt  }
0x60: {  	_ =	shalt  }
0x61: {  	_ =	shalt  }
0x62: {  	_ =	shalt  }
0x63: {  	_ =	shalt  }
0x64: {  	_ =	shalt  }
0x65: {  	_ =	shalt  }
0x66: {  	_ =	shalt  }
0x67: {  	_ =	shalt  }
0x68: {  	_ =	shalt  }
0x69: {  	_ =	shalt  }
0x6a: {  	_ =	shalt  }
0x6b: {  	_ =	shalt  }
0x6c: {  	_ =	shalt  }
0x6d: {  	_ =	shalt  }
0x6e: {  	_ =	shalt  }
0x6f: {  	_ =	shalt  }
0x70: {  	_ =	shalt  }
0x71: {  	_ =	shalt  }
0x72: {  	_ =	shalt  }
0x73: {  	_ =	shalt  }
0x74: {  	_ =	shalt  }
0x75: {  	_ =	shalt  }
0x76: {  	_ =	shalt  }
0x77: {  	_ =	shalt  }
0x78: {  	_ =	shalt  }
0x79: {  	_ =	shalt  }
0x7a: {  	_ =	shalt  }
0x7b: {  	_ =	shalt  }
0x7c: {  	_ =	shalt  }
0x7d: {  	_ =	shalt  }
0x7e: {  	_ =	shalt  }
0x7f: {  	_ =	shalt  }
0x80: {  	_ =	shalt  }
0x81: {  	_ =	shalt  }
0x82: {  	_ =	shalt  }
0x83: {  	_ =	shalt  }
0x84: {  	_ =	shalt  }
0x85: {  	_ =	shalt  }
0x86: {  	_ =	shalt  }
0x87: {  	_ =	shalt  }
.Lfunc_end0:
.L_simem_size_0:
called_computation.5_lowered:
.L_overlay_start_0:
0x88: {  	s2 =	sld [smem:$0x3FD9]  }
0x89: {  	s3 =	sld [smem:$0x3FFE];
	_ =	sdelay $0x1  }
0x8a: {  	s1 =	srdreg.scid  }
0x8b: {  	s0 =	sand.u32 $0x1, s1  }
0x8c: {  	s16 =	sshll.u32 s0, $0xA;
	s2 =	sadd.s32 s3, s2  }
0x8d: {  	s2 =	sadd.s32 s2, s16  }
0x8e: {  	[smem:$0x3FB5] =	sst s2  }
0x8f: {  	_ = 	snop  }
0x90: {  	(tm) =	ssettm $0x1  }
0x91: {  	s17 =	sld [smem:$0x3FFB];
	_ =	sdelay $0x3  }
0x92: {  	_ =	strace s17  }
0x93: {  	s2 =	sld [smem:$0x3FFC];
	_ =	sdelay $0x3  }
0x94: {  	_ =	strace s2  }
0x95: {  	s2 =	sld [smem:$0x3FFD];
	_ =	sdelay $0x3  }
0x96: {  	_ =	strace s2  }
0x97: {  	_ =	strace $0x8FFFFFFF  }
0x98: {  	s18 =	sld [smem:$0x3FDB];
	_ =	sdelay $0x1  }
0x99: {  	s19 =	simm.s32 $_scs_section_size  }
0x9a: {  	s4 =	simm.s32 $_size__tile_overlayer_lowered;
	s5 =	simm.s32 $_tile_overlayer_lowered  }
0x9b: {  	s22 =	simm.s32 $0x1BFF;
	s21 =	sshll.u32 s5, $0x1;
	s2 =	sadd.s32 s19, s18  }
0x9c: {  	s6 =	simm.s32 $0x0;
	s20 =	sshll.u32 s4, $0x1;
	s4 =	sadd.s32 s21, s2  }
0x9d: {  	[timem:s6], [sflag:s22] =	dma.local [hbm:s4], s20  }
0x9e: {  	_ =	swait.ge [sflag:s22], s20  }
0x9f: {  	s3 =	ssub.s32 $0x0, s20;
	[sflag:s22] =	ssyncset.done $0x0  }
0xa0: {  	[sflag:s22] =	ssyncadd.s32 s3;
	_ =	sdelay $0x1  }
0xa1: {  	s23 =	simm.s32 $0x1B8B  }
0xa2: {  	_ =	swait.ge [sflag:s23], $0x1  }
0xa3: {  	[sflag:s23] =	ssyncset.done $0x0  }
0xa4: {  	s25 =	simm.s32 $0x1B8E;
	s24 =	sld [smem:$0x3FFE];
	[sflag:s23] =	ssyncadd.s32 $0xFFFFFFFF  }
0xa5: {  	s26 =	simm.s32 $execute0_lowered;
	[smem:$0x3FD2] =	sst s25  }
0xa6: {  	s4 =	sshll.u32 s26, $0x1;
	_ =	strace $0x80000055;
	[dreg:$0x1] =	wrdreg $0xFFFFFFFF  }
0xa7: {  	s28 =	simm.s32 $_size_execute0_lowered;
	s2 =	sadd.s32 s2, s4;
	[dreg:$0x0] =	wrdreg $0x0  }
0xa8: {  	s4 =	sshll.u32 s28, $0x1;
	[dreg:$0x2] =	wrdreg s2  }
0xa9: {  	[dreg:$0x3] =	wrdreg s4  }
0xaa: {  	[dreg:$0x4] =	wrdreg $0xC0  }
0xab: {  	_ =	task [dreg:s6], $0x5FFFF  }
0xac: {  	[dreg:$0x1] =	wrdreg $0xFFFFFFFF  }
0xad: {  	[dreg:$0x0] =	wrdreg $0x60  }
0xae: {  	[dreg:$0x2] =	wrdreg s24  }
0xaf: {  	[dreg:$0x3] =	wrdreg $0x0  }
0xb0: {  	[dreg:$0x4] =	wrdreg $0x9  }
0xb1: {  	_ =	task.clear_ibuf [dreg:s6], $0x5FFFF;
	_ =	strace $0x90000055  }
0xb2: {  	s29 =	simm.s32 $0x9;
	_ =	strace $0x80000057  }
0xb3: {  	_ =	swait.ge [sflag:s29], $0x1  }
0xb4: {  	[sflag:s29] =	ssyncadd.s32 $0xFFFFFFFF  }
0xb5: {  	_ =	strace $0x90000057  }
0xb6: {  	_ =	sfence  }
0xb7: {  	s30 =	sld [smem:$0x0];
	_ =	sdelay $0x2  }
0xb8: {  	s31 =	sshll.u32 s1, $0xD;
	s1 =	sshrl.u32 s1, $0x2  }
0xb9: {  	s3 =	sand.u32 $0x4000, s31;
	s1 =	sadd.s32 s1, s30  }
0xba: {  	s0 =	sor.u32 s3, s0;
	s1 =	sshll.u32 s1, $0x11  }
0xbb: {  	s0 =	sor.u32 s1, s0  }
0xbc: {  	s0 =	sadd.s32 $0x8F2B, s0  }
0xbd: {  	[sflag:s0] =	ssyncadd.remote.s32 $0x1  }
0xbe: {  	_ =	sfence.sel $0xFFFF  }
0xbf: {  	[dreg:$0x0] =	wrdreg $0xFFFFFFFF;
	(pc) =	sbr.abs _section_cstart, $3  }
0xc0: {  	[dreg:$0x1] =	wrdreg $0xFFFFFFFF  }
0xc1: {  	_ =	task.clear_ibuf [dreg:s6], $0x2FFFF;
	_ =	strace $0x9FFFFFFF  }
0xc2: {  	(tm) =	ssettm $0x7FFFFFFF  }
0xc3: {  	_ =	shalt  }
tec
execute0_lowered:
.L_overlay_start_1:
0x0: {  	(tag) =	ssettag $0x1  }
0x1: {  	s4 =	rddreg [dreg:$0x0];
	s1 =	stileid.u32  }
0x2: {  	s2 =	rddreg [dreg:$0x1];
	s7 =	smul.u32 $0xA000, s1  }
0x3: {  	s3 =	srdreg.scid;
	s28 =	smul.u32 $0x5020, s1  }
0x4: {  	s0 =	rddreg [dreg:$0x2];
	s6 =	sand.u32 $0x1, s3;
	s13 =	smul.u32 $0x5000, s1  }
0x5: {  	s5 =	sshll.u32 s1, $0x1;
	s3 =	simm.s32 $0x0;
	s9 =	smul.u32 $0xA000, s6  }
0x6: {  	s31 =	sshll.u32 s1, $0x6;
	s5 =	sor.u32 s6, s5;
	s14 =	smul.u32 $0x5000, s6  }
0x7: {  	[smem:$0x7FF] =	sst s3;
	s10 =	ssub.s32 $0x2, s6;
	s5 =	smul.u32 $0x1400, s5  }
0x8: {  	_ =	strace $0x80000056;
	s8 =	sadd.s32 s7, s4;
	s29 =	sshrl.u32 s28, $0x3  }
0x9: {  	s12 =	sshrl.u32 s10, $0x1;
	s30 =	sadd.s32 s28, s2;
	s16 =	sshrl.u32 s13, $0x3  }
0xa: {  	s17 =	sadd.s32 s13, s2;
	s13 =	simm.s32 $0x80;
	s9 =	sadd.s32 s9, s4  }
0xb: {  	s10 =	ssub.s32 s10, s12;
	s8 =	sadd.s32 s14, s8;
	s12 =	simm.s32 $0x6420  }
0xc: {  	s5 =	sshrl.u32 s5, $0x3;
	s15 =	sadd.s32 $0x1DE00, s9;
	s7 =	smax.u32 s10, $0x1  }
0xd: {  	s8 =	sadd.s32 $0xBDE00, s8;
	s9 =	sshrl.u32 s30, $0x3;
	s10 =	simm.s32 $0x1  }
0xe: {  	s11 =	sadd.s32 s5, s4;
	s5 =	sadd.s32 s29, s4;
	s14 =	sadd.s32 s16, s15  }
0xf: {  	s15 =	sshrl.u32 s17, $0x3;
	s16 =	simm.s32 $0x0;
	s4 =	sadd.s32 $0x13C00, s5  }
0x10: {  	s5 =	sor.u32 $0x1C01, s31;
	s6 =	sadd.s32 $0x4C00, s11;
	s11 =	simm.s32 $0x5020  }
.LBB2_1:
0x11: {  	[spmem:s9], [sflag:s5] =	dma.local [hbm:s4], $0xA04  }
0x12: {  	_ =	swait.ge [sflag:s10], $0xA04  }
0x13: {  	[sflag:s10] =	ssyncset.done $0x0  }
0x14: {  	[sflag:s10] =	ssyncadd.s32 $0xFFFFF5FC  }
0x15: {  	[tilespmem:s11], [sflag:$0x1] =	stream.linear.gather [hbm4b:s6+s3], $0x1400, $0x38;
	[tilespmem:$0x7420] =	vst v63  }
0x16: {  	_ =	swait.ge [sflag:s10], $0x1400  }
0x17: {  	[sflag:s10] =	ssyncset.done $0x0  }
0x18: {  	[sflag:s10] =	ssyncadd.s32 $0xFFFFEC00  }
0x19: {  	s17 =	sadd.s32 $0x0, s8;
	[bflag:$0x0] =	sbarrier.arrive $0xFFFF  }
0x1a: {  	[tilespmem:s12], [sflag:$0x1] =	stream.linear.gather [hbm4b:s17+s3], $0x1000, $0x38;
	[tilespmem:$0x7420] =	vst v63  }
0x1b: {  	_ =	swait.ge [sflag:s10], $0x1000  }
0x1c: {  	[sflag:s10] =	ssyncset.done $0x0  }
0x1d: {  	s31 =	simm.s32 $0x5020;
	[sflag:s10] =	ssyncadd.s32 $0xFFFFF000  }
0x1e: {  	[spmem:s2] =	stream.indirect.scatter.add.f32 [tilespmem:s12], [sflag:$0x1], $0x20, s31, s13, $0xb8;
	[tilespmem:$0x7420] =	vst v63  }
0x1f: {  	_ =	swait.ge [sflag:s10], $0x1000  }
0x20: {  	s18 =	simm.s32 $0x400;
	s17 =	simm.s32 $0x200;
	[sflag:s10] =	ssyncset.done $0x0  }
.LBB2_2:
0x21: {  	s19 =	sadd.s32 s17, s8  }
0x22: {  	[sflag:s10] =	ssyncadd.s32 $0xFFFFF000;
	s20 =	smov.u32 s18;
	s21 =	sadd.s32 $0x200, s18  }
0x23: {  	[tilespmem:s12], [sflag:$0x1] =	stream.linear.gather [hbm4b:s19+s3], $0x1000, $0x38;
	[tilespmem:$0x7420] =	vst v63  }
0x24: {  	p0 =	sne.s32 s18, $0x4E00;
	_ =	swait.ge [sflag:s10], $0x1000  }
.Ltmp0:
0x25: {  	s17 =	sshra.s32 s17, $0x2;
	[sflag:s10] =	ssyncset.done $0x0;
	(pc) =	sbr.rel @p0 .LBB2_2-.Ltmp0, $4  }
0x26: {  	s18 =	sadd.s32 $0x5020, s17;
	s17 =	smov.u32 s20;
	[sflag:s10] =	ssyncadd.s32 $0xFFFFF000  }
0x27: {  	[spmem:s2] =	stream.indirect.scatter.add.f32 [tilespmem:s12], [sflag:$0x1], $0x20, s18, s13, $0xb8;
	[tilespmem:$0x7420] =	vst v63  }
0x28: {  	_ =	swait.ge [sflag:s10], $0x1000  }
0x29: {  	s18 =	smov.u32 s21;
	[sflag:s10] =	ssyncset.done $0x0  }
0x2a: {  	s18 =	sadd.s32 s17, s8;
	[sflag:s10] =	ssyncadd.s32 $0xFFFFF000  }
0x2b: {  	[tilespmem:s12], [sflag:$0x1] =	stream.linear.gather [hbm4b:s18+s3], $0x1000, $0x38;
	[tilespmem:$0x7420] =	vst v63  }
0x2c: {  	_ =	swait.ge [sflag:s10], $0x1000  }
0x2d: {  	s31 =	sshra.s32 s17, $0x2;
	[sflag:s10] =	ssyncset.done $0x0  }
0x2e: {  	s17 =	sadd.s32 $0x5020, s31;
	[sflag:s10] =	ssyncadd.s32 $0xFFFFF000  }
0x2f: {  	[spmem:s2] =	stream.indirect.scatter.add.f32 [tilespmem:s12], [sflag:$0x1], $0x20, s17, s13, $0xb8;
	[tilespmem:$0x7420] =	vst v63  }
0x30: {  	_ =	swait.ge [sflag:s10], $0x1000  }
0x31: {  	s16 =	sadd.s32 $0x1, s16;
	[sflag:s10] =	ssyncset.done $0x0  }
0x32: {  	p0 =	sne.s32 s16, s7;
	[sflag:s10] =	ssyncadd.s32 $0xFFFFF000  }
.Ltmp1:
0x33: {  	[bflag:$0x0] =	sbarrier.arrive $0xFFFF;
	(pc) =	sbr.rel @p0 .LBB2_1-.Ltmp1, $4  }
0x34: {  	[hbm:s14], [sflag:s5] =	dma.local [spmem:s15], $0xA00  }
0x35: {  	_ =	swait.ge [sflag:s10], $0xA00  }
0x36: {  	[sflag:s10] =	ssyncset.done $0x0  }
0x37: {  	[sflag:s10] =	ssyncadd.s32 $0xFFFFF600  }
0x38: {  	_ =	sfence.sel $0x180000  }
0x39: {  	[bflag:$0x0] =	sbarrier.arrive $0xFFFF  }
0x3a: {  	p0 =	sne.s32 s1, $0x0;
	_ =	strace $0x90000056  }
0x3b: {  	s0 =	sadd.s32 @!p0 $0x100000, s0;
	[bflag:$0x2] =	sbarrier.arrive $0xFFFF  }
0x3c: {  	[sflag:s0] =	ssyncadd.tile.s32 @!p0 $0x1;
	_ =	shalt  }
.Lfunc_end2:
_tile_overlayer_lowered:
.L_overlay_start_2:
0x3d: {  	(tag) =	ssettag $0x2  }
0x3e: {  	s0 =	rddreg [dreg:$0x0];
	s2 =	stileid.u32  }
0x3f: {  	s1 =	rddreg [dreg:$0x1];
	p0 =	sne.s32 s2, $0x0  }
0x40: {  	s3 =	rddreg [dreg:$0x2];
	[bflag:$0x3] =	sbarrier.arrive $0xFFFF;
	s2 =	simm.s32 @!p0 $0x1C01  }
0x41: {  	[timem:s3], [sflag:s2] =	dma.local @!p0 [hbm:s0], s1  }
0x42: {  	s0 =	simm.s32 @!p0 $0x1  }
0x43: {  	_ =	swait.ge @!p0 [sflag:s0], s1  }
0x44: {  	s1 =	ssub.s32 @!p0 $0x0, s1;
	[sflag:s0] =	ssyncset.done @!p0 $0x0  }
0x45: {  	[sflag:s0] =	ssyncadd.s32 @!p0 s1  }
0x46: {  	[bflag:$0x3] =	sbarrier.arrive $0xFFFF  }
0x47: {  	_ =	shalt  }

</sc_bundles>
